<compile_context>
chip_gen: v7x
topology: tpu7x:2x2x1
jax: 0.10.2.dev20260603
libtpu: 0.0.44.dev20260713+nightly
codegen_flags: <defaults>
</compile_context>

<pallas_src>
import functools

import jax
import jax.numpy as jnp
from jax import lax
from jax.experimental import pallas as pl
from jax.experimental.pallas import tpu as pltpu
from jax.experimental.pallas import tpu_sc as plsc

N_NODES = 10000
MAX_DEG = 32
D_FEAT = 128
HIDDEN = 512
S_HOP2 = 25
S_HOP1 = 10
BATCH = 512
NW = 32


def _make_sc_gather(V, D, B, dtype, chunk):
    per_w = B // NW
    assert B % NW == 0 and per_w % chunk == 0 and chunk % 8 == 0 and chunk <= 128
    n_chunks = per_w // chunk
    idx2d = n_chunks % 8 == 0
    pipelined = idx2d and n_chunks % 4 == 0
    mesh = plsc.VectorSubcoreMesh(core_axis_name="c", subcore_axis_name="s")

    @functools.partial(
        pl.kernel,
        mesh=mesh,
        out_type=jax.ShapeDtypeStruct((B, D), dtype),
        scratch_types=[
            pltpu.VMEM((n_chunks, chunk) if idx2d else (per_w,), jnp.int32),
        ] + [pltpu.VMEM((chunk, D), dtype) for _ in range(4 if pipelined else 1)]
          + [pltpu.SemaphoreType.DMA for _ in range(8 if pipelined else 1)],
    )
    def gk(table_hbm, idx_hbm, out_hbm, idx_v, *bufs_sems):
        wid = lax.axis_index("s") * 2 + lax.axis_index("c")
        base = wid * per_w

        def idx_at(c):
            return idx_v.at[c] if idx2d else idx_v.at[pl.ds(c * chunk, chunk)]

        if idx2d:
            pltpu.sync_copy(idx_hbm.at[pl.ds(wid * n_chunks, n_chunks)], idx_v)
        else:
            pltpu.sync_copy(idx_hbm.at[pl.ds(base, per_w)], idx_v)

        if not pipelined:
            buf_v, sem = bufs_sems

            def body(c, carry):
                pltpu.async_copy(table_hbm.at[idx_at(c)], buf_v, sem).wait()
                pltpu.sync_copy(buf_v, out_hbm.at[pl.ds(base + c * chunk, chunk)])
                return carry

            lax.fori_loop(0, n_chunks, body, 0)
            return

        bufs = bufs_sems[:4]
        gsems = bufs_sems[4:8]
        wsems = bufs_sems[8:12]
        outer = n_chunks // 4

        def gstart(c, b):
            pltpu.async_copy(table_hbm.at[idx_at(c)], bufs[b], gsems[b])

        def gwait(c, b):
            pltpu.make_async_copy(
                table_hbm.at[idx_at(c)], bufs[b], gsems[b]).wait()

        def wstart(c, b):
            pltpu.async_copy(bufs[b], out_hbm.at[pl.ds(base + c * chunk, chunk)],
                             wsems[b])

        def wwait(c, b):
            pltpu.make_async_copy(
                bufs[b], out_hbm.at[pl.ds(base + c * chunk, chunk)],
                wsems[b]).wait()

        gstart(0, 0)
        gstart(1, 1)

        def body(o, carry):
            c0 = 4 * o

            @pl.when(o > 0)
            def _():
                wwait(c0 - 2, 2)
                wwait(c0 - 1, 3)

            gstart(c0 + 2, 2)
            gstart(c0 + 3, 3)

            gwait(c0, 0)
            wstart(c0, 0)
            gwait(c0 + 1, 1)
            wstart(c0 + 1, 1)

            @pl.when(o + 1 < outer)
            def _():
                wwait(c0, 0)
                wwait(c0 + 1, 1)
                gstart(c0 + 4, 0)
                gstart(c0 + 5, 1)

            gwait(c0 + 2, 2)
            wstart(c0 + 2, 2)
            gwait(c0 + 3, 3)
            wstart(c0 + 3, 3)
            return carry

        lax.fori_loop(0, outer, body, 0)
        last = n_chunks - 4
        wwait(last, 0)
        wwait(last + 1, 1)
        wwait(last + 2, 2)
        wwait(last + 3, 3)

    def call(table, idx_flat):
        if idx2d:
            return gk(table, idx_flat.reshape(NW * n_chunks, chunk))
        return gk(table, idx_flat)

    return call


KPAD = 10240
NSEG = 5
SEG = KPAD // NSEG
B_SEG = S_HOP2 * SEG
_gather_feat = _make_sc_gather(N_NODES, D_FEAT, B_SEG, jnp.float32, 40)
_gather_adj = _make_sc_gather(N_NODES, 128, 2 * BATCH, jnp.int32, 32)
_gather_m1 = _make_sc_gather(N_NODES, HIDDEN, 2 * BATCH * S_HOP1, jnp.float32, 40)
_gather_h10 = _make_sc_gather(N_NODES, 2 * D_FEAT, 2 * BATCH, jnp.float32, 32)

NB = 256


def _fused0_body(g_ref, f_ref, w0_ref, b0_ref, nw0_ref, sw0_ref, w1_ref, b1_ref,
                 h10_ref, m1_ref):
    w0 = w0_ref[...]
    m10 = None
    for j in range(S_HOP2):
        d = jnp.dot(g_ref[j], w0, preferred_element_type=jnp.float32)
        m25 = d if j == 0 else jnp.maximum(m25, d)
        if j == S_HOP1 - 1:
            m10 = m25
    b0 = b0_ref[...]
    p25 = jax.nn.relu(m25 + b0)
    p10 = jax.nn.relu(m10 + b0)
    s0 = jnp.dot(f_ref[...], sw0_ref[...], preferred_element_type=jnp.float32)
    n25 = jnp.dot(p25, nw0_ref[...], preferred_element_type=jnp.float32)
    n10 = jnp.dot(p10, nw0_ref[...], preferred_element_type=jnp.float32)
    h25 = jax.nn.relu(jnp.concatenate([s0, n25], axis=1))
    h10_ref[...] = jax.nn.relu(jnp.concatenate([s0, n10], axis=1))
    m1_ref[...] = jax.nn.relu(
        jnp.dot(h25, w1_ref[...], preferred_element_type=jnp.float32) + b1_ref[...])


def _fused0_alias_body(g, f, w0, b0, nw0, sw0, w1, b1, h10_in, m1_in,
                       h10_out, m1_out):
    del h10_in, m1_in
    _fused0_body(g, f, w0, b0, nw0, sw0, w1, b1, h10_out, m1_out)


RB = 256


def _final_body(m_ref, h_ref, sw1_ref, nw1_ref, o_ref):
    pooled = m_ref[0]
    for j in range(1, S_HOP1):
        pooled = jnp.maximum(pooled, m_ref[j])
    a = jnp.dot(h_ref[...], sw1_ref[...], preferred_element_type=jnp.float32)
    b = jnp.dot(pooled, nw1_ref[...], preferred_element_type=jnp.float32)
    o = jnp.concatenate([a, b], axis=1)
    s = jnp.sum(o * o, axis=1, keepdims=True)
    o_ref[...] = o * lax.rsqrt(jnp.maximum(s, 1e-12))


def kernel(batch1, batch2, features, adj, mlp_W0, mlp_b0, neigh_W0, self_W0,
           mlp_W1, mlp_b1, neigh_W1, self_W1):
    pad_idx = jnp.broadcast_to(
        (jnp.arange(KPAD - N_NODES, dtype=jnp.int32) * 41) % N_NODES,
        (S_HOP2, KPAD - N_NODES))
    adjT = jnp.concatenate([adj[:, :S_HOP2].T, pad_idx], axis=1)
    feat_pad = jnp.pad(features, ((0, KPAD - N_NODES), (0, 0)))

    h10_tab = m1_tab = None
    for s in range(NSEG):
        idx_s = adjT[:, s * SEG:(s + 1) * SEG].reshape(-1)
        g_s = _gather_feat(features, idx_s).reshape(S_HOP2, SEG, D_FEAT)
        in_specs = [
            pl.BlockSpec((S_HOP2, NB, D_FEAT), lambda i: (0, i, 0)),
            pl.BlockSpec((NB, D_FEAT),
                         lambda i, s=s: (SEG // NB * s + i, 0)),
            pl.BlockSpec((D_FEAT, HIDDEN), lambda i: (0, 0)),
            pl.BlockSpec((1, HIDDEN), lambda i: (0, 0)),
            pl.BlockSpec((HIDDEN, D_FEAT), lambda i: (0, 0)),
            pl.BlockSpec((D_FEAT, D_FEAT), lambda i: (0, 0)),
            pl.BlockSpec((2 * D_FEAT, HIDDEN), lambda i: (0, 0)),
            pl.BlockSpec((1, HIDDEN), lambda i: (0, 0)),
        ]
        out_specs = [
            pl.BlockSpec((NB, 2 * D_FEAT), lambda i, s=s: (SEG // NB * s + i, 0)),
            pl.BlockSpec((NB, HIDDEN), lambda i, s=s: (SEG // NB * s + i, 0)),
        ]
        out_shape = [
            jax.ShapeDtypeStruct((KPAD, 2 * D_FEAT), jnp.float32),
            jax.ShapeDtypeStruct((KPAD, HIDDEN), jnp.float32),
        ]
        args = (g_s, feat_pad, mlp_W0, mlp_b0.reshape(1, HIDDEN),
                neigh_W0, self_W0, mlp_W1, mlp_b1.reshape(1, HIDDEN))
        if s == 0:
            h10_tab, m1_tab = pl.pallas_call(
                _fused0_body, grid=(SEG // NB,), in_specs=in_specs,
                out_specs=out_specs, out_shape=out_shape)(*args)
        else:
            h10_tab, m1_tab = pl.pallas_call(
                _fused0_alias_body, grid=(SEG // NB,),
                in_specs=in_specs + [
                    pl.BlockSpec((8, 2 * D_FEAT), lambda i: (0, 0)),
                    pl.BlockSpec((8, HIDDEN), lambda i: (0, 0)),
                ],
                out_specs=out_specs, out_shape=out_shape,
                input_output_aliases={8: 0, 9: 1},
            )(*args, h10_tab, m1_tab)

    batch = jnp.concatenate([batch1, batch2])
    adj128 = jnp.pad(adj, ((0, 0), (0, 128 - MAX_DEG)))
    adjb = _gather_adj(adj128, batch)
    idx3 = adjb[:, :S_HOP1].T.reshape(-1)
    mrows = _gather_m1(m1_tab, idx3).reshape(S_HOP1, 2 * BATCH, HIDDEN)
    h10b = _gather_h10(h10_tab, batch)

    out = pl.pallas_call(
        _final_body,
        grid=(2 * BATCH // RB,),
        in_specs=[
            pl.BlockSpec((S_HOP1, RB, HIDDEN), lambda i: (0, i, 0)),
            pl.BlockSpec((RB, 2 * D_FEAT), lambda i: (i, 0)),
            pl.BlockSpec((2 * D_FEAT, D_FEAT), lambda i: (0, 0)),
            pl.BlockSpec((HIDDEN, D_FEAT), lambda i: (0, 0)),
        ],
        out_specs=pl.BlockSpec((RB, 2 * D_FEAT), lambda i: (i, 0)),
        out_shape=jax.ShapeDtypeStruct((2 * BATCH, 2 * D_FEAT), jnp.float32),
    )(mrows, h10b, self_W1, neigh_W1)

    return (out[:BATCH], out[BATCH:])

# --- scband reference (transcript-rebuilt; emitter-appended) ---
"""Pipeline reference for scband-sample-and-aggregate-28767690949360 (READ-ONLY COPY).

The authoritative reference and input builder live on the scoring server;
editing this copy changes nothing except your own understanding.
"""

import jax, jax.numpy as jnp
import numpy as np

N_NODES = 10000
MAX_DEG = 32
D_FEAT = 128
HIDDEN = 512
OUT_DIMS = [128, 128]
NUM_SAMPLES = [25, 10]
BATCH = 512


def setup_inputs(seed: int = 0) -> dict:
    key = jax.random.key(seed)
    ks = jax.random.split(key, 12)
    inp = {}
    inp['batch1'] = jax.random.randint(ks[0], (BATCH,), 0, N_NODES, dtype=jnp.int32)
    inp['batch2'] = jax.random.randint(ks[1], (BATCH,), 0, N_NODES, dtype=jnp.int32)
    inp['features'] = jax.random.normal(ks[2], (N_NODES, D_FEAT), dtype=jnp.float32)
    inp['adj'] = jax.random.randint(ks[3], (N_NODES, MAX_DEG), 0, N_NODES, dtype=jnp.int32)
    # MaxPoolingAggregator parameters, layer 0 (input_dim=D_FEAT, output_dim=OUT_DIMS[0])
    inp['mlp_W0'] = jax.random.normal(ks[4], (D_FEAT, HIDDEN), dtype=jnp.float32) * 0.05
    inp['mlp_b0'] = jnp.zeros((HIDDEN,), dtype=jnp.float32)
    inp['neigh_W0'] = jax.random.normal(ks[5], (HIDDEN, OUT_DIMS[0]), dtype=jnp.float32) * 0.05
    inp['self_W0'] = jax.random.normal(ks[6], (D_FEAT, OUT_DIMS[0]), dtype=jnp.float32) * 0.05
    # Layer 1 (input_dim = 2*OUT_DIMS[0] due to concat, output_dim=OUT_DIMS[1])
    inp['mlp_W1'] = jax.random.normal(ks[7], (2 * OUT_DIMS[0], HIDDEN), dtype=jnp.float32) * 0.05
    inp['mlp_b1'] = jnp.zeros((HIDDEN,), dtype=jnp.float32)
    inp['neigh_W1'] = jax.random.normal(ks[8], (HIDDEN, OUT_DIMS[1]), dtype=jnp.float32) * 0.05
    inp['self_W1'] = jax.random.normal(ks[9], (2 * OUT_DIMS[0], OUT_DIMS[1]), dtype=jnp.float32) * 0.05
    return inp


def _l2_normalize(x):
    return x * jax.lax.rsqrt(jnp.maximum(jnp.sum(x * x, axis=1, keepdims=True), 1e-12))


def _sample(ids, adj):
    # UniformNeighborSampler: gather padded adjacency rows and take num_samples neighbors
    samples = [ids]
    support = 1
    supports = [1]
    L = len(NUM_SAMPLES)
    for k in range(L):
        t = L - k - 1
        support *= NUM_SAMPLES[t]
        node = jnp.take(adj, samples[k], axis=0)[:, :NUM_SAMPLES[t]]
        samples.append(node.reshape(-1))
        supports.append(support)
    return samples, supports


def _agg_layer(self_vecs, neigh_vecs, W_mlp, b_mlp, W_neigh, W_self, act):
    # MaxPoolingAggregator: MLP on each neighbor, elementwise max over neighbors,
    # then linear transforms of self and pooled-neighbor vectors, concatenated.
    nh = jax.nn.relu(neigh_vecs.reshape(-1, neigh_vecs.shape[-1]) @ W_mlp + b_mlp)
    nh = nh.reshape(neigh_vecs.shape[0], neigh_vecs.shape[1], -1)
    neigh_h = jnp.max(nh, axis=1)
    return act(jnp.concatenate([self_vecs @ W_self, neigh_h @ W_neigh], axis=1))


def _aggregate(samples, supports, B, features, params):
    hidden = [jnp.take(features, s, axis=0) for s in samples]
    dims = [D_FEAT] + OUT_DIMS
    L = len(NUM_SAMPLES)
    for layer in range(L):
        act = jax.nn.relu if layer < L - 1 else (lambda x: x)
        next_hidden = []
        for hop in range(L - layer):
            dim_mult = 2 if layer != 0 else 1
            nd = (B * supports[hop], NUM_SAMPLES[L - hop - 1], dim_mult * dims[layer])
            h = _agg_layer(hidden[hop], hidden[hop + 1].reshape(nd), *params[layer], act)
            next_hidden.append(h)
        hidden = next_hidden
    return hidden[0]


def reference(batch1, batch2, features, adj, mlp_W0, mlp_b0, neigh_W0, self_W0, mlp_W1, mlp_b1, neigh_W1, self_W1):
    B = batch1.shape[0]
    params = [(mlp_W0, mlp_b0, neigh_W0, self_W0), (mlp_W1, mlp_b1, neigh_W1, self_W1)]
    s1, ss1 = _sample(batch1, adj)
    s2, ss2 = _sample(batch2, adj)
    o1 = _aggregate(s1, ss1, B, features, params)
    o2 = _aggregate(s2, ss2, B, features, params)
    return (_l2_normalize(o1), _l2_normalize(o2))

if __name__ == "__main__":
    import jax
    _d = setup_inputs()
    print(jax.jit(kernel)(*tuple(_d.values())))

</pallas_src>

<mosaic_0001>
#map = affine_map<(d0, d1) -> (0, 0)>
#map1 = affine_map<(d0, d1) -> (0)>
module attributes {stable_mosaic.version = 14 : i64} {
  func.func @gk(%arg0: i32, %arg1: i32, %arg2: memref<10000x128xi32, #tpu.memory_space<hbm>>, %arg3: memref<1024xi32, #tpu.memory_space<hbm>>, %arg4: memref<1024x128xi32, #tpu.memory_space<hbm>>, %arg5: memref<32xi32, #tpu.memory_space<vmem>>, %arg6: memref<32x128xi32, #tpu.memory_space<vmem>>, %arg7: memref<!tpu.dma_semaphore, #tpu.memory_space<semaphore_mem>>) attributes {dimension_semantics = [#tpu.dimension_semantics<core_parallel>, #tpu.dimension_semantics<subcore_parallel>], iteration_bounds = array<i64: 2, 16>, scalar_prefetch = 0 : i64, scratch_operands = 3 : i64, tpu.core_type = #tpu.core_type<sc_vector_subcore>, window_params = [{transform_indices = #map}, {transform_indices = #map1}, {transform_indices = #map}]} {
    %mul3A = arith.constant 2 : i32
    %mul3A_0 = arith.muli %arg1, %mul3A : i32
    %add3A = arith.addi %mul3A_0, %arg0 : i32
    %mul3A_1 = arith.constant 32 : i32
    %mul3A_2 = arith.muli %add3A, %mul3A_1 : i32
    "tpu.region"() ({
      %run_scoped3A = tpu.sem_alloc : memref<!tpu.dma_semaphore, #tpu.memory_space<semaphore_mem>>
      %dma_start3A_16 = tpu.memref_slice %arg3[%mul3A_2] : memref<1024xi32, #tpu.memory_space<hbm>> -> memref<32xi32, #tpu.memory_space<hbm>>
      %dma_start3A_17 = tpu.memref_slice %arg3[%mul3A_2] : memref<1024xi32, #tpu.memory_space<hbm>> -> memref<32xi32, #tpu.memory_space<hbm>>
      tpu.enqueue_dma source(%dma_start3A_17 : memref<32xi32, #tpu.memory_space<hbm>>) target(%arg5 : memref<32xi32, #tpu.memory_space<vmem>>) target_semaphore(%run_scoped3A : memref<!tpu.dma_semaphore, #tpu.memory_space<semaphore_mem>>)
      %dma_wait3A_18 = tpu.memref_slice %arg3[%mul3A_2] : memref<1024xi32, #tpu.memory_space<hbm>> -> memref<32xi32, #tpu.memory_space<hbm>>
      %dma_wait3A_19 = tpu.memref_slice %arg3[%mul3A_2] : memref<1024xi32, #tpu.memory_space<hbm>> -> memref<32xi32, #tpu.memory_space<hbm>>
      tpu.wait_dma2 semaphore(%run_scoped3A : memref<!tpu.dma_semaphore, #tpu.memory_space<semaphore_mem>>) src(%dma_wait3A_19 : memref<32xi32, #tpu.memory_space<hbm>>) dst(%arg5 : memref<32xi32, #tpu.memory_space<vmem>>)
      tpu.yield
    }) : () -> ()
    %scan3A = arith.constant 0 : i32
    %scan3A_3 = arith.constant 0 : i32
    %mul3A_4 = arith.constant 32 : i32
    %mul3A_5 = arith.muli %scan3A_3, %mul3A_4 : i32
    %dma_start3A = tpu.memref_slice %arg5[%mul3A_5] : memref<32xi32, #tpu.memory_space<vmem>> -> memref<32xi32, #tpu.memory_space<vmem>>
    %dma_start3A_6 = arith.constant 0 : i32
    %dma_start3A_7 = arith.constant 0 : i32
    %dma_start3A_8 = tpu.memref_slice %arg2[%dma_start3A_6, %dma_start3A_7] : memref<10000x128xi32, #tpu.memory_space<hbm>> -> memref<10000x128xi32, #tpu.memory_space<hbm>>
    tpu.enqueue_indirect_dma source(%dma_start3A_8 : memref<10000x128xi32, #tpu.memory_space<hbm>>) target(%arg6 : memref<32x128xi32, #tpu.memory_space<vmem>>) offsets(%dma_start3A : memref<32xi32, #tpu.memory_space<vmem>>) semaphore(%arg7 : memref<!tpu.dma_semaphore, #tpu.memory_space<semaphore_mem>>)
    %dma_wait3A = tpu.memref_slice %arg5[%mul3A_5] : memref<32xi32, #tpu.memory_space<vmem>> -> memref<32xi32, #tpu.memory_space<vmem>>
    %dma_wait3A_9 = arith.constant 0 : i32
    %dma_wait3A_10 = arith.constant 0 : i32
    %dma_wait3A_11 = tpu.memref_slice %arg2[%dma_wait3A_9, %dma_wait3A_10] : memref<10000x128xi32, #tpu.memory_space<hbm>> -> memref<10000x128xi32, #tpu.memory_space<hbm>>
    tpu.wait_indirect_dma semaphore(%arg7 : memref<!tpu.dma_semaphore, #tpu.memory_space<semaphore_mem>>) src(%dma_wait3A_11 : memref<10000x128xi32, #tpu.memory_space<hbm>>) dst(%arg6 : memref<32x128xi32, #tpu.memory_space<vmem>>)
    %mul3A_12 = arith.constant 32 : i32
    %mul3A_13 = arith.muli %scan3A_3, %mul3A_12 : i32
    %add3A_14 = arith.addi %mul3A_2, %mul3A_13 : i32
    "tpu.region"() ({
      %run_scoped3A = tpu.sem_alloc : memref<!tpu.dma_semaphore, #tpu.memory_space<semaphore_mem>>
      %dma_start3A_16 = arith.constant 0 : i32
      %dma_start3A_17 = tpu.memref_slice %arg4[%add3A_14, %dma_start3A_16] : memref<1024x128xi32, #tpu.memory_space<hbm>> -> memref<32x128xi32, #tpu.memory_space<hbm>>
      %dma_start3A_18 = arith.constant 0 : i32
      %dma_start3A_19 = tpu.memref_slice %arg4[%add3A_14, %dma_start3A_18] : memref<1024x128xi32, #tpu.memory_space<hbm>> -> memref<32x128xi32, #tpu.memory_space<hbm>>
      tpu.enqueue_dma source(%arg6 : memref<32x128xi32, #tpu.memory_space<vmem>>) target(%dma_start3A_19 : memref<32x128xi32, #tpu.memory_space<hbm>>) target_semaphore(%run_scoped3A : memref<!tpu.dma_semaphore, #tpu.memory_space<semaphore_mem>>)
      %dma_wait3A_20 = arith.constant 0 : i32
      %dma_wait3A_21 = tpu.memref_slice %arg4[%add3A_14, %dma_wait3A_20] : memref<1024x128xi32, #tpu.memory_space<hbm>> -> memref<32x128xi32, #tpu.memory_space<hbm>>
      %dma_wait3A_22 = arith.constant 0 : i32
      %dma_wait3A_23 = tpu.memref_slice %arg4[%add3A_14, %dma_wait3A_22] : memref<1024x128xi32, #tpu.memory_space<hbm>> -> memref<32x128xi32, #tpu.memory_space<hbm>>
      tpu.wait_dma2 semaphore(%run_scoped3A : memref<!tpu.dma_semaphore, #tpu.memory_space<semaphore_mem>>) src(%arg6 : memref<32x128xi32, #tpu.memory_space<vmem>>) dst(%dma_wait3A_23 : memref<32x128xi32, #tpu.memory_space<hbm>>)
      tpu.yield
    }) : () -> ()
    %scan3A_15 = arith.constant 1 : i32
    return
  }
}

#map = affine_map<(d0, d1) -> (0, 0)>
module attributes {stable_mosaic.version = 14 : i64} {
  func.func @gk(%arg0: i32, %arg1: i32, %arg2: memref<10000x128xf32, #tpu.memory_space<hbm>>, %arg3: memref<1280x40xi32, #tpu.memory_space<hbm>>, %arg4: memref<51200x128xf32, #tpu.memory_space<hbm>>, %arg5: memref<40x40xi32, #tpu.memory_space<vmem>>, %arg6: memref<40x128xf32, #tpu.memory_space<vmem>>, %arg7: memref<40x128xf32, #tpu.memory_space<vmem>>, %arg8: memref<40x128xf32, #tpu.memory_space<vmem>>, %arg9: memref<40x128xf32, #tpu.memory_space<vmem>>, %arg10: memref<!tpu.dma_semaphore, #tpu.memory_space<semaphore_mem>>, %arg11: memref<!tpu.dma_semaphore, #tpu.memory_space<semaphore_mem>>, %arg12: memref<!tpu.dma_semaphore, #tpu.memory_space<semaphore_mem>>, %arg13: memref<!tpu.dma_semaphore, #tpu.memory_space<semaphore_mem>>, %arg14: memref<!tpu.dma_semaphore, #tpu.memory_space<semaphore_mem>>, %arg15: memref<!tpu.dma_semaphore, #tpu.memory_space<semaphore_mem>>, %arg16: memref<!tpu.dma_semaphore, #tpu.memory_space<semaphore_mem>>, %arg17: memref<!tpu.dma_semaphore, #tpu.memory_space<semaphore_mem>>) attributes {dimension_semantics = [#tpu.dimension_semantics<core_parallel>, #tpu.dimension_semantics<subcore_parallel>], iteration_bounds = array<i64: 2, 16>, scalar_prefetch = 0 : i64, scratch_operands = 13 : i64, tpu.core_type = #tpu.core_type<sc_vector_subcore>, window_params = [{transform_indices = #map}, {transform_indices = #map}, {transform_indices = #map}]} {
    %mul3A = arith.constant 2 : i32
    %mul3A_0 = arith.muli %arg1, %mul3A : i32
    %add3A = arith.addi %mul3A_0, %arg0 : i32
    %mul3A_1 = arith.constant 1600 : i32
    %mul3A_2 = arith.muli %add3A, %mul3A_1 : i32
    %mul3A_3 = arith.constant 40 : i32
    %mul3A_4 = arith.muli %add3A, %mul3A_3 : i32
    "tpu.region"() ({
      %run_scoped3A = tpu.sem_alloc : memref<!tpu.dma_semaphore, #tpu.memory_space<semaphore_mem>>
      %dma_start3A_46 = arith.constant 0 : i32
      %dma_start3A_47 = tpu.memref_slice %arg3[%mul3A_4, %dma_start3A_46] : memref<1280x40xi32, #tpu.memory_space<hbm>> -> memref<40x40xi32, #tpu.memory_space<hbm>>
      %dma_start3A_48 = arith.constant 0 : i32
      %dma_start3A_49 = tpu.memref_slice %arg3[%mul3A_4, %dma_start3A_48] : memref<1280x40xi32, #tpu.memory_space<hbm>> -> memref<40x40xi32, #tpu.memory_space<hbm>>
      tpu.enqueue_dma source(%dma_start3A_49 : memref<40x40xi32, #tpu.memory_space<hbm>>) target(%arg5 : memref<40x40xi32, #tpu.memory_space<vmem>>) target_semaphore(%run_scoped3A : memref<!tpu.dma_semaphore, #tpu.memory_space<semaphore_mem>>)
      %dma_wait3A_50 = arith.constant 0 : i32
      %dma_wait3A_51 = tpu.memref_slice %arg3[%mul3A_4, %dma_wait3A_50] : memref<1280x40xi32, #tpu.memory_space<hbm>> -> memref<40x40xi32, #tpu.memory_space<hbm>>
      %dma_wait3A_52 = arith.constant 0 : i32
      %dma_wait3A_53 = tpu.memref_slice %arg3[%mul3A_4, %dma_wait3A_52] : memref<1280x40xi32, #tpu.memory_space<hbm>> -> memref<40x40xi32, #tpu.memory_space<hbm>>
      tpu.wait_dma2 semaphore(%run_scoped3A : memref<!tpu.dma_semaphore, #tpu.memory_space<semaphore_mem>>) src(%dma_wait3A_53 : memref<40x40xi32, #tpu.memory_space<hbm>>) dst(%arg5 : memref<40x40xi32, #tpu.memory_space<vmem>>)
      tpu.yield
    }) : () -> ()
    %dma_start3A = arith.constant 0 : i32
    %dma_start3A_5 = arith.constant 0 : i32
    %dma_start3A_6 = tpu.memref_slice %arg5[%dma_start3A, %dma_start3A_5] : memref<40x40xi32, #tpu.memory_space<vmem>> -> memref<1x40xi32, #tpu.memory_space<vmem>>
    %dma_start3A_7 = tpu.memref_squeeze %dma_start3A_6 : memref<1x40xi32, #tpu.memory_space<vmem>> -> memref<40xi32, #tpu.memory_space<vmem>>
    %dma_start3A_8 = arith.constant 0 : i32
    %dma_start3A_9 = arith.constant 0 : i32
    %dma_start3A_10 = tpu.memref_slice %arg2[%dma_start3A_8, %dma_start3A_9] : memref<10000x128xf32, #tpu.memory_space<hbm>> -> memref<10000x128xf32, #tpu.memory_space<hbm>>
    tpu.enqueue_indirect_dma source(%dma_start3A_10 : memref<10000x128xf32, #tpu.memory_space<hbm>>) target(%arg6 : memref<40x128xf32, #tpu.memory_space<vmem>>) offsets(%dma_start3A_7 : memref<40xi32, #tpu.memory_space<vmem>>) semaphore(%arg10 : memref<!tpu.dma_semaphore, #tpu.memory_space<semaphore_mem>>)
    %dma_start3A_11 = arith.constant 1 : i32
    %dma_start3A_12 = arith.constant 0 : i32
    %dma_start3A_13 = tpu.memref_slice %arg5[%dma_start3A_11, %dma_start3A_12] : memref<40x40xi32, #tpu.memory_space<vmem>> -> memref<1x40xi32, #tpu.memory_space<vmem>>
    %dma_start3A_14 = tpu.memref_squeeze %dma_start3A_13 : memref<1x40xi32, #tpu.memory_space<vmem>> -> memref<40xi32, #tpu.memory_space<vmem>>
    %dma_start3A_15 = arith.constant 0 : i32
    %dma_start3A_16 = arith.constant 0 : i32
    %dma_start3A_17 = tpu.memref_slice %arg2[%dma_start3A_15, %dma_start3A_16] : memref<10000x128xf32, #tpu.memory_space<hbm>> -> memref<10000x128xf32, #tpu.memory_space<hbm>>
    tpu.enqueue_indirect_dma source(%dma_start3A_17 : memref<10000x128xf32, #tpu.memory_space<hbm>>) target(%arg7 : memref<40x128xf32, #tpu.memory_space<vmem>>) offsets(%dma_start3A_14 : memref<40xi32, #tpu.memory_space<vmem>>) semaphore(%arg11 : memref<!tpu.dma_semaphore, #tpu.memory_space<semaphore_mem>>)
    %scan3A = arith.constant 0 : i32
    %scan3A_18 = arith.constant 0 : i32
    %scan3A_19 = arith.constant 10 : i32
    %scan3A_20 = arith.addi %scan3A_18, %scan3A_19 : i32
    %scan3A_21 = arith.constant 1 : i32
    scf.for %scan3A_46 = %scan3A_18 to %scan3A_20 step %scan3A_21  : i32 {
      %mul3A_47 = arith.constant 4 : i32
      %mul3A_48 = arith.muli %mul3A_47, %scan3A_46 : i32
      %gt3A = arith.constant 0 : i32
      %gt3A_49 = arith.cmpi sgt, %scan3A_46, %gt3A : i32
      %convert_element_type3A = arith.extui %gt3A_49 : i1 to i32
      %cond3A = arith.constant 0 : i32
      %cond3A_50 = arith.cmpi ne, %convert_element_type3A, %cond3A : i32
      scf.if %cond3A_50 {
        %sub3A = arith.constant 2 : i32
        %sub3A_137 = arith.subi %mul3A_48, %sub3A : i32
        %mul3A_138 = arith.constant 40 : i32
        %mul3A_139 = arith.muli %sub3A_137, %mul3A_138 : i32
        %add3A_140 = arith.addi %mul3A_2, %mul3A_139 : i32
        %dma_wait3A_141 = arith.constant 0 : i32
        %dma_wait3A_142 = tpu.memref_slice %arg4[%add3A_140, %dma_wait3A_141] : memref<51200x128xf32, #tpu.memory_space<hbm>> -> memref<40x128xf32, #tpu.memory_space<hbm>>
        %dma_wait3A_143 = arith.constant 0 : i32
        %dma_wait3A_144 = tpu.memref_slice %arg4[%add3A_140, %dma_wait3A_143] : memref<51200x128xf32, #tpu.memory_space<hbm>> -> memref<40x128xf32, #tpu.memory_space<hbm>>
        tpu.wait_dma2 semaphore(%arg16 : memref<!tpu.dma_semaphore, #tpu.memory_space<semaphore_mem>>) src(%arg8 : memref<40x128xf32, #tpu.memory_space<vmem>>) dst(%dma_wait3A_144 : memref<40x128xf32, #tpu.memory_space<hbm>>)
        %sub3A_145 = arith.constant 1 : i32
        %sub3A_146 = arith.subi %mul3A_48, %sub3A_145 : i32
        %mul3A_147 = arith.constant 40 : i32
        %mul3A_148 = arith.muli %sub3A_146, %mul3A_147 : i32
        %add3A_149 = arith.addi %mul3A_2, %mul3A_148 : i32
        %dma_wait3A_150 = arith.constant 0 : i32
        %dma_wait3A_151 = tpu.memref_slice %arg4[%add3A_149, %dma_wait3A_150] : memref<51200x128xf32, #tpu.memory_space<hbm>> -> memref<40x128xf32, #tpu.memory_space<hbm>>
        %dma_wait3A_152 = arith.constant 0 : i32
        %dma_wait3A_153 = tpu.memref_slice %arg4[%add3A_149, %dma_wait3A_152] : memref<51200x128xf32, #tpu.memory_space<hbm>> -> memref<40x128xf32, #tpu.memory_space<hbm>>
        tpu.wait_dma2 semaphore(%arg17 : memref<!tpu.dma_semaphore, #tpu.memory_space<semaphore_mem>>) src(%arg9 : memref<40x128xf32, #tpu.memory_space<vmem>>) dst(%dma_wait3A_153 : memref<40x128xf32, #tpu.memory_space<hbm>>)
      } else {
      }
      %add3A_51 = arith.constant 2 : i32
      %add3A_52 = arith.addi %mul3A_48, %add3A_51 : i32
      %dma_start3A_53 = arith.constant 0 : i32
      %dma_start3A_54 = tpu.memref_slice %arg5[%add3A_52, %dma_start3A_53] : memref<40x40xi32, #tpu.memory_space<vmem>> -> memref<1x40xi32, #tpu.memory_space<vmem>>
      %dma_start3A_55 = tpu.memref_squeeze %dma_start3A_54 : memref<1x40xi32, #tpu.memory_space<vmem>> -> memref<40xi32, #tpu.memory_space<vmem>>
      %dma_start3A_56 = arith.constant 0 : i32
      %dma_start3A_57 = arith.constant 0 : i32
      %dma_start3A_58 = tpu.memref_slice %arg2[%dma_start3A_56, %dma_start3A_57] : memref<10000x128xf32, #tpu.memory_space<hbm>> -> memref<10000x128xf32, #tpu.memory_space<hbm>>
      tpu.enqueue_indirect_dma source(%dma_start3A_58 : memref<10000x128xf32, #tpu.memory_space<hbm>>) target(%arg8 : memref<40x128xf32, #tpu.memory_space<vmem>>) offsets(%dma_start3A_55 : memref<40xi32, #tpu.memory_space<vmem>>) semaphore(%arg12 : memref<!tpu.dma_semaphore, #tpu.memory_space<semaphore_mem>>)
      %add3A_59 = arith.constant 3 : i32
      %add3A_60 = arith.addi %mul3A_48, %add3A_59 : i32
      %dma_start3A_61 = arith.constant 0 : i32
      %dma_start3A_62 = tpu.memref_slice %arg5[%add3A_60, %dma_start3A_61] : memref<40x40xi32, #tpu.memory_space<vmem>> -> memref<1x40xi32, #tpu.memory_space<vmem>>
      %dma_start3A_63 = tpu.memref_squeeze %dma_start3A_62 : memref<1x40xi32, #tpu.memory_space<vmem>> -> memref<40xi32, #tpu.memory_space<vmem>>
      %dma_start3A_64 = arith.constant 0 : i32
      %dma_start3A_65 = arith.constant 0 : i32
      %dma_start3A_66 = tpu.memref_slice %arg2[%dma_start3A_64, %dma_start3A_65] : memref<10000x128xf32, #tpu.memory_space<hbm>> -> memref<10000x128xf32, #tpu.memory_space<hbm>>
      tpu.enqueue_indirect_dma source(%dma_start3A_66 : memref<10000x128xf32, #tpu.memory_space<hbm>>) target(%arg9 : memref<40x128xf32, #tpu.memory_space<vmem>>) offsets(%dma_start3A_63 : memref<40xi32, #tpu.memory_space<vmem>>) semaphore(%arg13 : memref<!tpu.dma_semaphore, #tpu.memory_space<semaphore_mem>>)
      %dma_wait3A_67 = arith.constant 0 : i32
      %dma_wait3A_68 = tpu.memref_slice %arg5[%mul3A_48, %dma_wait3A_67] : memref<40x40xi32, #tpu.memory_space<vmem>> -> memref<1x40xi32, #tpu.memory_space<vmem>>
      %dma_wait3A_69 = tpu.memref_squeeze %dma_wait3A_68 : memref<1x40xi32, #tpu.memory_space<vmem>> -> memref<40xi32, #tpu.memory_space<vmem>>
      %dma_wait3A_70 = arith.constant 0 : i32
      %dma_wait3A_71 = arith.constant 0 : i32
      %dma_wait3A_72 = tpu.memref_slice %arg2[%dma_wait3A_70, %dma_wait3A_71] : memref<10000x128xf32, #tpu.memory_space<hbm>> -> memref<10000x128xf32, #tpu.memory_space<hbm>>
      tpu.wait_indirect_dma semaphore(%arg10 : memref<!tpu.dma_semaphore, #tpu.memory_space<semaphore_mem>>) src(%dma_wait3A_72 : memref<10000x128xf32, #tpu.memory_space<hbm>>) dst(%arg6 : memref<40x128xf32, #tpu.memory_space<vmem>>)
      %mul3A_73 = arith.constant 40 : i32
      %mul3A_74 = arith.muli %mul3A_48, %mul3A_73 : i32
      %add3A_75 = arith.addi %mul3A_2, %mul3A_74 : i32
      %dma_start3A_76 = arith.constant 0 : i32
      %dma_start3A_77 = tpu.memref_slice %arg4[%add3A_75, %dma_start3A_76] : memref<51200x128xf32, #tpu.memory_space<hbm>> -> memref<40x128xf32, #tpu.memory_space<hbm>>
      %dma_start3A_78 = arith.constant 0 : i32
      %dma_start3A_79 = tpu.memref_slice %arg4[%add3A_75, %dma_start3A_78] : memref<51200x128xf32, #tpu.memory_space<hbm>> -> memref<40x128xf32, #tpu.memory_space<hbm>>
      tpu.enqueue_dma source(%arg6 : memref<40x128xf32, #tpu.memory_space<vmem>>) target(%dma_start3A_79 : memref<40x128xf32, #tpu.memory_space<hbm>>) target_semaphore(%arg14 : memref<!tpu.dma_semaphore, #tpu.memory_space<semaphore_mem>>)
      %add3A_80 = arith.constant 1 : i32
      %add3A_81 = arith.addi %mul3A_48, %add3A_80 : i32
      %dma_wait3A_82 = arith.constant 0 : i32
      %dma_wait3A_83 = tpu.memref_slice %arg5[%add3A_81, %dma_wait3A_82] : memref<40x40xi32, #tpu.memory_space<vmem>> -> memref<1x40xi32, #tpu.memory_space<vmem>>
      %dma_wait3A_84 = tpu.memref_squeeze %dma_wait3A_83 : memref<1x40xi32, #tpu.memory_space<vmem>> -> memref<40xi32, #tpu.memory_space<vmem>>
      %dma_wait3A_85 = arith.constant 0 : i32
      %dma_wait3A_86 = arith.constant 0 : i32
      %dma_wait3A_87 = tpu.memref_slice %arg2[%dma_wait3A_85, %dma_wait3A_86] : memref<10000x128xf32, #tpu.memory_space<hbm>> -> memref<10000x128xf32, #tpu.memory_space<hbm>>
      tpu.wait_indirect_dma semaphore(%arg11 : memref<!tpu.dma_semaphore, #tpu.memory_space<semaphore_mem>>) src(%dma_wait3A_87 : memref<10000x128xf32, #tpu.memory_space<hbm>>) dst(%arg7 : memref<40x128xf32, #tpu.memory_space<vmem>>)
      %add3A_88 = arith.constant 1 : i32
      %add3A_89 = arith.addi %mul3A_48, %add3A_88 : i32
      %mul3A_90 = arith.constant 40 : i32
      %mul3A_91 = arith.muli %add3A_89, %mul3A_90 : i32
      %add3A_92 = arith.addi %mul3A_2, %mul3A_91 : i32
      %dma_start3A_93 = arith.constant 0 : i32
      %dma_start3A_94 = tpu.memref_slice %arg4[%add3A_92, %dma_start3A_93] : memref<51200x128xf32, #tpu.memory_space<hbm>> -> memref<40x128xf32, #tpu.memory_space<hbm>>
      %dma_start3A_95 = arith.constant 0 : i32
      %dma_start3A_96 = tpu.memref_slice %arg4[%add3A_92, %dma_start3A_95] : memref<51200x128xf32, #tpu.memory_space<hbm>> -> memref<40x128xf32, #tpu.memory_space<hbm>>
      tpu.enqueue_dma source(%arg7 : memref<40x128xf32, #tpu.memory_space<vmem>>) target(%dma_start3A_96 : memref<40x128xf32, #tpu.memory_space<hbm>>) target_semaphore(%arg15 : memref<!tpu.dma_semaphore, #tpu.memory_space<semaphore_mem>>)
      %add3A_97 = arith.constant 1 : i32
      %add3A_98 = arith.addi %scan3A_46, %add3A_97 : i32
      %lt3A = arith.constant 10 : i32
      %lt3A_99 = arith.cmpi slt, %add3A_98, %lt3A : i32
      %convert_element_type3A_100 = arith.extui %lt3A_99 : i1 to i32
      %cond3A_101 = arith.constant 0 : i32
      %cond3A_102 = arith.cmpi ne, %convert_element_type3A_100, %cond3A_101 : i32
      scf.if %cond3A_102 {
        %mul3A_137 = arith.constant 40 : i32
        %mul3A_138 = arith.muli %mul3A_48, %mul3A_137 : i32
        %add3A_139 = arith.addi %mul3A_2, %mul3A_138 : i32
        %dma_wait3A_140 = arith.constant 0 : i32
        %dma_wait3A_141 = tpu.memref_slice %arg4[%add3A_139, %dma_wait3A_140] : memref<51200x128xf32, #tpu.memory_space<hbm>> -> memref<40x128xf32, #tpu.memory_space<hbm>>
        %dma_wait3A_142 = arith.constant 0 : i32
        %dma_wait3A_143 = tpu.memref_slice %arg4[%add3A_139, %dma_wait3A_142] : memref<51200x128xf32, #tpu.memory_space<hbm>> -> memref<40x128xf32, #tpu.memory_space<hbm>>
        tpu.wait_dma2 semaphore(%arg14 : memref<!tpu.dma_semaphore, #tpu.memory_space<semaphore_mem>>) src(%arg6 : memref<40x128xf32, #tpu.memory_space<vmem>>) dst(%dma_wait3A_143 : memref<40x128xf32, #tpu.memory_space<hbm>>)
        %add3A_144 = arith.constant 1 : i32
        %add3A_145 = arith.addi %mul3A_48, %add3A_144 : i32
        %mul3A_146 = arith.constant 40 : i32
        %mul3A_147 = arith.muli %add3A_145, %mul3A_146 : i32
        %add3A_148 = arith.addi %mul3A_2, %mul3A_147 : i32
        %dma_wait3A_149 = arith.constant 0 : i32
        %dma_wait3A_150 = tpu.memref_slice %arg4[%add3A_148, %dma_wait3A_149] : memref<51200x128xf32, #tpu.memory_space<hbm>> -> memref<40x128xf32, #tpu.memory_space<hbm>>
        %dma_wait3A_151 = arith.constant 0 : i32
        %dma_wait3A_152 = tpu.memref_slice %arg4[%add3A_148, %dma_wait3A_151] : memref<51200x128xf32, #tpu.memory_space<hbm>> -> memref<40x128xf32, #tpu.memory_space<hbm>>
        tpu.wait_dma2 semaphore(%arg15 : memref<!tpu.dma_semaphore, #tpu.memory_space<semaphore_mem>>) src(%arg7 : memref<40x128xf32, #tpu.memory_space<vmem>>) dst(%dma_wait3A_152 : memref<40x128xf32, #tpu.memory_space<hbm>>)
        %add3A_153 = arith.constant 4 : i32
        %add3A_154 = arith.addi %mul3A_48, %add3A_153 : i32
        %dma_start3A_155 = arith.constant 0 : i32
        %dma_start3A_156 = tpu.memref_slice %arg5[%add3A_154, %dma_start3A_155] : memref<40x40xi32, #tpu.memory_space<vmem>> -> memref<1x40xi32, #tpu.memory_space<vmem>>
        %dma_start3A_157 = tpu.memref_squeeze %dma_start3A_156 : memref<1x40xi32, #tpu.memory_space<vmem>> -> memref<40xi32, #tpu.memory_space<vmem>>
        %dma_start3A_158 = arith.constant 0 : i32
        %dma_start3A_159 = arith.constant 0 : i32
        %dma_start3A_160 = tpu.memref_slice %arg2[%dma_start3A_158, %dma_start3A_159] : memref<10000x128xf32, #tpu.memory_space<hbm>> -> memref<10000x128xf32, #tpu.memory_space<hbm>>
        tpu.enqueue_indirect_dma source(%dma_start3A_160 : memref<10000x128xf32, #tpu.memory_space<hbm>>) target(%arg6 : memref<40x128xf32, #tpu.memory_space<vmem>>) offsets(%dma_start3A_157 : memref<40xi32, #tpu.memory_space<vmem>>) semaphore(%arg10 : memref<!tpu.dma_semaphore, #tpu.memory_space<semaphore_mem>>)
        %add3A_161 = arith.constant 5 : i32
        %add3A_162 = arith.addi %mul3A_48, %add3A_161 : i32
        %dma_start3A_163 = arith.constant 0 : i32
        %dma_start3A_164 = tpu.memref_slice %arg5[%add3A_162, %dma_start3A_163] : memref<40x40xi32, #tpu.memory_space<vmem>> -> memref<1x40xi32, #tpu.memory_space<vmem>>
        %dma_start3A_165 = tpu.memref_squeeze %dma_start3A_164 : memref<1x40xi32, #tpu.memory_space<vmem>> -> memref<40xi32, #tpu.memory_space<vmem>>
        %dma_start3A_166 = arith.constant 0 : i32
        %dma_start3A_167 = arith.constant 0 : i32
        %dma_start3A_168 = tpu.memref_slice %arg2[%dma_start3A_166, %dma_start3A_167] : memref<10000x128xf32, #tpu.memory_space<hbm>> -> memref<10000x128xf32, #tpu.memory_space<hbm>>
        tpu.enqueue_indirect_dma source(%dma_start3A_168 : memref<10000x128xf32, #tpu.memory_space<hbm>>) target(%arg7 : memref<40x128xf32, #tpu.memory_space<vmem>>) offsets(%dma_start3A_165 : memref<40xi32, #tpu.memory_space<vmem>>) semaphore(%arg11 : memref<!tpu.dma_semaphore, #tpu.memory_space<semaphore_mem>>)
      } else {
      }
      %add3A_103 = arith.constant 2 : i32
      %add3A_104 = arith.addi %mul3A_48, %add3A_103 : i32
      %dma_wait3A_105 = arith.constant 0 : i32
      %dma_wait3A_106 = tpu.memref_slice %arg5[%add3A_104, %dma_wait3A_105] : memref<40x40xi32, #tpu.memory_space<vmem>> -> memref<1x40xi32, #tpu.memory_space<vmem>>
      %dma_wait3A_107 = tpu.memref_squeeze %dma_wait3A_106 : memref<1x40xi32, #tpu.memory_space<vmem>> -> memref<40xi32, #tpu.memory_space<vmem>>
      %dma_wait3A_108 = arith.constant 0 : i32
      %dma_wait3A_109 = arith.constant 0 : i32
      %dma_wait3A_110 = tpu.memref_slice %arg2[%dma_wait3A_108, %dma_wait3A_109] : memref<10000x128xf32, #tpu.memory_space<hbm>> -> memref<10000x128xf32, #tpu.memory_space<hbm>>
      tpu.wait_indirect_dma semaphore(%arg12 : memref<!tpu.dma_semaphore, #tpu.memory_space<semaphore_mem>>) src(%dma_wait3A_110 : memref<10000x128xf32, #tpu.memory_space<hbm>>) dst(%arg8 : memref<40x128xf32, #tpu.memory_space<vmem>>)
      %add3A_111 = arith.constant 2 : i32
      %add3A_112 = arith.addi %mul3A_48, %add3A_111 : i32
      %mul3A_113 = arith.constant 40 : i32
      %mul3A_114 = arith.muli %add3A_112, %mul3A_113 : i32
      %add3A_115 = arith.addi %mul3A_2, %mul3A_114 : i32
      %dma_start3A_116 = arith.constant 0 : i32
      %dma_start3A_117 = tpu.memref_slice %arg4[%add3A_115, %dma_start3A_116] : memref<51200x128xf32, #tpu.memory_space<hbm>> -> memref<40x128xf32, #tpu.memory_space<hbm>>
      %dma_start3A_118 = arith.constant 0 : i32
      %dma_start3A_119 = tpu.memref_slice %arg4[%add3A_115, %dma_start3A_118] : memref<51200x128xf32, #tpu.memory_space<hbm>> -> memref<40x128xf32, #tpu.memory_space<hbm>>
      tpu.enqueue_dma source(%arg8 : memref<40x128xf32, #tpu.memory_space<vmem>>) target(%dma_start3A_119 : memref<40x128xf32, #tpu.memory_space<hbm>>) target_semaphore(%arg16 : memref<!tpu.dma_semaphore, #tpu.memory_space<semaphore_mem>>)
      %add3A_120 = arith.constant 3 : i32
      %add3A_121 = arith.addi %mul3A_48, %add3A_120 : i32
      %dma_wait3A_122 = arith.constant 0 : i32
      %dma_wait3A_123 = tpu.memref_slice %arg5[%add3A_121, %dma_wait3A_122] : memref<40x40xi32, #tpu.memory_space<vmem>> -> memref<1x40xi32, #tpu.memory_space<vmem>>
      %dma_wait3A_124 = tpu.memref_squeeze %dma_wait3A_123 : memref<1x40xi32, #tpu.memory_space<vmem>> -> memref<40xi32, #tpu.memory_space<vmem>>
      %dma_wait3A_125 = arith.constant 0 : i32
      %dma_wait3A_126 = arith.constant 0 : i32
      %dma_wait3A_127 = tpu.memref_slice %arg2[%dma_wait3A_125, %dma_wait3A_126] : memref<10000x128xf32, #tpu.memory_space<hbm>> -> memref<10000x128xf32, #tpu.memory_space<hbm>>
      tpu.wait_indirect_dma semaphore(%arg13 : memref<!tpu.dma_semaphore, #tpu.memory_space<semaphore_mem>>) src(%dma_wait3A_127 : memref<10000x128xf32, #tpu.memory_space<hbm>>) dst(%arg9 : memref<40x128xf32, #tpu.memory_space<vmem>>)
      %add3A_128 = arith.constant 3 : i32
      %add3A_129 = arith.addi %mul3A_48, %add3A_128 : i32
      %mul3A_130 = arith.constant 40 : i32
      %mul3A_131 = arith.muli %add3A_129, %mul3A_130 : i32
      %add3A_132 = arith.addi %mul3A_2, %mul3A_131 : i32
      %dma_start3A_133 = arith.constant 0 : i32
      %dma_start3A_134 = tpu.memref_slice %arg4[%add3A_132, %dma_start3A_133] : memref<51200x128xf32, #tpu.memory_space<hbm>> -> memref<40x128xf32, #tpu.memory_space<hbm>>
      %dma_start3A_135 = arith.constant 0 : i32
      %dma_start3A_136 = tpu.memref_slice %arg4[%add3A_132, %dma_start3A_135] : memref<51200x128xf32, #tpu.memory_space<hbm>> -> memref<40x128xf32, #tpu.memory_space<hbm>>
      tpu.enqueue_dma source(%arg9 : memref<40x128xf32, #tpu.memory_space<vmem>>) target(%dma_start3A_136 : memref<40x128xf32, #tpu.memory_space<hbm>>) target_semaphore(%arg17 : memref<!tpu.dma_semaphore, #tpu.memory_space<semaphore_mem>>)
    }
    %scan3A_22 = arith.constant 10 : i32
    %add3A_23 = arith.constant 1440 : i32
    %add3A_24 = arith.addi %mul3A_2, %add3A_23 : i32
    %dma_wait3A = arith.constant 0 : i32
    %dma_wait3A_25 = tpu.memref_slice %arg4[%add3A_24, %dma_wait3A] : memref<51200x128xf32, #tpu.memory_space<hbm>> -> memref<40x128xf32, #tpu.memory_space<hbm>>
    %dma_wait3A_26 = arith.constant 0 : i32
    %dma_wait3A_27 = tpu.memref_slice %arg4[%add3A_24, %dma_wait3A_26] : memref<51200x128xf32, #tpu.memory_space<hbm>> -> memref<40x128xf32, #tpu.memory_space<hbm>>
    tpu.wait_dma2 semaphore(%arg14 : memref<!tpu.dma_semaphore, #tpu.memory_space<semaphore_mem>>) src(%arg6 : memref<40x128xf32, #tpu.memory_space<vmem>>) dst(%dma_wait3A_27 : memref<40x128xf32, #tpu.memory_space<hbm>>)
    %add3A_28 = arith.constant 1480 : i32
    %add3A_29 = arith.addi %mul3A_2, %add3A_28 : i32
    %dma_wait3A_30 = arith.constant 0 : i32
    %dma_wait3A_31 = tpu.memref_slice %arg4[%add3A_29, %dma_wait3A_30] : memref<51200x128xf32, #tpu.memory_space<hbm>> -> memref<40x128xf32, #tpu.memory_space<hbm>>
    %dma_wait3A_32 = arith.constant 0 : i32
    %dma_wait3A_33 = tpu.memref_slice %arg4[%add3A_29, %dma_wait3A_32] : memref<51200x128xf32, #tpu.memory_space<hbm>> -> memref<40x128xf32, #tpu.memory_space<hbm>>
    tpu.wait_dma2 semaphore(%arg15 : memref<!tpu.dma_semaphore, #tpu.memory_space<semaphore_mem>>) src(%arg7 : memref<40x128xf32, #tpu.memory_space<vmem>>) dst(%dma_wait3A_33 : memref<40x128xf32, #tpu.memory_space<hbm>>)
    %add3A_34 = arith.constant 1520 : i32
    %add3A_35 = arith.addi %mul3A_2, %add3A_34 : i32
    %dma_wait3A_36 = arith.constant 0 : i32
    %dma_wait3A_37 = tpu.memref_slice %arg4[%add3A_35, %dma_wait3A_36] : memref<51200x128xf32, #tpu.memory_space<hbm>> -> memref<40x128xf32, #tpu.memory_space<hbm>>
    %dma_wait3A_38 = arith.constant 0 : i32
    %dma_wait3A_39 = tpu.memref_slice %arg4[%add3A_35, %dma_wait3A_38] : memref<51200x128xf32, #tpu.memory_space<hbm>> -> memref<40x128xf32, #tpu.memory_space<hbm>>
    tpu.wait_dma2 semaphore(%arg16 : memref<!tpu.dma_semaphore, #tpu.memory_space<semaphore_mem>>) src(%arg8 : memref<40x128xf32, #tpu.memory_space<vmem>>) dst(%dma_wait3A_39 : memref<40x128xf32, #tpu.memory_space<hbm>>)
    %add3A_40 = arith.constant 1560 : i32
    %add3A_41 = arith.addi %mul3A_2, %add3A_40 : i32
    %dma_wait3A_42 = arith.constant 0 : i32
    %dma_wait3A_43 = tpu.memref_slice %arg4[%add3A_41, %dma_wait3A_42] : memref<51200x128xf32, #tpu.memory_space<hbm>> -> memref<40x128xf32, #tpu.memory_space<hbm>>
    %dma_wait3A_44 = arith.constant 0 : i32
    %dma_wait3A_45 = tpu.memref_slice %arg4[%add3A_41, %dma_wait3A_44] : memref<51200x128xf32, #tpu.memory_space<hbm>> -> memref<40x128xf32, #tpu.memory_space<hbm>>
    tpu.wait_dma2 semaphore(%arg17 : memref<!tpu.dma_semaphore, #tpu.memory_space<semaphore_mem>>) src(%arg9 : memref<40x128xf32, #tpu.memory_space<vmem>>) dst(%dma_wait3A_45 : memref<40x128xf32, #tpu.memory_space<hbm>>)
    return
  }
}

#map = affine_map<(d0, d1) -> (0, 0)>
module attributes {stable_mosaic.version = 14 : i64} {
  func.func @gk(%arg0: i32, %arg1: i32, %arg2: memref<10000x128xf32, #tpu.memory_space<hbm>>, %arg3: memref<1280x40xi32, #tpu.memory_space<hbm>>, %arg4: memref<51200x128xf32, #tpu.memory_space<hbm>>, %arg5: memref<40x40xi32, #tpu.memory_space<vmem>>, %arg6: memref<40x128xf32, #tpu.memory_space<vmem>>, %arg7: memref<40x128xf32, #tpu.memory_space<vmem>>, %arg8: memref<40x128xf32, #tpu.memory_space<vmem>>, %arg9: memref<40x128xf32, #tpu.memory_space<vmem>>, %arg10: memref<!tpu.dma_semaphore, #tpu.memory_space<semaphore_mem>>, %arg11: memref<!tpu.dma_semaphore, #tpu.memory_space<semaphore_mem>>, %arg12: memref<!tpu.dma_semaphore, #tpu.memory_space<semaphore_mem>>, %arg13: memref<!tpu.dma_semaphore, #tpu.memory_space<semaphore_mem>>, %arg14: memref<!tpu.dma_semaphore, #tpu.memory_space<semaphore_mem>>, %arg15: memref<!tpu.dma_semaphore, #tpu.memory_space<semaphore_mem>>, %arg16: memref<!tpu.dma_semaphore, #tpu.memory_space<semaphore_mem>>, %arg17: memref<!tpu.dma_semaphore, #tpu.memory_space<semaphore_mem>>) attributes {dimension_semantics = [#tpu.dimension_semantics<core_parallel>, #tpu.dimension_semantics<subcore_parallel>], iteration_bounds = array<i64: 2, 16>, scalar_prefetch = 0 : i64, scratch_operands = 13 : i64, tpu.core_type = #tpu.core_type<sc_vector_subcore>, window_params = [{transform_indices = #map}, {transform_indices = #map}, {transform_indices = #map}]} {
    %mul3A = arith.constant 2 : i32
    %mul3A_0 = arith.muli %arg1, %mul3A : i32
    %add3A = arith.addi %mul3A_0, %arg0 : i32
    %mul3A_1 = arith.constant 1600 : i32
    %mul3A_2 = arith.muli %add3A, %mul3A_1 : i32
    %mul3A_3 = arith.constant 40 : i32
    %mul3A_4 = arith.muli %add3A, %mul3A_3 : i32
    "tpu.region"() ({
      %run_scoped3A = tpu.sem_alloc : memref<!tpu.dma_semaphore, #tpu.memory_space<semaphore_mem>>
      %dma_start3A_46 = arith.constant 0 : i32
      %dma_start3A_47 = tpu.memref_slice %arg3[%mul3A_4, %dma_start3A_46] : memref<1280x40xi32, #tpu.memory_space<hbm>> -> memref<40x40xi32, #tpu.memory_space<hbm>>
      %dma_start3A_48 = arith.constant 0 : i32
      %dma_start3A_49 = tpu.memref_slice %arg3[%mul3A_4, %dma_start3A_48] : memref<1280x40xi32, #tpu.memory_space<hbm>> -> memref<40x40xi32, #tpu.memory_space<hbm>>
      tpu.enqueue_dma source(%dma_start3A_49 : memref<40x40xi32, #tpu.memory_space<hbm>>) target(%arg5 : memref<40x40xi32, #tpu.memory_space<vmem>>) target_semaphore(%run_scoped3A : memref<!tpu.dma_semaphore, #tpu.memory_space<semaphore_mem>>)
      %dma_wait3A_50 = arith.constant 0 : i32
      %dma_wait3A_51 = tpu.memref_slice %arg3[%mul3A_4, %dma_wait3A_50] : memref<1280x40xi32, #tpu.memory_space<hbm>> -> memref<40x40xi32, #tpu.memory_space<hbm>>
      %dma_wait3A_52 = arith.constant 0 : i32
      %dma_wait3A_53 = tpu.memref_slice %arg3[%mul3A_4, %dma_wait3A_52] : memref<1280x40xi32, #tpu.memory_space<hbm>> -> memref<40x40xi32, #tpu.memory_space<hbm>>
      tpu.wait_dma2 semaphore(%run_scoped3A : memref<!tpu.dma_semaphore, #tpu.memory_space<semaphore_mem>>) src(%dma_wait3A_53 : memref<40x40xi32, #tpu.memory_space<hbm>>) dst(%arg5 : memref<40x40xi32, #tpu.memory_space<vmem>>)
      tpu.yield
    }) : () -> ()
    %dma_start3A = arith.constant 0 : i32
    %dma_start3A_5 = arith.constant 0 : i32
    %dma_start3A_6 = tpu.memref_slice %arg5[%dma_start3A, %dma_start3A_5] : memref<40x40xi32, #tpu.memory_space<vmem>> -> memref<1x40xi32, #tpu.memory_space<vmem>>
    %dma_start3A_7 = tpu.memref_squeeze %dma_start3A_6 : memref<1x40xi32, #tpu.memory_space<vmem>> -> memref<40xi32, #tpu.memory_space<vmem>>
    %dma_start3A_8 = arith.constant 0 : i32
    %dma_start3A_9 = arith.constant 0 : i32
    %dma_start3A_10 = tpu.memref_slice %arg2[%dma_start3A_8, %dma_start3A_9] : memref<10000x128xf32, #tpu.memory_space<hbm>> -> memref<10000x128xf32, #tpu.memory_space<hbm>>
    tpu.enqueue_indirect_dma source(%dma_start3A_10 : memref<10000x128xf32, #tpu.memory_space<hbm>>) target(%arg6 : memref<40x128xf32, #tpu.memory_space<vmem>>) offsets(%dma_start3A_7 : memref<40xi32, #tpu.memory_space<vmem>>) semaphore(%arg10 : memref<!tpu.dma_semaphore, #tpu.memory_space<semaphore_mem>>)
    %dma_start3A_11 = arith.constant 1 : i32
    %dma_start3A_12 = arith.constant 0 : i32
    %dma_start3A_13 = tpu.memref_slice %arg5[%dma_start3A_11, %dma_start3A_12] : memref<40x40xi32, #tpu.memory_space<vmem>> -> memref<1x40xi32, #tpu.memory_space<vmem>>
    %dma_start3A_14 = tpu.memref_squeeze %dma_start3A_13 : memref<1x40xi32, #tpu.memory_space<vmem>> -> memref<40xi32, #tpu.memory_space<vmem>>
    %dma_start3A_15 = arith.constant 0 : i32
    %dma_start3A_16 = arith.constant 0 : i32
    %dma_start3A_17 = tpu.memref_slice %arg2[%dma_start3A_15, %dma_start3A_16] : memref<10000x128xf32, #tpu.memory_space<hbm>> -> memref<10000x128xf32, #tpu.memory_space<hbm>>
    tpu.enqueue_indirect_dma source(%dma_start3A_17 : memref<10000x128xf32, #tpu.memory_space<hbm>>) target(%arg7 : memref<40x128xf32, #tpu.memory_space<vmem>>) offsets(%dma_start3A_14 : memref<40xi32, #tpu.memory_space<vmem>>) semaphore(%arg11 : memref<!tpu.dma_semaphore, #tpu.memory_space<semaphore_mem>>)
    %scan3A = arith.constant 0 : i32
    %scan3A_18 = arith.constant 0 : i32
    %scan3A_19 = arith.constant 10 : i32
    %scan3A_20 = arith.addi %scan3A_18, %scan3A_19 : i32
    %scan3A_21 = arith.constant 1 : i32
    scf.for %scan3A_46 = %scan3A_18 to %scan3A_20 step %scan3A_21  : i32 {
      %mul3A_47 = arith.constant 4 : i32
      %mul3A_48 = arith.muli %mul3A_47, %scan3A_46 : i32
      %gt3A = arith.constant 0 : i32
      %gt3A_49 = arith.cmpi sgt, %scan3A_46, %gt3A : i32
      %convert_element_type3A = arith.extui %gt3A_49 : i1 to i32
      %cond3A = arith.constant 0 : i32
      %cond3A_50 = arith.cmpi ne, %convert_element_type3A, %cond3A : i32
      scf.if %cond3A_50 {
        %sub3A = arith.constant 2 : i32
        %sub3A_137 = arith.subi %mul3A_48, %sub3A : i32
        %mul3A_138 = arith.constant 40 : i32
        %mul3A_139 = arith.muli %sub3A_137, %mul3A_138 : i32
        %add3A_140 = arith.addi %mul3A_2, %mul3A_139 : i32
        %dma_wait3A_141 = arith.constant 0 : i32
        %dma_wait3A_142 = tpu.memref_slice %arg4[%add3A_140, %dma_wait3A_141] : memref<51200x128xf32, #tpu.memory_space<hbm>> -> memref<40x128xf32, #tpu.memory_space<hbm>>
        %dma_wait3A_143 = arith.constant 0 : i32
        %dma_wait3A_144 = tpu.memref_slice %arg4[%add3A_140, %dma_wait3A_143] : memref<51200x128xf32, #tpu.memory_space<hbm>> -> memref<40x128xf32, #tpu.memory_space<hbm>>
        tpu.wait_dma2 semaphore(%arg16 : memref<!tpu.dma_semaphore, #tpu.memory_space<semaphore_mem>>) src(%arg8 : memref<40x128xf32, #tpu.memory_space<vmem>>) dst(%dma_wait3A_144 : memref<40x128xf32, #tpu.memory_space<hbm>>)
        %sub3A_145 = arith.constant 1 : i32
        %sub3A_146 = arith.subi %mul3A_48, %sub3A_145 : i32
        %mul3A_147 = arith.constant 40 : i32
        %mul3A_148 = arith.muli %sub3A_146, %mul3A_147 : i32
        %add3A_149 = arith.addi %mul3A_2, %mul3A_148 : i32
        %dma_wait3A_150 = arith.constant 0 : i32
        %dma_wait3A_151 = tpu.memref_slice %arg4[%add3A_149, %dma_wait3A_150] : memref<51200x128xf32, #tpu.memory_space<hbm>> -> memref<40x128xf32, #tpu.memory_space<hbm>>
        %dma_wait3A_152 = arith.constant 0 : i32
        %dma_wait3A_153 = tpu.memref_slice %arg4[%add3A_149, %dma_wait3A_152] : memref<51200x128xf32, #tpu.memory_space<hbm>> -> memref<40x128xf32, #tpu.memory_space<hbm>>
        tpu.wait_dma2 semaphore(%arg17 : memref<!tpu.dma_semaphore, #tpu.memory_space<semaphore_mem>>) src(%arg9 : memref<40x128xf32, #tpu.memory_space<vmem>>) dst(%dma_wait3A_153 : memref<40x128xf32, #tpu.memory_space<hbm>>)
      } else {
      }
      %add3A_51 = arith.constant 2 : i32
      %add3A_52 = arith.addi %mul3A_48, %add3A_51 : i32
      %dma_start3A_53 = arith.constant 0 : i32
      %dma_start3A_54 = tpu.memref_slice %arg5[%add3A_52, %dma_start3A_53] : memref<40x40xi32, #tpu.memory_space<vmem>> -> memref<1x40xi32, #tpu.memory_space<vmem>>
      %dma_start3A_55 = tpu.memref_squeeze %dma_start3A_54 : memref<1x40xi32, #tpu.memory_space<vmem>> -> memref<40xi32, #tpu.memory_space<vmem>>
      %dma_start3A_56 = arith.constant 0 : i32
      %dma_start3A_57 = arith.constant 0 : i32
      %dma_start3A_58 = tpu.memref_slice %arg2[%dma_start3A_56, %dma_start3A_57] : memref<10000x128xf32, #tpu.memory_space<hbm>> -> memref<10000x128xf32, #tpu.memory_space<hbm>>
      tpu.enqueue_indirect_dma source(%dma_start3A_58 : memref<10000x128xf32, #tpu.memory_space<hbm>>) target(%arg8 : memref<40x128xf32, #tpu.memory_space<vmem>>) offsets(%dma_start3A_55 : memref<40xi32, #tpu.memory_space<vmem>>) semaphore(%arg12 : memref<!tpu.dma_semaphore, #tpu.memory_space<semaphore_mem>>)
      %add3A_59 = arith.constant 3 : i32
      %add3A_60 = arith.addi %mul3A_48, %add3A_59 : i32
      %dma_start3A_61 = arith.constant 0 : i32
      %dma_start3A_62 = tpu.memref_slice %arg5[%add3A_60, %dma_start3A_61] : memref<40x40xi32, #tpu.memory_space<vmem>> -> memref<1x40xi32, #tpu.memory_space<vmem>>
      %dma_start3A_63 = tpu.memref_squeeze %dma_start3A_62 : memref<1x40xi32, #tpu.memory_space<vmem>> -> memref<40xi32, #tpu.memory_space<vmem>>
      %dma_start3A_64 = arith.constant 0 : i32
      %dma_start3A_65 = arith.constant 0 : i32
      %dma_start3A_66 = tpu.memref_slice %arg2[%dma_start3A_64, %dma_start3A_65] : memref<10000x128xf32, #tpu.memory_space<hbm>> -> memref<10000x128xf32, #tpu.memory_space<hbm>>
      tpu.enqueue_indirect_dma source(%dma_start3A_66 : memref<10000x128xf32, #tpu.memory_space<hbm>>) target(%arg9 : memref<40x128xf32, #tpu.memory_space<vmem>>) offsets(%dma_start3A_63 : memref<40xi32, #tpu.memory_space<vmem>>) semaphore(%arg13 : memref<!tpu.dma_semaphore, #tpu.memory_space<semaphore_mem>>)
      %dma_wait3A_67 = arith.constant 0 : i32
      %dma_wait3A_68 = tpu.memref_slice %arg5[%mul3A_48, %dma_wait3A_67] : memref<40x40xi32, #tpu.memory_space<vmem>> -> memref<1x40xi32, #tpu.memory_space<vmem>>
      %dma_wait3A_69 = tpu.memref_squeeze %dma_wait3A_68 : memref<1x40xi32, #tpu.memory_space<vmem>> -> memref<40xi32, #tpu.memory_space<vmem>>
      %dma_wait3A_70 = arith.constant 0 : i32
      %dma_wait3A_71 = arith.constant 0 : i32
      %dma_wait3A_72 = tpu.memref_slice %arg2[%dma_wait3A_70, %dma_wait3A_71] : memref<10000x128xf32, #tpu.memory_space<hbm>> -> memref<10000x128xf32, #tpu.memory_space<hbm>>
      tpu.wait_indirect_dma semaphore(%arg10 : memref<!tpu.dma_semaphore, #tpu.memory_space<semaphore_mem>>) src(%dma_wait3A_72 : memref<10000x128xf32, #tpu.memory_space<hbm>>) dst(%arg6 : memref<40x128xf32, #tpu.memory_space<vmem>>)
      %mul3A_73 = arith.constant 40 : i32
      %mul3A_74 = arith.muli %mul3A_48, %mul3A_73 : i32
      %add3A_75 = arith.addi %mul3A_2, %mul3A_74 : i32
      %dma_start3A_76 = arith.constant 0 : i32
      %dma_start3A_77 = tpu.memref_slice %arg4[%add3A_75, %dma_start3A_76] : memref<51200x128xf32, #tpu.memory_space<hbm>> -> memref<40x128xf32, #tpu.memory_space<hbm>>
      %dma_start3A_78 = arith.constant 0 : i32
      %dma_start3A_79 = tpu.memref_slice %arg4[%add3A_75, %dma_start3A_78] : memref<51200x128xf32, #tpu.memory_space<hbm>> -> memref<40x128xf32, #tpu.memory_space<hbm>>
      tpu.enqueue_dma source(%arg6 : memref<40x128xf32, #tpu.memory_space<vmem>>) target(%dma_start3A_79 : memref<40x128xf32, #tpu.memory_space<hbm>>) target_semaphore(%arg14 : memref<!tpu.dma_semaphore, #tpu.memory_space<semaphore_mem>>)
      %add3A_80 = arith.constant 1 : i32
      %add3A_81 = arith.addi %mul3A_48, %add3A_80 : i32
      %dma_wait3A_82 = arith.constant 0 : i32
      %dma_wait3A_83 = tpu.memref_slice %arg5[%add3A_81, %dma_wait3A_82] : memref<40x40xi32, #tpu.memory_space<vmem>> -> memref<1x40xi32, #tpu.memory_space<vmem>>
      %dma_wait3A_84 = tpu.memref_squeeze %dma_wait3A_83 : memref<1x40xi32, #tpu.memory_space<vmem>> -> memref<40xi32, #tpu.memory_space<vmem>>
      %dma_wait3A_85 = arith.constant 0 : i32
      %dma_wait3A_86 = arith.constant 0 : i32
      %dma_wait3A_87 = tpu.memref_slice %arg2[%dma_wait3A_85, %dma_wait3A_86] : memref<10000x128xf32, #tpu.memory_space<hbm>> -> memref<10000x128xf32, #tpu.memory_space<hbm>>
      tpu.wait_indirect_dma semaphore(%arg11 : memref<!tpu.dma_semaphore, #tpu.memory_space<semaphore_mem>>) src(%dma_wait3A_87 : memref<10000x128xf32, #tpu.memory_space<hbm>>) dst(%arg7 : memref<40x128xf32, #tpu.memory_space<vmem>>)
      %add3A_88 = arith.constant 1 : i32
      %add3A_89 = arith.addi %mul3A_48, %add3A_88 : i32
      %mul3A_90 = arith.constant 40 : i32
      %mul3A_91 = arith.muli %add3A_89, %mul3A_90 : i32
      %add3A_92 = arith.addi %mul3A_2, %mul3A_91 : i32
      %dma_start3A_93 = arith.constant 0 : i32
      %dma_start3A_94 = tpu.memref_slice %arg4[%add3A_92, %dma_start3A_93] : memref<51200x128xf32, #tpu.memory_space<hbm>> -> memref<40x128xf32, #tpu.memory_space<hbm>>
      %dma_start3A_95 = arith.constant 0 : i32
      %dma_start3A_96 = tpu.memref_slice %arg4[%add3A_92, %dma_start3A_95] : memref<51200x128xf32, #tpu.memory_space<hbm>> -> memref<40x128xf32, #tpu.memory_space<hbm>>
      tpu.enqueue_dma source(%arg7 : memref<40x128xf32, #tpu.memory_space<vmem>>) target(%dma_start3A_96 : memref<40x128xf32, #tpu.memory_space<hbm>>) target_semaphore(%arg15 : memref<!tpu.dma_semaphore, #tpu.memory_space<semaphore_mem>>)
      %add3A_97 = arith.constant 1 : i32
      %add3A_98 = arith.addi %scan3A_46, %add3A_97 : i32
      %lt3A = arith.constant 10 : i32
      %lt3A_99 = arith.cmpi slt, %add3A_98, %lt3A : i32
      %convert_element_type3A_100 = arith.extui %lt3A_99 : i1 to i32
      %cond3A_101 = arith.constant 0 : i32
      %cond3A_102 = arith.cmpi ne, %convert_element_type3A_100, %cond3A_101 : i32
      scf.if %cond3A_102 {
        %mul3A_137 = arith.constant 40 : i32
        %mul3A_138 = arith.muli %mul3A_48, %mul3A_137 : i32
        %add3A_139 = arith.addi %mul3A_2, %mul3A_138 : i32
        %dma_wait3A_140 = arith.constant 0 : i32
        %dma_wait3A_141 = tpu.memref_slice %arg4[%add3A_139, %dma_wait3A_140] : memref<51200x128xf32, #tpu.memory_space<hbm>> -> memref<40x128xf32, #tpu.memory_space<hbm>>
        %dma_wait3A_142 = arith.constant 0 : i32
        %dma_wait3A_143 = tpu.memref_slice %arg4[%add3A_139, %dma_wait3A_142] : memref<51200x128xf32, #tpu.memory_space<hbm>> -> memref<40x128xf32, #tpu.memory_space<hbm>>
        tpu.wait_dma2 semaphore(%arg14 : memref<!tpu.dma_semaphore, #tpu.memory_space<semaphore_mem>>) src(%arg6 : memref<40x128xf32, #tpu.memory_space<vmem>>) dst(%dma_wait3A_143 : memref<40x128xf32, #tpu.memory_space<hbm>>)
        %add3A_144 = arith.constant 1 : i32
        %add3A_145 = arith.addi %mul3A_48, %add3A_144 : i32
        %mul3A_146 = arith.constant 40 : i32
        %mul3A_147 = arith.muli %add3A_145, %mul3A_146 : i32
        %add3A_148 = arith.addi %mul3A_2, %mul3A_147 : i32
        %dma_wait3A_149 = arith.constant 0 : i32
        %dma_wait3A_150 = tpu.memref_slice %arg4[%add3A_148, %dma_wait3A_149] : memref<51200x128xf32, #tpu.memory_space<hbm>> -> memref<40x128xf32, #tpu.memory_space<hbm>>
        %dma_wait3A_151 = arith.constant 0 : i32
        %dma_wait3A_152 = tpu.memref_slice %arg4[%add3A_148, %dma_wait3A_151] : memref<51200x128xf32, #tpu.memory_space<hbm>> -> memref<40x128xf32, #tpu.memory_space<hbm>>
        tpu.wait_dma2 semaphore(%arg15 : memref<!tpu.dma_semaphore, #tpu.memory_space<semaphore_mem>>) src(%arg7 : memref<40x128xf32, #tpu.memory_space<vmem>>) dst(%dma_wait3A_152 : memref<40x128xf32, #tpu.memory_space<hbm>>)
        %add3A_153 = arith.constant 4 : i32
        %add3A_154 = arith.addi %mul3A_48, %add3A_153 : i32
        %dma_start3A_155 = arith.constant 0 : i32
        %dma_start3A_156 = tpu.memref_slice %arg5[%add3A_154, %dma_start3A_155] : memref<40x40xi32, #tpu.memory_space<vmem>> -> memref<1x40xi32, #tpu.memory_space<vmem>>
        %dma_start3A_157 = tpu.memref_squeeze %dma_start3A_156 : memref<1x40xi32, #tpu.memory_space<vmem>> -> memref<40xi32, #tpu.memory_space<vmem>>
        %dma_start3A_158 = arith.constant 0 : i32
        %dma_start3A_159 = arith.constant 0 : i32
        %dma_start3A_160 = tpu.memref_slice %arg2[%dma_start3A_158, %dma_start3A_159] : memref<10000x128xf32, #tpu.memory_space<hbm>> -> memref<10000x128xf32, #tpu.memory_space<hbm>>
        tpu.enqueue_indirect_dma source(%dma_start3A_160 : memref<10000x128xf32, #tpu.memory_space<hbm>>) target(%arg6 : memref<40x128xf32, #tpu.memory_space<vmem>>) offsets(%dma_start3A_157 : memref<40xi32, #tpu.memory_space<vmem>>) semaphore(%arg10 : memref<!tpu.dma_semaphore, #tpu.memory_space<semaphore_mem>>)
        %add3A_161 = arith.constant 5 : i32
        %add3A_162 = arith.addi %mul3A_48, %add3A_161 : i32
        %dma_start3A_163 = arith.constant 0 : i32
        %dma_start3A_164 = tpu.memref_slice %arg5[%add3A_162, %dma_start3A_163] : memref<40x40xi32, #tpu.memory_space<vmem>> -> memref<1x40xi32, #tpu.memory_space<vmem>>
        %dma_start3A_165 = tpu.memref_squeeze %dma_start3A_164 : memref<1x40xi32, #tpu.memory_space<vmem>> -> memref<40xi32, #tpu.memory_space<vmem>>
        %dma_start3A_166 = arith.constant 0 : i32
        %dma_start3A_167 = arith.constant 0 : i32
        %dma_start3A_168 = tpu.memref_slice %arg2[%dma_start3A_166, %dma_start3A_167] : memref<10000x128xf32, #tpu.memory_space<hbm>> -> memref<10000x128xf32, #tpu.memory_space<hbm>>
        tpu.enqueue_indirect_dma source(%dma_start3A_168 : memref<10000x128xf32, #tpu.memory_space<hbm>>) target(%arg7 : memref<40x128xf32, #tpu.memory_space<vmem>>) offsets(%dma_start3A_165 : memref<40xi32, #tpu.memory_space<vmem>>) semaphore(%arg11 : memref<!tpu.dma_semaphore, #tpu.memory_space<semaphore_mem>>)
      } else {
      }
      %add3A_103 = arith.constant 2 : i32
      %add3A_104 = arith.addi %mul3A_48, %add3A_103 : i32
      %dma_wait3A_105 = arith.constant 0 : i32
      %dma_wait3A_106 = tpu.memref_slice %arg5[%add3A_104, %dma_wait3A_105] : memref<40x40xi32, #tpu.memory_space<vmem>> -> memref<1x40xi32, #tpu.memory_space<vmem>>
      %dma_wait3A_107 = tpu.memref_squeeze %dma_wait3A_106 : memref<1x40xi32, #tpu.memory_space<vmem>> -> memref<40xi32, #tpu.memory_space<vmem>>
      %dma_wait3A_108 = arith.constant 0 : i32
      %dma_wait3A_109 = arith.constant 0 : i32
      %dma_wait3A_110 = tpu.memref_slice %arg2[%dma_wait3A_108, %dma_wait3A_109] : memref<10000x128xf32, #tpu.memory_space<hbm>> -> memref<10000x128xf32, #tpu.memory_space<hbm>>
      tpu.wait_indirect_dma semaphore(%arg12 : memref<!tpu.dma_semaphore, #tpu.memory_space<semaphore_mem>>) src(%dma_wait3A_110 : memref<10000x128xf32, #tpu.memory_space<hbm>>) dst(%arg8 : memref<40x128xf32, #tpu.memory_space<vmem>>)
      %add3A_111 = arith.constant 2 : i32
      %add3A_112 = arith.addi %mul3A_48, %add3A_111 : i32
      %mul3A_113 = arith.constant 40 : i32
      %mul3A_114 = arith.muli %add3A_112, %mul3A_113 : i32
      %add3A_115 = arith.addi %mul3A_2, %mul3A_114 : i32
      %dma_start3A_116 = arith.constant 0 : i32
      %dma_start3A_117 = tpu.memref_slice %arg4[%add3A_115, %dma_start3A_116] : memref<51200x128xf32, #tpu.memory_space<hbm>> -> memref<40x128xf32, #tpu.memory_space<hbm>>
      %dma_start3A_118 = arith.constant 0 : i32
      %dma_start3A_119 = tpu.memref_slice %arg4[%add3A_115, %dma_start3A_118] : memref<51200x128xf32, #tpu.memory_space<hbm>> -> memref<40x128xf32, #tpu.memory_space<hbm>>
      tpu.enqueue_dma source(%arg8 : memref<40x128xf32, #tpu.memory_space<vmem>>) target(%dma_start3A_119 : memref<40x128xf32, #tpu.memory_space<hbm>>) target_semaphore(%arg16 : memref<!tpu.dma_semaphore, #tpu.memory_space<semaphore_mem>>)
      %add3A_120 = arith.constant 3 : i32
      %add3A_121 = arith.addi %mul3A_48, %add3A_120 : i32
      %dma_wait3A_122 = arith.constant 0 : i32
      %dma_wait3A_123 = tpu.memref_slice %arg5[%add3A_121, %dma_wait3A_122] : memref<40x40xi32, #tpu.memory_space<vmem>> -> memref<1x40xi32, #tpu.memory_space<vmem>>
      %dma_wait3A_124 = tpu.memref_squeeze %dma_wait3A_123 : memref<1x40xi32, #tpu.memory_space<vmem>> -> memref<40xi32, #tpu.memory_space<vmem>>
      %dma_wait3A_125 = arith.constant 0 : i32
      %dma_wait3A_126 = arith.constant 0 : i32
      %dma_wait3A_127 = tpu.memref_slice %arg2[%dma_wait3A_125, %dma_wait3A_126] : memref<10000x128xf32, #tpu.memory_space<hbm>> -> memref<10000x128xf32, #tpu.memory_space<hbm>>
      tpu.wait_indirect_dma semaphore(%arg13 : memref<!tpu.dma_semaphore, #tpu.memory_space<semaphore_mem>>) src(%dma_wait3A_127 : memref<10000x128xf32, #tpu.memory_space<hbm>>) dst(%arg9 : memref<40x128xf32, #tpu.memory_space<vmem>>)
      %add3A_128 = arith.constant 3 : i32
      %add3A_129 = arith.addi %mul3A_48, %add3A_128 : i32
      %mul3A_130 = arith.constant 40 : i32
      %mul3A_131 = arith.muli %add3A_129, %mul3A_130 : i32
      %add3A_132 = arith.addi %mul3A_2, %mul3A_131 : i32
      %dma_start3A_133 = arith.constant 0 : i32
      %dma_start3A_134 = tpu.memref_slice %arg4[%add3A_132, %dma_start3A_133] : memref<51200x128xf32, #tpu.memory_space<hbm>> -> memref<40x128xf32, #tpu.memory_space<hbm>>
      %dma_start3A_135 = arith.constant 0 : i32
      %dma_start3A_136 = tpu.memref_slice %arg4[%add3A_132, %dma_start3A_135] : memref<51200x128xf32, #tpu.memory_space<hbm>> -> memref<40x128xf32, #tpu.memory_space<hbm>>
      tpu.enqueue_dma source(%arg9 : memref<40x128xf32, #tpu.memory_space<vmem>>) target(%dma_start3A_136 : memref<40x128xf32, #tpu.memory_space<hbm>>) target_semaphore(%arg17 : memref<!tpu.dma_semaphore, #tpu.memory_space<semaphore_mem>>)
    }
    %scan3A_22 = arith.constant 10 : i32
    %add3A_23 = arith.constant 1440 : i32
    %add3A_24 = arith.addi %mul3A_2, %add3A_23 : i32
    %dma_wait3A = arith.constant 0 : i32
    %dma_wait3A_25 = tpu.memref_slice %arg4[%add3A_24, %dma_wait3A] : memref<51200x128xf32, #tpu.memory_space<hbm>> -> memref<40x128xf32, #tpu.memory_space<hbm>>
    %dma_wait3A_26 = arith.constant 0 : i32
    %dma_wait3A_27 = tpu.memref_slice %arg4[%add3A_24, %dma_wait3A_26] : memref<51200x128xf32, #tpu.memory_space<hbm>> -> memref<40x128xf32, #tpu.memory_space<hbm>>
    tpu.wait_dma2 semaphore(%arg14 : memref<!tpu.dma_semaphore, #tpu.memory_space<semaphore_mem>>) src(%arg6 : memref<40x128xf32, #tpu.memory_space<vmem>>) dst(%dma_wait3A_27 : memref<40x128xf32, #tpu.memory_space<hbm>>)
    %add3A_28 = arith.constant 1480 : i32
    %add3A_29 = arith.addi %mul3A_2, %add3A_28 : i32
    %dma_wait3A_30 = arith.constant 0 : i32
    %dma_wait3A_31 = tpu.memref_slice %arg4[%add3A_29, %dma_wait3A_30] : memref<51200x128xf32, #tpu.memory_space<hbm>> -> memref<40x128xf32, #tpu.memory_space<hbm>>
    %dma_wait3A_32 = arith.constant 0 : i32
    %dma_wait3A_33 = tpu.memref_slice %arg4[%add3A_29, %dma_wait3A_32] : memref<51200x128xf32, #tpu.memory_space<hbm>> -> memref<40x128xf32, #tpu.memory_space<hbm>>
    tpu.wait_dma2 semaphore(%arg15 : memref<!tpu.dma_semaphore, #tpu.memory_space<semaphore_mem>>) src(%arg7 : memref<40x128xf32, #tpu.memory_space<vmem>>) dst(%dma_wait3A_33 : memref<40x128xf32, #tpu.memory_space<hbm>>)
    %add3A_34 = arith.constant 1520 : i32
    %add3A_35 = arith.addi %mul3A_2, %add3A_34 : i32
    %dma_wait3A_36 = arith.constant 0 : i32
    %dma_wait3A_37 = tpu.memref_slice %arg4[%add3A_35, %dma_wait3A_36] : memref<51200x128xf32, #tpu.memory_space<hbm>> -> memref<40x128xf32, #tpu.memory_space<hbm>>
    %dma_wait3A_38 = arith.constant 0 : i32
    %dma_wait3A_39 = tpu.memref_slice %arg4[%add3A_35, %dma_wait3A_38] : memref<51200x128xf32, #tpu.memory_space<hbm>> -> memref<40x128xf32, #tpu.memory_space<hbm>>
    tpu.wait_dma2 semaphore(%arg16 : memref<!tpu.dma_semaphore, #tpu.memory_space<semaphore_mem>>) src(%arg8 : memref<40x128xf32, #tpu.memory_space<vmem>>) dst(%dma_wait3A_39 : memref<40x128xf32, #tpu.memory_space<hbm>>)
    %add3A_40 = arith.constant 1560 : i32
    %add3A_41 = arith.addi %mul3A_2, %add3A_40 : i32
    %dma_wait3A_42 = arith.constant 0 : i32
    %dma_wait3A_43 = tpu.memref_slice %arg4[%add3A_41, %dma_wait3A_42] : memref<51200x128xf32, #tpu.memory_space<hbm>> -> memref<40x128xf32, #tpu.memory_space<hbm>>
    %dma_wait3A_44 = arith.constant 0 : i32
    %dma_wait3A_45 = tpu.memref_slice %arg4[%add3A_41, %dma_wait3A_44] : memref<51200x128xf32, #tpu.memory_space<hbm>> -> memref<40x128xf32, #tpu.memory_space<hbm>>
    tpu.wait_dma2 semaphore(%arg17 : memref<!tpu.dma_semaphore, #tpu.memory_space<semaphore_mem>>) src(%arg9 : memref<40x128xf32, #tpu.memory_space<vmem>>) dst(%dma_wait3A_45 : memref<40x128xf32, #tpu.memory_space<hbm>>)
    return
  }
}

#map = affine_map<(d0, d1) -> (0, 0)>
module attributes {stable_mosaic.version = 14 : i64} {
  func.func @gk(%arg0: i32, %arg1: i32, %arg2: memref<10000x128xf32, #tpu.memory_space<hbm>>, %arg3: memref<1280x40xi32, #tpu.memory_space<hbm>>, %arg4: memref<51200x128xf32, #tpu.memory_space<hbm>>, %arg5: memref<40x40xi32, #tpu.memory_space<vmem>>, %arg6: memref<40x128xf32, #tpu.memory_space<vmem>>, %arg7: memref<40x128xf32, #tpu.memory_space<vmem>>, %arg8: memref<40x128xf32, #tpu.memory_space<vmem>>, %arg9: memref<40x128xf32, #tpu.memory_space<vmem>>, %arg10: memref<!tpu.dma_semaphore, #tpu.memory_space<semaphore_mem>>, %arg11: memref<!tpu.dma_semaphore, #tpu.memory_space<semaphore_mem>>, %arg12: memref<!tpu.dma_semaphore, #tpu.memory_space<semaphore_mem>>, %arg13: memref<!tpu.dma_semaphore, #tpu.memory_space<semaphore_mem>>, %arg14: memref<!tpu.dma_semaphore, #tpu.memory_space<semaphore_mem>>, %arg15: memref<!tpu.dma_semaphore, #tpu.memory_space<semaphore_mem>>, %arg16: memref<!tpu.dma_semaphore, #tpu.memory_space<semaphore_mem>>, %arg17: memref<!tpu.dma_semaphore, #tpu.memory_space<semaphore_mem>>) attributes {dimension_semantics = [#tpu.dimension_semantics<core_parallel>, #tpu.dimension_semantics<subcore_parallel>], iteration_bounds = array<i64: 2, 16>, scalar_prefetch = 0 : i64, scratch_operands = 13 : i64, tpu.core_type = #tpu.core_type<sc_vector_subcore>, window_params = [{transform_indices = #map}, {transform_indices = #map}, {transform_indices = #map}]} {
    %mul3A = arith.constant 2 : i32
    %mul3A_0 = arith.muli %arg1, %mul3A : i32
    %add3A = arith.addi %mul3A_0, %arg0 : i32
    %mul3A_1 = arith.constant 1600 : i32
    %mul3A_2 = arith.muli %add3A, %mul3A_1 : i32
    %mul3A_3 = arith.constant 40 : i32
    %mul3A_4 = arith.muli %add3A, %mul3A_3 : i32
    "tpu.region"() ({
      %run_scoped3A = tpu.sem_alloc : memref<!tpu.dma_semaphore, #tpu.memory_space<semaphore_mem>>
      %dma_start3A_46 = arith.constant 0 : i32
      %dma_start3A_47 = tpu.memref_slice %arg3[%mul3A_4, %dma_start3A_46] : memref<1280x40xi32, #tpu.memory_space<hbm>> -> memref<40x40xi32, #tpu.memory_space<hbm>>
      %dma_start3A_48 = arith.constant 0 : i32
      %dma_start3A_49 = tpu.memref_slice %arg3[%mul3A_4, %dma_start3A_48] : memref<1280x40xi32, #tpu.memory_space<hbm>> -> memref<40x40xi32, #tpu.memory_space<hbm>>
      tpu.enqueue_dma source(%dma_start3A_49 : memref<40x40xi32, #tpu.memory_space<hbm>>) target(%arg5 : memref<40x40xi32, #tpu.memory_space<vmem>>) target_semaphore(%run_scoped3A : memref<!tpu.dma_semaphore, #tpu.memory_space<semaphore_mem>>)
      %dma_wait3A_50 = arith.constant 0 : i32
      %dma_wait3A_51 = tpu.memref_slice %arg3[%mul3A_4, %dma_wait3A_50] : memref<1280x40xi32, #tpu.memory_space<hbm>> -> memref<40x40xi32, #tpu.memory_space<hbm>>
      %dma_wait3A_52 = arith.constant 0 : i32
      %dma_wait3A_53 = tpu.memref_slice %arg3[%mul3A_4, %dma_wait3A_52] : memref<1280x40xi32, #tpu.memory_space<hbm>> -> memref<40x40xi32, #tpu.memory_space<hbm>>
      tpu.wait_dma2 semaphore(%run_scoped3A : memref<!tpu.dma_semaphore, #tpu.memory_space<semaphore_mem>>) src(%dma_wait3A_53 : memref<40x40xi32, #tpu.memory_space<hbm>>) dst(%arg5 : memref<40x40xi32, #tpu.memory_space<vmem>>)
      tpu.yield
    }) : () -> ()
    %dma_start3A = arith.constant 0 : i32
    %dma_start3A_5 = arith.constant 0 : i32
    %dma_start3A_6 = tpu.memref_slice %arg5[%dma_start3A, %dma_start3A_5] : memref<40x40xi32, #tpu.memory_space<vmem>> -> memref<1x40xi32, #tpu.memory_space<vmem>>
    %dma_start3A_7 = tpu.memref_squeeze %dma_start3A_6 : memref<1x40xi32, #tpu.memory_space<vmem>> -> memref<40xi32, #tpu.memory_space<vmem>>
    %dma_start3A_8 = arith.constant 0 : i32
    %dma_start3A_9 = arith.constant 0 : i32
    %dma_start3A_10 = tpu.memref_slice %arg2[%dma_start3A_8, %dma_start3A_9] : memref<10000x128xf32, #tpu.memory_space<hbm>> -> memref<10000x128xf32, #tpu.memory_space<hbm>>
    tpu.enqueue_indirect_dma source(%dma_start3A_10 : memref<10000x128xf32, #tpu.memory_space<hbm>>) target(%arg6 : memref<40x128xf32, #tpu.memory_space<vmem>>) offsets(%dma_start3A_7 : memref<40xi32, #tpu.memory_space<vmem>>) semaphore(%arg10 : memref<!tpu.dma_semaphore, #tpu.memory_space<semaphore_mem>>)
    %dma_start3A_11 = arith.constant 1 : i32
    %dma_start3A_12 = arith.constant 0 : i32
    %dma_start3A_13 = tpu.memref_slice %arg5[%dma_start3A_11, %dma_start3A_12] : memref<40x40xi32, #tpu.memory_space<vmem>> -> memref<1x40xi32, #tpu.memory_space<vmem>>
    %dma_start3A_14 = tpu.memref_squeeze %dma_start3A_13 : memref<1x40xi32, #tpu.memory_space<vmem>> -> memref<40xi32, #tpu.memory_space<vmem>>
    %dma_start3A_15 = arith.constant 0 : i32
    %dma_start3A_16 = arith.constant 0 : i32
    %dma_start3A_17 = tpu.memref_slice %arg2[%dma_start3A_15, %dma_start3A_16] : memref<10000x128xf32, #tpu.memory_space<hbm>> -> memref<10000x128xf32, #tpu.memory_space<hbm>>
    tpu.enqueue_indirect_dma source(%dma_start3A_17 : memref<10000x128xf32, #tpu.memory_space<hbm>>) target(%arg7 : memref<40x128xf32, #tpu.memory_space<vmem>>) offsets(%dma_start3A_14 : memref<40xi32, #tpu.memory_space<vmem>>) semaphore(%arg11 : memref<!tpu.dma_semaphore, #tpu.memory_space<semaphore_mem>>)
    %scan3A = arith.constant 0 : i32
    %scan3A_18 = arith.constant 0 : i32
    %scan3A_19 = arith.constant 10 : i32
    %scan3A_20 = arith.addi %scan3A_18, %scan3A_19 : i32
    %scan3A_21 = arith.constant 1 : i32
    scf.for %scan3A_46 = %scan3A_18 to %scan3A_20 step %scan3A_21  : i32 {
      %mul3A_47 = arith.constant 4 : i32
      %mul3A_48 = arith.muli %mul3A_47, %scan3A_46 : i32
      %gt3A = arith.constant 0 : i32
      %gt3A_49 = arith.cmpi sgt, %scan3A_46, %gt3A : i32
      %convert_element_type3A = arith.extui %gt3A_49 : i1 to i32
      %cond3A = arith.constant 0 : i32
      %cond3A_50 = arith.cmpi ne, %convert_element_type3A, %cond3A : i32
      scf.if %cond3A_50 {
        %sub3A = arith.constant 2 : i32
        %sub3A_137 = arith.subi %mul3A_48, %sub3A : i32
        %mul3A_138 = arith.constant 40 : i32
        %mul3A_139 = arith.muli %sub3A_137, %mul3A_138 : i32
        %add3A_140 = arith.addi %mul3A_2, %mul3A_139 : i32
        %dma_wait3A_141 = arith.constant 0 : i32
        %dma_wait3A_142 = tpu.memref_slice %arg4[%add3A_140, %dma_wait3A_141] : memref<51200x128xf32, #tpu.memory_space<hbm>> -> memref<40x128xf32, #tpu.memory_space<hbm>>
        %dma_wait3A_143 = arith.constant 0 : i32
        %dma_wait3A_144 = tpu.memref_slice %arg4[%add3A_140, %dma_wait3A_143] : memref<51200x128xf32, #tpu.memory_space<hbm>> -> memref<40x128xf32, #tpu.memory_space<hbm>>
        tpu.wait_dma2 semaphore(%arg16 : memref<!tpu.dma_semaphore, #tpu.memory_space<semaphore_mem>>) src(%arg8 : memref<40x128xf32, #tpu.memory_space<vmem>>) dst(%dma_wait3A_144 : memref<40x128xf32, #tpu.memory_space<hbm>>)
        %sub3A_145 = arith.constant 1 : i32
        %sub3A_146 = arith.subi %mul3A_48, %sub3A_145 : i32
        %mul3A_147 = arith.constant 40 : i32
        %mul3A_148 = arith.muli %sub3A_146, %mul3A_147 : i32
        %add3A_149 = arith.addi %mul3A_2, %mul3A_148 : i32
        %dma_wait3A_150 = arith.constant 0 : i32
        %dma_wait3A_151 = tpu.memref_slice %arg4[%add3A_149, %dma_wait3A_150] : memref<51200x128xf32, #tpu.memory_space<hbm>> -> memref<40x128xf32, #tpu.memory_space<hbm>>
        %dma_wait3A_152 = arith.constant 0 : i32
        %dma_wait3A_153 = tpu.memref_slice %arg4[%add3A_149, %dma_wait3A_152] : memref<51200x128xf32, #tpu.memory_space<hbm>> -> memref<40x128xf32, #tpu.memory_space<hbm>>
        tpu.wait_dma2 semaphore(%arg17 : memref<!tpu.dma_semaphore, #tpu.memory_space<semaphore_mem>>) src(%arg9 : memref<40x128xf32, #tpu.memory_space<vmem>>) dst(%dma_wait3A_153 : memref<40x128xf32, #tpu.memory_space<hbm>>)
      } else {
      }
      %add3A_51 = arith.constant 2 : i32
      %add3A_52 = arith.addi %mul3A_48, %add3A_51 : i32
      %dma_start3A_53 = arith.constant 0 : i32
      %dma_start3A_54 = tpu.memref_slice %arg5[%add3A_52, %dma_start3A_53] : memref<40x40xi32, #tpu.memory_space<vmem>> -> memref<1x40xi32, #tpu.memory_space<vmem>>
      %dma_start3A_55 = tpu.memref_squeeze %dma_start3A_54 : memref<1x40xi32, #tpu.memory_space<vmem>> -> memref<40xi32, #tpu.memory_space<vmem>>
      %dma_start3A_56 = arith.constant 0 : i32
      %dma_start3A_57 = arith.constant 0 : i32
      %dma_start3A_58 = tpu.memref_slice %arg2[%dma_start3A_56, %dma_start3A_57] : memref<10000x128xf32, #tpu.memory_space<hbm>> -> memref<10000x128xf32, #tpu.memory_space<hbm>>
      tpu.enqueue_indirect_dma source(%dma_start3A_58 : memref<10000x128xf32, #tpu.memory_space<hbm>>) target(%arg8 : memref<40x128xf32, #tpu.memory_space<vmem>>) offsets(%dma_start3A_55 : memref<40xi32, #tpu.memory_space<vmem>>) semaphore(%arg12 : memref<!tpu.dma_semaphore, #tpu.memory_space<semaphore_mem>>)
      %add3A_59 = arith.constant 3 : i32
      %add3A_60 = arith.addi %mul3A_48, %add3A_59 : i32
      %dma_start3A_61 = arith.constant 0 : i32
      %dma_start3A_62 = tpu.memref_slice %arg5[%add3A_60, %dma_start3A_61] : memref<40x40xi32, #tpu.memory_space<vmem>> -> memref<1x40xi32, #tpu.memory_space<vmem>>
      %dma_start3A_63 = tpu.memref_squeeze %dma_start3A_62 : memref<1x40xi32, #tpu.memory_space<vmem>> -> memref<40xi32, #tpu.memory_space<vmem>>
      %dma_start3A_64 = arith.constant 0 : i32
      %dma_start3A_65 = arith.constant 0 : i32
      %dma_start3A_66 = tpu.memref_slice %arg2[%dma_start3A_64, %dma_start3A_65] : memref<10000x128xf32, #tpu.memory_space<hbm>> -> memref<10000x128xf32, #tpu.memory_space<hbm>>
      tpu.enqueue_indirect_dma source(%dma_start3A_66 : memref<10000x128xf32, #tpu.memory_space<hbm>>) target(%arg9 : memref<40x128xf32, #tpu.memory_space<vmem>>) offsets(%dma_start3A_63 : memref<40xi32, #tpu.memory_space<vmem>>) semaphore(%arg13 : memref<!tpu.dma_semaphore, #tpu.memory_space<semaphore_mem>>)
      %dma_wait3A_67 = arith.constant 0 : i32
      %dma_wait3A_68 = tpu.memref_slice %arg5[%mul3A_48, %dma_wait3A_67] : memref<40x40xi32, #tpu.memory_space<vmem>> -> memref<1x40xi32, #tpu.memory_space<vmem>>
      %dma_wait3A_69 = tpu.memref_squeeze %dma_wait3A_68 : memref<1x40xi32, #tpu.memory_space<vmem>> -> memref<40xi32, #tpu.memory_space<vmem>>
      %dma_wait3A_70 = arith.constant 0 : i32
      %dma_wait3A_71 = arith.constant 0 : i32
      %dma_wait3A_72 = tpu.memref_slice %arg2[%dma_wait3A_70, %dma_wait3A_71] : memref<10000x128xf32, #tpu.memory_space<hbm>> -> memref<10000x128xf32, #tpu.memory_space<hbm>>
      tpu.wait_indirect_dma semaphore(%arg10 : memref<!tpu.dma_semaphore, #tpu.memory_space<semaphore_mem>>) src(%dma_wait3A_72 : memref<10000x128xf32, #tpu.memory_space<hbm>>) dst(%arg6 : memref<40x128xf32, #tpu.memory_space<vmem>>)
      %mul3A_73 = arith.constant 40 : i32
      %mul3A_74 = arith.muli %mul3A_48, %mul3A_73 : i32
      %add3A_75 = arith.addi %mul3A_2, %mul3A_74 : i32
      %dma_start3A_76 = arith.constant 0 : i32
      %dma_start3A_77 = tpu.memref_slice %arg4[%add3A_75, %dma_start3A_76] : memref<51200x128xf32, #tpu.memory_space<hbm>> -> memref<40x128xf32, #tpu.memory_space<hbm>>
      %dma_start3A_78 = arith.constant 0 : i32
      %dma_start3A_79 = tpu.memref_slice %arg4[%add3A_75, %dma_start3A_78] : memref<51200x128xf32, #tpu.memory_space<hbm>> -> memref<40x128xf32, #tpu.memory_space<hbm>>
      tpu.enqueue_dma source(%arg6 : memref<40x128xf32, #tpu.memory_space<vmem>>) target(%dma_start3A_79 : memref<40x128xf32, #tpu.memory_space<hbm>>) target_semaphore(%arg14 : memref<!tpu.dma_semaphore, #tpu.memory_space<semaphore_mem>>)
      %add3A_80 = arith.constant 1 : i32
      %add3A_81 = arith.addi %mul3A_48, %add3A_80 : i32
      %dma_wait3A_82 = arith.constant 0 : i32
      %dma_wait3A_83 = tpu.memref_slice %arg5[%add3A_81, %dma_wait3A_82] : memref<40x40xi32, #tpu.memory_space<vmem>> -> memref<1x40xi32, #tpu.memory_space<vmem>>
      %dma_wait3A_84 = tpu.memref_squeeze %dma_wait3A_83 : memref<1x40xi32, #tpu.memory_space<vmem>> -> memref<40xi32, #tpu.memory_space<vmem>>
      %dma_wait3A_85 = arith.constant 0 : i32
      %dma_wait3A_86 = arith.constant 0 : i32
      %dma_wait3A_87 = tpu.memref_slice %arg2[%dma_wait3A_85, %dma_wait3A_86] : memref<10000x128xf32, #tpu.memory_space<hbm>> -> memref<10000x128xf32, #tpu.memory_space<hbm>>
      tpu.wait_indirect_dma semaphore(%arg11 : memref<!tpu.dma_semaphore, #tpu.memory_space<semaphore_mem>>) src(%dma_wait3A_87 : memref<10000x128xf32, #tpu.memory_space<hbm>>) dst(%arg7 : memref<40x128xf32, #tpu.memory_space<vmem>>)
      %add3A_88 = arith.constant 1 : i32
      %add3A_89 = arith.addi %mul3A_48, %add3A_88 : i32
      %mul3A_90 = arith.constant 40 : i32
      %mul3A_91 = arith.muli %add3A_89, %mul3A_90 : i32
      %add3A_92 = arith.addi %mul3A_2, %mul3A_91 : i32
      %dma_start3A_93 = arith.constant 0 : i32
      %dma_start3A_94 = tpu.memref_slice %arg4[%add3A_92, %dma_start3A_93] : memref<51200x128xf32, #tpu.memory_space<hbm>> -> memref<40x128xf32, #tpu.memory_space<hbm>>
      %dma_start3A_95 = arith.constant 0 : i32
      %dma_start3A_96 = tpu.memref_slice %arg4[%add3A_92, %dma_start3A_95] : memref<51200x128xf32, #tpu.memory_space<hbm>> -> memref<40x128xf32, #tpu.memory_space<hbm>>
      tpu.enqueue_dma source(%arg7 : memref<40x128xf32, #tpu.memory_space<vmem>>) target(%dma_start3A_96 : memref<40x128xf32, #tpu.memory_space<hbm>>) target_semaphore(%arg15 : memref<!tpu.dma_semaphore, #tpu.memory_space<semaphore_mem>>)
      %add3A_97 = arith.constant 1 : i32
      %add3A_98 = arith.addi %scan3A_46, %add3A_97 : i32
      %lt3A = arith.constant 10 : i32
      %lt3A_99 = arith.cmpi slt, %add3A_98, %lt3A : i32
      %convert_element_type3A_100 = arith.extui %lt3A_99 : i1 to i32
      %cond3A_101 = arith.constant 0 : i32
      %cond3A_102 = arith.cmpi ne, %convert_element_type3A_100, %cond3A_101 : i32
      scf.if %cond3A_102 {
        %mul3A_137 = arith.constant 40 : i32
        %mul3A_138 = arith.muli %mul3A_48, %mul3A_137 : i32
        %add3A_139 = arith.addi %mul3A_2, %mul3A_138 : i32
        %dma_wait3A_140 = arith.constant 0 : i32
        %dma_wait3A_141 = tpu.memref_slice %arg4[%add3A_139, %dma_wait3A_140] : memref<51200x128xf32, #tpu.memory_space<hbm>> -> memref<40x128xf32, #tpu.memory_space<hbm>>
        %dma_wait3A_142 = arith.constant 0 : i32
        %dma_wait3A_143 = tpu.memref_slice %arg4[%add3A_139, %dma_wait3A_142] : memref<51200x128xf32, #tpu.memory_space<hbm>> -> memref<40x128xf32, #tpu.memory_space<hbm>>
        tpu.wait_dma2 semaphore(%arg14 : memref<!tpu.dma_semaphore, #tpu.memory_space<semaphore_mem>>) src(%arg6 : memref<40x128xf32, #tpu.memory_space<vmem>>) dst(%dma_wait3A_143 : memref<40x128xf32, #tpu.memory_space<hbm>>)
        %add3A_144 = arith.constant 1 : i32
        %add3A_145 = arith.addi %mul3A_48, %add3A_144 : i32
        %mul3A_146 = arith.constant 40 : i32
        %mul3A_147 = arith.muli %add3A_145, %mul3A_146 : i32
        %add3A_148 = arith.addi %mul3A_2, %mul3A_147 : i32
        %dma_wait3A_149 = arith.constant 0 : i32
        %dma_wait3A_150 = tpu.memref_slice %arg4[%add3A_148, %dma_wait3A_149] : memref<51200x128xf32, #tpu.memory_space<hbm>> -> memref<40x128xf32, #tpu.memory_space<hbm>>
        %dma_wait3A_151 = arith.constant 0 : i32
        %dma_wait3A_152 = tpu.memref_slice %arg4[%add3A_148, %dma_wait3A_151] : memref<51200x128xf32, #tpu.memory_space<hbm>> -> memref<40x128xf32, #tpu.memory_space<hbm>>
        tpu.wait_dma2 semaphore(%arg15 : memref<!tpu.dma_semaphore, #tpu.memory_space<semaphore_mem>>) src(%arg7 : memref<40x128xf32, #tpu.memory_space<vmem>>) dst(%dma_wait3A_152 : memref<40x128xf32, #tpu.memory_space<hbm>>)
        %add3A_153 = arith.constant 4 : i32
        %add3A_154 = arith.addi %mul3A_48, %add3A_153 : i32
        %dma_start3A_155 = arith.constant 0 : i32
        %dma_start3A_156 = tpu.memref_slice %arg5[%add3A_154, %dma_start3A_155] : memref<40x40xi32, #tpu.memory_space<vmem>> -> memref<1x40xi32, #tpu.memory_space<vmem>>
        %dma_start3A_157 = tpu.memref_squeeze %dma_start3A_156 : memref<1x40xi32, #tpu.memory_space<vmem>> -> memref<40xi32, #tpu.memory_space<vmem>>
        %dma_start3A_158 = arith.constant 0 : i32
        %dma_start3A_159 = arith.constant 0 : i32
        %dma_start3A_160 = tpu.memref_slice %arg2[%dma_start3A_158, %dma_start3A_159] : memref<10000x128xf32, #tpu.memory_space<hbm>> -> memref<10000x128xf32, #tpu.memory_space<hbm>>
        tpu.enqueue_indirect_dma source(%dma_start3A_160 : memref<10000x128xf32, #tpu.memory_space<hbm>>) target(%arg6 : memref<40x128xf32, #tpu.memory_space<vmem>>) offsets(%dma_start3A_157 : memref<40xi32, #tpu.memory_space<vmem>>) semaphore(%arg10 : memref<!tpu.dma_semaphore, #tpu.memory_space<semaphore_mem>>)
        %add3A_161 = arith.constant 5 : i32
        %add3A_162 = arith.addi %mul3A_48, %add3A_161 : i32
        %dma_start3A_163 = arith.constant 0 : i32
        %dma_start3A_164 = tpu.memref_slice %arg5[%add3A_162, %dma_start3A_163] : memref<40x40xi32, #tpu.memory_space<vmem>> -> memref<1x40xi32, #tpu.memory_space<vmem>>
        %dma_start3A_165 = tpu.memref_squeeze %dma_start3A_164 : memref<1x40xi32, #tpu.memory_space<vmem>> -> memref<40xi32, #tpu.memory_space<vmem>>
        %dma_start3A_166 = arith.constant 0 : i32
        %dma_start3A_167 = arith.constant 0 : i32
        %dma_start3A_168 = tpu.memref_slice %arg2[%dma_start3A_166, %dma_start3A_167] : memref<10000x128xf32, #tpu.memory_space<hbm>> -> memref<10000x128xf32, #tpu.memory_space<hbm>>
        tpu.enqueue_indirect_dma source(%dma_start3A_168 : memref<10000x128xf32, #tpu.memory_space<hbm>>) target(%arg7 : memref<40x128xf32, #tpu.memory_space<vmem>>) offsets(%dma_start3A_165 : memref<40xi32, #tpu.memory_space<vmem>>) semaphore(%arg11 : memref<!tpu.dma_semaphore, #tpu.memory_space<semaphore_mem>>)
      } else {
      }
      %add3A_103 = arith.constant 2 : i32
      %add3A_104 = arith.addi %mul3A_48, %add3A_103 : i32
      %dma_wait3A_105 = arith.constant 0 : i32
      %dma_wait3A_106 = tpu.memref_slice %arg5[%add3A_104, %dma_wait3A_105] : memref<40x40xi32, #tpu.memory_space<vmem>> -> memref<1x40xi32, #tpu.memory_space<vmem>>
      %dma_wait3A_107 = tpu.memref_squeeze %dma_wait3A_106 : memref<1x40xi32, #tpu.memory_space<vmem>> -> memref<40xi32, #tpu.memory_space<vmem>>
      %dma_wait3A_108 = arith.constant 0 : i32
      %dma_wait3A_109 = arith.constant 0 : i32
      %dma_wait3A_110 = tpu.memref_slice %arg2[%dma_wait3A_108, %dma_wait3A_109] : memref<10000x128xf32, #tpu.memory_space<hbm>> -> memref<10000x128xf32, #tpu.memory_space<hbm>>
      tpu.wait_indirect_dma semaphore(%arg12 : memref<!tpu.dma_semaphore, #tpu.memory_space<semaphore_mem>>) src(%dma_wait3A_110 : memref<10000x128xf32, #tpu.memory_space<hbm>>) dst(%arg8 : memref<40x128xf32, #tpu.memory_space<vmem>>)
      %add3A_111 = arith.constant 2 : i32
      %add3A_112 = arith.addi %mul3A_48, %add3A_111 : i32
      %mul3A_113 = arith.constant 40 : i32
      %mul3A_114 = arith.muli %add3A_112, %mul3A_113 : i32
      %add3A_115 = arith.addi %mul3A_2, %mul3A_114 : i32
      %dma_start3A_116 = arith.constant 0 : i32
      %dma_start3A_117 = tpu.memref_slice %arg4[%add3A_115, %dma_start3A_116] : memref<51200x128xf32, #tpu.memory_space<hbm>> -> memref<40x128xf32, #tpu.memory_space<hbm>>
      %dma_start3A_118 = arith.constant 0 : i32
      %dma_start3A_119 = tpu.memref_slice %arg4[%add3A_115, %dma_start3A_118] : memref<51200x128xf32, #tpu.memory_space<hbm>> -> memref<40x128xf32, #tpu.memory_space<hbm>>
      tpu.enqueue_dma source(%arg8 : memref<40x128xf32, #tpu.memory_space<vmem>>) target(%dma_start3A_119 : memref<40x128xf32, #tpu.memory_space<hbm>>) target_semaphore(%arg16 : memref<!tpu.dma_semaphore, #tpu.memory_space<semaphore_mem>>)
      %add3A_120 = arith.constant 3 : i32
      %add3A_121 = arith.addi %mul3A_48, %add3A_120 : i32
      %dma_wait3A_122 = arith.constant 0 : i32
      %dma_wait3A_123 = tpu.memref_slice %arg5[%add3A_121, %dma_wait3A_122] : memref<40x40xi32, #tpu.memory_space<vmem>> -> memref<1x40xi32, #tpu.memory_space<vmem>>
      %dma_wait3A_124 = tpu.memref_squeeze %dma_wait3A_123 : memref<1x40xi32, #tpu.memory_space<vmem>> -> memref<40xi32, #tpu.memory_space<vmem>>
      %dma_wait3A_125 = arith.constant 0 : i32
      %dma_wait3A_126 = arith.constant 0 : i32
      %dma_wait3A_127 = tpu.memref_slice %arg2[%dma_wait3A_125, %dma_wait3A_126] : memref<10000x128xf32, #tpu.memory_space<hbm>> -> memref<10000x128xf32, #tpu.memory_space<hbm>>
      tpu.wait_indirect_dma semaphore(%arg13 : memref<!tpu.dma_semaphore, #tpu.memory_space<semaphore_mem>>) src(%dma_wait3A_127 : memref<10000x128xf32, #tpu.memory_space<hbm>>) dst(%arg9 : memref<40x128xf32, #tpu.memory_space<vmem>>)
      %add3A_128 = arith.constant 3 : i32
      %add3A_129 = arith.addi %mul3A_48, %add3A_128 : i32
      %mul3A_130 = arith.constant 40 : i32
      %mul3A_131 = arith.muli %add3A_129, %mul3A_130 : i32
      %add3A_132 = arith.addi %mul3A_2, %mul3A_131 : i32
      %dma_start3A_133 = arith.constant 0 : i32
      %dma_start3A_134 = tpu.memref_slice %arg4[%add3A_132, %dma_start3A_133] : memref<51200x128xf32, #tpu.memory_space<hbm>> -> memref<40x128xf32, #tpu.memory_space<hbm>>
      %dma_start3A_135 = arith.constant 0 : i32
      %dma_start3A_136 = tpu.memref_slice %arg4[%add3A_132, %dma_start3A_135] : memref<51200x128xf32, #tpu.memory_space<hbm>> -> memref<40x128xf32, #tpu.memory_space<hbm>>
      tpu.enqueue_dma source(%arg9 : memref<40x128xf32, #tpu.memory_space<vmem>>) target(%dma_start3A_136 : memref<40x128xf32, #tpu.memory_space<hbm>>) target_semaphore(%arg17 : memref<!tpu.dma_semaphore, #tpu.memory_space<semaphore_mem>>)
    }
    %scan3A_22 = arith.constant 10 : i32
    %add3A_23 = arith.constant 1440 : i32
    %add3A_24 = arith.addi %mul3A_2, %add3A_23 : i32
    %dma_wait3A = arith.constant 0 : i32
    %dma_wait3A_25 = tpu.memref_slice %arg4[%add3A_24, %dma_wait3A] : memref<51200x128xf32, #tpu.memory_space<hbm>> -> memref<40x128xf32, #tpu.memory_space<hbm>>
    %dma_wait3A_26 = arith.constant 0 : i32
    %dma_wait3A_27 = tpu.memref_slice %arg4[%add3A_24, %dma_wait3A_26] : memref<51200x128xf32, #tpu.memory_space<hbm>> -> memref<40x128xf32, #tpu.memory_space<hbm>>
    tpu.wait_dma2 semaphore(%arg14 : memref<!tpu.dma_semaphore, #tpu.memory_space<semaphore_mem>>) src(%arg6 : memref<40x128xf32, #tpu.memory_space<vmem>>) dst(%dma_wait3A_27 : memref<40x128xf32, #tpu.memory_space<hbm>>)
    %add3A_28 = arith.constant 1480 : i32
    %add3A_29 = arith.addi %mul3A_2, %add3A_28 : i32
    %dma_wait3A_30 = arith.constant 0 : i32
    %dma_wait3A_31 = tpu.memref_slice %arg4[%add3A_29, %dma_wait3A_30] : memref<51200x128xf32, #tpu.memory_space<hbm>> -> memref<40x128xf32, #tpu.memory_space<hbm>>
    %dma_wait3A_32 = arith.constant 0 : i32
    %dma_wait3A_33 = tpu.memref_slice %arg4[%add3A_29, %dma_wait3A_32] : memref<51200x128xf32, #tpu.memory_space<hbm>> -> memref<40x128xf32, #tpu.memory_space<hbm>>
    tpu.wait_dma2 semaphore(%arg15 : memref<!tpu.dma_semaphore, #tpu.memory_space<semaphore_mem>>) src(%arg7 : memref<40x128xf32, #tpu.memory_space<vmem>>) dst(%dma_wait3A_33 : memref<40x128xf32, #tpu.memory_space<hbm>>)
    %add3A_34 = arith.constant 1520 : i32
    %add3A_35 = arith.addi %mul3A_2, %add3A_34 : i32
    %dma_wait3A_36 = arith.constant 0 : i32
    %dma_wait3A_37 = tpu.memref_slice %arg4[%add3A_35, %dma_wait3A_36] : memref<51200x128xf32, #tpu.memory_space<hbm>> -> memref<40x128xf32, #tpu.memory_space<hbm>>
    %dma_wait3A_38 = arith.constant 0 : i32
    %dma_wait3A_39 = tpu.memref_slice %arg4[%add3A_35, %dma_wait3A_38] : memref<51200x128xf32, #tpu.memory_space<hbm>> -> memref<40x128xf32, #tpu.memory_space<hbm>>
    tpu.wait_dma2 semaphore(%arg16 : memref<!tpu.dma_semaphore, #tpu.memory_space<semaphore_mem>>) src(%arg8 : memref<40x128xf32, #tpu.memory_space<vmem>>) dst(%dma_wait3A_39 : memref<40x128xf32, #tpu.memory_space<hbm>>)
    %add3A_40 = arith.constant 1560 : i32
    %add3A_41 = arith.addi %mul3A_2, %add3A_40 : i32
    %dma_wait3A_42 = arith.constant 0 : i32
    %dma_wait3A_43 = tpu.memref_slice %arg4[%add3A_41, %dma_wait3A_42] : memref<51200x128xf32, #tpu.memory_space<hbm>> -> memref<40x128xf32, #tpu.memory_space<hbm>>
    %dma_wait3A_44 = arith.constant 0 : i32
    %dma_wait3A_45 = tpu.memref_slice %arg4[%add3A_41, %dma_wait3A_44] : memref<51200x128xf32, #tpu.memory_space<hbm>> -> memref<40x128xf32, #tpu.memory_space<hbm>>
    tpu.wait_dma2 semaphore(%arg17 : memref<!tpu.dma_semaphore, #tpu.memory_space<semaphore_mem>>) src(%arg9 : memref<40x128xf32, #tpu.memory_space<vmem>>) dst(%dma_wait3A_45 : memref<40x128xf32, #tpu.memory_space<hbm>>)
    return
  }
}

#map = affine_map<(d0, d1) -> (0, 0)>
module attributes {stable_mosaic.version = 14 : i64} {
  func.func @gk(%arg0: i32, %arg1: i32, %arg2: memref<10000x128xf32, #tpu.memory_space<hbm>>, %arg3: memref<1280x40xi32, #tpu.memory_space<hbm>>, %arg4: memref<51200x128xf32, #tpu.memory_space<hbm>>, %arg5: memref<40x40xi32, #tpu.memory_space<vmem>>, %arg6: memref<40x128xf32, #tpu.memory_space<vmem>>, %arg7: memref<40x128xf32, #tpu.memory_space<vmem>>, %arg8: memref<40x128xf32, #tpu.memory_space<vmem>>, %arg9: memref<40x128xf32, #tpu.memory_space<vmem>>, %arg10: memref<!tpu.dma_semaphore, #tpu.memory_space<semaphore_mem>>, %arg11: memref<!tpu.dma_semaphore, #tpu.memory_space<semaphore_mem>>, %arg12: memref<!tpu.dma_semaphore, #tpu.memory_space<semaphore_mem>>, %arg13: memref<!tpu.dma_semaphore, #tpu.memory_space<semaphore_mem>>, %arg14: memref<!tpu.dma_semaphore, #tpu.memory_space<semaphore_mem>>, %arg15: memref<!tpu.dma_semaphore, #tpu.memory_space<semaphore_mem>>, %arg16: memref<!tpu.dma_semaphore, #tpu.memory_space<semaphore_mem>>, %arg17: memref<!tpu.dma_semaphore, #tpu.memory_space<semaphore_mem>>) attributes {dimension_semantics = [#tpu.dimension_semantics<core_parallel>, #tpu.dimension_semantics<subcore_parallel>], iteration_bounds = array<i64: 2, 16>, scalar_prefetch = 0 : i64, scratch_operands = 13 : i64, tpu.core_type = #tpu.core_type<sc_vector_subcore>, window_params = [{transform_indices = #map}, {transform_indices = #map}, {transform_indices = #map}]} {
    %mul3A = arith.constant 2 : i32
    %mul3A_0 = arith.muli %arg1, %mul3A : i32
    %add3A = arith.addi %mul3A_0, %arg0 : i32
    %mul3A_1 = arith.constant 1600 : i32
    %mul3A_2 = arith.muli %add3A, %mul3A_1 : i32
    %mul3A_3 = arith.constant 40 : i32
    %mul3A_4 = arith.muli %add3A, %mul3A_3 : i32
    "tpu.region"() ({
      %run_scoped3A = tpu.sem_alloc : memref<!tpu.dma_semaphore, #tpu.memory_space<semaphore_mem>>
      %dma_start3A_46 = arith.constant 0 : i32
      %dma_start3A_47 = tpu.memref_slice %arg3[%mul3A_4, %dma_start3A_46] : memref<1280x40xi32, #tpu.memory_space<hbm>> -> memref<40x40xi32, #tpu.memory_space<hbm>>
      %dma_start3A_48 = arith.constant 0 : i32
      %dma_start3A_49 = tpu.memref_slice %arg3[%mul3A_4, %dma_start3A_48] : memref<1280x40xi32, #tpu.memory_space<hbm>> -> memref<40x40xi32, #tpu.memory_space<hbm>>
      tpu.enqueue_dma source(%dma_start3A_49 : memref<40x40xi32, #tpu.memory_space<hbm>>) target(%arg5 : memref<40x40xi32, #tpu.memory_space<vmem>>) target_semaphore(%run_scoped3A : memref<!tpu.dma_semaphore, #tpu.memory_space<semaphore_mem>>)
      %dma_wait3A_50 = arith.constant 0 : i32
      %dma_wait3A_51 = tpu.memref_slice %arg3[%mul3A_4, %dma_wait3A_50] : memref<1280x40xi32, #tpu.memory_space<hbm>> -> memref<40x40xi32, #tpu.memory_space<hbm>>
      %dma_wait3A_52 = arith.constant 0 : i32
      %dma_wait3A_53 = tpu.memref_slice %arg3[%mul3A_4, %dma_wait3A_52] : memref<1280x40xi32, #tpu.memory_space<hbm>> -> memref<40x40xi32, #tpu.memory_space<hbm>>
      tpu.wait_dma2 semaphore(%run_scoped3A : memref<!tpu.dma_semaphore, #tpu.memory_space<semaphore_mem>>) src(%dma_wait3A_53 : memref<40x40xi32, #tpu.memory_space<hbm>>) dst(%arg5 : memref<40x40xi32, #tpu.memory_space<vmem>>)
      tpu.yield
    }) : () -> ()
    %dma_start3A = arith.constant 0 : i32
    %dma_start3A_5 = arith.constant 0 : i32
    %dma_start3A_6 = tpu.memref_slice %arg5[%dma_start3A, %dma_start3A_5] : memref<40x40xi32, #tpu.memory_space<vmem>> -> memref<1x40xi32, #tpu.memory_space<vmem>>
    %dma_start3A_7 = tpu.memref_squeeze %dma_start3A_6 : memref<1x40xi32, #tpu.memory_space<vmem>> -> memref<40xi32, #tpu.memory_space<vmem>>
    %dma_start3A_8 = arith.constant 0 : i32
    %dma_start3A_9 = arith.constant 0 : i32
    %dma_start3A_10 = tpu.memref_slice %arg2[%dma_start3A_8, %dma_start3A_9] : memref<10000x128xf32, #tpu.memory_space<hbm>> -> memref<10000x128xf32, #tpu.memory_space<hbm>>
    tpu.enqueue_indirect_dma source(%dma_start3A_10 : memref<10000x128xf32, #tpu.memory_space<hbm>>) target(%arg6 : memref<40x128xf32, #tpu.memory_space<vmem>>) offsets(%dma_start3A_7 : memref<40xi32, #tpu.memory_space<vmem>>) semaphore(%arg10 : memref<!tpu.dma_semaphore, #tpu.memory_space<semaphore_mem>>)
    %dma_start3A_11 = arith.constant 1 : i32
    %dma_start3A_12 = arith.constant 0 : i32
    %dma_start3A_13 = tpu.memref_slice %arg5[%dma_start3A_11, %dma_start3A_12] : memref<40x40xi32, #tpu.memory_space<vmem>> -> memref<1x40xi32, #tpu.memory_space<vmem>>
    %dma_start3A_14 = tpu.memref_squeeze %dma_start3A_13 : memref<1x40xi32, #tpu.memory_space<vmem>> -> memref<40xi32, #tpu.memory_space<vmem>>
    %dma_start3A_15 = arith.constant 0 : i32
    %dma_start3A_16 = arith.constant 0 : i32
    %dma_start3A_17 = tpu.memref_slice %arg2[%dma_start3A_15, %dma_start3A_16] : memref<10000x128xf32, #tpu.memory_space<hbm>> -> memref<10000x128xf32, #tpu.memory_space<hbm>>
    tpu.enqueue_indirect_dma source(%dma_start3A_17 : memref<10000x128xf32, #tpu.memory_space<hbm>>) target(%arg7 : memref<40x128xf32, #tpu.memory_space<vmem>>) offsets(%dma_start3A_14 : memref<40xi32, #tpu.memory_space<vmem>>) semaphore(%arg11 : memref<!tpu.dma_semaphore, #tpu.memory_space<semaphore_mem>>)
    %scan3A = arith.constant 0 : i32
    %scan3A_18 = arith.constant 0 : i32
    %scan3A_19 = arith.constant 10 : i32
    %scan3A_20 = arith.addi %scan3A_18, %scan3A_19 : i32
    %scan3A_21 = arith.constant 1 : i32
    scf.for %scan3A_46 = %scan3A_18 to %scan3A_20 step %scan3A_21  : i32 {
      %mul3A_47 = arith.constant 4 : i32
      %mul3A_48 = arith.muli %mul3A_47, %scan3A_46 : i32
      %gt3A = arith.constant 0 : i32
      %gt3A_49 = arith.cmpi sgt, %scan3A_46, %gt3A : i32
      %convert_element_type3A = arith.extui %gt3A_49 : i1 to i32
      %cond3A = arith.constant 0 : i32
      %cond3A_50 = arith.cmpi ne, %convert_element_type3A, %cond3A : i32
      scf.if %cond3A_50 {
        %sub3A = arith.constant 2 : i32
        %sub3A_137 = arith.subi %mul3A_48, %sub3A : i32
        %mul3A_138 = arith.constant 40 : i32
        %mul3A_139 = arith.muli %sub3A_137, %mul3A_138 : i32
        %add3A_140 = arith.addi %mul3A_2, %mul3A_139 : i32
        %dma_wait3A_141 = arith.constant 0 : i32
        %dma_wait3A_142 = tpu.memref_slice %arg4[%add3A_140, %dma_wait3A_141] : memref<51200x128xf32, #tpu.memory_space<hbm>> -> memref<40x128xf32, #tpu.memory_space<hbm>>
        %dma_wait3A_143 = arith.constant 0 : i32
        %dma_wait3A_144 = tpu.memref_slice %arg4[%add3A_140, %dma_wait3A_143] : memref<51200x128xf32, #tpu.memory_space<hbm>> -> memref<40x128xf32, #tpu.memory_space<hbm>>
        tpu.wait_dma2 semaphore(%arg16 : memref<!tpu.dma_semaphore, #tpu.memory_space<semaphore_mem>>) src(%arg8 : memref<40x128xf32, #tpu.memory_space<vmem>>) dst(%dma_wait3A_144 : memref<40x128xf32, #tpu.memory_space<hbm>>)
        %sub3A_145 = arith.constant 1 : i32
        %sub3A_146 = arith.subi %mul3A_48, %sub3A_145 : i32
        %mul3A_147 = arith.constant 40 : i32
        %mul3A_148 = arith.muli %sub3A_146, %mul3A_147 : i32
        %add3A_149 = arith.addi %mul3A_2, %mul3A_148 : i32
        %dma_wait3A_150 = arith.constant 0 : i32
        %dma_wait3A_151 = tpu.memref_slice %arg4[%add3A_149, %dma_wait3A_150] : memref<51200x128xf32, #tpu.memory_space<hbm>> -> memref<40x128xf32, #tpu.memory_space<hbm>>
        %dma_wait3A_152 = arith.constant 0 : i32
        %dma_wait3A_153 = tpu.memref_slice %arg4[%add3A_149, %dma_wait3A_152] : memref<51200x128xf32, #tpu.memory_space<hbm>> -> memref<40x128xf32, #tpu.memory_space<hbm>>
        tpu.wait_dma2 semaphore(%arg17 : memref<!tpu.dma_semaphore, #tpu.memory_space<semaphore_mem>>) src(%arg9 : memref<40x128xf32, #tpu.memory_space<vmem>>) dst(%dma_wait3A_153 : memref<40x128xf32, #tpu.memory_space<hbm>>)
      } else {
      }
      %add3A_51 = arith.constant 2 : i32
      %add3A_52 = arith.addi %mul3A_48, %add3A_51 : i32
      %dma_start3A_53 = arith.constant 0 : i32
      %dma_start3A_54 = tpu.memref_slice %arg5[%add3A_52, %dma_start3A_53] : memref<40x40xi32, #tpu.memory_space<vmem>> -> memref<1x40xi32, #tpu.memory_space<vmem>>
      %dma_start3A_55 = tpu.memref_squeeze %dma_start3A_54 : memref<1x40xi32, #tpu.memory_space<vmem>> -> memref<40xi32, #tpu.memory_space<vmem>>
      %dma_start3A_56 = arith.constant 0 : i32
      %dma_start3A_57 = arith.constant 0 : i32
      %dma_start3A_58 = tpu.memref_slice %arg2[%dma_start3A_56, %dma_start3A_57] : memref<10000x128xf32, #tpu.memory_space<hbm>> -> memref<10000x128xf32, #tpu.memory_space<hbm>>
      tpu.enqueue_indirect_dma source(%dma_start3A_58 : memref<10000x128xf32, #tpu.memory_space<hbm>>) target(%arg8 : memref<40x128xf32, #tpu.memory_space<vmem>>) offsets(%dma_start3A_55 : memref<40xi32, #tpu.memory_space<vmem>>) semaphore(%arg12 : memref<!tpu.dma_semaphore, #tpu.memory_space<semaphore_mem>>)
      %add3A_59 = arith.constant 3 : i32
      %add3A_60 = arith.addi %mul3A_48, %add3A_59 : i32
      %dma_start3A_61 = arith.constant 0 : i32
      %dma_start3A_62 = tpu.memref_slice %arg5[%add3A_60, %dma_start3A_61] : memref<40x40xi32, #tpu.memory_space<vmem>> -> memref<1x40xi32, #tpu.memory_space<vmem>>
      %dma_start3A_63 = tpu.memref_squeeze %dma_start3A_62 : memref<1x40xi32, #tpu.memory_space<vmem>> -> memref<40xi32, #tpu.memory_space<vmem>>
      %dma_start3A_64 = arith.constant 0 : i32
      %dma_start3A_65 = arith.constant 0 : i32
      %dma_start3A_66 = tpu.memref_slice %arg2[%dma_start3A_64, %dma_start3A_65] : memref<10000x128xf32, #tpu.memory_space<hbm>> -> memref<10000x128xf32, #tpu.memory_space<hbm>>
      tpu.enqueue_indirect_dma source(%dma_start3A_66 : memref<10000x128xf32, #tpu.memory_space<hbm>>) target(%arg9 : memref<40x128xf32, #tpu.memory_space<vmem>>) offsets(%dma_start3A_63 : memref<40xi32, #tpu.memory_space<vmem>>) semaphore(%arg13 : memref<!tpu.dma_semaphore, #tpu.memory_space<semaphore_mem>>)
      %dma_wait3A_67 = arith.constant 0 : i32
      %dma_wait3A_68 = tpu.memref_slice %arg5[%mul3A_48, %dma_wait3A_67] : memref<40x40xi32, #tpu.memory_space<vmem>> -> memref<1x40xi32, #tpu.memory_space<vmem>>
      %dma_wait3A_69 = tpu.memref_squeeze %dma_wait3A_68 : memref<1x40xi32, #tpu.memory_space<vmem>> -> memref<40xi32, #tpu.memory_space<vmem>>
      %dma_wait3A_70 = arith.constant 0 : i32
      %dma_wait3A_71 = arith.constant 0 : i32
      %dma_wait3A_72 = tpu.memref_slice %arg2[%dma_wait3A_70, %dma_wait3A_71] : memref<10000x128xf32, #tpu.memory_space<hbm>> -> memref<10000x128xf32, #tpu.memory_space<hbm>>
      tpu.wait_indirect_dma semaphore(%arg10 : memref<!tpu.dma_semaphore, #tpu.memory_space<semaphore_mem>>) src(%dma_wait3A_72 : memref<10000x128xf32, #tpu.memory_space<hbm>>) dst(%arg6 : memref<40x128xf32, #tpu.memory_space<vmem>>)
      %mul3A_73 = arith.constant 40 : i32
      %mul3A_74 = arith.muli %mul3A_48, %mul3A_73 : i32
      %add3A_75 = arith.addi %mul3A_2, %mul3A_74 : i32
      %dma_start3A_76 = arith.constant 0 : i32
      %dma_start3A_77 = tpu.memref_slice %arg4[%add3A_75, %dma_start3A_76] : memref<51200x128xf32, #tpu.memory_space<hbm>> -> memref<40x128xf32, #tpu.memory_space<hbm>>
      %dma_start3A_78 = arith.constant 0 : i32
      %dma_start3A_79 = tpu.memref_slice %arg4[%add3A_75, %dma_start3A_78] : memref<51200x128xf32, #tpu.memory_space<hbm>> -> memref<40x128xf32, #tpu.memory_space<hbm>>
      tpu.enqueue_dma source(%arg6 : memref<40x128xf32, #tpu.memory_space<vmem>>) target(%dma_start3A_79 : memref<40x128xf32, #tpu.memory_space<hbm>>) target_semaphore(%arg14 : memref<!tpu.dma_semaphore, #tpu.memory_space<semaphore_mem>>)
      %add3A_80 = arith.constant 1 : i32
      %add3A_81 = arith.addi %mul3A_48, %add3A_80 : i32
      %dma_wait3A_82 = arith.constant 0 : i32
      %dma_wait3A_83 = tpu.memref_slice %arg5[%add3A_81, %dma_wait3A_82] : memref<40x40xi32, #tpu.memory_space<vmem>> -> memref<1x40xi32, #tpu.memory_space<vmem>>
      %dma_wait3A_84 = tpu.memref_squeeze %dma_wait3A_83 : memref<1x40xi32, #tpu.memory_space<vmem>> -> memref<40xi32, #tpu.memory_space<vmem>>
      %dma_wait3A_85 = arith.constant 0 : i32
      %dma_wait3A_86 = arith.constant 0 : i32
      %dma_wait3A_87 = tpu.memref_slice %arg2[%dma_wait3A_85, %dma_wait3A_86] : memref<10000x128xf32, #tpu.memory_space<hbm>> -> memref<10000x128xf32, #tpu.memory_space<hbm>>
      tpu.wait_indirect_dma semaphore(%arg11 : memref<!tpu.dma_semaphore, #tpu.memory_space<semaphore_mem>>) src(%dma_wait3A_87 : memref<10000x128xf32, #tpu.memory_space<hbm>>) dst(%arg7 : memref<40x128xf32, #tpu.memory_space<vmem>>)
      %add3A_88 = arith.constant 1 : i32
      %add3A_89 = arith.addi %mul3A_48, %add3A_88 : i32
      %mul3A_90 = arith.constant 40 : i32
      %mul3A_91 = arith.muli %add3A_89, %mul3A_90 : i32
      %add3A_92 = arith.addi %mul3A_2, %mul3A_91 : i32
      %dma_start3A_93 = arith.constant 0 : i32
      %dma_start3A_94 = tpu.memref_slice %arg4[%add3A_92, %dma_start3A_93] : memref<51200x128xf32, #tpu.memory_space<hbm>> -> memref<40x128xf32, #tpu.memory_space<hbm>>
      %dma_start3A_95 = arith.constant 0 : i32
      %dma_start3A_96 = tpu.memref_slice %arg4[%add3A_92, %dma_start3A_95] : memref<51200x128xf32, #tpu.memory_space<hbm>> -> memref<40x128xf32, #tpu.memory_space<hbm>>
      tpu.enqueue_dma source(%arg7 : memref<40x128xf32, #tpu.memory_space<vmem>>) target(%dma_start3A_96 : memref<40x128xf32, #tpu.memory_space<hbm>>) target_semaphore(%arg15 : memref<!tpu.dma_semaphore, #tpu.memory_space<semaphore_mem>>)
      %add3A_97 = arith.constant 1 : i32
      %add3A_98 = arith.addi %scan3A_46, %add3A_97 : i32
      %lt3A = arith.constant 10 : i32
      %lt3A_99 = arith.cmpi slt, %add3A_98, %lt3A : i32
      %convert_element_type3A_100 = arith.extui %lt3A_99 : i1 to i32
      %cond3A_101 = arith.constant 0 : i32
      %cond3A_102 = arith.cmpi ne, %convert_element_type3A_100, %cond3A_101 : i32
      scf.if %cond3A_102 {
        %mul3A_137 = arith.constant 40 : i32
        %mul3A_138 = arith.muli %mul3A_48, %mul3A_137 : i32
        %add3A_139 = arith.addi %mul3A_2, %mul3A_138 : i32
        %dma_wait3A_140 = arith.constant 0 : i32
        %dma_wait3A_141 = tpu.memref_slice %arg4[%add3A_139, %dma_wait3A_140] : memref<51200x128xf32, #tpu.memory_space<hbm>> -> memref<40x128xf32, #tpu.memory_space<hbm>>
        %dma_wait3A_142 = arith.constant 0 : i32
        %dma_wait3A_143 = tpu.memref_slice %arg4[%add3A_139, %dma_wait3A_142] : memref<51200x128xf32, #tpu.memory_space<hbm>> -> memref<40x128xf32, #tpu.memory_space<hbm>>
        tpu.wait_dma2 semaphore(%arg14 : memref<!tpu.dma_semaphore, #tpu.memory_space<semaphore_mem>>) src(%arg6 : memref<40x128xf32, #tpu.memory_space<vmem>>) dst(%dma_wait3A_143 : memref<40x128xf32, #tpu.memory_space<hbm>>)
        %add3A_144 = arith.constant 1 : i32
        %add3A_145 = arith.addi %mul3A_48, %add3A_144 : i32
        %mul3A_146 = arith.constant 40 : i32
        %mul3A_147 = arith.muli %add3A_145, %mul3A_146 : i32
        %add3A_148 = arith.addi %mul3A_2, %mul3A_147 : i32
        %dma_wait3A_149 = arith.constant 0 : i32
        %dma_wait3A_150 = tpu.memref_slice %arg4[%add3A_148, %dma_wait3A_149] : memref<51200x128xf32, #tpu.memory_space<hbm>> -> memref<40x128xf32, #tpu.memory_space<hbm>>
        %dma_wait3A_151 = arith.constant 0 : i32
        %dma_wait3A_152 = tpu.memref_slice %arg4[%add3A_148, %dma_wait3A_151] : memref<51200x128xf32, #tpu.memory_space<hbm>> -> memref<40x128xf32, #tpu.memory_space<hbm>>
        tpu.wait_dma2 semaphore(%arg15 : memref<!tpu.dma_semaphore, #tpu.memory_space<semaphore_mem>>) src(%arg7 : memref<40x128xf32, #tpu.memory_space<vmem>>) dst(%dma_wait3A_152 : memref<40x128xf32, #tpu.memory_space<hbm>>)
        %add3A_153 = arith.constant 4 : i32
        %add3A_154 = arith.addi %mul3A_48, %add3A_153 : i32
        %dma_start3A_155 = arith.constant 0 : i32
        %dma_start3A_156 = tpu.memref_slice %arg5[%add3A_154, %dma_start3A_155] : memref<40x40xi32, #tpu.memory_space<vmem>> -> memref<1x40xi32, #tpu.memory_space<vmem>>
        %dma_start3A_157 = tpu.memref_squeeze %dma_start3A_156 : memref<1x40xi32, #tpu.memory_space<vmem>> -> memref<40xi32, #tpu.memory_space<vmem>>
        %dma_start3A_158 = arith.constant 0 : i32
        %dma_start3A_159 = arith.constant 0 : i32
        %dma_start3A_160 = tpu.memref_slice %arg2[%dma_start3A_158, %dma_start3A_159] : memref<10000x128xf32, #tpu.memory_space<hbm>> -> memref<10000x128xf32, #tpu.memory_space<hbm>>
        tpu.enqueue_indirect_dma source(%dma_start3A_160 : memref<10000x128xf32, #tpu.memory_space<hbm>>) target(%arg6 : memref<40x128xf32, #tpu.memory_space<vmem>>) offsets(%dma_start3A_157 : memref<40xi32, #tpu.memory_space<vmem>>) semaphore(%arg10 : memref<!tpu.dma_semaphore, #tpu.memory_space<semaphore_mem>>)
        %add3A_161 = arith.constant 5 : i32
        %add3A_162 = arith.addi %mul3A_48, %add3A_161 : i32
        %dma_start3A_163 = arith.constant 0 : i32
        %dma_start3A_164 = tpu.memref_slice %arg5[%add3A_162, %dma_start3A_163] : memref<40x40xi32, #tpu.memory_space<vmem>> -> memref<1x40xi32, #tpu.memory_space<vmem>>
        %dma_start3A_165 = tpu.memref_squeeze %dma_start3A_164 : memref<1x40xi32, #tpu.memory_space<vmem>> -> memref<40xi32, #tpu.memory_space<vmem>>
        %dma_start3A_166 = arith.constant 0 : i32
        %dma_start3A_167 = arith.constant 0 : i32
        %dma_start3A_168 = tpu.memref_slice %arg2[%dma_start3A_166, %dma_start3A_167] : memref<10000x128xf32, #tpu.memory_space<hbm>> -> memref<10000x128xf32, #tpu.memory_space<hbm>>
        tpu.enqueue_indirect_dma source(%dma_start3A_168 : memref<10000x128xf32, #tpu.memory_space<hbm>>) target(%arg7 : memref<40x128xf32, #tpu.memory_space<vmem>>) offsets(%dma_start3A_165 : memref<40xi32, #tpu.memory_space<vmem>>) semaphore(%arg11 : memref<!tpu.dma_semaphore, #tpu.memory_space<semaphore_mem>>)
      } else {
      }
      %add3A_103 = arith.constant 2 : i32
      %add3A_104 = arith.addi %mul3A_48, %add3A_103 : i32
      %dma_wait3A_105 = arith.constant 0 : i32
      %dma_wait3A_106 = tpu.memref_slice %arg5[%add3A_104, %dma_wait3A_105] : memref<40x40xi32, #tpu.memory_space<vmem>> -> memref<1x40xi32, #tpu.memory_space<vmem>>
      %dma_wait3A_107 = tpu.memref_squeeze %dma_wait3A_106 : memref<1x40xi32, #tpu.memory_space<vmem>> -> memref<40xi32, #tpu.memory_space<vmem>>
      %dma_wait3A_108 = arith.constant 0 : i32
      %dma_wait3A_109 = arith.constant 0 : i32
      %dma_wait3A_110 = tpu.memref_slice %arg2[%dma_wait3A_108, %dma_wait3A_109] : memref<10000x128xf32, #tpu.memory_space<hbm>> -> memref<10000x128xf32, #tpu.memory_space<hbm>>
      tpu.wait_indirect_dma semaphore(%arg12 : memref<!tpu.dma_semaphore, #tpu.memory_space<semaphore_mem>>) src(%dma_wait3A_110 : memref<10000x128xf32, #tpu.memory_space<hbm>>) dst(%arg8 : memref<40x128xf32, #tpu.memory_space<vmem>>)
      %add3A_111 = arith.constant 2 : i32
      %add3A_112 = arith.addi %mul3A_48, %add3A_111 : i32
      %mul3A_113 = arith.constant 40 : i32
      %mul3A_114 = arith.muli %add3A_112, %mul3A_113 : i32
      %add3A_115 = arith.addi %mul3A_2, %mul3A_114 : i32
      %dma_start3A_116 = arith.constant 0 : i32
      %dma_start3A_117 = tpu.memref_slice %arg4[%add3A_115, %dma_start3A_116] : memref<51200x128xf32, #tpu.memory_space<hbm>> -> memref<40x128xf32, #tpu.memory_space<hbm>>
      %dma_start3A_118 = arith.constant 0 : i32
      %dma_start3A_119 = tpu.memref_slice %arg4[%add3A_115, %dma_start3A_118] : memref<51200x128xf32, #tpu.memory_space<hbm>> -> memref<40x128xf32, #tpu.memory_space<hbm>>
      tpu.enqueue_dma source(%arg8 : memref<40x128xf32, #tpu.memory_space<vmem>>) target(%dma_start3A_119 : memref<40x128xf32, #tpu.memory_space<hbm>>) target_semaphore(%arg16 : memref<!tpu.dma_semaphore, #tpu.memory_space<semaphore_mem>>)
      %add3A_120 = arith.constant 3 : i32
      %add3A_121 = arith.addi %mul3A_48, %add3A_120 : i32
      %dma_wait3A_122 = arith.constant 0 : i32
      %dma_wait3A_123 = tpu.memref_slice %arg5[%add3A_121, %dma_wait3A_122] : memref<40x40xi32, #tpu.memory_space<vmem>> -> memref<1x40xi32, #tpu.memory_space<vmem>>
      %dma_wait3A_124 = tpu.memref_squeeze %dma_wait3A_123 : memref<1x40xi32, #tpu.memory_space<vmem>> -> memref<40xi32, #tpu.memory_space<vmem>>
      %dma_wait3A_125 = arith.constant 0 : i32
      %dma_wait3A_126 = arith.constant 0 : i32
      %dma_wait3A_127 = tpu.memref_slice %arg2[%dma_wait3A_125, %dma_wait3A_126] : memref<10000x128xf32, #tpu.memory_space<hbm>> -> memref<10000x128xf32, #tpu.memory_space<hbm>>
      tpu.wait_indirect_dma semaphore(%arg13 : memref<!tpu.dma_semaphore, #tpu.memory_space<semaphore_mem>>) src(%dma_wait3A_127 : memref<10000x128xf32, #tpu.memory_space<hbm>>) dst(%arg9 : memref<40x128xf32, #tpu.memory_space<vmem>>)
      %add3A_128 = arith.constant 3 : i32
      %add3A_129 = arith.addi %mul3A_48, %add3A_128 : i32
      %mul3A_130 = arith.constant 40 : i32
      %mul3A_131 = arith.muli %add3A_129, %mul3A_130 : i32
      %add3A_132 = arith.addi %mul3A_2, %mul3A_131 : i32
      %dma_start3A_133 = arith.constant 0 : i32
      %dma_start3A_134 = tpu.memref_slice %arg4[%add3A_132, %dma_start3A_133] : memref<51200x128xf32, #tpu.memory_space<hbm>> -> memref<40x128xf32, #tpu.memory_space<hbm>>
      %dma_start3A_135 = arith.constant 0 : i32
      %dma_start3A_136 = tpu.memref_slice %arg4[%add3A_132, %dma_start3A_135] : memref<51200x128xf32, #tpu.memory_space<hbm>> -> memref<40x128xf32, #tpu.memory_space<hbm>>
      tpu.enqueue_dma source(%arg9 : memref<40x128xf32, #tpu.memory_space<vmem>>) target(%dma_start3A_136 : memref<40x128xf32, #tpu.memory_space<hbm>>) target_semaphore(%arg17 : memref<!tpu.dma_semaphore, #tpu.memory_space<semaphore_mem>>)
    }
    %scan3A_22 = arith.constant 10 : i32
    %add3A_23 = arith.constant 1440 : i32
    %add3A_24 = arith.addi %mul3A_2, %add3A_23 : i32
    %dma_wait3A = arith.constant 0 : i32
    %dma_wait3A_25 = tpu.memref_slice %arg4[%add3A_24, %dma_wait3A] : memref<51200x128xf32, #tpu.memory_space<hbm>> -> memref<40x128xf32, #tpu.memory_space<hbm>>
    %dma_wait3A_26 = arith.constant 0 : i32
    %dma_wait3A_27 = tpu.memref_slice %arg4[%add3A_24, %dma_wait3A_26] : memref<51200x128xf32, #tpu.memory_space<hbm>> -> memref<40x128xf32, #tpu.memory_space<hbm>>
    tpu.wait_dma2 semaphore(%arg14 : memref<!tpu.dma_semaphore, #tpu.memory_space<semaphore_mem>>) src(%arg6 : memref<40x128xf32, #tpu.memory_space<vmem>>) dst(%dma_wait3A_27 : memref<40x128xf32, #tpu.memory_space<hbm>>)
    %add3A_28 = arith.constant 1480 : i32
    %add3A_29 = arith.addi %mul3A_2, %add3A_28 : i32
    %dma_wait3A_30 = arith.constant 0 : i32
    %dma_wait3A_31 = tpu.memref_slice %arg4[%add3A_29, %dma_wait3A_30] : memref<51200x128xf32, #tpu.memory_space<hbm>> -> memref<40x128xf32, #tpu.memory_space<hbm>>
    %dma_wait3A_32 = arith.constant 0 : i32
    %dma_wait3A_33 = tpu.memref_slice %arg4[%add3A_29, %dma_wait3A_32] : memref<51200x128xf32, #tpu.memory_space<hbm>> -> memref<40x128xf32, #tpu.memory_space<hbm>>
    tpu.wait_dma2 semaphore(%arg15 : memref<!tpu.dma_semaphore, #tpu.memory_space<semaphore_mem>>) src(%arg7 : memref<40x128xf32, #tpu.memory_space<vmem>>) dst(%dma_wait3A_33 : memref<40x128xf32, #tpu.memory_space<hbm>>)
    %add3A_34 = arith.constant 1520 : i32
    %add3A_35 = arith.addi %mul3A_2, %add3A_34 : i32
    %dma_wait3A_36 = arith.constant 0 : i32
    %dma_wait3A_37 = tpu.memref_slice %arg4[%add3A_35, %dma_wait3A_36] : memref<51200x128xf32, #tpu.memory_space<hbm>> -> memref<40x128xf32, #tpu.memory_space<hbm>>
    %dma_wait3A_38 = arith.constant 0 : i32
    %dma_wait3A_39 = tpu.memref_slice %arg4[%add3A_35, %dma_wait3A_38] : memref<51200x128xf32, #tpu.memory_space<hbm>> -> memref<40x128xf32, #tpu.memory_space<hbm>>
    tpu.wait_dma2 semaphore(%arg16 : memref<!tpu.dma_semaphore, #tpu.memory_space<semaphore_mem>>) src(%arg8 : memref<40x128xf32, #tpu.memory_space<vmem>>) dst(%dma_wait3A_39 : memref<40x128xf32, #tpu.memory_space<hbm>>)
    %add3A_40 = arith.constant 1560 : i32
    %add3A_41 = arith.addi %mul3A_2, %add3A_40 : i32
    %dma_wait3A_42 = arith.constant 0 : i32
    %dma_wait3A_43 = tpu.memref_slice %arg4[%add3A_41, %dma_wait3A_42] : memref<51200x128xf32, #tpu.memory_space<hbm>> -> memref<40x128xf32, #tpu.memory_space<hbm>>
    %dma_wait3A_44 = arith.constant 0 : i32
    %dma_wait3A_45 = tpu.memref_slice %arg4[%add3A_41, %dma_wait3A_44] : memref<51200x128xf32, #tpu.memory_space<hbm>> -> memref<40x128xf32, #tpu.memory_space<hbm>>
    tpu.wait_dma2 semaphore(%arg17 : memref<!tpu.dma_semaphore, #tpu.memory_space<semaphore_mem>>) src(%arg9 : memref<40x128xf32, #tpu.memory_space<vmem>>) dst(%dma_wait3A_45 : memref<40x128xf32, #tpu.memory_space<hbm>>)
    return
  }
}

#map = affine_map<(d0, d1) -> (0, 0)>
module attributes {stable_mosaic.version = 14 : i64} {
  func.func @gk(%arg0: i32, %arg1: i32, %arg2: memref<10000x128xf32, #tpu.memory_space<hbm>>, %arg3: memref<1280x40xi32, #tpu.memory_space<hbm>>, %arg4: memref<51200x128xf32, #tpu.memory_space<hbm>>, %arg5: memref<40x40xi32, #tpu.memory_space<vmem>>, %arg6: memref<40x128xf32, #tpu.memory_space<vmem>>, %arg7: memref<40x128xf32, #tpu.memory_space<vmem>>, %arg8: memref<40x128xf32, #tpu.memory_space<vmem>>, %arg9: memref<40x128xf32, #tpu.memory_space<vmem>>, %arg10: memref<!tpu.dma_semaphore, #tpu.memory_space<semaphore_mem>>, %arg11: memref<!tpu.dma_semaphore, #tpu.memory_space<semaphore_mem>>, %arg12: memref<!tpu.dma_semaphore, #tpu.memory_space<semaphore_mem>>, %arg13: memref<!tpu.dma_semaphore, #tpu.memory_space<semaphore_mem>>, %arg14: memref<!tpu.dma_semaphore, #tpu.memory_space<semaphore_mem>>, %arg15: memref<!tpu.dma_semaphore, #tpu.memory_space<semaphore_mem>>, %arg16: memref<!tpu.dma_semaphore, #tpu.memory_space<semaphore_mem>>, %arg17: memref<!tpu.dma_semaphore, #tpu.memory_space<semaphore_mem>>) attributes {dimension_semantics = [#tpu.dimension_semantics<core_parallel>, #tpu.dimension_semantics<subcore_parallel>], iteration_bounds = array<i64: 2, 16>, scalar_prefetch = 0 : i64, scratch_operands = 13 : i64, tpu.core_type = #tpu.core_type<sc_vector_subcore>, window_params = [{transform_indices = #map}, {transform_indices = #map}, {transform_indices = #map}]} {
    %mul3A = arith.constant 2 : i32
    %mul3A_0 = arith.muli %arg1, %mul3A : i32
    %add3A = arith.addi %mul3A_0, %arg0 : i32
    %mul3A_1 = arith.constant 1600 : i32
    %mul3A_2 = arith.muli %add3A, %mul3A_1 : i32
    %mul3A_3 = arith.constant 40 : i32
    %mul3A_4 = arith.muli %add3A, %mul3A_3 : i32
    "tpu.region"() ({
      %run_scoped3A = tpu.sem_alloc : memref<!tpu.dma_semaphore, #tpu.memory_space<semaphore_mem>>
      %dma_start3A_46 = arith.constant 0 : i32
      %dma_start3A_47 = tpu.memref_slice %arg3[%mul3A_4, %dma_start3A_46] : memref<1280x40xi32, #tpu.memory_space<hbm>> -> memref<40x40xi32, #tpu.memory_space<hbm>>
      %dma_start3A_48 = arith.constant 0 : i32
      %dma_start3A_49 = tpu.memref_slice %arg3[%mul3A_4, %dma_start3A_48] : memref<1280x40xi32, #tpu.memory_space<hbm>> -> memref<40x40xi32, #tpu.memory_space<hbm>>
      tpu.enqueue_dma source(%dma_start3A_49 : memref<40x40xi32, #tpu.memory_space<hbm>>) target(%arg5 : memref<40x40xi32, #tpu.memory_space<vmem>>) target_semaphore(%run_scoped3A : memref<!tpu.dma_semaphore, #tpu.memory_space<semaphore_mem>>)
      %dma_wait3A_50 = arith.constant 0 : i32
      %dma_wait3A_51 = tpu.memref_slice %arg3[%mul3A_4, %dma_wait3A_50] : memref<1280x40xi32, #tpu.memory_space<hbm>> -> memref<40x40xi32, #tpu.memory_space<hbm>>
      %dma_wait3A_52 = arith.constant 0 : i32
      %dma_wait3A_53 = tpu.memref_slice %arg3[%mul3A_4, %dma_wait3A_52] : memref<1280x40xi32, #tpu.memory_space<hbm>> -> memref<40x40xi32, #tpu.memory_space<hbm>>
      tpu.wait_dma2 semaphore(%run_scoped3A : memref<!tpu.dma_semaphore, #tpu.memory_space<semaphore_mem>>) src(%dma_wait3A_53 : memref<40x40xi32, #tpu.memory_space<hbm>>) dst(%arg5 : memref<40x40xi32, #tpu.memory_space<vmem>>)
      tpu.yield
    }) : () -> ()
    %dma_start3A = arith.constant 0 : i32
    %dma_start3A_5 = arith.constant 0 : i32
    %dma_start3A_6 = tpu.memref_slice %arg5[%dma_start3A, %dma_start3A_5] : memref<40x40xi32, #tpu.memory_space<vmem>> -> memref<1x40xi32, #tpu.memory_space<vmem>>
    %dma_start3A_7 = tpu.memref_squeeze %dma_start3A_6 : memref<1x40xi32, #tpu.memory_space<vmem>> -> memref<40xi32, #tpu.memory_space<vmem>>
    %dma_start3A_8 = arith.constant 0 : i32
    %dma_start3A_9 = arith.constant 0 : i32
    %dma_start3A_10 = tpu.memref_slice %arg2[%dma_start3A_8, %dma_start3A_9] : memref<10000x128xf32, #tpu.memory_space<hbm>> -> memref<10000x128xf32, #tpu.memory_space<hbm>>
    tpu.enqueue_indirect_dma source(%dma_start3A_10 : memref<10000x128xf32, #tpu.memory_space<hbm>>) target(%arg6 : memref<40x128xf32, #tpu.memory_space<vmem>>) offsets(%dma_start3A_7 : memref<40xi32, #tpu.memory_space<vmem>>) semaphore(%arg10 : memref<!tpu.dma_semaphore, #tpu.memory_space<semaphore_mem>>)
    %dma_start3A_11 = arith.constant 1 : i32
    %dma_start3A_12 = arith.constant 0 : i32
    %dma_start3A_13 = tpu.memref_slice %arg5[%dma_start3A_11, %dma_start3A_12] : memref<40x40xi32, #tpu.memory_space<vmem>> -> memref<1x40xi32, #tpu.memory_space<vmem>>
    %dma_start3A_14 = tpu.memref_squeeze %dma_start3A_13 : memref<1x40xi32, #tpu.memory_space<vmem>> -> memref<40xi32, #tpu.memory_space<vmem>>
    %dma_start3A_15 = arith.constant 0 : i32
    %dma_start3A_16 = arith.constant 0 : i32
    %dma_start3A_17 = tpu.memref_slice %arg2[%dma_start3A_15, %dma_start3A_16] : memref<10000x128xf32, #tpu.memory_space<hbm>> -> memref<10000x128xf32, #tpu.memory_space<hbm>>
    tpu.enqueue_indirect_dma source(%dma_start3A_17 : memref<10000x128xf32, #tpu.memory_space<hbm>>) target(%arg7 : memref<40x128xf32, #tpu.memory_space<vmem>>) offsets(%dma_start3A_14 : memref<40xi32, #tpu.memory_space<vmem>>) semaphore(%arg11 : memref<!tpu.dma_semaphore, #tpu.memory_space<semaphore_mem>>)
    %scan3A = arith.constant 0 : i32
    %scan3A_18 = arith.constant 0 : i32
    %scan3A_19 = arith.constant 10 : i32
    %scan3A_20 = arith.addi %scan3A_18, %scan3A_19 : i32
    %scan3A_21 = arith.constant 1 : i32
    scf.for %scan3A_46 = %scan3A_18 to %scan3A_20 step %scan3A_21  : i32 {
      %mul3A_47 = arith.constant 4 : i32
      %mul3A_48 = arith.muli %mul3A_47, %scan3A_46 : i32
      %gt3A = arith.constant 0 : i32
      %gt3A_49 = arith.cmpi sgt, %scan3A_46, %gt3A : i32
      %convert_element_type3A = arith.extui %gt3A_49 : i1 to i32
      %cond3A = arith.constant 0 : i32
      %cond3A_50 = arith.cmpi ne, %convert_element_type3A, %cond3A : i32
      scf.if %cond3A_50 {
        %sub3A = arith.constant 2 : i32
        %sub3A_137 = arith.subi %mul3A_48, %sub3A : i32
        %mul3A_138 = arith.constant 40 : i32
        %mul3A_139 = arith.muli %sub3A_137, %mul3A_138 : i32
        %add3A_140 = arith.addi %mul3A_2, %mul3A_139 : i32
        %dma_wait3A_141 = arith.constant 0 : i32
        %dma_wait3A_142 = tpu.memref_slice %arg4[%add3A_140, %dma_wait3A_141] : memref<51200x128xf32, #tpu.memory_space<hbm>> -> memref<40x128xf32, #tpu.memory_space<hbm>>
        %dma_wait3A_143 = arith.constant 0 : i32
        %dma_wait3A_144 = tpu.memref_slice %arg4[%add3A_140, %dma_wait3A_143] : memref<51200x128xf32, #tpu.memory_space<hbm>> -> memref<40x128xf32, #tpu.memory_space<hbm>>
        tpu.wait_dma2 semaphore(%arg16 : memref<!tpu.dma_semaphore, #tpu.memory_space<semaphore_mem>>) src(%arg8 : memref<40x128xf32, #tpu.memory_space<vmem>>) dst(%dma_wait3A_144 : memref<40x128xf32, #tpu.memory_space<hbm>>)
        %sub3A_145 = arith.constant 1 : i32
        %sub3A_146 = arith.subi %mul3A_48, %sub3A_145 : i32
        %mul3A_147 = arith.constant 40 : i32
        %mul3A_148 = arith.muli %sub3A_146, %mul3A_147 : i32
        %add3A_149 = arith.addi %mul3A_2, %mul3A_148 : i32
        %dma_wait3A_150 = arith.constant 0 : i32
        %dma_wait3A_151 = tpu.memref_slice %arg4[%add3A_149, %dma_wait3A_150] : memref<51200x128xf32, #tpu.memory_space<hbm>> -> memref<40x128xf32, #tpu.memory_space<hbm>>
        %dma_wait3A_152 = arith.constant 0 : i32
        %dma_wait3A_153 = tpu.memref_slice %arg4[%add3A_149, %dma_wait3A_152] : memref<51200x128xf32, #tpu.memory_space<hbm>> -> memref<40x128xf32, #tpu.memory_space<hbm>>
        tpu.wait_dma2 semaphore(%arg17 : memref<!tpu.dma_semaphore, #tpu.memory_space<semaphore_mem>>) src(%arg9 : memref<40x128xf32, #tpu.memory_space<vmem>>) dst(%dma_wait3A_153 : memref<40x128xf32, #tpu.memory_space<hbm>>)
      } else {
      }
      %add3A_51 = arith.constant 2 : i32
      %add3A_52 = arith.addi %mul3A_48, %add3A_51 : i32
      %dma_start3A_53 = arith.constant 0 : i32
      %dma_start3A_54 = tpu.memref_slice %arg5[%add3A_52, %dma_start3A_53] : memref<40x40xi32, #tpu.memory_space<vmem>> -> memref<1x40xi32, #tpu.memory_space<vmem>>
      %dma_start3A_55 = tpu.memref_squeeze %dma_start3A_54 : memref<1x40xi32, #tpu.memory_space<vmem>> -> memref<40xi32, #tpu.memory_space<vmem>>
      %dma_start3A_56 = arith.constant 0 : i32
      %dma_start3A_57 = arith.constant 0 : i32
      %dma_start3A_58 = tpu.memref_slice %arg2[%dma_start3A_56, %dma_start3A_57] : memref<10000x128xf32, #tpu.memory_space<hbm>> -> memref<10000x128xf32, #tpu.memory_space<hbm>>
      tpu.enqueue_indirect_dma source(%dma_start3A_58 : memref<10000x128xf32, #tpu.memory_space<hbm>>) target(%arg8 : memref<40x128xf32, #tpu.memory_space<vmem>>) offsets(%dma_start3A_55 : memref<40xi32, #tpu.memory_space<vmem>>) semaphore(%arg12 : memref<!tpu.dma_semaphore, #tpu.memory_space<semaphore_mem>>)
      %add3A_59 = arith.constant 3 : i32
      %add3A_60 = arith.addi %mul3A_48, %add3A_59 : i32
      %dma_start3A_61 = arith.constant 0 : i32
      %dma_start3A_62 = tpu.memref_slice %arg5[%add3A_60, %dma_start3A_61] : memref<40x40xi32, #tpu.memory_space<vmem>> -> memref<1x40xi32, #tpu.memory_space<vmem>>
      %dma_start3A_63 = tpu.memref_squeeze %dma_start3A_62 : memref<1x40xi32, #tpu.memory_space<vmem>> -> memref<40xi32, #tpu.memory_space<vmem>>
      %dma_start3A_64 = arith.constant 0 : i32
      %dma_start3A_65 = arith.constant 0 : i32
      %dma_start3A_66 = tpu.memref_slice %arg2[%dma_start3A_64, %dma_start3A_65] : memref<10000x128xf32, #tpu.memory_space<hbm>> -> memref<10000x128xf32, #tpu.memory_space<hbm>>
      tpu.enqueue_indirect_dma source(%dma_start3A_66 : memref<10000x128xf32, #tpu.memory_space<hbm>>) target(%arg9 : memref<40x128xf32, #tpu.memory_space<vmem>>) offsets(%dma_start3A_63 : memref<40xi32, #tpu.memory_space<vmem>>) semaphore(%arg13 : memref<!tpu.dma_semaphore, #tpu.memory_space<semaphore_mem>>)
      %dma_wait3A_67 = arith.constant 0 : i32
      %dma_wait3A_68 = tpu.memref_slice %arg5[%mul3A_48, %dma_wait3A_67] : memref<40x40xi32, #tpu.memory_space<vmem>> -> memref<1x40xi32, #tpu.memory_space<vmem>>
      %dma_wait3A_69 = tpu.memref_squeeze %dma_wait3A_68 : memref<1x40xi32, #tpu.memory_space<vmem>> -> memref<40xi32, #tpu.memory_space<vmem>>
      %dma_wait3A_70 = arith.constant 0 : i32
      %dma_wait3A_71 = arith.constant 0 : i32
      %dma_wait3A_72 = tpu.memref_slice %arg2[%dma_wait3A_70, %dma_wait3A_71] : memref<10000x128xf32, #tpu.memory_space<hbm>> -> memref<10000x128xf32, #tpu.memory_space<hbm>>
      tpu.wait_indirect_dma semaphore(%arg10 : memref<!tpu.dma_semaphore, #tpu.memory_space<semaphore_mem>>) src(%dma_wait3A_72 : memref<10000x128xf32, #tpu.memory_space<hbm>>) dst(%arg6 : memref<40x128xf32, #tpu.memory_space<vmem>>)
      %mul3A_73 = arith.constant 40 : i32
      %mul3A_74 = arith.muli %mul3A_48, %mul3A_73 : i32
      %add3A_75 = arith.addi %mul3A_2, %mul3A_74 : i32
      %dma_start3A_76 = arith.constant 0 : i32
      %dma_start3A_77 = tpu.memref_slice %arg4[%add3A_75, %dma_start3A_76] : memref<51200x128xf32, #tpu.memory_space<hbm>> -> memref<40x128xf32, #tpu.memory_space<hbm>>
      %dma_start3A_78 = arith.constant 0 : i32
      %dma_start3A_79 = tpu.memref_slice %arg4[%add3A_75, %dma_start3A_78] : memref<51200x128xf32, #tpu.memory_space<hbm>> -> memref<40x128xf32, #tpu.memory_space<hbm>>
      tpu.enqueue_dma source(%arg6 : memref<40x128xf32, #tpu.memory_space<vmem>>) target(%dma_start3A_79 : memref<40x128xf32, #tpu.memory_space<hbm>>) target_semaphore(%arg14 : memref<!tpu.dma_semaphore, #tpu.memory_space<semaphore_mem>>)
      %add3A_80 = arith.constant 1 : i32
      %add3A_81 = arith.addi %mul3A_48, %add3A_80 : i32
      %dma_wait3A_82 = arith.constant 0 : i32
      %dma_wait3A_83 = tpu.memref_slice %arg5[%add3A_81, %dma_wait3A_82] : memref<40x40xi32, #tpu.memory_space<vmem>> -> memref<1x40xi32, #tpu.memory_space<vmem>>
      %dma_wait3A_84 = tpu.memref_squeeze %dma_wait3A_83 : memref<1x40xi32, #tpu.memory_space<vmem>> -> memref<40xi32, #tpu.memory_space<vmem>>
      %dma_wait3A_85 = arith.constant 0 : i32
      %dma_wait3A_86 = arith.constant 0 : i32
      %dma_wait3A_87 = tpu.memref_slice %arg2[%dma_wait3A_85, %dma_wait3A_86] : memref<10000x128xf32, #tpu.memory_space<hbm>> -> memref<10000x128xf32, #tpu.memory_space<hbm>>
      tpu.wait_indirect_dma semaphore(%arg11 : memref<!tpu.dma_semaphore, #tpu.memory_space<semaphore_mem>>) src(%dma_wait3A_87 : memref<10000x128xf32, #tpu.memory_space<hbm>>) dst(%arg7 : memref<40x128xf32, #tpu.memory_space<vmem>>)
      %add3A_88 = arith.constant 1 : i32
      %add3A_89 = arith.addi %mul3A_48, %add3A_88 : i32
      %mul3A_90 = arith.constant 40 : i32
      %mul3A_91 = arith.muli %add3A_89, %mul3A_90 : i32
      %add3A_92 = arith.addi %mul3A_2, %mul3A_91 : i32
      %dma_start3A_93 = arith.constant 0 : i32
      %dma_start3A_94 = tpu.memref_slice %arg4[%add3A_92, %dma_start3A_93] : memref<51200x128xf32, #tpu.memory_space<hbm>> -> memref<40x128xf32, #tpu.memory_space<hbm>>
      %dma_start3A_95 = arith.constant 0 : i32
      %dma_start3A_96 = tpu.memref_slice %arg4[%add3A_92, %dma_start3A_95] : memref<51200x128xf32, #tpu.memory_space<hbm>> -> memref<40x128xf32, #tpu.memory_space<hbm>>
      tpu.enqueue_dma source(%arg7 : memref<40x128xf32, #tpu.memory_space<vmem>>) target(%dma_start3A_96 : memref<40x128xf32, #tpu.memory_space<hbm>>) target_semaphore(%arg15 : memref<!tpu.dma_semaphore, #tpu.memory_space<semaphore_mem>>)
      %add3A_97 = arith.constant 1 : i32
      %add3A_98 = arith.addi %scan3A_46, %add3A_97 : i32
      %lt3A = arith.constant 10 : i32
      %lt3A_99 = arith.cmpi slt, %add3A_98, %lt3A : i32
      %convert_element_type3A_100 = arith.extui %lt3A_99 : i1 to i32
      %cond3A_101 = arith.constant 0 : i32
      %cond3A_102 = arith.cmpi ne, %convert_element_type3A_100, %cond3A_101 : i32
      scf.if %cond3A_102 {
        %mul3A_137 = arith.constant 40 : i32
        %mul3A_138 = arith.muli %mul3A_48, %mul3A_137 : i32
        %add3A_139 = arith.addi %mul3A_2, %mul3A_138 : i32
        %dma_wait3A_140 = arith.constant 0 : i32
        %dma_wait3A_141 = tpu.memref_slice %arg4[%add3A_139, %dma_wait3A_140] : memref<51200x128xf32, #tpu.memory_space<hbm>> -> memref<40x128xf32, #tpu.memory_space<hbm>>
        %dma_wait3A_142 = arith.constant 0 : i32
        %dma_wait3A_143 = tpu.memref_slice %arg4[%add3A_139, %dma_wait3A_142] : memref<51200x128xf32, #tpu.memory_space<hbm>> -> memref<40x128xf32, #tpu.memory_space<hbm>>
        tpu.wait_dma2 semaphore(%arg14 : memref<!tpu.dma_semaphore, #tpu.memory_space<semaphore_mem>>) src(%arg6 : memref<40x128xf32, #tpu.memory_space<vmem>>) dst(%dma_wait3A_143 : memref<40x128xf32, #tpu.memory_space<hbm>>)
        %add3A_144 = arith.constant 1 : i32
        %add3A_145 = arith.addi %mul3A_48, %add3A_144 : i32
        %mul3A_146 = arith.constant 40 : i32
        %mul3A_147 = arith.muli %add3A_145, %mul3A_146 : i32
        %add3A_148 = arith.addi %mul3A_2, %mul3A_147 : i32
        %dma_wait3A_149 = arith.constant 0 : i32
        %dma_wait3A_150 = tpu.memref_slice %arg4[%add3A_148, %dma_wait3A_149] : memref<51200x128xf32, #tpu.memory_space<hbm>> -> memref<40x128xf32, #tpu.memory_space<hbm>>
        %dma_wait3A_151 = arith.constant 0 : i32
        %dma_wait3A_152 = tpu.memref_slice %arg4[%add3A_148, %dma_wait3A_151] : memref<51200x128xf32, #tpu.memory_space<hbm>> -> memref<40x128xf32, #tpu.memory_space<hbm>>
        tpu.wait_dma2 semaphore(%arg15 : memref<!tpu.dma_semaphore, #tpu.memory_space<semaphore_mem>>) src(%arg7 : memref<40x128xf32, #tpu.memory_space<vmem>>) dst(%dma_wait3A_152 : memref<40x128xf32, #tpu.memory_space<hbm>>)
        %add3A_153 = arith.constant 4 : i32
        %add3A_154 = arith.addi %mul3A_48, %add3A_153 : i32
        %dma_start3A_155 = arith.constant 0 : i32
        %dma_start3A_156 = tpu.memref_slice %arg5[%add3A_154, %dma_start3A_155] : memref<40x40xi32, #tpu.memory_space<vmem>> -> memref<1x40xi32, #tpu.memory_space<vmem>>
        %dma_start3A_157 = tpu.memref_squeeze %dma_start3A_156 : memref<1x40xi32, #tpu.memory_space<vmem>> -> memref<40xi32, #tpu.memory_space<vmem>>
        %dma_start3A_158 = arith.constant 0 : i32
        %dma_start3A_159 = arith.constant 0 : i32
        %dma_start3A_160 = tpu.memref_slice %arg2[%dma_start3A_158, %dma_start3A_159] : memref<10000x128xf32, #tpu.memory_space<hbm>> -> memref<10000x128xf32, #tpu.memory_space<hbm>>
        tpu.enqueue_indirect_dma source(%dma_start3A_160 : memref<10000x128xf32, #tpu.memory_space<hbm>>) target(%arg6 : memref<40x128xf32, #tpu.memory_space<vmem>>) offsets(%dma_start3A_157 : memref<40xi32, #tpu.memory_space<vmem>>) semaphore(%arg10 : memref<!tpu.dma_semaphore, #tpu.memory_space<semaphore_mem>>)
        %add3A_161 = arith.constant 5 : i32
        %add3A_162 = arith.addi %mul3A_48, %add3A_161 : i32
        %dma_start3A_163 = arith.constant 0 : i32
        %dma_start3A_164 = tpu.memref_slice %arg5[%add3A_162, %dma_start3A_163] : memref<40x40xi32, #tpu.memory_space<vmem>> -> memref<1x40xi32, #tpu.memory_space<vmem>>
        %dma_start3A_165 = tpu.memref_squeeze %dma_start3A_164 : memref<1x40xi32, #tpu.memory_space<vmem>> -> memref<40xi32, #tpu.memory_space<vmem>>
        %dma_start3A_166 = arith.constant 0 : i32
        %dma_start3A_167 = arith.constant 0 : i32
        %dma_start3A_168 = tpu.memref_slice %arg2[%dma_start3A_166, %dma_start3A_167] : memref<10000x128xf32, #tpu.memory_space<hbm>> -> memref<10000x128xf32, #tpu.memory_space<hbm>>
        tpu.enqueue_indirect_dma source(%dma_start3A_168 : memref<10000x128xf32, #tpu.memory_space<hbm>>) target(%arg7 : memref<40x128xf32, #tpu.memory_space<vmem>>) offsets(%dma_start3A_165 : memref<40xi32, #tpu.memory_space<vmem>>) semaphore(%arg11 : memref<!tpu.dma_semaphore, #tpu.memory_space<semaphore_mem>>)
      } else {
      }
      %add3A_103 = arith.constant 2 : i32
      %add3A_104 = arith.addi %mul3A_48, %add3A_103 : i32
      %dma_wait3A_105 = arith.constant 0 : i32
      %dma_wait3A_106 = tpu.memref_slice %arg5[%add3A_104, %dma_wait3A_105] : memref<40x40xi32, #tpu.memory_space<vmem>> -> memref<1x40xi32, #tpu.memory_space<vmem>>
      %dma_wait3A_107 = tpu.memref_squeeze %dma_wait3A_106 : memref<1x40xi32, #tpu.memory_space<vmem>> -> memref<40xi32, #tpu.memory_space<vmem>>
      %dma_wait3A_108 = arith.constant 0 : i32
      %dma_wait3A_109 = arith.constant 0 : i32
      %dma_wait3A_110 = tpu.memref_slice %arg2[%dma_wait3A_108, %dma_wait3A_109] : memref<10000x128xf32, #tpu.memory_space<hbm>> -> memref<10000x128xf32, #tpu.memory_space<hbm>>
      tpu.wait_indirect_dma semaphore(%arg12 : memref<!tpu.dma_semaphore, #tpu.memory_space<semaphore_mem>>) src(%dma_wait3A_110 : memref<10000x128xf32, #tpu.memory_space<hbm>>) dst(%arg8 : memref<40x128xf32, #tpu.memory_space<vmem>>)
      %add3A_111 = arith.constant 2 : i32
      %add3A_112 = arith.addi %mul3A_48, %add3A_111 : i32
      %mul3A_113 = arith.constant 40 : i32
      %mul3A_114 = arith.muli %add3A_112, %mul3A_113 : i32
      %add3A_115 = arith.addi %mul3A_2, %mul3A_114 : i32
      %dma_start3A_116 = arith.constant 0 : i32
      %dma_start3A_117 = tpu.memref_slice %arg4[%add3A_115, %dma_start3A_116] : memref<51200x128xf32, #tpu.memory_space<hbm>> -> memref<40x128xf32, #tpu.memory_space<hbm>>
      %dma_start3A_118 = arith.constant 0 : i32
      %dma_start3A_119 = tpu.memref_slice %arg4[%add3A_115, %dma_start3A_118] : memref<51200x128xf32, #tpu.memory_space<hbm>> -> memref<40x128xf32, #tpu.memory_space<hbm>>
      tpu.enqueue_dma source(%arg8 : memref<40x128xf32, #tpu.memory_space<vmem>>) target(%dma_start3A_119 : memref<40x128xf32, #tpu.memory_space<hbm>>) target_semaphore(%arg16 : memref<!tpu.dma_semaphore, #tpu.memory_space<semaphore_mem>>)
      %add3A_120 = arith.constant 3 : i32
      %add3A_121 = arith.addi %mul3A_48, %add3A_120 : i32
      %dma_wait3A_122 = arith.constant 0 : i32
      %dma_wait3A_123 = tpu.memref_slice %arg5[%add3A_121, %dma_wait3A_122] : memref<40x40xi32, #tpu.memory_space<vmem>> -> memref<1x40xi32, #tpu.memory_space<vmem>>
      %dma_wait3A_124 = tpu.memref_squeeze %dma_wait3A_123 : memref<1x40xi32, #tpu.memory_space<vmem>> -> memref<40xi32, #tpu.memory_space<vmem>>
      %dma_wait3A_125 = arith.constant 0 : i32
      %dma_wait3A_126 = arith.constant 0 : i32
      %dma_wait3A_127 = tpu.memref_slice %arg2[%dma_wait3A_125, %dma_wait3A_126] : memref<10000x128xf32, #tpu.memory_space<hbm>> -> memref<10000x128xf32, #tpu.memory_space<hbm>>
      tpu.wait_indirect_dma semaphore(%arg13 : memref<!tpu.dma_semaphore, #tpu.memory_space<semaphore_mem>>) src(%dma_wait3A_127 : memref<10000x128xf32, #tpu.memory_space<hbm>>) dst(%arg9 : memref<40x128xf32, #tpu.memory_space<vmem>>)
      %add3A_128 = arith.constant 3 : i32
      %add3A_129 = arith.addi %mul3A_48, %add3A_128 : i32
      %mul3A_130 = arith.constant 40 : i32
      %mul3A_131 = arith.muli %add3A_129, %mul3A_130 : i32
      %add3A_132 = arith.addi %mul3A_2, %mul3A_131 : i32
      %dma_start3A_133 = arith.constant 0 : i32
      %dma_start3A_134 = tpu.memref_slice %arg4[%add3A_132, %dma_start3A_133] : memref<51200x128xf32, #tpu.memory_space<hbm>> -> memref<40x128xf32, #tpu.memory_space<hbm>>
      %dma_start3A_135 = arith.constant 0 : i32
      %dma_start3A_136 = tpu.memref_slice %arg4[%add3A_132, %dma_start3A_135] : memref<51200x128xf32, #tpu.memory_space<hbm>> -> memref<40x128xf32, #tpu.memory_space<hbm>>
      tpu.enqueue_dma source(%arg9 : memref<40x128xf32, #tpu.memory_space<vmem>>) target(%dma_start3A_136 : memref<40x128xf32, #tpu.memory_space<hbm>>) target_semaphore(%arg17 : memref<!tpu.dma_semaphore, #tpu.memory_space<semaphore_mem>>)
    }
    %scan3A_22 = arith.constant 10 : i32
    %add3A_23 = arith.constant 1440 : i32
    %add3A_24 = arith.addi %mul3A_2, %add3A_23 : i32
    %dma_wait3A = arith.constant 0 : i32
    %dma_wait3A_25 = tpu.memref_slice %arg4[%add3A_24, %dma_wait3A] : memref<51200x128xf32, #tpu.memory_space<hbm>> -> memref<40x128xf32, #tpu.memory_space<hbm>>
    %dma_wait3A_26 = arith.constant 0 : i32
    %dma_wait3A_27 = tpu.memref_slice %arg4[%add3A_24, %dma_wait3A_26] : memref<51200x128xf32, #tpu.memory_space<hbm>> -> memref<40x128xf32, #tpu.memory_space<hbm>>
    tpu.wait_dma2 semaphore(%arg14 : memref<!tpu.dma_semaphore, #tpu.memory_space<semaphore_mem>>) src(%arg6 : memref<40x128xf32, #tpu.memory_space<vmem>>) dst(%dma_wait3A_27 : memref<40x128xf32, #tpu.memory_space<hbm>>)
    %add3A_28 = arith.constant 1480 : i32
    %add3A_29 = arith.addi %mul3A_2, %add3A_28 : i32
    %dma_wait3A_30 = arith.constant 0 : i32
    %dma_wait3A_31 = tpu.memref_slice %arg4[%add3A_29, %dma_wait3A_30] : memref<51200x128xf32, #tpu.memory_space<hbm>> -> memref<40x128xf32, #tpu.memory_space<hbm>>
    %dma_wait3A_32 = arith.constant 0 : i32
    %dma_wait3A_33 = tpu.memref_slice %arg4[%add3A_29, %dma_wait3A_32] : memref<51200x128xf32, #tpu.memory_space<hbm>> -> memref<40x128xf32, #tpu.memory_space<hbm>>
    tpu.wait_dma2 semaphore(%arg15 : memref<!tpu.dma_semaphore, #tpu.memory_space<semaphore_mem>>) src(%arg7 : memref<40x128xf32, #tpu.memory_space<vmem>>) dst(%dma_wait3A_33 : memref<40x128xf32, #tpu.memory_space<hbm>>)
    %add3A_34 = arith.constant 1520 : i32
    %add3A_35 = arith.addi %mul3A_2, %add3A_34 : i32
    %dma_wait3A_36 = arith.constant 0 : i32
    %dma_wait3A_37 = tpu.memref_slice %arg4[%add3A_35, %dma_wait3A_36] : memref<51200x128xf32, #tpu.memory_space<hbm>> -> memref<40x128xf32, #tpu.memory_space<hbm>>
    %dma_wait3A_38 = arith.constant 0 : i32
    %dma_wait3A_39 = tpu.memref_slice %arg4[%add3A_35, %dma_wait3A_38] : memref<51200x128xf32, #tpu.memory_space<hbm>> -> memref<40x128xf32, #tpu.memory_space<hbm>>
    tpu.wait_dma2 semaphore(%arg16 : memref<!tpu.dma_semaphore, #tpu.memory_space<semaphore_mem>>) src(%arg8 : memref<40x128xf32, #tpu.memory_space<vmem>>) dst(%dma_wait3A_39 : memref<40x128xf32, #tpu.memory_space<hbm>>)
    %add3A_40 = arith.constant 1560 : i32
    %add3A_41 = arith.addi %mul3A_2, %add3A_40 : i32
    %dma_wait3A_42 = arith.constant 0 : i32
    %dma_wait3A_43 = tpu.memref_slice %arg4[%add3A_41, %dma_wait3A_42] : memref<51200x128xf32, #tpu.memory_space<hbm>> -> memref<40x128xf32, #tpu.memory_space<hbm>>
    %dma_wait3A_44 = arith.constant 0 : i32
    %dma_wait3A_45 = tpu.memref_slice %arg4[%add3A_41, %dma_wait3A_44] : memref<51200x128xf32, #tpu.memory_space<hbm>> -> memref<40x128xf32, #tpu.memory_space<hbm>>
    tpu.wait_dma2 semaphore(%arg17 : memref<!tpu.dma_semaphore, #tpu.memory_space<semaphore_mem>>) src(%arg9 : memref<40x128xf32, #tpu.memory_space<vmem>>) dst(%dma_wait3A_45 : memref<40x128xf32, #tpu.memory_space<hbm>>)
    return
  }
}

#map = affine_map<(d0, d1) -> (0, 0)>
module attributes {stable_mosaic.version = 14 : i64} {
  func.func @gk(%arg0: i32, %arg1: i32, %arg2: memref<10240x512xf32, #tpu.memory_space<hbm>>, %arg3: memref<256x40xi32, #tpu.memory_space<hbm>>, %arg4: memref<10240x512xf32, #tpu.memory_space<hbm>>, %arg5: memref<8x40xi32, #tpu.memory_space<vmem>>, %arg6: memref<40x512xf32, #tpu.memory_space<vmem>>, %arg7: memref<40x512xf32, #tpu.memory_space<vmem>>, %arg8: memref<40x512xf32, #tpu.memory_space<vmem>>, %arg9: memref<40x512xf32, #tpu.memory_space<vmem>>, %arg10: memref<!tpu.dma_semaphore, #tpu.memory_space<semaphore_mem>>, %arg11: memref<!tpu.dma_semaphore, #tpu.memory_space<semaphore_mem>>, %arg12: memref<!tpu.dma_semaphore, #tpu.memory_space<semaphore_mem>>, %arg13: memref<!tpu.dma_semaphore, #tpu.memory_space<semaphore_mem>>, %arg14: memref<!tpu.dma_semaphore, #tpu.memory_space<semaphore_mem>>, %arg15: memref<!tpu.dma_semaphore, #tpu.memory_space<semaphore_mem>>, %arg16: memref<!tpu.dma_semaphore, #tpu.memory_space<semaphore_mem>>, %arg17: memref<!tpu.dma_semaphore, #tpu.memory_space<semaphore_mem>>) attributes {dimension_semantics = [#tpu.dimension_semantics<core_parallel>, #tpu.dimension_semantics<subcore_parallel>], iteration_bounds = array<i64: 2, 16>, scalar_prefetch = 0 : i64, scratch_operands = 13 : i64, tpu.core_type = #tpu.core_type<sc_vector_subcore>, window_params = [{transform_indices = #map}, {transform_indices = #map}, {transform_indices = #map}]} {
    %mul3A = arith.constant 2 : i32
    %mul3A_0 = arith.muli %arg1, %mul3A : i32
    %add3A = arith.addi %mul3A_0, %arg0 : i32
    %mul3A_1 = arith.constant 320 : i32
    %mul3A_2 = arith.muli %add3A, %mul3A_1 : i32
    %mul3A_3 = arith.constant 8 : i32
    %mul3A_4 = arith.muli %add3A, %mul3A_3 : i32
    "tpu.region"() ({
      %run_scoped3A = tpu.sem_alloc : memref<!tpu.dma_semaphore, #tpu.memory_space<semaphore_mem>>
      %dma_start3A_46 = arith.constant 0 : i32
      %dma_start3A_47 = tpu.memref_slice %arg3[%mul3A_4, %dma_start3A_46] : memref<256x40xi32, #tpu.memory_space<hbm>> -> memref<8x40xi32, #tpu.memory_space<hbm>>
      %dma_start3A_48 = arith.constant 0 : i32
      %dma_start3A_49 = tpu.memref_slice %arg3[%mul3A_4, %dma_start3A_48] : memref<256x40xi32, #tpu.memory_space<hbm>> -> memref<8x40xi32, #tpu.memory_space<hbm>>
      tpu.enqueue_dma source(%dma_start3A_49 : memref<8x40xi32, #tpu.memory_space<hbm>>) target(%arg5 : memref<8x40xi32, #tpu.memory_space<vmem>>) target_semaphore(%run_scoped3A : memref<!tpu.dma_semaphore, #tpu.memory_space<semaphore_mem>>)
      %dma_wait3A_50 = arith.constant 0 : i32
      %dma_wait3A_51 = tpu.memref_slice %arg3[%mul3A_4, %dma_wait3A_50] : memref<256x40xi32, #tpu.memory_space<hbm>> -> memref<8x40xi32, #tpu.memory_space<hbm>>
      %dma_wait3A_52 = arith.constant 0 : i32
      %dma_wait3A_53 = tpu.memref_slice %arg3[%mul3A_4, %dma_wait3A_52] : memref<256x40xi32, #tpu.memory_space<hbm>> -> memref<8x40xi32, #tpu.memory_space<hbm>>
      tpu.wait_dma2 semaphore(%run_scoped3A : memref<!tpu.dma_semaphore, #tpu.memory_space<semaphore_mem>>) src(%dma_wait3A_53 : memref<8x40xi32, #tpu.memory_space<hbm>>) dst(%arg5 : memref<8x40xi32, #tpu.memory_space<vmem>>)
      tpu.yield
    }) : () -> ()
    %dma_start3A = arith.constant 0 : i32
    %dma_start3A_5 = arith.constant 0 : i32
    %dma_start3A_6 = tpu.memref_slice %arg5[%dma_start3A, %dma_start3A_5] : memref<8x40xi32, #tpu.memory_space<vmem>> -> memref<1x40xi32, #tpu.memory_space<vmem>>
    %dma_start3A_7 = tpu.memref_squeeze %dma_start3A_6 : memref<1x40xi32, #tpu.memory_space<vmem>> -> memref<40xi32, #tpu.memory_space<vmem>>
    %dma_start3A_8 = arith.constant 0 : i32
    %dma_start3A_9 = arith.constant 0 : i32
    %dma_start3A_10 = tpu.memref_slice %arg2[%dma_start3A_8, %dma_start3A_9] : memref<10240x512xf32, #tpu.memory_space<hbm>> -> memref<10240x512xf32, #tpu.memory_space<hbm>>
    tpu.enqueue_indirect_dma source(%dma_start3A_10 : memref<10240x512xf32, #tpu.memory_space<hbm>>) target(%arg6 : memref<40x512xf32, #tpu.memory_space<vmem>>) offsets(%dma_start3A_7 : memref<40xi32, #tpu.memory_space<vmem>>) semaphore(%arg10 : memref<!tpu.dma_semaphore, #tpu.memory_space<semaphore_mem>>)
    %dma_start3A_11 = arith.constant 1 : i32
    %dma_start3A_12 = arith.constant 0 : i32
    %dma_start3A_13 = tpu.memref_slice %arg5[%dma_start3A_11, %dma_start3A_12] : memref<8x40xi32, #tpu.memory_space<vmem>> -> memref<1x40xi32, #tpu.memory_space<vmem>>
    %dma_start3A_14 = tpu.memref_squeeze %dma_start3A_13 : memref<1x40xi32, #tpu.memory_space<vmem>> -> memref<40xi32, #tpu.memory_space<vmem>>
    %dma_start3A_15 = arith.constant 0 : i32
    %dma_start3A_16 = arith.constant 0 : i32
    %dma_start3A_17 = tpu.memref_slice %arg2[%dma_start3A_15, %dma_start3A_16] : memref<10240x512xf32, #tpu.memory_space<hbm>> -> memref<10240x512xf32, #tpu.memory_space<hbm>>
    tpu.enqueue_indirect_dma source(%dma_start3A_17 : memref<10240x512xf32, #tpu.memory_space<hbm>>) target(%arg7 : memref<40x512xf32, #tpu.memory_space<vmem>>) offsets(%dma_start3A_14 : memref<40xi32, #tpu.memory_space<vmem>>) semaphore(%arg11 : memref<!tpu.dma_semaphore, #tpu.memory_space<semaphore_mem>>)
    %scan3A = arith.constant 0 : i32
    %scan3A_18 = arith.constant 0 : i32
    %scan3A_19 = arith.constant 2 : i32
    %scan3A_20 = arith.addi %scan3A_18, %scan3A_19 : i32
    %scan3A_21 = arith.constant 1 : i32
    scf.for %scan3A_46 = %scan3A_18 to %scan3A_20 step %scan3A_21  : i32 {
      %mul3A_47 = arith.constant 4 : i32
      %mul3A_48 = arith.muli %mul3A_47, %scan3A_46 : i32
      %gt3A = arith.constant 0 : i32
      %gt3A_49 = arith.cmpi sgt, %scan3A_46, %gt3A : i32
      %convert_element_type3A = arith.extui %gt3A_49 : i1 to i32
      %cond3A = arith.constant 0 : i32
      %cond3A_50 = arith.cmpi ne, %convert_element_type3A, %cond3A : i32
      scf.if %cond3A_50 {
        %sub3A = arith.constant 2 : i32
        %sub3A_137 = arith.subi %mul3A_48, %sub3A : i32
        %mul3A_138 = arith.constant 40 : i32
        %mul3A_139 = arith.muli %sub3A_137, %mul3A_138 : i32
        %add3A_140 = arith.addi %mul3A_2, %mul3A_139 : i32
        %dma_wait3A_141 = arith.constant 0 : i32
        %dma_wait3A_142 = tpu.memref_slice %arg4[%add3A_140, %dma_wait3A_141] : memref<10240x512xf32, #tpu.memory_space<hbm>> -> memref<40x512xf32, #tpu.memory_space<hbm>>
        %dma_wait3A_143 = arith.constant 0 : i32
        %dma_wait3A_144 = tpu.memref_slice %arg4[%add3A_140, %dma_wait3A_143] : memref<10240x512xf32, #tpu.memory_space<hbm>> -> memref<40x512xf32, #tpu.memory_space<hbm>>
        tpu.wait_dma2 semaphore(%arg16 : memref<!tpu.dma_semaphore, #tpu.memory_space<semaphore_mem>>) src(%arg8 : memref<40x512xf32, #tpu.memory_space<vmem>>) dst(%dma_wait3A_144 : memref<40x512xf32, #tpu.memory_space<hbm>>)
        %sub3A_145 = arith.constant 1 : i32
        %sub3A_146 = arith.subi %mul3A_48, %sub3A_145 : i32
        %mul3A_147 = arith.constant 40 : i32
        %mul3A_148 = arith.muli %sub3A_146, %mul3A_147 : i32
        %add3A_149 = arith.addi %mul3A_2, %mul3A_148 : i32
        %dma_wait3A_150 = arith.constant 0 : i32
        %dma_wait3A_151 = tpu.memref_slice %arg4[%add3A_149, %dma_wait3A_150] : memref<10240x512xf32, #tpu.memory_space<hbm>> -> memref<40x512xf32, #tpu.memory_space<hbm>>
        %dma_wait3A_152 = arith.constant 0 : i32
        %dma_wait3A_153 = tpu.memref_slice %arg4[%add3A_149, %dma_wait3A_152] : memref<10240x512xf32, #tpu.memory_space<hbm>> -> memref<40x512xf32, #tpu.memory_space<hbm>>
        tpu.wait_dma2 semaphore(%arg17 : memref<!tpu.dma_semaphore, #tpu.memory_space<semaphore_mem>>) src(%arg9 : memref<40x512xf32, #tpu.memory_space<vmem>>) dst(%dma_wait3A_153 : memref<40x512xf32, #tpu.memory_space<hbm>>)
      } else {
      }
      %add3A_51 = arith.constant 2 : i32
      %add3A_52 = arith.addi %mul3A_48, %add3A_51 : i32
      %dma_start3A_53 = arith.constant 0 : i32
      %dma_start3A_54 = tpu.memref_slice %arg5[%add3A_52, %dma_start3A_53] : memref<8x40xi32, #tpu.memory_space<vmem>> -> memref<1x40xi32, #tpu.memory_space<vmem>>
      %dma_start3A_55 = tpu.memref_squeeze %dma_start3A_54 : memref<1x40xi32, #tpu.memory_space<vmem>> -> memref<40xi32, #tpu.memory_space<vmem>>
      %dma_start3A_56 = arith.constant 0 : i32
      %dma_start3A_57 = arith.constant 0 : i32
      %dma_start3A_58 = tpu.memref_slice %arg2[%dma_start3A_56, %dma_start3A_57] : memref<10240x512xf32, #tpu.memory_space<hbm>> -> memref<10240x512xf32, #tpu.memory_space<hbm>>
      tpu.enqueue_indirect_dma source(%dma_start3A_58 : memref<10240x512xf32, #tpu.memory_space<hbm>>) target(%arg8 : memref<40x512xf32, #tpu.memory_space<vmem>>) offsets(%dma_start3A_55 : memref<40xi32, #tpu.memory_space<vmem>>) semaphore(%arg12 : memref<!tpu.dma_semaphore, #tpu.memory_space<semaphore_mem>>)
      %add3A_59 = arith.constant 3 : i32
      %add3A_60 = arith.addi %mul3A_48, %add3A_59 : i32
      %dma_start3A_61 = arith.constant 0 : i32
      %dma_start3A_62 = tpu.memref_slice %arg5[%add3A_60, %dma_start3A_61] : memref<8x40xi32, #tpu.memory_space<vmem>> -> memref<1x40xi32, #tpu.memory_space<vmem>>
      %dma_start3A_63 = tpu.memref_squeeze %dma_start3A_62 : memref<1x40xi32, #tpu.memory_space<vmem>> -> memref<40xi32, #tpu.memory_space<vmem>>
      %dma_start3A_64 = arith.constant 0 : i32
      %dma_start3A_65 = arith.constant 0 : i32
      %dma_start3A_66 = tpu.memref_slice %arg2[%dma_start3A_64, %dma_start3A_65] : memref<10240x512xf32, #tpu.memory_space<hbm>> -> memref<10240x512xf32, #tpu.memory_space<hbm>>
      tpu.enqueue_indirect_dma source(%dma_start3A_66 : memref<10240x512xf32, #tpu.memory_space<hbm>>) target(%arg9 : memref<40x512xf32, #tpu.memory_space<vmem>>) offsets(%dma_start3A_63 : memref<40xi32, #tpu.memory_space<vmem>>) semaphore(%arg13 : memref<!tpu.dma_semaphore, #tpu.memory_space<semaphore_mem>>)
      %dma_wait3A_67 = arith.constant 0 : i32
      %dma_wait3A_68 = tpu.memref_slice %arg5[%mul3A_48, %dma_wait3A_67] : memref<8x40xi32, #tpu.memory_space<vmem>> -> memref<1x40xi32, #tpu.memory_space<vmem>>
      %dma_wait3A_69 = tpu.memref_squeeze %dma_wait3A_68 : memref<1x40xi32, #tpu.memory_space<vmem>> -> memref<40xi32, #tpu.memory_space<vmem>>
      %dma_wait3A_70 = arith.constant 0 : i32
      %dma_wait3A_71 = arith.constant 0 : i32
      %dma_wait3A_72 = tpu.memref_slice %arg2[%dma_wait3A_70, %dma_wait3A_71] : memref<10240x512xf32, #tpu.memory_space<hbm>> -> memref<10240x512xf32, #tpu.memory_space<hbm>>
      tpu.wait_indirect_dma semaphore(%arg10 : memref<!tpu.dma_semaphore, #tpu.memory_space<semaphore_mem>>) src(%dma_wait3A_72 : memref<10240x512xf32, #tpu.memory_space<hbm>>) dst(%arg6 : memref<40x512xf32, #tpu.memory_space<vmem>>)
      %mul3A_73 = arith.constant 40 : i32
      %mul3A_74 = arith.muli %mul3A_48, %mul3A_73 : i32
      %add3A_75 = arith.addi %mul3A_2, %mul3A_74 : i32
      %dma_start3A_76 = arith.constant 0 : i32
      %dma_start3A_77 = tpu.memref_slice %arg4[%add3A_75, %dma_start3A_76] : memref<10240x512xf32, #tpu.memory_space<hbm>> -> memref<40x512xf32, #tpu.memory_space<hbm>>
      %dma_start3A_78 = arith.constant 0 : i32
      %dma_start3A_79 = tpu.memref_slice %arg4[%add3A_75, %dma_start3A_78] : memref<10240x512xf32, #tpu.memory_space<hbm>> -> memref<40x512xf32, #tpu.memory_space<hbm>>
      tpu.enqueue_dma source(%arg6 : memref<40x512xf32, #tpu.memory_space<vmem>>) target(%dma_start3A_79 : memref<40x512xf32, #tpu.memory_space<hbm>>) target_semaphore(%arg14 : memref<!tpu.dma_semaphore, #tpu.memory_space<semaphore_mem>>)
      %add3A_80 = arith.constant 1 : i32
      %add3A_81 = arith.addi %mul3A_48, %add3A_80 : i32
      %dma_wait3A_82 = arith.constant 0 : i32
      %dma_wait3A_83 = tpu.memref_slice %arg5[%add3A_81, %dma_wait3A_82] : memref<8x40xi32, #tpu.memory_space<vmem>> -> memref<1x40xi32, #tpu.memory_space<vmem>>
      %dma_wait3A_84 = tpu.memref_squeeze %dma_wait3A_83 : memref<1x40xi32, #tpu.memory_space<vmem>> -> memref<40xi32, #tpu.memory_space<vmem>>
      %dma_wait3A_85 = arith.constant 0 : i32
      %dma_wait3A_86 = arith.constant 0 : i32
      %dma_wait3A_87 = tpu.memref_slice %arg2[%dma_wait3A_85, %dma_wait3A_86] : memref<10240x512xf32, #tpu.memory_space<hbm>> -> memref<10240x512xf32, #tpu.memory_space<hbm>>
      tpu.wait_indirect_dma semaphore(%arg11 : memref<!tpu.dma_semaphore, #tpu.memory_space<semaphore_mem>>) src(%dma_wait3A_87 : memref<10240x512xf32, #tpu.memory_space<hbm>>) dst(%arg7 : memref<40x512xf32, #tpu.memory_space<vmem>>)
      %add3A_88 = arith.constant 1 : i32
      %add3A_89 = arith.addi %mul3A_48, %add3A_88 : i32
      %mul3A_90 = arith.constant 40 : i32
      %mul3A_91 = arith.muli %add3A_89, %mul3A_90 : i32
      %add3A_92 = arith.addi %mul3A_2, %mul3A_91 : i32
      %dma_start3A_93 = arith.constant 0 : i32
      %dma_start3A_94 = tpu.memref_slice %arg4[%add3A_92, %dma_start3A_93] : memref<10240x512xf32, #tpu.memory_space<hbm>> -> memref<40x512xf32, #tpu.memory_space<hbm>>
      %dma_start3A_95 = arith.constant 0 : i32
      %dma_start3A_96 = tpu.memref_slice %arg4[%add3A_92, %dma_start3A_95] : memref<10240x512xf32, #tpu.memory_space<hbm>> -> memref<40x512xf32, #tpu.memory_space<hbm>>
      tpu.enqueue_dma source(%arg7 : memref<40x512xf32, #tpu.memory_space<vmem>>) target(%dma_start3A_96 : memref<40x512xf32, #tpu.memory_space<hbm>>) target_semaphore(%arg15 : memref<!tpu.dma_semaphore, #tpu.memory_space<semaphore_mem>>)
      %add3A_97 = arith.constant 1 : i32
      %add3A_98 = arith.addi %scan3A_46, %add3A_97 : i32
      %lt3A = arith.constant 2 : i32
      %lt3A_99 = arith.cmpi slt, %add3A_98, %lt3A : i32
      %convert_element_type3A_100 = arith.extui %lt3A_99 : i1 to i32
      %cond3A_101 = arith.constant 0 : i32
      %cond3A_102 = arith.cmpi ne, %convert_element_type3A_100, %cond3A_101 : i32
      scf.if %cond3A_102 {
        %mul3A_137 = arith.constant 40 : i32
        %mul3A_138 = arith.muli %mul3A_48, %mul3A_137 : i32
        %add3A_139 = arith.addi %mul3A_2, %mul3A_138 : i32
        %dma_wait3A_140 = arith.constant 0 : i32
        %dma_wait3A_141 = tpu.memref_slice %arg4[%add3A_139, %dma_wait3A_140] : memref<10240x512xf32, #tpu.memory_space<hbm>> -> memref<40x512xf32, #tpu.memory_space<hbm>>
        %dma_wait3A_142 = arith.constant 0 : i32
        %dma_wait3A_143 = tpu.memref_slice %arg4[%add3A_139, %dma_wait3A_142] : memref<10240x512xf32, #tpu.memory_space<hbm>> -> memref<40x512xf32, #tpu.memory_space<hbm>>
        tpu.wait_dma2 semaphore(%arg14 : memref<!tpu.dma_semaphore, #tpu.memory_space<semaphore_mem>>) src(%arg6 : memref<40x512xf32, #tpu.memory_space<vmem>>) dst(%dma_wait3A_143 : memref<40x512xf32, #tpu.memory_space<hbm>>)
        %add3A_144 = arith.constant 1 : i32
        %add3A_145 = arith.addi %mul3A_48, %add3A_144 : i32
        %mul3A_146 = arith.constant 40 : i32
        %mul3A_147 = arith.muli %add3A_145, %mul3A_146 : i32
        %add3A_148 = arith.addi %mul3A_2, %mul3A_147 : i32
        %dma_wait3A_149 = arith.constant 0 : i32
        %dma_wait3A_150 = tpu.memref_slice %arg4[%add3A_148, %dma_wait3A_149] : memref<10240x512xf32, #tpu.memory_space<hbm>> -> memref<40x512xf32, #tpu.memory_space<hbm>>
        %dma_wait3A_151 = arith.constant 0 : i32
        %dma_wait3A_152 = tpu.memref_slice %arg4[%add3A_148, %dma_wait3A_151] : memref<10240x512xf32, #tpu.memory_space<hbm>> -> memref<40x512xf32, #tpu.memory_space<hbm>>
        tpu.wait_dma2 semaphore(%arg15 : memref<!tpu.dma_semaphore, #tpu.memory_space<semaphore_mem>>) src(%arg7 : memref<40x512xf32, #tpu.memory_space<vmem>>) dst(%dma_wait3A_152 : memref<40x512xf32, #tpu.memory_space<hbm>>)
        %add3A_153 = arith.constant 4 : i32
        %add3A_154 = arith.addi %mul3A_48, %add3A_153 : i32
        %dma_start3A_155 = arith.constant 0 : i32
        %dma_start3A_156 = tpu.memref_slice %arg5[%add3A_154, %dma_start3A_155] : memref<8x40xi32, #tpu.memory_space<vmem>> -> memref<1x40xi32, #tpu.memory_space<vmem>>
        %dma_start3A_157 = tpu.memref_squeeze %dma_start3A_156 : memref<1x40xi32, #tpu.memory_space<vmem>> -> memref<40xi32, #tpu.memory_space<vmem>>
        %dma_start3A_158 = arith.constant 0 : i32
        %dma_start3A_159 = arith.constant 0 : i32
        %dma_start3A_160 = tpu.memref_slice %arg2[%dma_start3A_158, %dma_start3A_159] : memref<10240x512xf32, #tpu.memory_space<hbm>> -> memref<10240x512xf32, #tpu.memory_space<hbm>>
        tpu.enqueue_indirect_dma source(%dma_start3A_160 : memref<10240x512xf32, #tpu.memory_space<hbm>>) target(%arg6 : memref<40x512xf32, #tpu.memory_space<vmem>>) offsets(%dma_start3A_157 : memref<40xi32, #tpu.memory_space<vmem>>) semaphore(%arg10 : memref<!tpu.dma_semaphore, #tpu.memory_space<semaphore_mem>>)
        %add3A_161 = arith.constant 5 : i32
        %add3A_162 = arith.addi %mul3A_48, %add3A_161 : i32
        %dma_start3A_163 = arith.constant 0 : i32
        %dma_start3A_164 = tpu.memref_slice %arg5[%add3A_162, %dma_start3A_163] : memref<8x40xi32, #tpu.memory_space<vmem>> -> memref<1x40xi32, #tpu.memory_space<vmem>>
        %dma_start3A_165 = tpu.memref_squeeze %dma_start3A_164 : memref<1x40xi32, #tpu.memory_space<vmem>> -> memref<40xi32, #tpu.memory_space<vmem>>
        %dma_start3A_166 = arith.constant 0 : i32
        %dma_start3A_167 = arith.constant 0 : i32
        %dma_start3A_168 = tpu.memref_slice %arg2[%dma_start3A_166, %dma_start3A_167] : memref<10240x512xf32, #tpu.memory_space<hbm>> -> memref<10240x512xf32, #tpu.memory_space<hbm>>
        tpu.enqueue_indirect_dma source(%dma_start3A_168 : memref<10240x512xf32, #tpu.memory_space<hbm>>) target(%arg7 : memref<40x512xf32, #tpu.memory_space<vmem>>) offsets(%dma_start3A_165 : memref<40xi32, #tpu.memory_space<vmem>>) semaphore(%arg11 : memref<!tpu.dma_semaphore, #tpu.memory_space<semaphore_mem>>)
      } else {
      }
      %add3A_103 = arith.constant 2 : i32
      %add3A_104 = arith.addi %mul3A_48, %add3A_103 : i32
      %dma_wait3A_105 = arith.constant 0 : i32
      %dma_wait3A_106 = tpu.memref_slice %arg5[%add3A_104, %dma_wait3A_105] : memref<8x40xi32, #tpu.memory_space<vmem>> -> memref<1x40xi32, #tpu.memory_space<vmem>>
      %dma_wait3A_107 = tpu.memref_squeeze %dma_wait3A_106 : memref<1x40xi32, #tpu.memory_space<vmem>> -> memref<40xi32, #tpu.memory_space<vmem>>
      %dma_wait3A_108 = arith.constant 0 : i32
      %dma_wait3A_109 = arith.constant 0 : i32
      %dma_wait3A_110 = tpu.memref_slice %arg2[%dma_wait3A_108, %dma_wait3A_109] : memref<10240x512xf32, #tpu.memory_space<hbm>> -> memref<10240x512xf32, #tpu.memory_space<hbm>>
      tpu.wait_indirect_dma semaphore(%arg12 : memref<!tpu.dma_semaphore, #tpu.memory_space<semaphore_mem>>) src(%dma_wait3A_110 : memref<10240x512xf32, #tpu.memory_space<hbm>>) dst(%arg8 : memref<40x512xf32, #tpu.memory_space<vmem>>)
      %add3A_111 = arith.constant 2 : i32
      %add3A_112 = arith.addi %mul3A_48, %add3A_111 : i32
      %mul3A_113 = arith.constant 40 : i32
      %mul3A_114 = arith.muli %add3A_112, %mul3A_113 : i32
      %add3A_115 = arith.addi %mul3A_2, %mul3A_114 : i32
      %dma_start3A_116 = arith.constant 0 : i32
      %dma_start3A_117 = tpu.memref_slice %arg4[%add3A_115, %dma_start3A_116] : memref<10240x512xf32, #tpu.memory_space<hbm>> -> memref<40x512xf32, #tpu.memory_space<hbm>>
      %dma_start3A_118 = arith.constant 0 : i32
      %dma_start3A_119 = tpu.memref_slice %arg4[%add3A_115, %dma_start3A_118] : memref<10240x512xf32, #tpu.memory_space<hbm>> -> memref<40x512xf32, #tpu.memory_space<hbm>>
      tpu.enqueue_dma source(%arg8 : memref<40x512xf32, #tpu.memory_space<vmem>>) target(%dma_start3A_119 : memref<40x512xf32, #tpu.memory_space<hbm>>) target_semaphore(%arg16 : memref<!tpu.dma_semaphore, #tpu.memory_space<semaphore_mem>>)
      %add3A_120 = arith.constant 3 : i32
      %add3A_121 = arith.addi %mul3A_48, %add3A_120 : i32
      %dma_wait3A_122 = arith.constant 0 : i32
      %dma_wait3A_123 = tpu.memref_slice %arg5[%add3A_121, %dma_wait3A_122] : memref<8x40xi32, #tpu.memory_space<vmem>> -> memref<1x40xi32, #tpu.memory_space<vmem>>
      %dma_wait3A_124 = tpu.memref_squeeze %dma_wait3A_123 : memref<1x40xi32, #tpu.memory_space<vmem>> -> memref<40xi32, #tpu.memory_space<vmem>>
      %dma_wait3A_125 = arith.constant 0 : i32
      %dma_wait3A_126 = arith.constant 0 : i32
      %dma_wait3A_127 = tpu.memref_slice %arg2[%dma_wait3A_125, %dma_wait3A_126] : memref<10240x512xf32, #tpu.memory_space<hbm>> -> memref<10240x512xf32, #tpu.memory_space<hbm>>
      tpu.wait_indirect_dma semaphore(%arg13 : memref<!tpu.dma_semaphore, #tpu.memory_space<semaphore_mem>>) src(%dma_wait3A_127 : memref<10240x512xf32, #tpu.memory_space<hbm>>) dst(%arg9 : memref<40x512xf32, #tpu.memory_space<vmem>>)
      %add3A_128 = arith.constant 3 : i32
      %add3A_129 = arith.addi %mul3A_48, %add3A_128 : i32
      %mul3A_130 = arith.constant 40 : i32
      %mul3A_131 = arith.muli %add3A_129, %mul3A_130 : i32
      %add3A_132 = arith.addi %mul3A_2, %mul3A_131 : i32
      %dma_start3A_133 = arith.constant 0 : i32
      %dma_start3A_134 = tpu.memref_slice %arg4[%add3A_132, %dma_start3A_133] : memref<10240x512xf32, #tpu.memory_space<hbm>> -> memref<40x512xf32, #tpu.memory_space<hbm>>
      %dma_start3A_135 = arith.constant 0 : i32
      %dma_start3A_136 = tpu.memref_slice %arg4[%add3A_132, %dma_start3A_135] : memref<10240x512xf32, #tpu.memory_space<hbm>> -> memref<40x512xf32, #tpu.memory_space<hbm>>
      tpu.enqueue_dma source(%arg9 : memref<40x512xf32, #tpu.memory_space<vmem>>) target(%dma_start3A_136 : memref<40x512xf32, #tpu.memory_space<hbm>>) target_semaphore(%arg17 : memref<!tpu.dma_semaphore, #tpu.memory_space<semaphore_mem>>)
    }
    %scan3A_22 = arith.constant 2 : i32
    %add3A_23 = arith.constant 160 : i32
    %add3A_24 = arith.addi %mul3A_2, %add3A_23 : i32
    %dma_wait3A = arith.constant 0 : i32
    %dma_wait3A_25 = tpu.memref_slice %arg4[%add3A_24, %dma_wait3A] : memref<10240x512xf32, #tpu.memory_space<hbm>> -> memref<40x512xf32, #tpu.memory_space<hbm>>
    %dma_wait3A_26 = arith.constant 0 : i32
    %dma_wait3A_27 = tpu.memref_slice %arg4[%add3A_24, %dma_wait3A_26] : memref<10240x512xf32, #tpu.memory_space<hbm>> -> memref<40x512xf32, #tpu.memory_space<hbm>>
    tpu.wait_dma2 semaphore(%arg14 : memref<!tpu.dma_semaphore, #tpu.memory_space<semaphore_mem>>) src(%arg6 : memref<40x512xf32, #tpu.memory_space<vmem>>) dst(%dma_wait3A_27 : memref<40x512xf32, #tpu.memory_space<hbm>>)
    %add3A_28 = arith.constant 200 : i32
    %add3A_29 = arith.addi %mul3A_2, %add3A_28 : i32
    %dma_wait3A_30 = arith.constant 0 : i32
    %dma_wait3A_31 = tpu.memref_slice %arg4[%add3A_29, %dma_wait3A_30] : memref<10240x512xf32, #tpu.memory_space<hbm>> -> memref<40x512xf32, #tpu.memory_space<hbm>>
    %dma_wait3A_32 = arith.constant 0 : i32
    %dma_wait3A_33 = tpu.memref_slice %arg4[%add3A_29, %dma_wait3A_32] : memref<10240x512xf32, #tpu.memory_space<hbm>> -> memref<40x512xf32, #tpu.memory_space<hbm>>
    tpu.wait_dma2 semaphore(%arg15 : memref<!tpu.dma_semaphore, #tpu.memory_space<semaphore_mem>>) src(%arg7 : memref<40x512xf32, #tpu.memory_space<vmem>>) dst(%dma_wait3A_33 : memref<40x512xf32, #tpu.memory_space<hbm>>)
    %add3A_34 = arith.constant 240 : i32
    %add3A_35 = arith.addi %mul3A_2, %add3A_34 : i32
    %dma_wait3A_36 = arith.constant 0 : i32
    %dma_wait3A_37 = tpu.memref_slice %arg4[%add3A_35, %dma_wait3A_36] : memref<10240x512xf32, #tpu.memory_space<hbm>> -> memref<40x512xf32, #tpu.memory_space<hbm>>
    %dma_wait3A_38 = arith.constant 0 : i32
    %dma_wait3A_39 = tpu.memref_slice %arg4[%add3A_35, %dma_wait3A_38] : memref<10240x512xf32, #tpu.memory_space<hbm>> -> memref<40x512xf32, #tpu.memory_space<hbm>>
    tpu.wait_dma2 semaphore(%arg16 : memref<!tpu.dma_semaphore, #tpu.memory_space<semaphore_mem>>) src(%arg8 : memref<40x512xf32, #tpu.memory_space<vmem>>) dst(%dma_wait3A_39 : memref<40x512xf32, #tpu.memory_space<hbm>>)
    %add3A_40 = arith.constant 280 : i32
    %add3A_41 = arith.addi %mul3A_2, %add3A_40 : i32
    %dma_wait3A_42 = arith.constant 0 : i32
    %dma_wait3A_43 = tpu.memref_slice %arg4[%add3A_41, %dma_wait3A_42] : memref<10240x512xf32, #tpu.memory_space<hbm>> -> memref<40x512xf32, #tpu.memory_space<hbm>>
    %dma_wait3A_44 = arith.constant 0 : i32
    %dma_wait3A_45 = tpu.memref_slice %arg4[%add3A_41, %dma_wait3A_44] : memref<10240x512xf32, #tpu.memory_space<hbm>> -> memref<40x512xf32, #tpu.memory_space<hbm>>
    tpu.wait_dma2 semaphore(%arg17 : memref<!tpu.dma_semaphore, #tpu.memory_space<semaphore_mem>>) src(%arg9 : memref<40x512xf32, #tpu.memory_space<vmem>>) dst(%dma_wait3A_45 : memref<40x512xf32, #tpu.memory_space<hbm>>)
    return
  }
}

#map = affine_map<(d0, d1) -> (0, 0)>
#map1 = affine_map<(d0, d1) -> (0)>
module attributes {stable_mosaic.version = 14 : i64} {
  func.func @gk(%arg0: i32, %arg1: i32, %arg2: memref<10240x256xf32, #tpu.memory_space<hbm>>, %arg3: memref<1024xi32, #tpu.memory_space<hbm>>, %arg4: memref<1024x256xf32, #tpu.memory_space<hbm>>, %arg5: memref<32xi32, #tpu.memory_space<vmem>>, %arg6: memref<32x256xf32, #tpu.memory_space<vmem>>, %arg7: memref<!tpu.dma_semaphore, #tpu.memory_space<semaphore_mem>>) attributes {dimension_semantics = [#tpu.dimension_semantics<core_parallel>, #tpu.dimension_semantics<subcore_parallel>], iteration_bounds = array<i64: 2, 16>, scalar_prefetch = 0 : i64, scratch_operands = 3 : i64, tpu.core_type = #tpu.core_type<sc_vector_subcore>, window_params = [{transform_indices = #map}, {transform_indices = #map1}, {transform_indices = #map}]} {
    %mul3A = arith.constant 2 : i32
    %mul3A_0 = arith.muli %arg1, %mul3A : i32
    %add3A = arith.addi %mul3A_0, %arg0 : i32
    %mul3A_1 = arith.constant 32 : i32
    %mul3A_2 = arith.muli %add3A, %mul3A_1 : i32
    "tpu.region"() ({
      %run_scoped3A = tpu.sem_alloc : memref<!tpu.dma_semaphore, #tpu.memory_space<semaphore_mem>>
      %dma_start3A_16 = tpu.memref_slice %arg3[%mul3A_2] : memref<1024xi32, #tpu.memory_space<hbm>> -> memref<32xi32, #tpu.memory_space<hbm>>
      %dma_start3A_17 = tpu.memref_slice %arg3[%mul3A_2] : memref<1024xi32, #tpu.memory_space<hbm>> -> memref<32xi32, #tpu.memory_space<hbm>>
      tpu.enqueue_dma source(%dma_start3A_17 : memref<32xi32, #tpu.memory_space<hbm>>) target(%arg5 : memref<32xi32, #tpu.memory_space<vmem>>) target_semaphore(%run_scoped3A : memref<!tpu.dma_semaphore, #tpu.memory_space<semaphore_mem>>)
      %dma_wait3A_18 = tpu.memref_slice %arg3[%mul3A_2] : memref<1024xi32, #tpu.memory_space<hbm>> -> memref<32xi32, #tpu.memory_space<hbm>>
      %dma_wait3A_19 = tpu.memref_slice %arg3[%mul3A_2] : memref<1024xi32, #tpu.memory_space<hbm>> -> memref<32xi32, #tpu.memory_space<hbm>>
      tpu.wait_dma2 semaphore(%run_scoped3A : memref<!tpu.dma_semaphore, #tpu.memory_space<semaphore_mem>>) src(%dma_wait3A_19 : memref<32xi32, #tpu.memory_space<hbm>>) dst(%arg5 : memref<32xi32, #tpu.memory_space<vmem>>)
      tpu.yield
    }) : () -> ()
    %scan3A = arith.constant 0 : i32
    %scan3A_3 = arith.constant 0 : i32
    %mul3A_4 = arith.constant 32 : i32
    %mul3A_5 = arith.muli %scan3A_3, %mul3A_4 : i32
    %dma_start3A = tpu.memref_slice %arg5[%mul3A_5] : memref<32xi32, #tpu.memory_space<vmem>> -> memref<32xi32, #tpu.memory_space<vmem>>
    %dma_start3A_6 = arith.constant 0 : i32
    %dma_start3A_7 = arith.constant 0 : i32
    %dma_start3A_8 = tpu.memref_slice %arg2[%dma_start3A_6, %dma_start3A_7] : memref<10240x256xf32, #tpu.memory_space<hbm>> -> memref<10240x256xf32, #tpu.memory_space<hbm>>
    tpu.enqueue_indirect_dma source(%dma_start3A_8 : memref<10240x256xf32, #tpu.memory_space<hbm>>) target(%arg6 : memref<32x256xf32, #tpu.memory_space<vmem>>) offsets(%dma_start3A : memref<32xi32, #tpu.memory_space<vmem>>) semaphore(%arg7 : memref<!tpu.dma_semaphore, #tpu.memory_space<semaphore_mem>>)
    %dma_wait3A = tpu.memref_slice %arg5[%mul3A_5] : memref<32xi32, #tpu.memory_space<vmem>> -> memref<32xi32, #tpu.memory_space<vmem>>
    %dma_wait3A_9 = arith.constant 0 : i32
    %dma_wait3A_10 = arith.constant 0 : i32
    %dma_wait3A_11 = tpu.memref_slice %arg2[%dma_wait3A_9, %dma_wait3A_10] : memref<10240x256xf32, #tpu.memory_space<hbm>> -> memref<10240x256xf32, #tpu.memory_space<hbm>>
    tpu.wait_indirect_dma semaphore(%arg7 : memref<!tpu.dma_semaphore, #tpu.memory_space<semaphore_mem>>) src(%dma_wait3A_11 : memref<10240x256xf32, #tpu.memory_space<hbm>>) dst(%arg6 : memref<32x256xf32, #tpu.memory_space<vmem>>)
    %mul3A_12 = arith.constant 32 : i32
    %mul3A_13 = arith.muli %scan3A_3, %mul3A_12 : i32
    %add3A_14 = arith.addi %mul3A_2, %mul3A_13 : i32
    "tpu.region"() ({
      %run_scoped3A = tpu.sem_alloc : memref<!tpu.dma_semaphore, #tpu.memory_space<semaphore_mem>>
      %dma_start3A_16 = arith.constant 0 : i32
      %dma_start3A_17 = tpu.memref_slice %arg4[%add3A_14, %dma_start3A_16] : memref<1024x256xf32, #tpu.memory_space<hbm>> -> memref<32x256xf32, #tpu.memory_space<hbm>>
      %dma_start3A_18 = arith.constant 0 : i32
      %dma_start3A_19 = tpu.memref_slice %arg4[%add3A_14, %dma_start3A_18] : memref<1024x256xf32, #tpu.memory_space<hbm>> -> memref<32x256xf32, #tpu.memory_space<hbm>>
      tpu.enqueue_dma source(%arg6 : memref<32x256xf32, #tpu.memory_space<vmem>>) target(%dma_start3A_19 : memref<32x256xf32, #tpu.memory_space<hbm>>) target_semaphore(%run_scoped3A : memref<!tpu.dma_semaphore, #tpu.memory_space<semaphore_mem>>)
      %dma_wait3A_20 = arith.constant 0 : i32
      %dma_wait3A_21 = tpu.memref_slice %arg4[%add3A_14, %dma_wait3A_20] : memref<1024x256xf32, #tpu.memory_space<hbm>> -> memref<32x256xf32, #tpu.memory_space<hbm>>
      %dma_wait3A_22 = arith.constant 0 : i32
      %dma_wait3A_23 = tpu.memref_slice %arg4[%add3A_14, %dma_wait3A_22] : memref<1024x256xf32, #tpu.memory_space<hbm>> -> memref<32x256xf32, #tpu.memory_space<hbm>>
      tpu.wait_dma2 semaphore(%run_scoped3A : memref<!tpu.dma_semaphore, #tpu.memory_space<semaphore_mem>>) src(%arg6 : memref<32x256xf32, #tpu.memory_space<vmem>>) dst(%dma_wait3A_23 : memref<32x256xf32, #tpu.memory_space<hbm>>)
      tpu.yield
    }) : () -> ()
    %scan3A_15 = arith.constant 1 : i32
    return
  }
}

module attributes {stable_mosaic.version = 14 : i64} {
  func.func @_fused0_body(%arg0: i32, %arg1: memref<25x256x128xf32, #tpu.memory_space<vmem>>, %arg2: memref<256x128xf32, #tpu.memory_space<vmem>>, %arg3: memref<128x512xf32, #tpu.memory_space<vmem>>, %arg4: memref<1x512xf32, #tpu.memory_space<vmem>>, %arg5: memref<512x128xf32, #tpu.memory_space<vmem>>, %arg6: memref<128x128xf32, #tpu.memory_space<vmem>>, %arg7: memref<256x512xf32, #tpu.memory_space<vmem>>, %arg8: memref<1x512xf32, #tpu.memory_space<vmem>>, %arg9: memref<256x256xf32, #tpu.memory_space<vmem>>, %arg10: memref<256x512xf32, #tpu.memory_space<vmem>>) attributes {dimension_semantics = [#tpu.dimension_semantics<arbitrary>], iteration_bounds = array<i64: 8>, scalar_prefetch = 0 : i64, scratch_operands = 0 : i64, tpu.core_type = #tpu.core_type<tc>, window_params = [{transform_indices = @transform_0, window_bounds = array<i64: 25, 256, 128>}, {transform_indices = @transform_1, window_bounds = array<i64: 256, 128>}, {pipeline_mode = #tpu.pipeline_mode<synchronous>, transform_indices = @transform_2, window_bounds = array<i64: 128, 512>}, {pipeline_mode = #tpu.pipeline_mode<synchronous>, transform_indices = @transform_3, window_bounds = array<i64: 1, 512>}, {pipeline_mode = #tpu.pipeline_mode<synchronous>, transform_indices = @transform_4, window_bounds = array<i64: 512, 128>}, {pipeline_mode = #tpu.pipeline_mode<synchronous>, transform_indices = @transform_5, window_bounds = array<i64: 128, 128>}, {pipeline_mode = #tpu.pipeline_mode<synchronous>, transform_indices = @transform_6, window_bounds = array<i64: 256, 512>}, {pipeline_mode = #tpu.pipeline_mode<synchronous>, transform_indices = @transform_7, window_bounds = array<i64: 1, 512>}, {transform_indices = @transform_8, window_bounds = array<i64: 256, 256>}, {transform_indices = @transform_9, window_bounds = array<i64: 256, 512>}]} {
    %get3A = arith.constant 0 : index
    %get3A_0 = arith.constant 0 : index
    %get3A_1 = vector.load %arg3[%get3A, %get3A_0] : memref<128x512xf32, #tpu.memory_space<vmem>>, vector<128x512xf32>
    %get3A_2 = arith.constant 0 : index
    %get3A_3 = arith.constant 0 : index
    %get3A_4 = arith.constant 0 : index
    %get3A_5 = vector.load %arg1[%get3A_2, %get3A_3, %get3A_4] : memref<25x256x128xf32, #tpu.memory_space<vmem>>, vector<1x256x128xf32>
    %get3A_6 = vector.shape_cast %get3A_5 : vector<1x256x128xf32> to vector<256x128xf32>
    %dot_general3A = arith.constant dense<0.000000e+00> : vector<256x512xf32>
    %dot_general3A_7 = tpu.matmul %get3A_6, %get3A_1, %dot_general3A {dimension_numbers = #tpu.dot_dimension_numbers<[1], [0], [0], [1], [0, 0, 1, 1], [], []>, transpose_lhs_hint = false} : vector<256x128xf32>, vector<128x512xf32>, vector<256x512xf32> -> vector<256x512xf32>
    %get3A_8 = arith.constant 1 : index
    %get3A_9 = arith.constant 0 : index
    %get3A_10 = arith.constant 0 : index
    %get3A_11 = vector.load %arg1[%get3A_8, %get3A_9, %get3A_10] : memref<25x256x128xf32, #tpu.memory_space<vmem>>, vector<1x256x128xf32>
    %get3A_12 = vector.shape_cast %get3A_11 : vector<1x256x128xf32> to vector<256x128xf32>
    %dot_general3A_13 = arith.constant dense<0.000000e+00> : vector<256x512xf32>
    %dot_general3A_14 = tpu.matmul %get3A_12, %get3A_1, %dot_general3A_13 {dimension_numbers = #tpu.dot_dimension_numbers<[1], [0], [0], [1], [0, 0, 1, 1], [], []>, transpose_lhs_hint = false} : vector<256x128xf32>, vector<128x512xf32>, vector<256x512xf32> -> vector<256x512xf32>
    %max3A = arith.maximumf %dot_general3A_7, %dot_general3A_14 : vector<256x512xf32>
    %get3A_15 = arith.constant 2 : index
    %get3A_16 = arith.constant 0 : index
    %get3A_17 = arith.constant 0 : index
    %get3A_18 = vector.load %arg1[%get3A_15, %get3A_16, %get3A_17] : memref<25x256x128xf32, #tpu.memory_space<vmem>>, vector<1x256x128xf32>
    %get3A_19 = vector.shape_cast %get3A_18 : vector<1x256x128xf32> to vector<256x128xf32>
    %dot_general3A_20 = arith.constant dense<0.000000e+00> : vector<256x512xf32>
    %dot_general3A_21 = tpu.matmul %get3A_19, %get3A_1, %dot_general3A_20 {dimension_numbers = #tpu.dot_dimension_numbers<[1], [0], [0], [1], [0, 0, 1, 1], [], []>, transpose_lhs_hint = false} : vector<256x128xf32>, vector<128x512xf32>, vector<256x512xf32> -> vector<256x512xf32>
    %max3A_22 = arith.maximumf %max3A, %dot_general3A_21 : vector<256x512xf32>
    %get3A_23 = arith.constant 3 : index
    %get3A_24 = arith.constant 0 : index
    %get3A_25 = arith.constant 0 : index
    %get3A_26 = vector.load %arg1[%get3A_23, %get3A_24, %get3A_25] : memref<25x256x128xf32, #tpu.memory_space<vmem>>, vector<1x256x128xf32>
    %get3A_27 = vector.shape_cast %get3A_26 : vector<1x256x128xf32> to vector<256x128xf32>
    %dot_general3A_28 = arith.constant dense<0.000000e+00> : vector<256x512xf32>
    %dot_general3A_29 = tpu.matmul %get3A_27, %get3A_1, %dot_general3A_28 {dimension_numbers = #tpu.dot_dimension_numbers<[1], [0], [0], [1], [0, 0, 1, 1], [], []>, transpose_lhs_hint = false} : vector<256x128xf32>, vector<128x512xf32>, vector<256x512xf32> -> vector<256x512xf32>
    %max3A_30 = arith.maximumf %max3A_22, %dot_general3A_29 : vector<256x512xf32>
    %get3A_31 = arith.constant 4 : index
    %get3A_32 = arith.constant 0 : index
    %get3A_33 = arith.constant 0 : index
    %get3A_34 = vector.load %arg1[%get3A_31, %get3A_32, %get3A_33] : memref<25x256x128xf32, #tpu.memory_space<vmem>>, vector<1x256x128xf32>
    %get3A_35 = vector.shape_cast %get3A_34 : vector<1x256x128xf32> to vector<256x128xf32>
    %dot_general3A_36 = arith.constant dense<0.000000e+00> : vector<256x512xf32>
    %dot_general3A_37 = tpu.matmul %get3A_35, %get3A_1, %dot_general3A_36 {dimension_numbers = #tpu.dot_dimension_numbers<[1], [0], [0], [1], [0, 0, 1, 1], [], []>, transpose_lhs_hint = false} : vector<256x128xf32>, vector<128x512xf32>, vector<256x512xf32> -> vector<256x512xf32>
    %max3A_38 = arith.maximumf %max3A_30, %dot_general3A_37 : vector<256x512xf32>
    %get3A_39 = arith.constant 5 : index
    %get3A_40 = arith.constant 0 : index
    %get3A_41 = arith.constant 0 : index
    %get3A_42 = vector.load %arg1[%get3A_39, %get3A_40, %get3A_41] : memref<25x256x128xf32, #tpu.memory_space<vmem>>, vector<1x256x128xf32>
    %get3A_43 = vector.shape_cast %get3A_42 : vector<1x256x128xf32> to vector<256x128xf32>
    %dot_general3A_44 = arith.constant dense<0.000000e+00> : vector<256x512xf32>
    %dot_general3A_45 = tpu.matmul %get3A_43, %get3A_1, %dot_general3A_44 {dimension_numbers = #tpu.dot_dimension_numbers<[1], [0], [0], [1], [0, 0, 1, 1], [], []>, transpose_lhs_hint = false} : vector<256x128xf32>, vector<128x512xf32>, vector<256x512xf32> -> vector<256x512xf32>
    %max3A_46 = arith.maximumf %max3A_38, %dot_general3A_45 : vector<256x512xf32>
    %get3A_47 = arith.constant 6 : index
    %get3A_48 = arith.constant 0 : index
    %get3A_49 = arith.constant 0 : index
    %get3A_50 = vector.load %arg1[%get3A_47, %get3A_48, %get3A_49] : memref<25x256x128xf32, #tpu.memory_space<vmem>>, vector<1x256x128xf32>
    %get3A_51 = vector.shape_cast %get3A_50 : vector<1x256x128xf32> to vector<256x128xf32>
    %dot_general3A_52 = arith.constant dense<0.000000e+00> : vector<256x512xf32>
    %dot_general3A_53 = tpu.matmul %get3A_51, %get3A_1, %dot_general3A_52 {dimension_numbers = #tpu.dot_dimension_numbers<[1], [0], [0], [1], [0, 0, 1, 1], [], []>, transpose_lhs_hint = false} : vector<256x128xf32>, vector<128x512xf32>, vector<256x512xf32> -> vector<256x512xf32>
    %max3A_54 = arith.maximumf %max3A_46, %dot_general3A_53 : vector<256x512xf32>
    %get3A_55 = arith.constant 7 : index
    %get3A_56 = arith.constant 0 : index
    %get3A_57 = arith.constant 0 : index
    %get3A_58 = vector.load %arg1[%get3A_55, %get3A_56, %get3A_57] : memref<25x256x128xf32, #tpu.memory_space<vmem>>, vector<1x256x128xf32>
    %get3A_59 = vector.shape_cast %get3A_58 : vector<1x256x128xf32> to vector<256x128xf32>
    %dot_general3A_60 = arith.constant dense<0.000000e+00> : vector<256x512xf32>
    %dot_general3A_61 = tpu.matmul %get3A_59, %get3A_1, %dot_general3A_60 {dimension_numbers = #tpu.dot_dimension_numbers<[1], [0], [0], [1], [0, 0, 1, 1], [], []>, transpose_lhs_hint = false} : vector<256x128xf32>, vector<128x512xf32>, vector<256x512xf32> -> vector<256x512xf32>
    %max3A_62 = arith.maximumf %max3A_54, %dot_general3A_61 : vector<256x512xf32>
    %get3A_63 = arith.constant 8 : index
    %get3A_64 = arith.constant 0 : index
    %get3A_65 = arith.constant 0 : index
    %get3A_66 = vector.load %arg1[%get3A_63, %get3A_64, %get3A_65] : memref<25x256x128xf32, #tpu.memory_space<vmem>>, vector<1x256x128xf32>
    %get3A_67 = vector.shape_cast %get3A_66 : vector<1x256x128xf32> to vector<256x128xf32>
    %dot_general3A_68 = arith.constant dense<0.000000e+00> : vector<256x512xf32>
    %dot_general3A_69 = tpu.matmul %get3A_67, %get3A_1, %dot_general3A_68 {dimension_numbers = #tpu.dot_dimension_numbers<[1], [0], [0], [1], [0, 0, 1, 1], [], []>, transpose_lhs_hint = false} : vector<256x128xf32>, vector<128x512xf32>, vector<256x512xf32> -> vector<256x512xf32>
    %max3A_70 = arith.maximumf %max3A_62, %dot_general3A_69 : vector<256x512xf32>
    %get3A_71 = arith.constant 9 : index
    %get3A_72 = arith.constant 0 : index
    %get3A_73 = arith.constant 0 : index
    %get3A_74 = vector.load %arg1[%get3A_71, %get3A_72, %get3A_73] : memref<25x256x128xf32, #tpu.memory_space<vmem>>, vector<1x256x128xf32>
    %get3A_75 = vector.shape_cast %get3A_74 : vector<1x256x128xf32> to vector<256x128xf32>
    %dot_general3A_76 = arith.constant dense<0.000000e+00> : vector<256x512xf32>
    %dot_general3A_77 = tpu.matmul %get3A_75, %get3A_1, %dot_general3A_76 {dimension_numbers = #tpu.dot_dimension_numbers<[1], [0], [0], [1], [0, 0, 1, 1], [], []>, transpose_lhs_hint = false} : vector<256x128xf32>, vector<128x512xf32>, vector<256x512xf32> -> vector<256x512xf32>
    %max3A_78 = arith.maximumf %max3A_70, %dot_general3A_77 : vector<256x512xf32>
    %get3A_79 = arith.constant 10 : index
    %get3A_80 = arith.constant 0 : index
    %get3A_81 = arith.constant 0 : index
    %get3A_82 = vector.load %arg1[%get3A_79, %get3A_80, %get3A_81] : memref<25x256x128xf32, #tpu.memory_space<vmem>>, vector<1x256x128xf32>
    %get3A_83 = vector.shape_cast %get3A_82 : vector<1x256x128xf32> to vector<256x128xf32>
    %dot_general3A_84 = arith.constant dense<0.000000e+00> : vector<256x512xf32>
    %dot_general3A_85 = tpu.matmul %get3A_83, %get3A_1, %dot_general3A_84 {dimension_numbers = #tpu.dot_dimension_numbers<[1], [0], [0], [1], [0, 0, 1, 1], [], []>, transpose_lhs_hint = false} : vector<256x128xf32>, vector<128x512xf32>, vector<256x512xf32> -> vector<256x512xf32>
    %max3A_86 = arith.maximumf %max3A_78, %dot_general3A_85 : vector<256x512xf32>
    %get3A_87 = arith.constant 11 : index
    %get3A_88 = arith.constant 0 : index
    %get3A_89 = arith.constant 0 : index
    %get3A_90 = vector.load %arg1[%get3A_87, %get3A_88, %get3A_89] : memref<25x256x128xf32, #tpu.memory_space<vmem>>, vector<1x256x128xf32>
    %get3A_91 = vector.shape_cast %get3A_90 : vector<1x256x128xf32> to vector<256x128xf32>
    %dot_general3A_92 = arith.constant dense<0.000000e+00> : vector<256x512xf32>
    %dot_general3A_93 = tpu.matmul %get3A_91, %get3A_1, %dot_general3A_92 {dimension_numbers = #tpu.dot_dimension_numbers<[1], [0], [0], [1], [0, 0, 1, 1], [], []>, transpose_lhs_hint = false} : vector<256x128xf32>, vector<128x512xf32>, vector<256x512xf32> -> vector<256x512xf32>
    %max3A_94 = arith.maximumf %max3A_86, %dot_general3A_93 : vector<256x512xf32>
    %get3A_95 = arith.constant 12 : index
    %get3A_96 = arith.constant 0 : index
    %get3A_97 = arith.constant 0 : index
    %get3A_98 = vector.load %arg1[%get3A_95, %get3A_96, %get3A_97] : memref<25x256x128xf32, #tpu.memory_space<vmem>>, vector<1x256x128xf32>
    %get3A_99 = vector.shape_cast %get3A_98 : vector<1x256x128xf32> to vector<256x128xf32>
    %dot_general3A_100 = arith.constant dense<0.000000e+00> : vector<256x512xf32>
    %dot_general3A_101 = tpu.matmul %get3A_99, %get3A_1, %dot_general3A_100 {dimension_numbers = #tpu.dot_dimension_numbers<[1], [0], [0], [1], [0, 0, 1, 1], [], []>, transpose_lhs_hint = false} : vector<256x128xf32>, vector<128x512xf32>, vector<256x512xf32> -> vector<256x512xf32>
    %max3A_102 = arith.maximumf %max3A_94, %dot_general3A_101 : vector<256x512xf32>
    %get3A_103 = arith.constant 13 : index
    %get3A_104 = arith.constant 0 : index
    %get3A_105 = arith.constant 0 : index
    %get3A_106 = vector.load %arg1[%get3A_103, %get3A_104, %get3A_105] : memref<25x256x128xf32, #tpu.memory_space<vmem>>, vector<1x256x128xf32>
    %get3A_107 = vector.shape_cast %get3A_106 : vector<1x256x128xf32> to vector<256x128xf32>
    %dot_general3A_108 = arith.constant dense<0.000000e+00> : vector<256x512xf32>
    %dot_general3A_109 = tpu.matmul %get3A_107, %get3A_1, %dot_general3A_108 {dimension_numbers = #tpu.dot_dimension_numbers<[1], [0], [0], [1], [0, 0, 1, 1], [], []>, transpose_lhs_hint = false} : vector<256x128xf32>, vector<128x512xf32>, vector<256x512xf32> -> vector<256x512xf32>
    %max3A_110 = arith.maximumf %max3A_102, %dot_general3A_109 : vector<256x512xf32>
    %get3A_111 = arith.constant 14 : index
    %get3A_112 = arith.constant 0 : index
    %get3A_113 = arith.constant 0 : index
    %get3A_114 = vector.load %arg1[%get3A_111, %get3A_112, %get3A_113] : memref<25x256x128xf32, #tpu.memory_space<vmem>>, vector<1x256x128xf32>
    %get3A_115 = vector.shape_cast %get3A_114 : vector<1x256x128xf32> to vector<256x128xf32>
    %dot_general3A_116 = arith.constant dense<0.000000e+00> : vector<256x512xf32>
    %dot_general3A_117 = tpu.matmul %get3A_115, %get3A_1, %dot_general3A_116 {dimension_numbers = #tpu.dot_dimension_numbers<[1], [0], [0], [1], [0, 0, 1, 1], [], []>, transpose_lhs_hint = false} : vector<256x128xf32>, vector<128x512xf32>, vector<256x512xf32> -> vector<256x512xf32>
    %max3A_118 = arith.maximumf %max3A_110, %dot_general3A_117 : vector<256x512xf32>
    %get3A_119 = arith.constant 15 : index
    %get3A_120 = arith.constant 0 : index
    %get3A_121 = arith.constant 0 : index
    %get3A_122 = vector.load %arg1[%get3A_119, %get3A_120, %get3A_121] : memref<25x256x128xf32, #tpu.memory_space<vmem>>, vector<1x256x128xf32>
    %get3A_123 = vector.shape_cast %get3A_122 : vector<1x256x128xf32> to vector<256x128xf32>
    %dot_general3A_124 = arith.constant dense<0.000000e+00> : vector<256x512xf32>
    %dot_general3A_125 = tpu.matmul %get3A_123, %get3A_1, %dot_general3A_124 {dimension_numbers = #tpu.dot_dimension_numbers<[1], [0], [0], [1], [0, 0, 1, 1], [], []>, transpose_lhs_hint = false} : vector<256x128xf32>, vector<128x512xf32>, vector<256x512xf32> -> vector<256x512xf32>
    %max3A_126 = arith.maximumf %max3A_118, %dot_general3A_125 : vector<256x512xf32>
    %get3A_127 = arith.constant 16 : index
    %get3A_128 = arith.constant 0 : index
    %get3A_129 = arith.constant 0 : index
    %get3A_130 = vector.load %arg1[%get3A_127, %get3A_128, %get3A_129] : memref<25x256x128xf32, #tpu.memory_space<vmem>>, vector<1x256x128xf32>
    %get3A_131 = vector.shape_cast %get3A_130 : vector<1x256x128xf32> to vector<256x128xf32>
    %dot_general3A_132 = arith.constant dense<0.000000e+00> : vector<256x512xf32>
    %dot_general3A_133 = tpu.matmul %get3A_131, %get3A_1, %dot_general3A_132 {dimension_numbers = #tpu.dot_dimension_numbers<[1], [0], [0], [1], [0, 0, 1, 1], [], []>, transpose_lhs_hint = false} : vector<256x128xf32>, vector<128x512xf32>, vector<256x512xf32> -> vector<256x512xf32>
    %max3A_134 = arith.maximumf %max3A_126, %dot_general3A_133 : vector<256x512xf32>
    %get3A_135 = arith.constant 17 : index
    %get3A_136 = arith.constant 0 : index
    %get3A_137 = arith.constant 0 : index
    %get3A_138 = vector.load %arg1[%get3A_135, %get3A_136, %get3A_137] : memref<25x256x128xf32, #tpu.memory_space<vmem>>, vector<1x256x128xf32>
    %get3A_139 = vector.shape_cast %get3A_138 : vector<1x256x128xf32> to vector<256x128xf32>
    %dot_general3A_140 = arith.constant dense<0.000000e+00> : vector<256x512xf32>
    %dot_general3A_141 = tpu.matmul %get3A_139, %get3A_1, %dot_general3A_140 {dimension_numbers = #tpu.dot_dimension_numbers<[1], [0], [0], [1], [0, 0, 1, 1], [], []>, transpose_lhs_hint = false} : vector<256x128xf32>, vector<128x512xf32>, vector<256x512xf32> -> vector<256x512xf32>
    %max3A_142 = arith.maximumf %max3A_134, %dot_general3A_141 : vector<256x512xf32>
    %get3A_143 = arith.constant 18 : index
    %get3A_144 = arith.constant 0 : index
    %get3A_145 = arith.constant 0 : index
    %get3A_146 = vector.load %arg1[%get3A_143, %get3A_144, %get3A_145] : memref<25x256x128xf32, #tpu.memory_space<vmem>>, vector<1x256x128xf32>
    %get3A_147 = vector.shape_cast %get3A_146 : vector<1x256x128xf32> to vector<256x128xf32>
    %dot_general3A_148 = arith.constant dense<0.000000e+00> : vector<256x512xf32>
    %dot_general3A_149 = tpu.matmul %get3A_147, %get3A_1, %dot_general3A_148 {dimension_numbers = #tpu.dot_dimension_numbers<[1], [0], [0], [1], [0, 0, 1, 1], [], []>, transpose_lhs_hint = false} : vector<256x128xf32>, vector<128x512xf32>, vector<256x512xf32> -> vector<256x512xf32>
    %max3A_150 = arith.maximumf %max3A_142, %dot_general3A_149 : vector<256x512xf32>
    %get3A_151 = arith.constant 19 : index
    %get3A_152 = arith.constant 0 : index
    %get3A_153 = arith.constant 0 : index
    %get3A_154 = vector.load %arg1[%get3A_151, %get3A_152, %get3A_153] : memref<25x256x128xf32, #tpu.memory_space<vmem>>, vector<1x256x128xf32>
    %get3A_155 = vector.shape_cast %get3A_154 : vector<1x256x128xf32> to vector<256x128xf32>
    %dot_general3A_156 = arith.constant dense<0.000000e+00> : vector<256x512xf32>
    %dot_general3A_157 = tpu.matmul %get3A_155, %get3A_1, %dot_general3A_156 {dimension_numbers = #tpu.dot_dimension_numbers<[1], [0], [0], [1], [0, 0, 1, 1], [], []>, transpose_lhs_hint = false} : vector<256x128xf32>, vector<128x512xf32>, vector<256x512xf32> -> vector<256x512xf32>
    %max3A_158 = arith.maximumf %max3A_150, %dot_general3A_157 : vector<256x512xf32>
    %get3A_159 = arith.constant 20 : index
    %get3A_160 = arith.constant 0 : index
    %get3A_161 = arith.constant 0 : index
    %get3A_162 = vector.load %arg1[%get3A_159, %get3A_160, %get3A_161] : memref<25x256x128xf32, #tpu.memory_space<vmem>>, vector<1x256x128xf32>
    %get3A_163 = vector.shape_cast %get3A_162 : vector<1x256x128xf32> to vector<256x128xf32>
    %dot_general3A_164 = arith.constant dense<0.000000e+00> : vector<256x512xf32>
    %dot_general3A_165 = tpu.matmul %get3A_163, %get3A_1, %dot_general3A_164 {dimension_numbers = #tpu.dot_dimension_numbers<[1], [0], [0], [1], [0, 0, 1, 1], [], []>, transpose_lhs_hint = false} : vector<256x128xf32>, vector<128x512xf32>, vector<256x512xf32> -> vector<256x512xf32>
    %max3A_166 = arith.maximumf %max3A_158, %dot_general3A_165 : vector<256x512xf32>
    %get3A_167 = arith.constant 21 : index
    %get3A_168 = arith.constant 0 : index
    %get3A_169 = arith.constant 0 : index
    %get3A_170 = vector.load %arg1[%get3A_167, %get3A_168, %get3A_169] : memref<25x256x128xf32, #tpu.memory_space<vmem>>, vector<1x256x128xf32>
    %get3A_171 = vector.shape_cast %get3A_170 : vector<1x256x128xf32> to vector<256x128xf32>
    %dot_general3A_172 = arith.constant dense<0.000000e+00> : vector<256x512xf32>
    %dot_general3A_173 = tpu.matmul %get3A_171, %get3A_1, %dot_general3A_172 {dimension_numbers = #tpu.dot_dimension_numbers<[1], [0], [0], [1], [0, 0, 1, 1], [], []>, transpose_lhs_hint = false} : vector<256x128xf32>, vector<128x512xf32>, vector<256x512xf32> -> vector<256x512xf32>
    %max3A_174 = arith.maximumf %max3A_166, %dot_general3A_173 : vector<256x512xf32>
    %get3A_175 = arith.constant 22 : index
    %get3A_176 = arith.constant 0 : index
    %get3A_177 = arith.constant 0 : index
    %get3A_178 = vector.load %arg1[%get3A_175, %get3A_176, %get3A_177] : memref<25x256x128xf32, #tpu.memory_space<vmem>>, vector<1x256x128xf32>
    %get3A_179 = vector.shape_cast %get3A_178 : vector<1x256x128xf32> to vector<256x128xf32>
    %dot_general3A_180 = arith.constant dense<0.000000e+00> : vector<256x512xf32>
    %dot_general3A_181 = tpu.matmul %get3A_179, %get3A_1, %dot_general3A_180 {dimension_numbers = #tpu.dot_dimension_numbers<[1], [0], [0], [1], [0, 0, 1, 1], [], []>, transpose_lhs_hint = false} : vector<256x128xf32>, vector<128x512xf32>, vector<256x512xf32> -> vector<256x512xf32>
    %max3A_182 = arith.maximumf %max3A_174, %dot_general3A_181 : vector<256x512xf32>
    %get3A_183 = arith.constant 23 : index
    %get3A_184 = arith.constant 0 : index
    %get3A_185 = arith.constant 0 : index
    %get3A_186 = vector.load %arg1[%get3A_183, %get3A_184, %get3A_185] : memref<25x256x128xf32, #tpu.memory_space<vmem>>, vector<1x256x128xf32>
    %get3A_187 = vector.shape_cast %get3A_186 : vector<1x256x128xf32> to vector<256x128xf32>
    %dot_general3A_188 = arith.constant dense<0.000000e+00> : vector<256x512xf32>
    %dot_general3A_189 = tpu.matmul %get3A_187, %get3A_1, %dot_general3A_188 {dimension_numbers = #tpu.dot_dimension_numbers<[1], [0], [0], [1], [0, 0, 1, 1], [], []>, transpose_lhs_hint = false} : vector<256x128xf32>, vector<128x512xf32>, vector<256x512xf32> -> vector<256x512xf32>
    %max3A_190 = arith.maximumf %max3A_182, %dot_general3A_189 : vector<256x512xf32>
    %get3A_191 = arith.constant 24 : index
    %get3A_192 = arith.constant 0 : index
    %get3A_193 = arith.constant 0 : index
    %get3A_194 = vector.load %arg1[%get3A_191, %get3A_192, %get3A_193] : memref<25x256x128xf32, #tpu.memory_space<vmem>>, vector<1x256x128xf32>
    %get3A_195 = vector.shape_cast %get3A_194 : vector<1x256x128xf32> to vector<256x128xf32>
    %dot_general3A_196 = arith.constant dense<0.000000e+00> : vector<256x512xf32>
    %dot_general3A_197 = tpu.matmul %get3A_195, %get3A_1, %dot_general3A_196 {dimension_numbers = #tpu.dot_dimension_numbers<[1], [0], [0], [1], [0, 0, 1, 1], [], []>, transpose_lhs_hint = false} : vector<256x128xf32>, vector<128x512xf32>, vector<256x512xf32> -> vector<256x512xf32>
    %max3A_198 = arith.maximumf %max3A_190, %dot_general3A_197 : vector<256x512xf32>
    %get3A_199 = arith.constant 0 : index
    %get3A_200 = arith.constant 0 : index
    %get3A_201 = vector.load %arg4[%get3A_199, %get3A_200] : memref<1x512xf32, #tpu.memory_space<vmem>>, vector<1x512xf32>
    %add3A = vector.broadcast %get3A_201 : vector<1x512xf32> to vector<256x512xf32>
    %add3A_202 = arith.addf %max3A_198, %add3A : vector<256x512xf32>
    %max3A_203 = arith.constant 0.000000e+00 : f32
    %max3A_204 = vector.broadcast %max3A_203 : f32 to vector<256x512xf32>
    %max3A_205 = arith.maximumf %add3A_202, %max3A_204 : vector<256x512xf32>
    %add3A_206 = vector.broadcast %get3A_201 : vector<1x512xf32> to vector<256x512xf32>
    %add3A_207 = arith.addf %max3A_78, %add3A_206 : vector<256x512xf32>
    %max3A_208 = arith.constant 0.000000e+00 : f32
    %max3A_209 = vector.broadcast %max3A_208 : f32 to vector<256x512xf32>
    %max3A_210 = arith.maximumf %add3A_207, %max3A_209 : vector<256x512xf32>
    %get3A_211 = arith.constant 0 : index
    %get3A_212 = arith.constant 0 : index
    %get3A_213 = vector.load %arg2[%get3A_211, %get3A_212] : memref<256x128xf32, #tpu.memory_space<vmem>>, vector<256x128xf32>
    %get3A_214 = arith.constant 0 : index
    %get3A_215 = arith.constant 0 : index
    %get3A_216 = vector.load %arg6[%get3A_214, %get3A_215] : memref<128x128xf32, #tpu.memory_space<vmem>>, vector<128x128xf32>
    %dot_general3A_217 = arith.constant dense<0.000000e+00> : vector<256x128xf32>
    %dot_general3A_218 = tpu.matmul %get3A_213, %get3A_216, %dot_general3A_217 {dimension_numbers = #tpu.dot_dimension_numbers<[1], [0], [0], [1], [0, 0, 1, 1], [], []>, transpose_lhs_hint = false} : vector<256x128xf32>, vector<128x128xf32>, vector<256x128xf32> -> vector<256x128xf32>
    %get3A_219 = arith.constant 0 : index
    %get3A_220 = arith.constant 0 : index
    %get3A_221 = vector.load %arg5[%get3A_219, %get3A_220] : memref<512x128xf32, #tpu.memory_space<vmem>>, vector<512x128xf32>
    %dot_general3A_222 = arith.constant dense<0.000000e+00> : vector<256x128xf32>
    %dot_general3A_223 = tpu.matmul %max3A_205, %get3A_221, %dot_general3A_222 {dimension_numbers = #tpu.dot_dimension_numbers<[1], [0], [0], [1], [0, 0, 1, 1], [], []>, transpose_lhs_hint = false} : vector<256x512xf32>, vector<512x128xf32>, vector<256x128xf32> -> vector<256x128xf32>
    %get3A_224 = arith.constant 0 : index
    %get3A_225 = arith.constant 0 : index
    %get3A_226 = vector.load %arg5[%get3A_224, %get3A_225] : memref<512x128xf32, #tpu.memory_space<vmem>>, vector<512x128xf32>
    %dot_general3A_227 = arith.constant dense<0.000000e+00> : vector<256x128xf32>
    %dot_general3A_228 = tpu.matmul %max3A_210, %get3A_226, %dot_general3A_227 {dimension_numbers = #tpu.dot_dimension_numbers<[1], [0], [0], [1], [0, 0, 1, 1], [], []>, transpose_lhs_hint = false} : vector<256x512xf32>, vector<512x128xf32>, vector<256x128xf32> -> vector<256x128xf32>
    %concatenate3A = tpu.concatenate %dot_general3A_218, %dot_general3A_223 in 1 : vector<256x128xf32>, vector<256x128xf32> -> vector<256x256xf32>
    %max3A_229 = arith.constant 0.000000e+00 : f32
    %max3A_230 = vector.broadcast %max3A_229 : f32 to vector<256x256xf32>
    %max3A_231 = arith.maximumf %concatenate3A, %max3A_230 : vector<256x256xf32>
    %concatenate3A_232 = tpu.concatenate %dot_general3A_218, %dot_general3A_228 in 1 : vector<256x128xf32>, vector<256x128xf32> -> vector<256x256xf32>
    %max3A_233 = arith.constant 0.000000e+00 : f32
    %max3A_234 = vector.broadcast %max3A_233 : f32 to vector<256x256xf32>
    %max3A_235 = arith.maximumf %concatenate3A_232, %max3A_234 : vector<256x256xf32>
    %swap3A = arith.constant 0 : index
    %swap3A_236 = arith.constant 0 : index
    %swap3A_237 = vector.load %arg9[%swap3A, %swap3A_236] : memref<256x256xf32, #tpu.memory_space<vmem>>, vector<256x256xf32>
    tpu.vector_store %arg9[%swap3A, %swap3A_236], %max3A_235 {strides = array<i32>} : memref<256x256xf32, #tpu.memory_space<vmem>>, vector<256x256xf32>,
    %get3A_238 = arith.constant 0 : index
    %get3A_239 = arith.constant 0 : index
    %get3A_240 = vector.load %arg7[%get3A_238, %get3A_239] : memref<256x512xf32, #tpu.memory_space<vmem>>, vector<256x512xf32>
    %dot_general3A_241 = arith.constant dense<0.000000e+00> : vector<256x512xf32>
    %dot_general3A_242 = tpu.matmul %max3A_231, %get3A_240, %dot_general3A_241 {dimension_numbers = #tpu.dot_dimension_numbers<[1], [0], [0], [1], [0, 0, 1, 1], [], []>, transpose_lhs_hint = false} : vector<256x256xf32>, vector<256x512xf32>, vector<256x512xf32> -> vector<256x512xf32>
    %get3A_243 = arith.constant 0 : index
    %get3A_244 = arith.constant 0 : index
    %get3A_245 = vector.load %arg8[%get3A_243, %get3A_244] : memref<1x512xf32, #tpu.memory_space<vmem>>, vector<1x512xf32>
    %add3A_246 = vector.broadcast %get3A_245 : vector<1x512xf32> to vector<256x512xf32>
    %add3A_247 = arith.addf %dot_general3A_242, %add3A_246 : vector<256x512xf32>
    %max3A_248 = arith.constant 0.000000e+00 : f32
    %max3A_249 = vector.broadcast %max3A_248 : f32 to vector<256x512xf32>
    %max3A_250 = arith.maximumf %add3A_247, %max3A_249 : vector<256x512xf32>
    %swap3A_251 = arith.constant 0 : index
    %swap3A_252 = arith.constant 0 : index
    %swap3A_253 = vector.load %arg10[%swap3A_251, %swap3A_252] : memref<256x512xf32, #tpu.memory_space<vmem>>, vector<256x512xf32>
    tpu.vector_store %arg10[%swap3A_251, %swap3A_252], %max3A_250 {strides = array<i32>} : memref<256x512xf32, #tpu.memory_space<vmem>>, vector<256x512xf32>,
    return
  }
  func.func @transform_0(%arg0: i32) -> (i32, i32, i32) {
    %c0_i32 = arith.constant 0 : i32
    %c0_i32_0 = arith.constant 0 : i32
    %c0_i32_1 = arith.constant 0 : i32
    return %c0_i32, %arg0, %c0_i32_0 : i32, i32, i32
  }
  func.func @transform_1(%arg0: i32) -> (i32, i32) {
    %add3A = arith.constant 0 : i32
    %add3A_0 = arith.addi %add3A, %arg0 : i32
    %c0_i32 = arith.constant 0 : i32
    %c0_i32_1 = arith.constant 0 : i32
    return %add3A_0, %c0_i32 : i32, i32
  }
  func.func @transform_2(%arg0: i32) -> (i32, i32) {
    %c0_i32 = arith.constant 0 : i32
    %c0_i32_0 = arith.constant 0 : i32
    %c0_i32_1 = arith.constant 0 : i32
    return %c0_i32, %c0_i32_0 : i32, i32
  }
  func.func @transform_3(%arg0: i32) -> (i32, i32) {
    %c0_i32 = arith.constant 0 : i32
    %c0_i32_0 = arith.constant 0 : i32
    %c0_i32_1 = arith.constant 0 : i32
    return %c0_i32, %c0_i32_0 : i32, i32
  }
  func.func @transform_4(%arg0: i32) -> (i32, i32) {
    %c0_i32 = arith.constant 0 : i32
    %c0_i32_0 = arith.constant 0 : i32
    %c0_i32_1 = arith.constant 0 : i32
    return %c0_i32, %c0_i32_0 : i32, i32
  }
  func.func @transform_5(%arg0: i32) -> (i32, i32) {
    %c0_i32 = arith.constant 0 : i32
    %c0_i32_0 = arith.constant 0 : i32
    %c0_i32_1 = arith.constant 0 : i32
    return %c0_i32, %c0_i32_0 : i32, i32
  }
  func.func @transform_6(%arg0: i32) -> (i32, i32) {
    %c0_i32 = arith.constant 0 : i32
    %c0_i32_0 = arith.constant 0 : i32
    %c0_i32_1 = arith.constant 0 : i32
    return %c0_i32, %c0_i32_0 : i32, i32
  }
  func.func @transform_7(%arg0: i32) -> (i32, i32) {
    %c0_i32 = arith.constant 0 : i32
    %c0_i32_0 = arith.constant 0 : i32
    %c0_i32_1 = arith.constant 0 : i32
    return %c0_i32, %c0_i32_0 : i32, i32
  }
  func.func @transform_8(%arg0: i32) -> (i32, i32) {
    %add3A = arith.constant 0 : i32
    %add3A_0 = arith.addi %add3A, %arg0 : i32
    %c0_i32 = arith.constant 0 : i32
    %c0_i32_1 = arith.constant 0 : i32
    return %add3A_0, %c0_i32 : i32, i32
  }
  func.func @transform_9(%arg0: i32) -> (i32, i32) {
    %add3A = arith.constant 0 : i32
    %add3A_0 = arith.addi %add3A, %arg0 : i32
    %c0_i32 = arith.constant 0 : i32
    %c0_i32_1 = arith.constant 0 : i32
    return %add3A_0, %c0_i32 : i32, i32
  }
}

module attributes {stable_mosaic.version = 14 : i64} {
  func.func @_fused0_alias_body(%arg0: i32, %arg1: memref<25x256x128xf32, #tpu.memory_space<vmem>>, %arg2: memref<256x128xf32, #tpu.memory_space<vmem>>, %arg3: memref<128x512xf32, #tpu.memory_space<vmem>>, %arg4: memref<1x512xf32, #tpu.memory_space<vmem>>, %arg5: memref<512x128xf32, #tpu.memory_space<vmem>>, %arg6: memref<128x128xf32, #tpu.memory_space<vmem>>, %arg7: memref<256x512xf32, #tpu.memory_space<vmem>>, %arg8: memref<1x512xf32, #tpu.memory_space<vmem>>, %arg9: memref<8x256xf32, #tpu.memory_space<vmem>>, %arg10: memref<8x512xf32, #tpu.memory_space<vmem>>, %arg11: memref<256x256xf32, #tpu.memory_space<vmem>>, %arg12: memref<256x512xf32, #tpu.memory_space<vmem>>) attributes {dimension_semantics = [#tpu.dimension_semantics<arbitrary>], iteration_bounds = array<i64: 8>, scalar_prefetch = 0 : i64, scratch_operands = 0 : i64, tpu.core_type = #tpu.core_type<tc>, window_params = [{transform_indices = @transform_0, window_bounds = array<i64: 25, 256, 128>}, {transform_indices = @transform_1, window_bounds = array<i64: 256, 128>}, {pipeline_mode = #tpu.pipeline_mode<synchronous>, transform_indices = @transform_2, window_bounds = array<i64: 128, 512>}, {pipeline_mode = #tpu.pipeline_mode<synchronous>, transform_indices = @transform_3, window_bounds = array<i64: 1, 512>}, {pipeline_mode = #tpu.pipeline_mode<synchronous>, transform_indices = @transform_4, window_bounds = array<i64: 512, 128>}, {pipeline_mode = #tpu.pipeline_mode<synchronous>, transform_indices = @transform_5, window_bounds = array<i64: 128, 128>}, {pipeline_mode = #tpu.pipeline_mode<synchronous>, transform_indices = @transform_6, window_bounds = array<i64: 256, 512>}, {pipeline_mode = #tpu.pipeline_mode<synchronous>, transform_indices = @transform_7, window_bounds = array<i64: 1, 512>}, {transform_indices = @transform_8, window_bounds = array<i64: 8, 256>}, {transform_indices = @transform_9, window_bounds = array<i64: 8, 512>}, {transform_indices = @transform_10, window_bounds = array<i64: 256, 256>}, {transform_indices = @transform_11, window_bounds = array<i64: 256, 512>}]} {
    %get3A = arith.constant 0 : index
    %get3A_0 = arith.constant 0 : index
    %get3A_1 = vector.load %arg3[%get3A, %get3A_0] : memref<128x512xf32, #tpu.memory_space<vmem>>, vector<128x512xf32>
    %get3A_2 = arith.constant 0 : index
    %get3A_3 = arith.constant 0 : index
    %get3A_4 = arith.constant 0 : index
    %get3A_5 = vector.load %arg1[%get3A_2, %get3A_3, %get3A_4] : memref<25x256x128xf32, #tpu.memory_space<vmem>>, vector<1x256x128xf32>
    %get3A_6 = vector.shape_cast %get3A_5 : vector<1x256x128xf32> to vector<256x128xf32>
    %dot_general3A = arith.constant dense<0.000000e+00> : vector<256x512xf32>
    %dot_general3A_7 = tpu.matmul %get3A_6, %get3A_1, %dot_general3A {dimension_numbers = #tpu.dot_dimension_numbers<[1], [0], [0], [1], [0, 0, 1, 1], [], []>, transpose_lhs_hint = false} : vector<256x128xf32>, vector<128x512xf32>, vector<256x512xf32> -> vector<256x512xf32>
    %get3A_8 = arith.constant 1 : index
    %get3A_9 = arith.constant 0 : index
    %get3A_10 = arith.constant 0 : index
    %get3A_11 = vector.load %arg1[%get3A_8, %get3A_9, %get3A_10] : memref<25x256x128xf32, #tpu.memory_space<vmem>>, vector<1x256x128xf32>
    %get3A_12 = vector.shape_cast %get3A_11 : vector<1x256x128xf32> to vector<256x128xf32>
    %dot_general3A_13 = arith.constant dense<0.000000e+00> : vector<256x512xf32>
    %dot_general3A_14 = tpu.matmul %get3A_12, %get3A_1, %dot_general3A_13 {dimension_numbers = #tpu.dot_dimension_numbers<[1], [0], [0], [1], [0, 0, 1, 1], [], []>, transpose_lhs_hint = false} : vector<256x128xf32>, vector<128x512xf32>, vector<256x512xf32> -> vector<256x512xf32>
    %max3A = arith.maximumf %dot_general3A_7, %dot_general3A_14 : vector<256x512xf32>
    %get3A_15 = arith.constant 2 : index
    %get3A_16 = arith.constant 0 : index
    %get3A_17 = arith.constant 0 : index
    %get3A_18 = vector.load %arg1[%get3A_15, %get3A_16, %get3A_17] : memref<25x256x128xf32, #tpu.memory_space<vmem>>, vector<1x256x128xf32>
    %get3A_19 = vector.shape_cast %get3A_18 : vector<1x256x128xf32> to vector<256x128xf32>
    %dot_general3A_20 = arith.constant dense<0.000000e+00> : vector<256x512xf32>
    %dot_general3A_21 = tpu.matmul %get3A_19, %get3A_1, %dot_general3A_20 {dimension_numbers = #tpu.dot_dimension_numbers<[1], [0], [0], [1], [0, 0, 1, 1], [], []>, transpose_lhs_hint = false} : vector<256x128xf32>, vector<128x512xf32>, vector<256x512xf32> -> vector<256x512xf32>
    %max3A_22 = arith.maximumf %max3A, %dot_general3A_21 : vector<256x512xf32>
    %get3A_23 = arith.constant 3 : index
    %get3A_24 = arith.constant 0 : index
    %get3A_25 = arith.constant 0 : index
    %get3A_26 = vector.load %arg1[%get3A_23, %get3A_24, %get3A_25] : memref<25x256x128xf32, #tpu.memory_space<vmem>>, vector<1x256x128xf32>
    %get3A_27 = vector.shape_cast %get3A_26 : vector<1x256x128xf32> to vector<256x128xf32>
    %dot_general3A_28 = arith.constant dense<0.000000e+00> : vector<256x512xf32>
    %dot_general3A_29 = tpu.matmul %get3A_27, %get3A_1, %dot_general3A_28 {dimension_numbers = #tpu.dot_dimension_numbers<[1], [0], [0], [1], [0, 0, 1, 1], [], []>, transpose_lhs_hint = false} : vector<256x128xf32>, vector<128x512xf32>, vector<256x512xf32> -> vector<256x512xf32>
    %max3A_30 = arith.maximumf %max3A_22, %dot_general3A_29 : vector<256x512xf32>
    %get3A_31 = arith.constant 4 : index
    %get3A_32 = arith.constant 0 : index
    %get3A_33 = arith.constant 0 : index
    %get3A_34 = vector.load %arg1[%get3A_31, %get3A_32, %get3A_33] : memref<25x256x128xf32, #tpu.memory_space<vmem>>, vector<1x256x128xf32>
    %get3A_35 = vector.shape_cast %get3A_34 : vector<1x256x128xf32> to vector<256x128xf32>
    %dot_general3A_36 = arith.constant dense<0.000000e+00> : vector<256x512xf32>
    %dot_general3A_37 = tpu.matmul %get3A_35, %get3A_1, %dot_general3A_36 {dimension_numbers = #tpu.dot_dimension_numbers<[1], [0], [0], [1], [0, 0, 1, 1], [], []>, transpose_lhs_hint = false} : vector<256x128xf32>, vector<128x512xf32>, vector<256x512xf32> -> vector<256x512xf32>
    %max3A_38 = arith.maximumf %max3A_30, %dot_general3A_37 : vector<256x512xf32>
    %get3A_39 = arith.constant 5 : index
    %get3A_40 = arith.constant 0 : index
    %get3A_41 = arith.constant 0 : index
    %get3A_42 = vector.load %arg1[%get3A_39, %get3A_40, %get3A_41] : memref<25x256x128xf32, #tpu.memory_space<vmem>>, vector<1x256x128xf32>
    %get3A_43 = vector.shape_cast %get3A_42 : vector<1x256x128xf32> to vector<256x128xf32>
    %dot_general3A_44 = arith.constant dense<0.000000e+00> : vector<256x512xf32>
    %dot_general3A_45 = tpu.matmul %get3A_43, %get3A_1, %dot_general3A_44 {dimension_numbers = #tpu.dot_dimension_numbers<[1], [0], [0], [1], [0, 0, 1, 1], [], []>, transpose_lhs_hint = false} : vector<256x128xf32>, vector<128x512xf32>, vector<256x512xf32> -> vector<256x512xf32>
    %max3A_46 = arith.maximumf %max3A_38, %dot_general3A_45 : vector<256x512xf32>
    %get3A_47 = arith.constant 6 : index
    %get3A_48 = arith.constant 0 : index
    %get3A_49 = arith.constant 0 : index
    %get3A_50 = vector.load %arg1[%get3A_47, %get3A_48, %get3A_49] : memref<25x256x128xf32, #tpu.memory_space<vmem>>, vector<1x256x128xf32>
    %get3A_51 = vector.shape_cast %get3A_50 : vector<1x256x128xf32> to vector<256x128xf32>
    %dot_general3A_52 = arith.constant dense<0.000000e+00> : vector<256x512xf32>
    %dot_general3A_53 = tpu.matmul %get3A_51, %get3A_1, %dot_general3A_52 {dimension_numbers = #tpu.dot_dimension_numbers<[1], [0], [0], [1], [0, 0, 1, 1], [], []>, transpose_lhs_hint = false} : vector<256x128xf32>, vector<128x512xf32>, vector<256x512xf32> -> vector<256x512xf32>
    %max3A_54 = arith.maximumf %max3A_46, %dot_general3A_53 : vector<256x512xf32>
    %get3A_55 = arith.constant 7 : index
    %get3A_56 = arith.constant 0 : index
    %get3A_57 = arith.constant 0 : index
    %get3A_58 = vector.load %arg1[%get3A_55, %get3A_56, %get3A_57] : memref<25x256x128xf32, #tpu.memory_space<vmem>>, vector<1x256x128xf32>
    %get3A_59 = vector.shape_cast %get3A_58 : vector<1x256x128xf32> to vector<256x128xf32>
    %dot_general3A_60 = arith.constant dense<0.000000e+00> : vector<256x512xf32>
    %dot_general3A_61 = tpu.matmul %get3A_59, %get3A_1, %dot_general3A_60 {dimension_numbers = #tpu.dot_dimension_numbers<[1], [0], [0], [1], [0, 0, 1, 1], [], []>, transpose_lhs_hint = false} : vector<256x128xf32>, vector<128x512xf32>, vector<256x512xf32> -> vector<256x512xf32>
    %max3A_62 = arith.maximumf %max3A_54, %dot_general3A_61 : vector<256x512xf32>
    %get3A_63 = arith.constant 8 : index
    %get3A_64 = arith.constant 0 : index
    %get3A_65 = arith.constant 0 : index
    %get3A_66 = vector.load %arg1[%get3A_63, %get3A_64, %get3A_65] : memref<25x256x128xf32, #tpu.memory_space<vmem>>, vector<1x256x128xf32>
    %get3A_67 = vector.shape_cast %get3A_66 : vector<1x256x128xf32> to vector<256x128xf32>
    %dot_general3A_68 = arith.constant dense<0.000000e+00> : vector<256x512xf32>
    %dot_general3A_69 = tpu.matmul %get3A_67, %get3A_1, %dot_general3A_68 {dimension_numbers = #tpu.dot_dimension_numbers<[1], [0], [0], [1], [0, 0, 1, 1], [], []>, transpose_lhs_hint = false} : vector<256x128xf32>, vector<128x512xf32>, vector<256x512xf32> -> vector<256x512xf32>
    %max3A_70 = arith.maximumf %max3A_62, %dot_general3A_69 : vector<256x512xf32>
    %get3A_71 = arith.constant 9 : index
    %get3A_72 = arith.constant 0 : index
    %get3A_73 = arith.constant 0 : index
    %get3A_74 = vector.load %arg1[%get3A_71, %get3A_72, %get3A_73] : memref<25x256x128xf32, #tpu.memory_space<vmem>>, vector<1x256x128xf32>
    %get3A_75 = vector.shape_cast %get3A_74 : vector<1x256x128xf32> to vector<256x128xf32>
    %dot_general3A_76 = arith.constant dense<0.000000e+00> : vector<256x512xf32>
    %dot_general3A_77 = tpu.matmul %get3A_75, %get3A_1, %dot_general3A_76 {dimension_numbers = #tpu.dot_dimension_numbers<[1], [0], [0], [1], [0, 0, 1, 1], [], []>, transpose_lhs_hint = false} : vector<256x128xf32>, vector<128x512xf32>, vector<256x512xf32> -> vector<256x512xf32>
    %max3A_78 = arith.maximumf %max3A_70, %dot_general3A_77 : vector<256x512xf32>
    %get3A_79 = arith.constant 10 : index
    %get3A_80 = arith.constant 0 : index
    %get3A_81 = arith.constant 0 : index
    %get3A_82 = vector.load %arg1[%get3A_79, %get3A_80, %get3A_81] : memref<25x256x128xf32, #tpu.memory_space<vmem>>, vector<1x256x128xf32>
    %get3A_83 = vector.shape_cast %get3A_82 : vector<1x256x128xf32> to vector<256x128xf32>
    %dot_general3A_84 = arith.constant dense<0.000000e+00> : vector<256x512xf32>
    %dot_general3A_85 = tpu.matmul %get3A_83, %get3A_1, %dot_general3A_84 {dimension_numbers = #tpu.dot_dimension_numbers<[1], [0], [0], [1], [0, 0, 1, 1], [], []>, transpose_lhs_hint = false} : vector<256x128xf32>, vector<128x512xf32>, vector<256x512xf32> -> vector<256x512xf32>
    %max3A_86 = arith.maximumf %max3A_78, %dot_general3A_85 : vector<256x512xf32>
    %get3A_87 = arith.constant 11 : index
    %get3A_88 = arith.constant 0 : index
    %get3A_89 = arith.constant 0 : index
    %get3A_90 = vector.load %arg1[%get3A_87, %get3A_88, %get3A_89] : memref<25x256x128xf32, #tpu.memory_space<vmem>>, vector<1x256x128xf32>
    %get3A_91 = vector.shape_cast %get3A_90 : vector<1x256x128xf32> to vector<256x128xf32>
    %dot_general3A_92 = arith.constant dense<0.000000e+00> : vector<256x512xf32>
    %dot_general3A_93 = tpu.matmul %get3A_91, %get3A_1, %dot_general3A_92 {dimension_numbers = #tpu.dot_dimension_numbers<[1], [0], [0], [1], [0, 0, 1, 1], [], []>, transpose_lhs_hint = false} : vector<256x128xf32>, vector<128x512xf32>, vector<256x512xf32> -> vector<256x512xf32>
    %max3A_94 = arith.maximumf %max3A_86, %dot_general3A_93 : vector<256x512xf32>
    %get3A_95 = arith.constant 12 : index
    %get3A_96 = arith.constant 0 : index
    %get3A_97 = arith.constant 0 : index
    %get3A_98 = vector.load %arg1[%get3A_95, %get3A_96, %get3A_97] : memref<25x256x128xf32, #tpu.memory_space<vmem>>, vector<1x256x128xf32>
    %get3A_99 = vector.shape_cast %get3A_98 : vector<1x256x128xf32> to vector<256x128xf32>
    %dot_general3A_100 = arith.constant dense<0.000000e+00> : vector<256x512xf32>
    %dot_general3A_101 = tpu.matmul %get3A_99, %get3A_1, %dot_general3A_100 {dimension_numbers = #tpu.dot_dimension_numbers<[1], [0], [0], [1], [0, 0, 1, 1], [], []>, transpose_lhs_hint = false} : vector<256x128xf32>, vector<128x512xf32>, vector<256x512xf32> -> vector<256x512xf32>
    %max3A_102 = arith.maximumf %max3A_94, %dot_general3A_101 : vector<256x512xf32>
    %get3A_103 = arith.constant 13 : index
    %get3A_104 = arith.constant 0 : index
    %get3A_105 = arith.constant 0 : index
    %get3A_106 = vector.load %arg1[%get3A_103, %get3A_104, %get3A_105] : memref<25x256x128xf32, #tpu.memory_space<vmem>>, vector<1x256x128xf32>
    %get3A_107 = vector.shape_cast %get3A_106 : vector<1x256x128xf32> to vector<256x128xf32>
    %dot_general3A_108 = arith.constant dense<0.000000e+00> : vector<256x512xf32>
    %dot_general3A_109 = tpu.matmul %get3A_107, %get3A_1, %dot_general3A_108 {dimension_numbers = #tpu.dot_dimension_numbers<[1], [0], [0], [1], [0, 0, 1, 1], [], []>, transpose_lhs_hint = false} : vector<256x128xf32>, vector<128x512xf32>, vector<256x512xf32> -> vector<256x512xf32>
    %max3A_110 = arith.maximumf %max3A_102, %dot_general3A_109 : vector<256x512xf32>
    %get3A_111 = arith.constant 14 : index
    %get3A_112 = arith.constant 0 : index
    %get3A_113 = arith.constant 0 : index
    %get3A_114 = vector.load %arg1[%get3A_111, %get3A_112, %get3A_113] : memref<25x256x128xf32, #tpu.memory_space<vmem>>, vector<1x256x128xf32>
    %get3A_115 = vector.shape_cast %get3A_114 : vector<1x256x128xf32> to vector<256x128xf32>
    %dot_general3A_116 = arith.constant dense<0.000000e+00> : vector<256x512xf32>
    %dot_general3A_117 = tpu.matmul %get3A_115, %get3A_1, %dot_general3A_116 {dimension_numbers = #tpu.dot_dimension_numbers<[1], [0], [0], [1], [0, 0, 1, 1], [], []>, transpose_lhs_hint = false} : vector<256x128xf32>, vector<128x512xf32>, vector<256x512xf32> -> vector<256x512xf32>
    %max3A_118 = arith.maximumf %max3A_110, %dot_general3A_117 : vector<256x512xf32>
    %get3A_119 = arith.constant 15 : index
    %get3A_120 = arith.constant 0 : index
    %get3A_121 = arith.constant 0 : index
    %get3A_122 = vector.load %arg1[%get3A_119, %get3A_120, %get3A_121] : memref<25x256x128xf32, #tpu.memory_space<vmem>>, vector<1x256x128xf32>
    %get3A_123 = vector.shape_cast %get3A_122 : vector<1x256x128xf32> to vector<256x128xf32>
    %dot_general3A_124 = arith.constant dense<0.000000e+00> : vector<256x512xf32>
    %dot_general3A_125 = tpu.matmul %get3A_123, %get3A_1, %dot_general3A_124 {dimension_numbers = #tpu.dot_dimension_numbers<[1], [0], [0], [1], [0, 0, 1, 1], [], []>, transpose_lhs_hint = false} : vector<256x128xf32>, vector<128x512xf32>, vector<256x512xf32> -> vector<256x512xf32>
    %max3A_126 = arith.maximumf %max3A_118, %dot_general3A_125 : vector<256x512xf32>
    %get3A_127 = arith.constant 16 : index
    %get3A_128 = arith.constant 0 : index
    %get3A_129 = arith.constant 0 : index
    %get3A_130 = vector.load %arg1[%get3A_127, %get3A_128, %get3A_129] : memref<25x256x128xf32, #tpu.memory_space<vmem>>, vector<1x256x128xf32>
    %get3A_131 = vector.shape_cast %get3A_130 : vector<1x256x128xf32> to vector<256x128xf32>
    %dot_general3A_132 = arith.constant dense<0.000000e+00> : vector<256x512xf32>
    %dot_general3A_133 = tpu.matmul %get3A_131, %get3A_1, %dot_general3A_132 {dimension_numbers = #tpu.dot_dimension_numbers<[1], [0], [0], [1], [0, 0, 1, 1], [], []>, transpose_lhs_hint = false} : vector<256x128xf32>, vector<128x512xf32>, vector<256x512xf32> -> vector<256x512xf32>
    %max3A_134 = arith.maximumf %max3A_126, %dot_general3A_133 : vector<256x512xf32>
    %get3A_135 = arith.constant 17 : index
    %get3A_136 = arith.constant 0 : index
    %get3A_137 = arith.constant 0 : index
    %get3A_138 = vector.load %arg1[%get3A_135, %get3A_136, %get3A_137] : memref<25x256x128xf32, #tpu.memory_space<vmem>>, vector<1x256x128xf32>
    %get3A_139 = vector.shape_cast %get3A_138 : vector<1x256x128xf32> to vector<256x128xf32>
    %dot_general3A_140 = arith.constant dense<0.000000e+00> : vector<256x512xf32>
    %dot_general3A_141 = tpu.matmul %get3A_139, %get3A_1, %dot_general3A_140 {dimension_numbers = #tpu.dot_dimension_numbers<[1], [0], [0], [1], [0, 0, 1, 1], [], []>, transpose_lhs_hint = false} : vector<256x128xf32>, vector<128x512xf32>, vector<256x512xf32> -> vector<256x512xf32>
    %max3A_142 = arith.maximumf %max3A_134, %dot_general3A_141 : vector<256x512xf32>
    %get3A_143 = arith.constant 18 : index
    %get3A_144 = arith.constant 0 : index
    %get3A_145 = arith.constant 0 : index
    %get3A_146 = vector.load %arg1[%get3A_143, %get3A_144, %get3A_145] : memref<25x256x128xf32, #tpu.memory_space<vmem>>, vector<1x256x128xf32>
    %get3A_147 = vector.shape_cast %get3A_146 : vector<1x256x128xf32> to vector<256x128xf32>
    %dot_general3A_148 = arith.constant dense<0.000000e+00> : vector<256x512xf32>
    %dot_general3A_149 = tpu.matmul %get3A_147, %get3A_1, %dot_general3A_148 {dimension_numbers = #tpu.dot_dimension_numbers<[1], [0], [0], [1], [0, 0, 1, 1], [], []>, transpose_lhs_hint = false} : vector<256x128xf32>, vector<128x512xf32>, vector<256x512xf32> -> vector<256x512xf32>
    %max3A_150 = arith.maximumf %max3A_142, %dot_general3A_149 : vector<256x512xf32>
    %get3A_151 = arith.constant 19 : index
    %get3A_152 = arith.constant 0 : index
    %get3A_153 = arith.constant 0 : index
    %get3A_154 = vector.load %arg1[%get3A_151, %get3A_152, %get3A_153] : memref<25x256x128xf32, #tpu.memory_space<vmem>>, vector<1x256x128xf32>
    %get3A_155 = vector.shape_cast %get3A_154 : vector<1x256x128xf32> to vector<256x128xf32>
    %dot_general3A_156 = arith.constant dense<0.000000e+00> : vector<256x512xf32>
    %dot_general3A_157 = tpu.matmul %get3A_155, %get3A_1, %dot_general3A_156 {dimension_numbers = #tpu.dot_dimension_numbers<[1], [0], [0], [1], [0, 0, 1, 1], [], []>, transpose_lhs_hint = false} : vector<256x128xf32>, vector<128x512xf32>, vector<256x512xf32> -> vector<256x512xf32>
    %max3A_158 = arith.maximumf %max3A_150, %dot_general3A_157 : vector<256x512xf32>
    %get3A_159 = arith.constant 20 : index
    %get3A_160 = arith.constant 0 : index
    %get3A_161 = arith.constant 0 : index
    %get3A_162 = vector.load %arg1[%get3A_159, %get3A_160, %get3A_161] : memref<25x256x128xf32, #tpu.memory_space<vmem>>, vector<1x256x128xf32>
    %get3A_163 = vector.shape_cast %get3A_162 : vector<1x256x128xf32> to vector<256x128xf32>
    %dot_general3A_164 = arith.constant dense<0.000000e+00> : vector<256x512xf32>
    %dot_general3A_165 = tpu.matmul %get3A_163, %get3A_1, %dot_general3A_164 {dimension_numbers = #tpu.dot_dimension_numbers<[1], [0], [0], [1], [0, 0, 1, 1], [], []>, transpose_lhs_hint = false} : vector<256x128xf32>, vector<128x512xf32>, vector<256x512xf32> -> vector<256x512xf32>
    %max3A_166 = arith.maximumf %max3A_158, %dot_general3A_165 : vector<256x512xf32>
    %get3A_167 = arith.constant 21 : index
    %get3A_168 = arith.constant 0 : index
    %get3A_169 = arith.constant 0 : index
    %get3A_170 = vector.load %arg1[%get3A_167, %get3A_168, %get3A_169] : memref<25x256x128xf32, #tpu.memory_space<vmem>>, vector<1x256x128xf32>
    %get3A_171 = vector.shape_cast %get3A_170 : vector<1x256x128xf32> to vector<256x128xf32>
    %dot_general3A_172 = arith.constant dense<0.000000e+00> : vector<256x512xf32>
    %dot_general3A_173 = tpu.matmul %get3A_171, %get3A_1, %dot_general3A_172 {dimension_numbers = #tpu.dot_dimension_numbers<[1], [0], [0], [1], [0, 0, 1, 1], [], []>, transpose_lhs_hint = false} : vector<256x128xf32>, vector<128x512xf32>, vector<256x512xf32> -> vector<256x512xf32>
    %max3A_174 = arith.maximumf %max3A_166, %dot_general3A_173 : vector<256x512xf32>
    %get3A_175 = arith.constant 22 : index
    %get3A_176 = arith.constant 0 : index
    %get3A_177 = arith.constant 0 : index
    %get3A_178 = vector.load %arg1[%get3A_175, %get3A_176, %get3A_177] : memref<25x256x128xf32, #tpu.memory_space<vmem>>, vector<1x256x128xf32>
    %get3A_179 = vector.shape_cast %get3A_178 : vector<1x256x128xf32> to vector<256x128xf32>
    %dot_general3A_180 = arith.constant dense<0.000000e+00> : vector<256x512xf32>
    %dot_general3A_181 = tpu.matmul %get3A_179, %get3A_1, %dot_general3A_180 {dimension_numbers = #tpu.dot_dimension_numbers<[1], [0], [0], [1], [0, 0, 1, 1], [], []>, transpose_lhs_hint = false} : vector<256x128xf32>, vector<128x512xf32>, vector<256x512xf32> -> vector<256x512xf32>
    %max3A_182 = arith.maximumf %max3A_174, %dot_general3A_181 : vector<256x512xf32>
    %get3A_183 = arith.constant 23 : index
    %get3A_184 = arith.constant 0 : index
    %get3A_185 = arith.constant 0 : index
    %get3A_186 = vector.load %arg1[%get3A_183, %get3A_184, %get3A_185] : memref<25x256x128xf32, #tpu.memory_space<vmem>>, vector<1x256x128xf32>
    %get3A_187 = vector.shape_cast %get3A_186 : vector<1x256x128xf32> to vector<256x128xf32>
    %dot_general3A_188 = arith.constant dense<0.000000e+00> : vector<256x512xf32>
    %dot_general3A_189 = tpu.matmul %get3A_187, %get3A_1, %dot_general3A_188 {dimension_numbers = #tpu.dot_dimension_numbers<[1], [0], [0], [1], [0, 0, 1, 1], [], []>, transpose_lhs_hint = false} : vector<256x128xf32>, vector<128x512xf32>, vector<256x512xf32> -> vector<256x512xf32>
    %max3A_190 = arith.maximumf %max3A_182, %dot_general3A_189 : vector<256x512xf32>
    %get3A_191 = arith.constant 24 : index
    %get3A_192 = arith.constant 0 : index
    %get3A_193 = arith.constant 0 : index
    %get3A_194 = vector.load %arg1[%get3A_191, %get3A_192, %get3A_193] : memref<25x256x128xf32, #tpu.memory_space<vmem>>, vector<1x256x128xf32>
    %get3A_195 = vector.shape_cast %get3A_194 : vector<1x256x128xf32> to vector<256x128xf32>
    %dot_general3A_196 = arith.constant dense<0.000000e+00> : vector<256x512xf32>
    %dot_general3A_197 = tpu.matmul %get3A_195, %get3A_1, %dot_general3A_196 {dimension_numbers = #tpu.dot_dimension_numbers<[1], [0], [0], [1], [0, 0, 1, 1], [], []>, transpose_lhs_hint = false} : vector<256x128xf32>, vector<128x512xf32>, vector<256x512xf32> -> vector<256x512xf32>
    %max3A_198 = arith.maximumf %max3A_190, %dot_general3A_197 : vector<256x512xf32>
    %get3A_199 = arith.constant 0 : index
    %get3A_200 = arith.constant 0 : index
    %get3A_201 = vector.load %arg4[%get3A_199, %get3A_200] : memref<1x512xf32, #tpu.memory_space<vmem>>, vector<1x512xf32>
    %add3A = vector.broadcast %get3A_201 : vector<1x512xf32> to vector<256x512xf32>
    %add3A_202 = arith.addf %max3A_198, %add3A : vector<256x512xf32>
    %max3A_203 = arith.constant 0.000000e+00 : f32
    %max3A_204 = vector.broadcast %max3A_203 : f32 to vector<256x512xf32>
    %max3A_205 = arith.maximumf %add3A_202, %max3A_204 : vector<256x512xf32>
    %add3A_206 = vector.broadcast %get3A_201 : vector<1x512xf32> to vector<256x512xf32>
    %add3A_207 = arith.addf %max3A_78, %add3A_206 : vector<256x512xf32>
    %max3A_208 = arith.constant 0.000000e+00 : f32
    %max3A_209 = vector.broadcast %max3A_208 : f32 to vector<256x512xf32>
    %max3A_210 = arith.maximumf %add3A_207, %max3A_209 : vector<256x512xf32>
    %get3A_211 = arith.constant 0 : index
    %get3A_212 = arith.constant 0 : index
    %get3A_213 = vector.load %arg2[%get3A_211, %get3A_212] : memref<256x128xf32, #tpu.memory_space<vmem>>, vector<256x128xf32>
    %get3A_214 = arith.constant 0 : index
    %get3A_215 = arith.constant 0 : index
    %get3A_216 = vector.load %arg6[%get3A_214, %get3A_215] : memref<128x128xf32, #tpu.memory_space<vmem>>, vector<128x128xf32>
    %dot_general3A_217 = arith.constant dense<0.000000e+00> : vector<256x128xf32>
    %dot_general3A_218 = tpu.matmul %get3A_213, %get3A_216, %dot_general3A_217 {dimension_numbers = #tpu.dot_dimension_numbers<[1], [0], [0], [1], [0, 0, 1, 1], [], []>, transpose_lhs_hint = false} : vector<256x128xf32>, vector<128x128xf32>, vector<256x128xf32> -> vector<256x128xf32>
    %get3A_219 = arith.constant 0 : index
    %get3A_220 = arith.constant 0 : index
    %get3A_221 = vector.load %arg5[%get3A_219, %get3A_220] : memref<512x128xf32, #tpu.memory_space<vmem>>, vector<512x128xf32>
    %dot_general3A_222 = arith.constant dense<0.000000e+00> : vector<256x128xf32>
    %dot_general3A_223 = tpu.matmul %max3A_205, %get3A_221, %dot_general3A_222 {dimension_numbers = #tpu.dot_dimension_numbers<[1], [0], [0], [1], [0, 0, 1, 1], [], []>, transpose_lhs_hint = false} : vector<256x512xf32>, vector<512x128xf32>, vector<256x128xf32> -> vector<256x128xf32>
    %get3A_224 = arith.constant 0 : index
    %get3A_225 = arith.constant 0 : index
    %get3A_226 = vector.load %arg5[%get3A_224, %get3A_225] : memref<512x128xf32, #tpu.memory_space<vmem>>, vector<512x128xf32>
    %dot_general3A_227 = arith.constant dense<0.000000e+00> : vector<256x128xf32>
    %dot_general3A_228 = tpu.matmul %max3A_210, %get3A_226, %dot_general3A_227 {dimension_numbers = #tpu.dot_dimension_numbers<[1], [0], [0], [1], [0, 0, 1, 1], [], []>, transpose_lhs_hint = false} : vector<256x512xf32>, vector<512x128xf32>, vector<256x128xf32> -> vector<256x128xf32>
    %concatenate3A = tpu.concatenate %dot_general3A_218, %dot_general3A_223 in 1 : vector<256x128xf32>, vector<256x128xf32> -> vector<256x256xf32>
    %max3A_229 = arith.constant 0.000000e+00 : f32
    %max3A_230 = vector.broadcast %max3A_229 : f32 to vector<256x256xf32>
    %max3A_231 = arith.maximumf %concatenate3A, %max3A_230 : vector<256x256xf32>
    %concatenate3A_232 = tpu.concatenate %dot_general3A_218, %dot_general3A_228 in 1 : vector<256x128xf32>, vector<256x128xf32> -> vector<256x256xf32>
    %max3A_233 = arith.constant 0.000000e+00 : f32
    %max3A_234 = vector.broadcast %max3A_233 : f32 to vector<256x256xf32>
    %max3A_235 = arith.maximumf %concatenate3A_232, %max3A_234 : vector<256x256xf32>
    %swap3A = arith.constant 0 : index
    %swap3A_236 = arith.constant 0 : index
    %swap3A_237 = vector.load %arg11[%swap3A, %swap3A_236] : memref<256x256xf32, #tpu.memory_space<vmem>>, vector<256x256xf32>
    tpu.vector_store %arg11[%swap3A, %swap3A_236], %max3A_235 {strides = array<i32>} : memref<256x256xf32, #tpu.memory_space<vmem>>, vector<256x256xf32>,
    %get3A_238 = arith.constant 0 : index
    %get3A_239 = arith.constant 0 : index
    %get3A_240 = vector.load %arg7[%get3A_238, %get3A_239] : memref<256x512xf32, #tpu.memory_space<vmem>>, vector<256x512xf32>
    %dot_general3A_241 = arith.constant dense<0.000000e+00> : vector<256x512xf32>
    %dot_general3A_242 = tpu.matmul %max3A_231, %get3A_240, %dot_general3A_241 {dimension_numbers = #tpu.dot_dimension_numbers<[1], [0], [0], [1], [0, 0, 1, 1], [], []>, transpose_lhs_hint = false} : vector<256x256xf32>, vector<256x512xf32>, vector<256x512xf32> -> vector<256x512xf32>
    %get3A_243 = arith.constant 0 : index
    %get3A_244 = arith.constant 0 : index
    %get3A_245 = vector.load %arg8[%get3A_243, %get3A_244] : memref<1x512xf32, #tpu.memory_space<vmem>>, vector<1x512xf32>
    %add3A_246 = vector.broadcast %get3A_245 : vector<1x512xf32> to vector<256x512xf32>
    %add3A_247 = arith.addf %dot_general3A_242, %add3A_246 : vector<256x512xf32>
    %max3A_248 = arith.constant 0.000000e+00 : f32
    %max3A_249 = vector.broadcast %max3A_248 : f32 to vector<256x512xf32>
    %max3A_250 = arith.maximumf %add3A_247, %max3A_249 : vector<256x512xf32>
    %swap3A_251 = arith.constant 0 : index
    %swap3A_252 = arith.constant 0 : index
    %swap3A_253 = vector.load %arg12[%swap3A_251, %swap3A_252] : memref<256x512xf32, #tpu.memory_space<vmem>>, vector<256x512xf32>
    tpu.vector_store %arg12[%swap3A_251, %swap3A_252], %max3A_250 {strides = array<i32>} : memref<256x512xf32, #tpu.memory_space<vmem>>, vector<256x512xf32>,
    return
  }
  func.func @transform_0(%arg0: i32) -> (i32, i32, i32) {
    %c0_i32 = arith.constant 0 : i32
    %c0_i32_0 = arith.constant 0 : i32
    %c0_i32_1 = arith.constant 0 : i32
    return %c0_i32, %arg0, %c0_i32_0 : i32, i32, i32
  }
  func.func @transform_1(%arg0: i32) -> (i32, i32) {
    %add3A = arith.constant 8 : i32
    %add3A_0 = arith.addi %add3A, %arg0 : i32
    %c0_i32 = arith.constant 0 : i32
    %c0_i32_1 = arith.constant 0 : i32
    return %add3A_0, %c0_i32 : i32, i32
  }
  func.func @transform_2(%arg0: i32) -> (i32, i32) {
    %c0_i32 = arith.constant 0 : i32
    %c0_i32_0 = arith.constant 0 : i32
    %c0_i32_1 = arith.constant 0 : i32
    return %c0_i32, %c0_i32_0 : i32, i32
  }
  func.func @transform_3(%arg0: i32) -> (i32, i32) {
    %c0_i32 = arith.constant 0 : i32
    %c0_i32_0 = arith.constant 0 : i32
    %c0_i32_1 = arith.constant 0 : i32
    return %c0_i32, %c0_i32_0 : i32, i32
  }
  func.func @transform_4(%arg0: i32) -> (i32, i32) {
    %c0_i32 = arith.constant 0 : i32
    %c0_i32_0 = arith.constant 0 : i32
    %c0_i32_1 = arith.constant 0 : i32
    return %c0_i32, %c0_i32_0 : i32, i32
  }
  func.func @transform_5(%arg0: i32) -> (i32, i32) {
    %c0_i32 = arith.constant 0 : i32
    %c0_i32_0 = arith.constant 0 : i32
    %c0_i32_1 = arith.constant 0 : i32
    return %c0_i32, %c0_i32_0 : i32, i32
  }
  func.func @transform_6(%arg0: i32) -> (i32, i32) {
    %c0_i32 = arith.constant 0 : i32
    %c0_i32_0 = arith.constant 0 : i32
    %c0_i32_1 = arith.constant 0 : i32
    return %c0_i32, %c0_i32_0 : i32, i32
  }
  func.func @transform_7(%arg0: i32) -> (i32, i32) {
    %c0_i32 = arith.constant 0 : i32
    %c0_i32_0 = arith.constant 0 : i32
    %c0_i32_1 = arith.constant 0 : i32
    return %c0_i32, %c0_i32_0 : i32, i32
  }
  func.func @transform_8(%arg0: i32) -> (i32, i32) {
    %c0_i32 = arith.constant 0 : i32
    %c0_i32_0 = arith.constant 0 : i32
    %c0_i32_1 = arith.constant 0 : i32
    return %c0_i32, %c0_i32_0 : i32, i32
  }
  func.func @transform_9(%arg0: i32) -> (i32, i32) {
    %c0_i32 = arith.constant 0 : i32
    %c0_i32_0 = arith.constant 0 : i32
    %c0_i32_1 = arith.constant 0 : i32
    return %c0_i32, %c0_i32_0 : i32, i32
  }
  func.func @transform_10(%arg0: i32) -> (i32, i32) {
    %add3A = arith.constant 8 : i32
    %add3A_0 = arith.addi %add3A, %arg0 : i32
    %c0_i32 = arith.constant 0 : i32
    %c0_i32_1 = arith.constant 0 : i32
    return %add3A_0, %c0_i32 : i32, i32
  }
  func.func @transform_11(%arg0: i32) -> (i32, i32) {
    %add3A = arith.constant 8 : i32
    %add3A_0 = arith.addi %add3A, %arg0 : i32
    %c0_i32 = arith.constant 0 : i32
    %c0_i32_1 = arith.constant 0 : i32
    return %add3A_0, %c0_i32 : i32, i32
  }
}

module attributes {stable_mosaic.version = 14 : i64} {
  func.func @_fused0_alias_body(%arg0: i32, %arg1: memref<25x256x128xf32, #tpu.memory_space<vmem>>, %arg2: memref<256x128xf32, #tpu.memory_space<vmem>>, %arg3: memref<128x512xf32, #tpu.memory_space<vmem>>, %arg4: memref<1x512xf32, #tpu.memory_space<vmem>>, %arg5: memref<512x128xf32, #tpu.memory_space<vmem>>, %arg6: memref<128x128xf32, #tpu.memory_space<vmem>>, %arg7: memref<256x512xf32, #tpu.memory_space<vmem>>, %arg8: memref<1x512xf32, #tpu.memory_space<vmem>>, %arg9: memref<8x256xf32, #tpu.memory_space<vmem>>, %arg10: memref<8x512xf32, #tpu.memory_space<vmem>>, %arg11: memref<256x256xf32, #tpu.memory_space<vmem>>, %arg12: memref<256x512xf32, #tpu.memory_space<vmem>>) attributes {dimension_semantics = [#tpu.dimension_semantics<arbitrary>], iteration_bounds = array<i64: 8>, scalar_prefetch = 0 : i64, scratch_operands = 0 : i64, tpu.core_type = #tpu.core_type<tc>, window_params = [{transform_indices = @transform_0, window_bounds = array<i64: 25, 256, 128>}, {transform_indices = @transform_1, window_bounds = array<i64: 256, 128>}, {pipeline_mode = #tpu.pipeline_mode<synchronous>, transform_indices = @transform_2, window_bounds = array<i64: 128, 512>}, {pipeline_mode = #tpu.pipeline_mode<synchronous>, transform_indices = @transform_3, window_bounds = array<i64: 1, 512>}, {pipeline_mode = #tpu.pipeline_mode<synchronous>, transform_indices = @transform_4, window_bounds = array<i64: 512, 128>}, {pipeline_mode = #tpu.pipeline_mode<synchronous>, transform_indices = @transform_5, window_bounds = array<i64: 128, 128>}, {pipeline_mode = #tpu.pipeline_mode<synchronous>, transform_indices = @transform_6, window_bounds = array<i64: 256, 512>}, {pipeline_mode = #tpu.pipeline_mode<synchronous>, transform_indices = @transform_7, window_bounds = array<i64: 1, 512>}, {transform_indices = @transform_8, window_bounds = array<i64: 8, 256>}, {transform_indices = @transform_9, window_bounds = array<i64: 8, 512>}, {transform_indices = @transform_10, window_bounds = array<i64: 256, 256>}, {transform_indices = @transform_11, window_bounds = array<i64: 256, 512>}]} {
    %get3A = arith.constant 0 : index
    %get3A_0 = arith.constant 0 : index
    %get3A_1 = vector.load %arg3[%get3A, %get3A_0] : memref<128x512xf32, #tpu.memory_space<vmem>>, vector<128x512xf32>
    %get3A_2 = arith.constant 0 : index
    %get3A_3 = arith.constant 0 : index
    %get3A_4 = arith.constant 0 : index
    %get3A_5 = vector.load %arg1[%get3A_2, %get3A_3, %get3A_4] : memref<25x256x128xf32, #tpu.memory_space<vmem>>, vector<1x256x128xf32>
    %get3A_6 = vector.shape_cast %get3A_5 : vector<1x256x128xf32> to vector<256x128xf32>
    %dot_general3A = arith.constant dense<0.000000e+00> : vector<256x512xf32>
    %dot_general3A_7 = tpu.matmul %get3A_6, %get3A_1, %dot_general3A {dimension_numbers = #tpu.dot_dimension_numbers<[1], [0], [0], [1], [0, 0, 1, 1], [], []>, transpose_lhs_hint = false} : vector<256x128xf32>, vector<128x512xf32>, vector<256x512xf32> -> vector<256x512xf32>
    %get3A_8 = arith.constant 1 : index
    %get3A_9 = arith.constant 0 : index
    %get3A_10 = arith.constant 0 : index
    %get3A_11 = vector.load %arg1[%get3A_8, %get3A_9, %get3A_10] : memref<25x256x128xf32, #tpu.memory_space<vmem>>, vector<1x256x128xf32>
    %get3A_12 = vector.shape_cast %get3A_11 : vector<1x256x128xf32> to vector<256x128xf32>
    %dot_general3A_13 = arith.constant dense<0.000000e+00> : vector<256x512xf32>
    %dot_general3A_14 = tpu.matmul %get3A_12, %get3A_1, %dot_general3A_13 {dimension_numbers = #tpu.dot_dimension_numbers<[1], [0], [0], [1], [0, 0, 1, 1], [], []>, transpose_lhs_hint = false} : vector<256x128xf32>, vector<128x512xf32>, vector<256x512xf32> -> vector<256x512xf32>
    %max3A = arith.maximumf %dot_general3A_7, %dot_general3A_14 : vector<256x512xf32>
    %get3A_15 = arith.constant 2 : index
    %get3A_16 = arith.constant 0 : index
    %get3A_17 = arith.constant 0 : index
    %get3A_18 = vector.load %arg1[%get3A_15, %get3A_16, %get3A_17] : memref<25x256x128xf32, #tpu.memory_space<vmem>>, vector<1x256x128xf32>
    %get3A_19 = vector.shape_cast %get3A_18 : vector<1x256x128xf32> to vector<256x128xf32>
    %dot_general3A_20 = arith.constant dense<0.000000e+00> : vector<256x512xf32>
    %dot_general3A_21 = tpu.matmul %get3A_19, %get3A_1, %dot_general3A_20 {dimension_numbers = #tpu.dot_dimension_numbers<[1], [0], [0], [1], [0, 0, 1, 1], [], []>, transpose_lhs_hint = false} : vector<256x128xf32>, vector<128x512xf32>, vector<256x512xf32> -> vector<256x512xf32>
    %max3A_22 = arith.maximumf %max3A, %dot_general3A_21 : vector<256x512xf32>
    %get3A_23 = arith.constant 3 : index
    %get3A_24 = arith.constant 0 : index
    %get3A_25 = arith.constant 0 : index
    %get3A_26 = vector.load %arg1[%get3A_23, %get3A_24, %get3A_25] : memref<25x256x128xf32, #tpu.memory_space<vmem>>, vector<1x256x128xf32>
    %get3A_27 = vector.shape_cast %get3A_26 : vector<1x256x128xf32> to vector<256x128xf32>
    %dot_general3A_28 = arith.constant dense<0.000000e+00> : vector<256x512xf32>
    %dot_general3A_29 = tpu.matmul %get3A_27, %get3A_1, %dot_general3A_28 {dimension_numbers = #tpu.dot_dimension_numbers<[1], [0], [0], [1], [0, 0, 1, 1], [], []>, transpose_lhs_hint = false} : vector<256x128xf32>, vector<128x512xf32>, vector<256x512xf32> -> vector<256x512xf32>
    %max3A_30 = arith.maximumf %max3A_22, %dot_general3A_29 : vector<256x512xf32>
    %get3A_31 = arith.constant 4 : index
    %get3A_32 = arith.constant 0 : index
    %get3A_33 = arith.constant 0 : index
    %get3A_34 = vector.load %arg1[%get3A_31, %get3A_32, %get3A_33] : memref<25x256x128xf32, #tpu.memory_space<vmem>>, vector<1x256x128xf32>
    %get3A_35 = vector.shape_cast %get3A_34 : vector<1x256x128xf32> to vector<256x128xf32>
    %dot_general3A_36 = arith.constant dense<0.000000e+00> : vector<256x512xf32>
    %dot_general3A_37 = tpu.matmul %get3A_35, %get3A_1, %dot_general3A_36 {dimension_numbers = #tpu.dot_dimension_numbers<[1], [0], [0], [1], [0, 0, 1, 1], [], []>, transpose_lhs_hint = false} : vector<256x128xf32>, vector<128x512xf32>, vector<256x512xf32> -> vector<256x512xf32>
    %max3A_38 = arith.maximumf %max3A_30, %dot_general3A_37 : vector<256x512xf32>
    %get3A_39 = arith.constant 5 : index
    %get3A_40 = arith.constant 0 : index
    %get3A_41 = arith.constant 0 : index
    %get3A_42 = vector.load %arg1[%get3A_39, %get3A_40, %get3A_41] : memref<25x256x128xf32, #tpu.memory_space<vmem>>, vector<1x256x128xf32>
    %get3A_43 = vector.shape_cast %get3A_42 : vector<1x256x128xf32> to vector<256x128xf32>
    %dot_general3A_44 = arith.constant dense<0.000000e+00> : vector<256x512xf32>
    %dot_general3A_45 = tpu.matmul %get3A_43, %get3A_1, %dot_general3A_44 {dimension_numbers = #tpu.dot_dimension_numbers<[1], [0], [0], [1], [0, 0, 1, 1], [], []>, transpose_lhs_hint = false} : vector<256x128xf32>, vector<128x512xf32>, vector<256x512xf32> -> vector<256x512xf32>
    %max3A_46 = arith.maximumf %max3A_38, %dot_general3A_45 : vector<256x512xf32>
    %get3A_47 = arith.constant 6 : index
    %get3A_48 = arith.constant 0 : index
    %get3A_49 = arith.constant 0 : index
    %get3A_50 = vector.load %arg1[%get3A_47, %get3A_48, %get3A_49] : memref<25x256x128xf32, #tpu.memory_space<vmem>>, vector<1x256x128xf32>
    %get3A_51 = vector.shape_cast %get3A_50 : vector<1x256x128xf32> to vector<256x128xf32>
    %dot_general3A_52 = arith.constant dense<0.000000e+00> : vector<256x512xf32>
    %dot_general3A_53 = tpu.matmul %get3A_51, %get3A_1, %dot_general3A_52 {dimension_numbers = #tpu.dot_dimension_numbers<[1], [0], [0], [1], [0, 0, 1, 1], [], []>, transpose_lhs_hint = false} : vector<256x128xf32>, vector<128x512xf32>, vector<256x512xf32> -> vector<256x512xf32>
    %max3A_54 = arith.maximumf %max3A_46, %dot_general3A_53 : vector<256x512xf32>
    %get3A_55 = arith.constant 7 : index
    %get3A_56 = arith.constant 0 : index
    %get3A_57 = arith.constant 0 : index
    %get3A_58 = vector.load %arg1[%get3A_55, %get3A_56, %get3A_57] : memref<25x256x128xf32, #tpu.memory_space<vmem>>, vector<1x256x128xf32>
    %get3A_59 = vector.shape_cast %get3A_58 : vector<1x256x128xf32> to vector<256x128xf32>
    %dot_general3A_60 = arith.constant dense<0.000000e+00> : vector<256x512xf32>
    %dot_general3A_61 = tpu.matmul %get3A_59, %get3A_1, %dot_general3A_60 {dimension_numbers = #tpu.dot_dimension_numbers<[1], [0], [0], [1], [0, 0, 1, 1], [], []>, transpose_lhs_hint = false} : vector<256x128xf32>, vector<128x512xf32>, vector<256x512xf32> -> vector<256x512xf32>
    %max3A_62 = arith.maximumf %max3A_54, %dot_general3A_61 : vector<256x512xf32>
    %get3A_63 = arith.constant 8 : index
    %get3A_64 = arith.constant 0 : index
    %get3A_65 = arith.constant 0 : index
    %get3A_66 = vector.load %arg1[%get3A_63, %get3A_64, %get3A_65] : memref<25x256x128xf32, #tpu.memory_space<vmem>>, vector<1x256x128xf32>
    %get3A_67 = vector.shape_cast %get3A_66 : vector<1x256x128xf32> to vector<256x128xf32>
    %dot_general3A_68 = arith.constant dense<0.000000e+00> : vector<256x512xf32>
    %dot_general3A_69 = tpu.matmul %get3A_67, %get3A_1, %dot_general3A_68 {dimension_numbers = #tpu.dot_dimension_numbers<[1], [0], [0], [1], [0, 0, 1, 1], [], []>, transpose_lhs_hint = false} : vector<256x128xf32>, vector<128x512xf32>, vector<256x512xf32> -> vector<256x512xf32>
    %max3A_70 = arith.maximumf %max3A_62, %dot_general3A_69 : vector<256x512xf32>
    %get3A_71 = arith.constant 9 : index
    %get3A_72 = arith.constant 0 : index
    %get3A_73 = arith.constant 0 : index
    %get3A_74 = vector.load %arg1[%get3A_71, %get3A_72, %get3A_73] : memref<25x256x128xf32, #tpu.memory_space<vmem>>, vector<1x256x128xf32>
    %get3A_75 = vector.shape_cast %get3A_74 : vector<1x256x128xf32> to vector<256x128xf32>
    %dot_general3A_76 = arith.constant dense<0.000000e+00> : vector<256x512xf32>
    %dot_general3A_77 = tpu.matmul %get3A_75, %get3A_1, %dot_general3A_76 {dimension_numbers = #tpu.dot_dimension_numbers<[1], [0], [0], [1], [0, 0, 1, 1], [], []>, transpose_lhs_hint = false} : vector<256x128xf32>, vector<128x512xf32>, vector<256x512xf32> -> vector<256x512xf32>
    %max3A_78 = arith.maximumf %max3A_70, %dot_general3A_77 : vector<256x512xf32>
    %get3A_79 = arith.constant 10 : index
    %get3A_80 = arith.constant 0 : index
    %get3A_81 = arith.constant 0 : index
    %get3A_82 = vector.load %arg1[%get3A_79, %get3A_80, %get3A_81] : memref<25x256x128xf32, #tpu.memory_space<vmem>>, vector<1x256x128xf32>
    %get3A_83 = vector.shape_cast %get3A_82 : vector<1x256x128xf32> to vector<256x128xf32>
    %dot_general3A_84 = arith.constant dense<0.000000e+00> : vector<256x512xf32>
    %dot_general3A_85 = tpu.matmul %get3A_83, %get3A_1, %dot_general3A_84 {dimension_numbers = #tpu.dot_dimension_numbers<[1], [0], [0], [1], [0, 0, 1, 1], [], []>, transpose_lhs_hint = false} : vector<256x128xf32>, vector<128x512xf32>, vector<256x512xf32> -> vector<256x512xf32>
    %max3A_86 = arith.maximumf %max3A_78, %dot_general3A_85 : vector<256x512xf32>
    %get3A_87 = arith.constant 11 : index
    %get3A_88 = arith.constant 0 : index
    %get3A_89 = arith.constant 0 : index
    %get3A_90 = vector.load %arg1[%get3A_87, %get3A_88, %get3A_89] : memref<25x256x128xf32, #tpu.memory_space<vmem>>, vector<1x256x128xf32>
    %get3A_91 = vector.shape_cast %get3A_90 : vector<1x256x128xf32> to vector<256x128xf32>
    %dot_general3A_92 = arith.constant dense<0.000000e+00> : vector<256x512xf32>
    %dot_general3A_93 = tpu.matmul %get3A_91, %get3A_1, %dot_general3A_92 {dimension_numbers = #tpu.dot_dimension_numbers<[1], [0], [0], [1], [0, 0, 1, 1], [], []>, transpose_lhs_hint = false} : vector<256x128xf32>, vector<128x512xf32>, vector<256x512xf32> -> vector<256x512xf32>
    %max3A_94 = arith.maximumf %max3A_86, %dot_general3A_93 : vector<256x512xf32>
    %get3A_95 = arith.constant 12 : index
    %get3A_96 = arith.constant 0 : index
    %get3A_97 = arith.constant 0 : index
    %get3A_98 = vector.load %arg1[%get3A_95, %get3A_96, %get3A_97] : memref<25x256x128xf32, #tpu.memory_space<vmem>>, vector<1x256x128xf32>
    %get3A_99 = vector.shape_cast %get3A_98 : vector<1x256x128xf32> to vector<256x128xf32>
    %dot_general3A_100 = arith.constant dense<0.000000e+00> : vector<256x512xf32>
    %dot_general3A_101 = tpu.matmul %get3A_99, %get3A_1, %dot_general3A_100 {dimension_numbers = #tpu.dot_dimension_numbers<[1], [0], [0], [1], [0, 0, 1, 1], [], []>, transpose_lhs_hint = false} : vector<256x128xf32>, vector<128x512xf32>, vector<256x512xf32> -> vector<256x512xf32>
    %max3A_102 = arith.maximumf %max3A_94, %dot_general3A_101 : vector<256x512xf32>
    %get3A_103 = arith.constant 13 : index
    %get3A_104 = arith.constant 0 : index
    %get3A_105 = arith.constant 0 : index
    %get3A_106 = vector.load %arg1[%get3A_103, %get3A_104, %get3A_105] : memref<25x256x128xf32, #tpu.memory_space<vmem>>, vector<1x256x128xf32>
    %get3A_107 = vector.shape_cast %get3A_106 : vector<1x256x128xf32> to vector<256x128xf32>
    %dot_general3A_108 = arith.constant dense<0.000000e+00> : vector<256x512xf32>
    %dot_general3A_109 = tpu.matmul %get3A_107, %get3A_1, %dot_general3A_108 {dimension_numbers = #tpu.dot_dimension_numbers<[1], [0], [0], [1], [0, 0, 1, 1], [], []>, transpose_lhs_hint = false} : vector<256x128xf32>, vector<128x512xf32>, vector<256x512xf32> -> vector<256x512xf32>
    %max3A_110 = arith.maximumf %max3A_102, %dot_general3A_109 : vector<256x512xf32>
    %get3A_111 = arith.constant 14 : index
    %get3A_112 = arith.constant 0 : index
    %get3A_113 = arith.constant 0 : index
    %get3A_114 = vector.load %arg1[%get3A_111, %get3A_112, %get3A_113] : memref<25x256x128xf32, #tpu.memory_space<vmem>>, vector<1x256x128xf32>
    %get3A_115 = vector.shape_cast %get3A_114 : vector<1x256x128xf32> to vector<256x128xf32>
    %dot_general3A_116 = arith.constant dense<0.000000e+00> : vector<256x512xf32>
    %dot_general3A_117 = tpu.matmul %get3A_115, %get3A_1, %dot_general3A_116 {dimension_numbers = #tpu.dot_dimension_numbers<[1], [0], [0], [1], [0, 0, 1, 1], [], []>, transpose_lhs_hint = false} : vector<256x128xf32>, vector<128x512xf32>, vector<256x512xf32> -> vector<256x512xf32>
    %max3A_118 = arith.maximumf %max3A_110, %dot_general3A_117 : vector<256x512xf32>
    %get3A_119 = arith.constant 15 : index
    %get3A_120 = arith.constant 0 : index
    %get3A_121 = arith.constant 0 : index
    %get3A_122 = vector.load %arg1[%get3A_119, %get3A_120, %get3A_121] : memref<25x256x128xf32, #tpu.memory_space<vmem>>, vector<1x256x128xf32>
    %get3A_123 = vector.shape_cast %get3A_122 : vector<1x256x128xf32> to vector<256x128xf32>
    %dot_general3A_124 = arith.constant dense<0.000000e+00> : vector<256x512xf32>
    %dot_general3A_125 = tpu.matmul %get3A_123, %get3A_1, %dot_general3A_124 {dimension_numbers = #tpu.dot_dimension_numbers<[1], [0], [0], [1], [0, 0, 1, 1], [], []>, transpose_lhs_hint = false} : vector<256x128xf32>, vector<128x512xf32>, vector<256x512xf32> -> vector<256x512xf32>
    %max3A_126 = arith.maximumf %max3A_118, %dot_general3A_125 : vector<256x512xf32>
    %get3A_127 = arith.constant 16 : index
    %get3A_128 = arith.constant 0 : index
    %get3A_129 = arith.constant 0 : index
    %get3A_130 = vector.load %arg1[%get3A_127, %get3A_128, %get3A_129] : memref<25x256x128xf32, #tpu.memory_space<vmem>>, vector<1x256x128xf32>
    %get3A_131 = vector.shape_cast %get3A_130 : vector<1x256x128xf32> to vector<256x128xf32>
    %dot_general3A_132 = arith.constant dense<0.000000e+00> : vector<256x512xf32>
    %dot_general3A_133 = tpu.matmul %get3A_131, %get3A_1, %dot_general3A_132 {dimension_numbers = #tpu.dot_dimension_numbers<[1], [0], [0], [1], [0, 0, 1, 1], [], []>, transpose_lhs_hint = false} : vector<256x128xf32>, vector<128x512xf32>, vector<256x512xf32> -> vector<256x512xf32>
    %max3A_134 = arith.maximumf %max3A_126, %dot_general3A_133 : vector<256x512xf32>
    %get3A_135 = arith.constant 17 : index
    %get3A_136 = arith.constant 0 : index
    %get3A_137 = arith.constant 0 : index
    %get3A_138 = vector.load %arg1[%get3A_135, %get3A_136, %get3A_137] : memref<25x256x128xf32, #tpu.memory_space<vmem>>, vector<1x256x128xf32>
    %get3A_139 = vector.shape_cast %get3A_138 : vector<1x256x128xf32> to vector<256x128xf32>
    %dot_general3A_140 = arith.constant dense<0.000000e+00> : vector<256x512xf32>
    %dot_general3A_141 = tpu.matmul %get3A_139, %get3A_1, %dot_general3A_140 {dimension_numbers = #tpu.dot_dimension_numbers<[1], [0], [0], [1], [0, 0, 1, 1], [], []>, transpose_lhs_hint = false} : vector<256x128xf32>, vector<128x512xf32>, vector<256x512xf32> -> vector<256x512xf32>
    %max3A_142 = arith.maximumf %max3A_134, %dot_general3A_141 : vector<256x512xf32>
    %get3A_143 = arith.constant 18 : index
    %get3A_144 = arith.constant 0 : index
    %get3A_145 = arith.constant 0 : index
    %get3A_146 = vector.load %arg1[%get3A_143, %get3A_144, %get3A_145] : memref<25x256x128xf32, #tpu.memory_space<vmem>>, vector<1x256x128xf32>
    %get3A_147 = vector.shape_cast %get3A_146 : vector<1x256x128xf32> to vector<256x128xf32>
    %dot_general3A_148 = arith.constant dense<0.000000e+00> : vector<256x512xf32>
    %dot_general3A_149 = tpu.matmul %get3A_147, %get3A_1, %dot_general3A_148 {dimension_numbers = #tpu.dot_dimension_numbers<[1], [0], [0], [1], [0, 0, 1, 1], [], []>, transpose_lhs_hint = false} : vector<256x128xf32>, vector<128x512xf32>, vector<256x512xf32> -> vector<256x512xf32>
    %max3A_150 = arith.maximumf %max3A_142, %dot_general3A_149 : vector<256x512xf32>
    %get3A_151 = arith.constant 19 : index
    %get3A_152 = arith.constant 0 : index
    %get3A_153 = arith.constant 0 : index
    %get3A_154 = vector.load %arg1[%get3A_151, %get3A_152, %get3A_153] : memref<25x256x128xf32, #tpu.memory_space<vmem>>, vector<1x256x128xf32>
    %get3A_155 = vector.shape_cast %get3A_154 : vector<1x256x128xf32> to vector<256x128xf32>
    %dot_general3A_156 = arith.constant dense<0.000000e+00> : vector<256x512xf32>
    %dot_general3A_157 = tpu.matmul %get3A_155, %get3A_1, %dot_general3A_156 {dimension_numbers = #tpu.dot_dimension_numbers<[1], [0], [0], [1], [0, 0, 1, 1], [], []>, transpose_lhs_hint = false} : vector<256x128xf32>, vector<128x512xf32>, vector<256x512xf32> -> vector<256x512xf32>
    %max3A_158 = arith.maximumf %max3A_150, %dot_general3A_157 : vector<256x512xf32>
    %get3A_159 = arith.constant 20 : index
    %get3A_160 = arith.constant 0 : index
    %get3A_161 = arith.constant 0 : index
    %get3A_162 = vector.load %arg1[%get3A_159, %get3A_160, %get3A_161] : memref<25x256x128xf32, #tpu.memory_space<vmem>>, vector<1x256x128xf32>
    %get3A_163 = vector.shape_cast %get3A_162 : vector<1x256x128xf32> to vector<256x128xf32>
    %dot_general3A_164 = arith.constant dense<0.000000e+00> : vector<256x512xf32>
    %dot_general3A_165 = tpu.matmul %get3A_163, %get3A_1, %dot_general3A_164 {dimension_numbers = #tpu.dot_dimension_numbers<[1], [0], [0], [1], [0, 0, 1, 1], [], []>, transpose_lhs_hint = false} : vector<256x128xf32>, vector<128x512xf32>, vector<256x512xf32> -> vector<256x512xf32>
    %max3A_166 = arith.maximumf %max3A_158, %dot_general3A_165 : vector<256x512xf32>
    %get3A_167 = arith.constant 21 : index
    %get3A_168 = arith.constant 0 : index
    %get3A_169 = arith.constant 0 : index
    %get3A_170 = vector.load %arg1[%get3A_167, %get3A_168, %get3A_169] : memref<25x256x128xf32, #tpu.memory_space<vmem>>, vector<1x256x128xf32>
    %get3A_171 = vector.shape_cast %get3A_170 : vector<1x256x128xf32> to vector<256x128xf32>
    %dot_general3A_172 = arith.constant dense<0.000000e+00> : vector<256x512xf32>
    %dot_general3A_173 = tpu.matmul %get3A_171, %get3A_1, %dot_general3A_172 {dimension_numbers = #tpu.dot_dimension_numbers<[1], [0], [0], [1], [0, 0, 1, 1], [], []>, transpose_lhs_hint = false} : vector<256x128xf32>, vector<128x512xf32>, vector<256x512xf32> -> vector<256x512xf32>
    %max3A_174 = arith.maximumf %max3A_166, %dot_general3A_173 : vector<256x512xf32>
    %get3A_175 = arith.constant 22 : index
    %get3A_176 = arith.constant 0 : index
    %get3A_177 = arith.constant 0 : index
    %get3A_178 = vector.load %arg1[%get3A_175, %get3A_176, %get3A_177] : memref<25x256x128xf32, #tpu.memory_space<vmem>>, vector<1x256x128xf32>
    %get3A_179 = vector.shape_cast %get3A_178 : vector<1x256x128xf32> to vector<256x128xf32>
    %dot_general3A_180 = arith.constant dense<0.000000e+00> : vector<256x512xf32>
    %dot_general3A_181 = tpu.matmul %get3A_179, %get3A_1, %dot_general3A_180 {dimension_numbers = #tpu.dot_dimension_numbers<[1], [0], [0], [1], [0, 0, 1, 1], [], []>, transpose_lhs_hint = false} : vector<256x128xf32>, vector<128x512xf32>, vector<256x512xf32> -> vector<256x512xf32>
    %max3A_182 = arith.maximumf %max3A_174, %dot_general3A_181 : vector<256x512xf32>
    %get3A_183 = arith.constant 23 : index
    %get3A_184 = arith.constant 0 : index
    %get3A_185 = arith.constant 0 : index
    %get3A_186 = vector.load %arg1[%get3A_183, %get3A_184, %get3A_185] : memref<25x256x128xf32, #tpu.memory_space<vmem>>, vector<1x256x128xf32>
    %get3A_187 = vector.shape_cast %get3A_186 : vector<1x256x128xf32> to vector<256x128xf32>
    %dot_general3A_188 = arith.constant dense<0.000000e+00> : vector<256x512xf32>
    %dot_general3A_189 = tpu.matmul %get3A_187, %get3A_1, %dot_general3A_188 {dimension_numbers = #tpu.dot_dimension_numbers<[1], [0], [0], [1], [0, 0, 1, 1], [], []>, transpose_lhs_hint = false} : vector<256x128xf32>, vector<128x512xf32>, vector<256x512xf32> -> vector<256x512xf32>
    %max3A_190 = arith.maximumf %max3A_182, %dot_general3A_189 : vector<256x512xf32>
    %get3A_191 = arith.constant 24 : index
    %get3A_192 = arith.constant 0 : index
    %get3A_193 = arith.constant 0 : index
    %get3A_194 = vector.load %arg1[%get3A_191, %get3A_192, %get3A_193] : memref<25x256x128xf32, #tpu.memory_space<vmem>>, vector<1x256x128xf32>
    %get3A_195 = vector.shape_cast %get3A_194 : vector<1x256x128xf32> to vector<256x128xf32>
    %dot_general3A_196 = arith.constant dense<0.000000e+00> : vector<256x512xf32>
    %dot_general3A_197 = tpu.matmul %get3A_195, %get3A_1, %dot_general3A_196 {dimension_numbers = #tpu.dot_dimension_numbers<[1], [0], [0], [1], [0, 0, 1, 1], [], []>, transpose_lhs_hint = false} : vector<256x128xf32>, vector<128x512xf32>, vector<256x512xf32> -> vector<256x512xf32>
    %max3A_198 = arith.maximumf %max3A_190, %dot_general3A_197 : vector<256x512xf32>
    %get3A_199 = arith.constant 0 : index
    %get3A_200 = arith.constant 0 : index
    %get3A_201 = vector.load %arg4[%get3A_199, %get3A_200] : memref<1x512xf32, #tpu.memory_space<vmem>>, vector<1x512xf32>
    %add3A = vector.broadcast %get3A_201 : vector<1x512xf32> to vector<256x512xf32>
    %add3A_202 = arith.addf %max3A_198, %add3A : vector<256x512xf32>
    %max3A_203 = arith.constant 0.000000e+00 : f32
    %max3A_204 = vector.broadcast %max3A_203 : f32 to vector<256x512xf32>
    %max3A_205 = arith.maximumf %add3A_202, %max3A_204 : vector<256x512xf32>
    %add3A_206 = vector.broadcast %get3A_201 : vector<1x512xf32> to vector<256x512xf32>
    %add3A_207 = arith.addf %max3A_78, %add3A_206 : vector<256x512xf32>
    %max3A_208 = arith.constant 0.000000e+00 : f32
    %max3A_209 = vector.broadcast %max3A_208 : f32 to vector<256x512xf32>
    %max3A_210 = arith.maximumf %add3A_207, %max3A_209 : vector<256x512xf32>
    %get3A_211 = arith.constant 0 : index
    %get3A_212 = arith.constant 0 : index
    %get3A_213 = vector.load %arg2[%get3A_211, %get3A_212] : memref<256x128xf32, #tpu.memory_space<vmem>>, vector<256x128xf32>
    %get3A_214 = arith.constant 0 : index
    %get3A_215 = arith.constant 0 : index
    %get3A_216 = vector.load %arg6[%get3A_214, %get3A_215] : memref<128x128xf32, #tpu.memory_space<vmem>>, vector<128x128xf32>
    %dot_general3A_217 = arith.constant dense<0.000000e+00> : vector<256x128xf32>
    %dot_general3A_218 = tpu.matmul %get3A_213, %get3A_216, %dot_general3A_217 {dimension_numbers = #tpu.dot_dimension_numbers<[1], [0], [0], [1], [0, 0, 1, 1], [], []>, transpose_lhs_hint = false} : vector<256x128xf32>, vector<128x128xf32>, vector<256x128xf32> -> vector<256x128xf32>
    %get3A_219 = arith.constant 0 : index
    %get3A_220 = arith.constant 0 : index
    %get3A_221 = vector.load %arg5[%get3A_219, %get3A_220] : memref<512x128xf32, #tpu.memory_space<vmem>>, vector<512x128xf32>
    %dot_general3A_222 = arith.constant dense<0.000000e+00> : vector<256x128xf32>
    %dot_general3A_223 = tpu.matmul %max3A_205, %get3A_221, %dot_general3A_222 {dimension_numbers = #tpu.dot_dimension_numbers<[1], [0], [0], [1], [0, 0, 1, 1], [], []>, transpose_lhs_hint = false} : vector<256x512xf32>, vector<512x128xf32>, vector<256x128xf32> -> vector<256x128xf32>
    %get3A_224 = arith.constant 0 : index
    %get3A_225 = arith.constant 0 : index
    %get3A_226 = vector.load %arg5[%get3A_224, %get3A_225] : memref<512x128xf32, #tpu.memory_space<vmem>>, vector<512x128xf32>
    %dot_general3A_227 = arith.constant dense<0.000000e+00> : vector<256x128xf32>
    %dot_general3A_228 = tpu.matmul %max3A_210, %get3A_226, %dot_general3A_227 {dimension_numbers = #tpu.dot_dimension_numbers<[1], [0], [0], [1], [0, 0, 1, 1], [], []>, transpose_lhs_hint = false} : vector<256x512xf32>, vector<512x128xf32>, vector<256x128xf32> -> vector<256x128xf32>
    %concatenate3A = tpu.concatenate %dot_general3A_218, %dot_general3A_223 in 1 : vector<256x128xf32>, vector<256x128xf32> -> vector<256x256xf32>
    %max3A_229 = arith.constant 0.000000e+00 : f32
    %max3A_230 = vector.broadcast %max3A_229 : f32 to vector<256x256xf32>
    %max3A_231 = arith.maximumf %concatenate3A, %max3A_230 : vector<256x256xf32>
    %concatenate3A_232 = tpu.concatenate %dot_general3A_218, %dot_general3A_228 in 1 : vector<256x128xf32>, vector<256x128xf32> -> vector<256x256xf32>
    %max3A_233 = arith.constant 0.000000e+00 : f32
    %max3A_234 = vector.broadcast %max3A_233 : f32 to vector<256x256xf32>
    %max3A_235 = arith.maximumf %concatenate3A_232, %max3A_234 : vector<256x256xf32>
    %swap3A = arith.constant 0 : index
    %swap3A_236 = arith.constant 0 : index
    %swap3A_237 = vector.load %arg11[%swap3A, %swap3A_236] : memref<256x256xf32, #tpu.memory_space<vmem>>, vector<256x256xf32>
    tpu.vector_store %arg11[%swap3A, %swap3A_236], %max3A_235 {strides = array<i32>} : memref<256x256xf32, #tpu.memory_space<vmem>>, vector<256x256xf32>,
    %get3A_238 = arith.constant 0 : index
    %get3A_239 = arith.constant 0 : index
    %get3A_240 = vector.load %arg7[%get3A_238, %get3A_239] : memref<256x512xf32, #tpu.memory_space<vmem>>, vector<256x512xf32>
    %dot_general3A_241 = arith.constant dense<0.000000e+00> : vector<256x512xf32>
    %dot_general3A_242 = tpu.matmul %max3A_231, %get3A_240, %dot_general3A_241 {dimension_numbers = #tpu.dot_dimension_numbers<[1], [0], [0], [1], [0, 0, 1, 1], [], []>, transpose_lhs_hint = false} : vector<256x256xf32>, vector<256x512xf32>, vector<256x512xf32> -> vector<256x512xf32>
    %get3A_243 = arith.constant 0 : index
    %get3A_244 = arith.constant 0 : index
    %get3A_245 = vector.load %arg8[%get3A_243, %get3A_244] : memref<1x512xf32, #tpu.memory_space<vmem>>, vector<1x512xf32>
    %add3A_246 = vector.broadcast %get3A_245 : vector<1x512xf32> to vector<256x512xf32>
    %add3A_247 = arith.addf %dot_general3A_242, %add3A_246 : vector<256x512xf32>
    %max3A_248 = arith.constant 0.000000e+00 : f32
    %max3A_249 = vector.broadcast %max3A_248 : f32 to vector<256x512xf32>
    %max3A_250 = arith.maximumf %add3A_247, %max3A_249 : vector<256x512xf32>
    %swap3A_251 = arith.constant 0 : index
    %swap3A_252 = arith.constant 0 : index
    %swap3A_253 = vector.load %arg12[%swap3A_251, %swap3A_252] : memref<256x512xf32, #tpu.memory_space<vmem>>, vector<256x512xf32>
    tpu.vector_store %arg12[%swap3A_251, %swap3A_252], %max3A_250 {strides = array<i32>} : memref<256x512xf32, #tpu.memory_space<vmem>>, vector<256x512xf32>,
    return
  }
  func.func @transform_0(%arg0: i32) -> (i32, i32, i32) {
    %c0_i32 = arith.constant 0 : i32
    %c0_i32_0 = arith.constant 0 : i32
    %c0_i32_1 = arith.constant 0 : i32
    return %c0_i32, %arg0, %c0_i32_0 : i32, i32, i32
  }
  func.func @transform_1(%arg0: i32) -> (i32, i32) {
    %add3A = arith.constant 16 : i32
    %add3A_0 = arith.addi %add3A, %arg0 : i32
    %c0_i32 = arith.constant 0 : i32
    %c0_i32_1 = arith.constant 0 : i32
    return %add3A_0, %c0_i32 : i32, i32
  }
  func.func @transform_2(%arg0: i32) -> (i32, i32) {
    %c0_i32 = arith.constant 0 : i32
    %c0_i32_0 = arith.constant 0 : i32
    %c0_i32_1 = arith.constant 0 : i32
    return %c0_i32, %c0_i32_0 : i32, i32
  }
  func.func @transform_3(%arg0: i32) -> (i32, i32) {
    %c0_i32 = arith.constant 0 : i32
    %c0_i32_0 = arith.constant 0 : i32
    %c0_i32_1 = arith.constant 0 : i32
    return %c0_i32, %c0_i32_0 : i32, i32
  }
  func.func @transform_4(%arg0: i32) -> (i32, i32) {
    %c0_i32 = arith.constant 0 : i32
    %c0_i32_0 = arith.constant 0 : i32
    %c0_i32_1 = arith.constant 0 : i32
    return %c0_i32, %c0_i32_0 : i32, i32
  }
  func.func @transform_5(%arg0: i32) -> (i32, i32) {
    %c0_i32 = arith.constant 0 : i32
    %c0_i32_0 = arith.constant 0 : i32
    %c0_i32_1 = arith.constant 0 : i32
    return %c0_i32, %c0_i32_0 : i32, i32
  }
  func.func @transform_6(%arg0: i32) -> (i32, i32) {
    %c0_i32 = arith.constant 0 : i32
    %c0_i32_0 = arith.constant 0 : i32
    %c0_i32_1 = arith.constant 0 : i32
    return %c0_i32, %c0_i32_0 : i32, i32
  }
  func.func @transform_7(%arg0: i32) -> (i32, i32) {
    %c0_i32 = arith.constant 0 : i32
    %c0_i32_0 = arith.constant 0 : i32
    %c0_i32_1 = arith.constant 0 : i32
    return %c0_i32, %c0_i32_0 : i32, i32
  }
  func.func @transform_8(%arg0: i32) -> (i32, i32) {
    %c0_i32 = arith.constant 0 : i32
    %c0_i32_0 = arith.constant 0 : i32
    %c0_i32_1 = arith.constant 0 : i32
    return %c0_i32, %c0_i32_0 : i32, i32
  }
  func.func @transform_9(%arg0: i32) -> (i32, i32) {
    %c0_i32 = arith.constant 0 : i32
    %c0_i32_0 = arith.constant 0 : i32
    %c0_i32_1 = arith.constant 0 : i32
    return %c0_i32, %c0_i32_0 : i32, i32
  }
  func.func @transform_10(%arg0: i32) -> (i32, i32) {
    %add3A = arith.constant 16 : i32
    %add3A_0 = arith.addi %add3A, %arg0 : i32
    %c0_i32 = arith.constant 0 : i32
    %c0_i32_1 = arith.constant 0 : i32
    return %add3A_0, %c0_i32 : i32, i32
  }
  func.func @transform_11(%arg0: i32) -> (i32, i32) {
    %add3A = arith.constant 16 : i32
    %add3A_0 = arith.addi %add3A, %arg0 : i32
    %c0_i32 = arith.constant 0 : i32
    %c0_i32_1 = arith.constant 0 : i32
    return %add3A_0, %c0_i32 : i32, i32
  }
}

module attributes {stable_mosaic.version = 14 : i64} {
  func.func @_fused0_alias_body(%arg0: i32, %arg1: memref<25x256x128xf32, #tpu.memory_space<vmem>>, %arg2: memref<256x128xf32, #tpu.memory_space<vmem>>, %arg3: memref<128x512xf32, #tpu.memory_space<vmem>>, %arg4: memref<1x512xf32, #tpu.memory_space<vmem>>, %arg5: memref<512x128xf32, #tpu.memory_space<vmem>>, %arg6: memref<128x128xf32, #tpu.memory_space<vmem>>, %arg7: memref<256x512xf32, #tpu.memory_space<vmem>>, %arg8: memref<1x512xf32, #tpu.memory_space<vmem>>, %arg9: memref<8x256xf32, #tpu.memory_space<vmem>>, %arg10: memref<8x512xf32, #tpu.memory_space<vmem>>, %arg11: memref<256x256xf32, #tpu.memory_space<vmem>>, %arg12: memref<256x512xf32, #tpu.memory_space<vmem>>) attributes {dimension_semantics = [#tpu.dimension_semantics<arbitrary>], iteration_bounds = array<i64: 8>, scalar_prefetch = 0 : i64, scratch_operands = 0 : i64, tpu.core_type = #tpu.core_type<tc>, window_params = [{transform_indices = @transform_0, window_bounds = array<i64: 25, 256, 128>}, {transform_indices = @transform_1, window_bounds = array<i64: 256, 128>}, {pipeline_mode = #tpu.pipeline_mode<synchronous>, transform_indices = @transform_2, window_bounds = array<i64: 128, 512>}, {pipeline_mode = #tpu.pipeline_mode<synchronous>, transform_indices = @transform_3, window_bounds = array<i64: 1, 512>}, {pipeline_mode = #tpu.pipeline_mode<synchronous>, transform_indices = @transform_4, window_bounds = array<i64: 512, 128>}, {pipeline_mode = #tpu.pipeline_mode<synchronous>, transform_indices = @transform_5, window_bounds = array<i64: 128, 128>}, {pipeline_mode = #tpu.pipeline_mode<synchronous>, transform_indices = @transform_6, window_bounds = array<i64: 256, 512>}, {pipeline_mode = #tpu.pipeline_mode<synchronous>, transform_indices = @transform_7, window_bounds = array<i64: 1, 512>}, {transform_indices = @transform_8, window_bounds = array<i64: 8, 256>}, {transform_indices = @transform_9, window_bounds = array<i64: 8, 512>}, {transform_indices = @transform_10, window_bounds = array<i64: 256, 256>}, {transform_indices = @transform_11, window_bounds = array<i64: 256, 512>}]} {
    %get3A = arith.constant 0 : index
    %get3A_0 = arith.constant 0 : index
    %get3A_1 = vector.load %arg3[%get3A, %get3A_0] : memref<128x512xf32, #tpu.memory_space<vmem>>, vector<128x512xf32>
    %get3A_2 = arith.constant 0 : index
    %get3A_3 = arith.constant 0 : index
    %get3A_4 = arith.constant 0 : index
    %get3A_5 = vector.load %arg1[%get3A_2, %get3A_3, %get3A_4] : memref<25x256x128xf32, #tpu.memory_space<vmem>>, vector<1x256x128xf32>
    %get3A_6 = vector.shape_cast %get3A_5 : vector<1x256x128xf32> to vector<256x128xf32>
    %dot_general3A = arith.constant dense<0.000000e+00> : vector<256x512xf32>
    %dot_general3A_7 = tpu.matmul %get3A_6, %get3A_1, %dot_general3A {dimension_numbers = #tpu.dot_dimension_numbers<[1], [0], [0], [1], [0, 0, 1, 1], [], []>, transpose_lhs_hint = false} : vector<256x128xf32>, vector<128x512xf32>, vector<256x512xf32> -> vector<256x512xf32>
    %get3A_8 = arith.constant 1 : index
    %get3A_9 = arith.constant 0 : index
    %get3A_10 = arith.constant 0 : index
    %get3A_11 = vector.load %arg1[%get3A_8, %get3A_9, %get3A_10] : memref<25x256x128xf32, #tpu.memory_space<vmem>>, vector<1x256x128xf32>
    %get3A_12 = vector.shape_cast %get3A_11 : vector<1x256x128xf32> to vector<256x128xf32>
    %dot_general3A_13 = arith.constant dense<0.000000e+00> : vector<256x512xf32>
    %dot_general3A_14 = tpu.matmul %get3A_12, %get3A_1, %dot_general3A_13 {dimension_numbers = #tpu.dot_dimension_numbers<[1], [0], [0], [1], [0, 0, 1, 1], [], []>, transpose_lhs_hint = false} : vector<256x128xf32>, vector<128x512xf32>, vector<256x512xf32> -> vector<256x512xf32>
    %max3A = arith.maximumf %dot_general3A_7, %dot_general3A_14 : vector<256x512xf32>
    %get3A_15 = arith.constant 2 : index
    %get3A_16 = arith.constant 0 : index
    %get3A_17 = arith.constant 0 : index
    %get3A_18 = vector.load %arg1[%get3A_15, %get3A_16, %get3A_17] : memref<25x256x128xf32, #tpu.memory_space<vmem>>, vector<1x256x128xf32>
    %get3A_19 = vector.shape_cast %get3A_18 : vector<1x256x128xf32> to vector<256x128xf32>
    %dot_general3A_20 = arith.constant dense<0.000000e+00> : vector<256x512xf32>
    %dot_general3A_21 = tpu.matmul %get3A_19, %get3A_1, %dot_general3A_20 {dimension_numbers = #tpu.dot_dimension_numbers<[1], [0], [0], [1], [0, 0, 1, 1], [], []>, transpose_lhs_hint = false} : vector<256x128xf32>, vector<128x512xf32>, vector<256x512xf32> -> vector<256x512xf32>
    %max3A_22 = arith.maximumf %max3A, %dot_general3A_21 : vector<256x512xf32>
    %get3A_23 = arith.constant 3 : index
    %get3A_24 = arith.constant 0 : index
    %get3A_25 = arith.constant 0 : index
    %get3A_26 = vector.load %arg1[%get3A_23, %get3A_24, %get3A_25] : memref<25x256x128xf32, #tpu.memory_space<vmem>>, vector<1x256x128xf32>
    %get3A_27 = vector.shape_cast %get3A_26 : vector<1x256x128xf32> to vector<256x128xf32>
    %dot_general3A_28 = arith.constant dense<0.000000e+00> : vector<256x512xf32>
    %dot_general3A_29 = tpu.matmul %get3A_27, %get3A_1, %dot_general3A_28 {dimension_numbers = #tpu.dot_dimension_numbers<[1], [0], [0], [1], [0, 0, 1, 1], [], []>, transpose_lhs_hint = false} : vector<256x128xf32>, vector<128x512xf32>, vector<256x512xf32> -> vector<256x512xf32>
    %max3A_30 = arith.maximumf %max3A_22, %dot_general3A_29 : vector<256x512xf32>
    %get3A_31 = arith.constant 4 : index
    %get3A_32 = arith.constant 0 : index
    %get3A_33 = arith.constant 0 : index
    %get3A_34 = vector.load %arg1[%get3A_31, %get3A_32, %get3A_33] : memref<25x256x128xf32, #tpu.memory_space<vmem>>, vector<1x256x128xf32>
    %get3A_35 = vector.shape_cast %get3A_34 : vector<1x256x128xf32> to vector<256x128xf32>
    %dot_general3A_36 = arith.constant dense<0.000000e+00> : vector<256x512xf32>
    %dot_general3A_37 = tpu.matmul %get3A_35, %get3A_1, %dot_general3A_36 {dimension_numbers = #tpu.dot_dimension_numbers<[1], [0], [0], [1], [0, 0, 1, 1], [], []>, transpose_lhs_hint = false} : vector<256x128xf32>, vector<128x512xf32>, vector<256x512xf32> -> vector<256x512xf32>
    %max3A_38 = arith.maximumf %max3A_30, %dot_general3A_37 : vector<256x512xf32>
    %get3A_39 = arith.constant 5 : index
    %get3A_40 = arith.constant 0 : index
    %get3A_41 = arith.constant 0 : index
    %get3A_42 = vector.load %arg1[%get3A_39, %get3A_40, %get3A_41] : memref<25x256x128xf32, #tpu.memory_space<vmem>>, vector<1x256x128xf32>
    %get3A_43 = vector.shape_cast %get3A_42 : vector<1x256x128xf32> to vector<256x128xf32>
    %dot_general3A_44 = arith.constant dense<0.000000e+00> : vector<256x512xf32>
    %dot_general3A_45 = tpu.matmul %get3A_43, %get3A_1, %dot_general3A_44 {dimension_numbers = #tpu.dot_dimension_numbers<[1], [0], [0], [1], [0, 0, 1, 1], [], []>, transpose_lhs_hint = false} : vector<256x128xf32>, vector<128x512xf32>, vector<256x512xf32> -> vector<256x512xf32>
    %max3A_46 = arith.maximumf %max3A_38, %dot_general3A_45 : vector<256x512xf32>
    %get3A_47 = arith.constant 6 : index
    %get3A_48 = arith.constant 0 : index
    %get3A_49 = arith.constant 0 : index
    %get3A_50 = vector.load %arg1[%get3A_47, %get3A_48, %get3A_49] : memref<25x256x128xf32, #tpu.memory_space<vmem>>, vector<1x256x128xf32>
    %get3A_51 = vector.shape_cast %get3A_50 : vector<1x256x128xf32> to vector<256x128xf32>
    %dot_general3A_52 = arith.constant dense<0.000000e+00> : vector<256x512xf32>
    %dot_general3A_53 = tpu.matmul %get3A_51, %get3A_1, %dot_general3A_52 {dimension_numbers = #tpu.dot_dimension_numbers<[1], [0], [0], [1], [0, 0, 1, 1], [], []>, transpose_lhs_hint = false} : vector<256x128xf32>, vector<128x512xf32>, vector<256x512xf32> -> vector<256x512xf32>
    %max3A_54 = arith.maximumf %max3A_46, %dot_general3A_53 : vector<256x512xf32>
    %get3A_55 = arith.constant 7 : index
    %get3A_56 = arith.constant 0 : index
    %get3A_57 = arith.constant 0 : index
    %get3A_58 = vector.load %arg1[%get3A_55, %get3A_56, %get3A_57] : memref<25x256x128xf32, #tpu.memory_space<vmem>>, vector<1x256x128xf32>
    %get3A_59 = vector.shape_cast %get3A_58 : vector<1x256x128xf32> to vector<256x128xf32>
    %dot_general3A_60 = arith.constant dense<0.000000e+00> : vector<256x512xf32>
    %dot_general3A_61 = tpu.matmul %get3A_59, %get3A_1, %dot_general3A_60 {dimension_numbers = #tpu.dot_dimension_numbers<[1], [0], [0], [1], [0, 0, 1, 1], [], []>, transpose_lhs_hint = false} : vector<256x128xf32>, vector<128x512xf32>, vector<256x512xf32> -> vector<256x512xf32>
    %max3A_62 = arith.maximumf %max3A_54, %dot_general3A_61 : vector<256x512xf32>
    %get3A_63 = arith.constant 8 : index
    %get3A_64 = arith.constant 0 : index
    %get3A_65 = arith.constant 0 : index
    %get3A_66 = vector.load %arg1[%get3A_63, %get3A_64, %get3A_65] : memref<25x256x128xf32, #tpu.memory_space<vmem>>, vector<1x256x128xf32>
    %get3A_67 = vector.shape_cast %get3A_66 : vector<1x256x128xf32> to vector<256x128xf32>
    %dot_general3A_68 = arith.constant dense<0.000000e+00> : vector<256x512xf32>
    %dot_general3A_69 = tpu.matmul %get3A_67, %get3A_1, %dot_general3A_68 {dimension_numbers = #tpu.dot_dimension_numbers<[1], [0], [0], [1], [0, 0, 1, 1], [], []>, transpose_lhs_hint = false} : vector<256x128xf32>, vector<128x512xf32>, vector<256x512xf32> -> vector<256x512xf32>
    %max3A_70 = arith.maximumf %max3A_62, %dot_general3A_69 : vector<256x512xf32>
    %get3A_71 = arith.constant 9 : index
    %get3A_72 = arith.constant 0 : index
    %get3A_73 = arith.constant 0 : index
    %get3A_74 = vector.load %arg1[%get3A_71, %get3A_72, %get3A_73] : memref<25x256x128xf32, #tpu.memory_space<vmem>>, vector<1x256x128xf32>
    %get3A_75 = vector.shape_cast %get3A_74 : vector<1x256x128xf32> to vector<256x128xf32>
    %dot_general3A_76 = arith.constant dense<0.000000e+00> : vector<256x512xf32>
    %dot_general3A_77 = tpu.matmul %get3A_75, %get3A_1, %dot_general3A_76 {dimension_numbers = #tpu.dot_dimension_numbers<[1], [0], [0], [1], [0, 0, 1, 1], [], []>, transpose_lhs_hint = false} : vector<256x128xf32>, vector<128x512xf32>, vector<256x512xf32> -> vector<256x512xf32>
    %max3A_78 = arith.maximumf %max3A_70, %dot_general3A_77 : vector<256x512xf32>
    %get3A_79 = arith.constant 10 : index
    %get3A_80 = arith.constant 0 : index
    %get3A_81 = arith.constant 0 : index
    %get3A_82 = vector.load %arg1[%get3A_79, %get3A_80, %get3A_81] : memref<25x256x128xf32, #tpu.memory_space<vmem>>, vector<1x256x128xf32>
    %get3A_83 = vector.shape_cast %get3A_82 : vector<1x256x128xf32> to vector<256x128xf32>
    %dot_general3A_84 = arith.constant dense<0.000000e+00> : vector<256x512xf32>
    %dot_general3A_85 = tpu.matmul %get3A_83, %get3A_1, %dot_general3A_84 {dimension_numbers = #tpu.dot_dimension_numbers<[1], [0], [0], [1], [0, 0, 1, 1], [], []>, transpose_lhs_hint = false} : vector<256x128xf32>, vector<128x512xf32>, vector<256x512xf32> -> vector<256x512xf32>
    %max3A_86 = arith.maximumf %max3A_78, %dot_general3A_85 : vector<256x512xf32>
    %get3A_87 = arith.constant 11 : index
    %get3A_88 = arith.constant 0 : index
    %get3A_89 = arith.constant 0 : index
    %get3A_90 = vector.load %arg1[%get3A_87, %get3A_88, %get3A_89] : memref<25x256x128xf32, #tpu.memory_space<vmem>>, vector<1x256x128xf32>
    %get3A_91 = vector.shape_cast %get3A_90 : vector<1x256x128xf32> to vector<256x128xf32>
    %dot_general3A_92 = arith.constant dense<0.000000e+00> : vector<256x512xf32>
    %dot_general3A_93 = tpu.matmul %get3A_91, %get3A_1, %dot_general3A_92 {dimension_numbers = #tpu.dot_dimension_numbers<[1], [0], [0], [1], [0, 0, 1, 1], [], []>, transpose_lhs_hint = false} : vector<256x128xf32>, vector<128x512xf32>, vector<256x512xf32> -> vector<256x512xf32>
    %max3A_94 = arith.maximumf %max3A_86, %dot_general3A_93 : vector<256x512xf32>
    %get3A_95 = arith.constant 12 : index
    %get3A_96 = arith.constant 0 : index
    %get3A_97 = arith.constant 0 : index
    %get3A_98 = vector.load %arg1[%get3A_95, %get3A_96, %get3A_97] : memref<25x256x128xf32, #tpu.memory_space<vmem>>, vector<1x256x128xf32>
    %get3A_99 = vector.shape_cast %get3A_98 : vector<1x256x128xf32> to vector<256x128xf32>
    %dot_general3A_100 = arith.constant dense<0.000000e+00> : vector<256x512xf32>
    %dot_general3A_101 = tpu.matmul %get3A_99, %get3A_1, %dot_general3A_100 {dimension_numbers = #tpu.dot_dimension_numbers<[1], [0], [0], [1], [0, 0, 1, 1], [], []>, transpose_lhs_hint = false} : vector<256x128xf32>, vector<128x512xf32>, vector<256x512xf32> -> vector<256x512xf32>
    %max3A_102 = arith.maximumf %max3A_94, %dot_general3A_101 : vector<256x512xf32>
    %get3A_103 = arith.constant 13 : index
    %get3A_104 = arith.constant 0 : index
    %get3A_105 = arith.constant 0 : index
    %get3A_106 = vector.load %arg1[%get3A_103, %get3A_104, %get3A_105] : memref<25x256x128xf32, #tpu.memory_space<vmem>>, vector<1x256x128xf32>
    %get3A_107 = vector.shape_cast %get3A_106 : vector<1x256x128xf32> to vector<256x128xf32>
    %dot_general3A_108 = arith.constant dense<0.000000e+00> : vector<256x512xf32>
    %dot_general3A_109 = tpu.matmul %get3A_107, %get3A_1, %dot_general3A_108 {dimension_numbers = #tpu.dot_dimension_numbers<[1], [0], [0], [1], [0, 0, 1, 1], [], []>, transpose_lhs_hint = false} : vector<256x128xf32>, vector<128x512xf32>, vector<256x512xf32> -> vector<256x512xf32>
    %max3A_110 = arith.maximumf %max3A_102, %dot_general3A_109 : vector<256x512xf32>
    %get3A_111 = arith.constant 14 : index
    %get3A_112 = arith.constant 0 : index
    %get3A_113 = arith.constant 0 : index
    %get3A_114 = vector.load %arg1[%get3A_111, %get3A_112, %get3A_113] : memref<25x256x128xf32, #tpu.memory_space<vmem>>, vector<1x256x128xf32>
    %get3A_115 = vector.shape_cast %get3A_114 : vector<1x256x128xf32> to vector<256x128xf32>
    %dot_general3A_116 = arith.constant dense<0.000000e+00> : vector<256x512xf32>
    %dot_general3A_117 = tpu.matmul %get3A_115, %get3A_1, %dot_general3A_116 {dimension_numbers = #tpu.dot_dimension_numbers<[1], [0], [0], [1], [0, 0, 1, 1], [], []>, transpose_lhs_hint = false} : vector<256x128xf32>, vector<128x512xf32>, vector<256x512xf32> -> vector<256x512xf32>
    %max3A_118 = arith.maximumf %max3A_110, %dot_general3A_117 : vector<256x512xf32>
    %get3A_119 = arith.constant 15 : index
    %get3A_120 = arith.constant 0 : index
    %get3A_121 = arith.constant 0 : index
    %get3A_122 = vector.load %arg1[%get3A_119, %get3A_120, %get3A_121] : memref<25x256x128xf32, #tpu.memory_space<vmem>>, vector<1x256x128xf32>
    %get3A_123 = vector.shape_cast %get3A_122 : vector<1x256x128xf32> to vector<256x128xf32>
    %dot_general3A_124 = arith.constant dense<0.000000e+00> : vector<256x512xf32>
    %dot_general3A_125 = tpu.matmul %get3A_123, %get3A_1, %dot_general3A_124 {dimension_numbers = #tpu.dot_dimension_numbers<[1], [0], [0], [1], [0, 0, 1, 1], [], []>, transpose_lhs_hint = false} : vector<256x128xf32>, vector<128x512xf32>, vector<256x512xf32> -> vector<256x512xf32>
    %max3A_126 = arith.maximumf %max3A_118, %dot_general3A_125 : vector<256x512xf32>
    %get3A_127 = arith.constant 16 : index
    %get3A_128 = arith.constant 0 : index
    %get3A_129 = arith.constant 0 : index
    %get3A_130 = vector.load %arg1[%get3A_127, %get3A_128, %get3A_129] : memref<25x256x128xf32, #tpu.memory_space<vmem>>, vector<1x256x128xf32>
    %get3A_131 = vector.shape_cast %get3A_130 : vector<1x256x128xf32> to vector<256x128xf32>
    %dot_general3A_132 = arith.constant dense<0.000000e+00> : vector<256x512xf32>
    %dot_general3A_133 = tpu.matmul %get3A_131, %get3A_1, %dot_general3A_132 {dimension_numbers = #tpu.dot_dimension_numbers<[1], [0], [0], [1], [0, 0, 1, 1], [], []>, transpose_lhs_hint = false} : vector<256x128xf32>, vector<128x512xf32>, vector<256x512xf32> -> vector<256x512xf32>
    %max3A_134 = arith.maximumf %max3A_126, %dot_general3A_133 : vector<256x512xf32>
    %get3A_135 = arith.constant 17 : index
    %get3A_136 = arith.constant 0 : index
    %get3A_137 = arith.constant 0 : index
    %get3A_138 = vector.load %arg1[%get3A_135, %get3A_136, %get3A_137] : memref<25x256x128xf32, #tpu.memory_space<vmem>>, vector<1x256x128xf32>
    %get3A_139 = vector.shape_cast %get3A_138 : vector<1x256x128xf32> to vector<256x128xf32>
    %dot_general3A_140 = arith.constant dense<0.000000e+00> : vector<256x512xf32>
    %dot_general3A_141 = tpu.matmul %get3A_139, %get3A_1, %dot_general3A_140 {dimension_numbers = #tpu.dot_dimension_numbers<[1], [0], [0], [1], [0, 0, 1, 1], [], []>, transpose_lhs_hint = false} : vector<256x128xf32>, vector<128x512xf32>, vector<256x512xf32> -> vector<256x512xf32>
    %max3A_142 = arith.maximumf %max3A_134, %dot_general3A_141 : vector<256x512xf32>
    %get3A_143 = arith.constant 18 : index
    %get3A_144 = arith.constant 0 : index
    %get3A_145 = arith.constant 0 : index
    %get3A_146 = vector.load %arg1[%get3A_143, %get3A_144, %get3A_145] : memref<25x256x128xf32, #tpu.memory_space<vmem>>, vector<1x256x128xf32>
    %get3A_147 = vector.shape_cast %get3A_146 : vector<1x256x128xf32> to vector<256x128xf32>
    %dot_general3A_148 = arith.constant dense<0.000000e+00> : vector<256x512xf32>
    %dot_general3A_149 = tpu.matmul %get3A_147, %get3A_1, %dot_general3A_148 {dimension_numbers = #tpu.dot_dimension_numbers<[1], [0], [0], [1], [0, 0, 1, 1], [], []>, transpose_lhs_hint = false} : vector<256x128xf32>, vector<128x512xf32>, vector<256x512xf32> -> vector<256x512xf32>
    %max3A_150 = arith.maximumf %max3A_142, %dot_general3A_149 : vector<256x512xf32>
    %get3A_151 = arith.constant 19 : index
    %get3A_152 = arith.constant 0 : index
    %get3A_153 = arith.constant 0 : index
    %get3A_154 = vector.load %arg1[%get3A_151, %get3A_152, %get3A_153] : memref<25x256x128xf32, #tpu.memory_space<vmem>>, vector<1x256x128xf32>
    %get3A_155 = vector.shape_cast %get3A_154 : vector<1x256x128xf32> to vector<256x128xf32>
    %dot_general3A_156 = arith.constant dense<0.000000e+00> : vector<256x512xf32>
    %dot_general3A_157 = tpu.matmul %get3A_155, %get3A_1, %dot_general3A_156 {dimension_numbers = #tpu.dot_dimension_numbers<[1], [0], [0], [1], [0, 0, 1, 1], [], []>, transpose_lhs_hint = false} : vector<256x128xf32>, vector<128x512xf32>, vector<256x512xf32> -> vector<256x512xf32>
    %max3A_158 = arith.maximumf %max3A_150, %dot_general3A_157 : vector<256x512xf32>
    %get3A_159 = arith.constant 20 : index
    %get3A_160 = arith.constant 0 : index
    %get3A_161 = arith.constant 0 : index
    %get3A_162 = vector.load %arg1[%get3A_159, %get3A_160, %get3A_161] : memref<25x256x128xf32, #tpu.memory_space<vmem>>, vector<1x256x128xf32>
    %get3A_163 = vector.shape_cast %get3A_162 : vector<1x256x128xf32> to vector<256x128xf32>
    %dot_general3A_164 = arith.constant dense<0.000000e+00> : vector<256x512xf32>
    %dot_general3A_165 = tpu.matmul %get3A_163, %get3A_1, %dot_general3A_164 {dimension_numbers = #tpu.dot_dimension_numbers<[1], [0], [0], [1], [0, 0, 1, 1], [], []>, transpose_lhs_hint = false} : vector<256x128xf32>, vector<128x512xf32>, vector<256x512xf32> -> vector<256x512xf32>
    %max3A_166 = arith.maximumf %max3A_158, %dot_general3A_165 : vector<256x512xf32>
    %get3A_167 = arith.constant 21 : index
    %get3A_168 = arith.constant 0 : index
    %get3A_169 = arith.constant 0 : index
    %get3A_170 = vector.load %arg1[%get3A_167, %get3A_168, %get3A_169] : memref<25x256x128xf32, #tpu.memory_space<vmem>>, vector<1x256x128xf32>
    %get3A_171 = vector.shape_cast %get3A_170 : vector<1x256x128xf32> to vector<256x128xf32>
    %dot_general3A_172 = arith.constant dense<0.000000e+00> : vector<256x512xf32>
    %dot_general3A_173 = tpu.matmul %get3A_171, %get3A_1, %dot_general3A_172 {dimension_numbers = #tpu.dot_dimension_numbers<[1], [0], [0], [1], [0, 0, 1, 1], [], []>, transpose_lhs_hint = false} : vector<256x128xf32>, vector<128x512xf32>, vector<256x512xf32> -> vector<256x512xf32>
    %max3A_174 = arith.maximumf %max3A_166, %dot_general3A_173 : vector<256x512xf32>
    %get3A_175 = arith.constant 22 : index
    %get3A_176 = arith.constant 0 : index
    %get3A_177 = arith.constant 0 : index
    %get3A_178 = vector.load %arg1[%get3A_175, %get3A_176, %get3A_177] : memref<25x256x128xf32, #tpu.memory_space<vmem>>, vector<1x256x128xf32>
    %get3A_179 = vector.shape_cast %get3A_178 : vector<1x256x128xf32> to vector<256x128xf32>
    %dot_general3A_180 = arith.constant dense<0.000000e+00> : vector<256x512xf32>
    %dot_general3A_181 = tpu.matmul %get3A_179, %get3A_1, %dot_general3A_180 {dimension_numbers = #tpu.dot_dimension_numbers<[1], [0], [0], [1], [0, 0, 1, 1], [], []>, transpose_lhs_hint = false} : vector<256x128xf32>, vector<128x512xf32>, vector<256x512xf32> -> vector<256x512xf32>
    %max3A_182 = arith.maximumf %max3A_174, %dot_general3A_181 : vector<256x512xf32>
    %get3A_183 = arith.constant 23 : index
    %get3A_184 = arith.constant 0 : index
    %get3A_185 = arith.constant 0 : index
    %get3A_186 = vector.load %arg1[%get3A_183, %get3A_184, %get3A_185] : memref<25x256x128xf32, #tpu.memory_space<vmem>>, vector<1x256x128xf32>
    %get3A_187 = vector.shape_cast %get3A_186 : vector<1x256x128xf32> to vector<256x128xf32>
    %dot_general3A_188 = arith.constant dense<0.000000e+00> : vector<256x512xf32>
    %dot_general3A_189 = tpu.matmul %get3A_187, %get3A_1, %dot_general3A_188 {dimension_numbers = #tpu.dot_dimension_numbers<[1], [0], [0], [1], [0, 0, 1, 1], [], []>, transpose_lhs_hint = false} : vector<256x128xf32>, vector<128x512xf32>, vector<256x512xf32> -> vector<256x512xf32>
    %max3A_190 = arith.maximumf %max3A_182, %dot_general3A_189 : vector<256x512xf32>
    %get3A_191 = arith.constant 24 : index
    %get3A_192 = arith.constant 0 : index
    %get3A_193 = arith.constant 0 : index
    %get3A_194 = vector.load %arg1[%get3A_191, %get3A_192, %get3A_193] : memref<25x256x128xf32, #tpu.memory_space<vmem>>, vector<1x256x128xf32>
    %get3A_195 = vector.shape_cast %get3A_194 : vector<1x256x128xf32> to vector<256x128xf32>
    %dot_general3A_196 = arith.constant dense<0.000000e+00> : vector<256x512xf32>
    %dot_general3A_197 = tpu.matmul %get3A_195, %get3A_1, %dot_general3A_196 {dimension_numbers = #tpu.dot_dimension_numbers<[1], [0], [0], [1], [0, 0, 1, 1], [], []>, transpose_lhs_hint = false} : vector<256x128xf32>, vector<128x512xf32>, vector<256x512xf32> -> vector<256x512xf32>
    %max3A_198 = arith.maximumf %max3A_190, %dot_general3A_197 : vector<256x512xf32>
    %get3A_199 = arith.constant 0 : index
    %get3A_200 = arith.constant 0 : index
    %get3A_201 = vector.load %arg4[%get3A_199, %get3A_200] : memref<1x512xf32, #tpu.memory_space<vmem>>, vector<1x512xf32>
    %add3A = vector.broadcast %get3A_201 : vector<1x512xf32> to vector<256x512xf32>
    %add3A_202 = arith.addf %max3A_198, %add3A : vector<256x512xf32>
    %max3A_203 = arith.constant 0.000000e+00 : f32
    %max3A_204 = vector.broadcast %max3A_203 : f32 to vector<256x512xf32>
    %max3A_205 = arith.maximumf %add3A_202, %max3A_204 : vector<256x512xf32>
    %add3A_206 = vector.broadcast %get3A_201 : vector<1x512xf32> to vector<256x512xf32>
    %add3A_207 = arith.addf %max3A_78, %add3A_206 : vector<256x512xf32>
    %max3A_208 = arith.constant 0.000000e+00 : f32
    %max3A_209 = vector.broadcast %max3A_208 : f32 to vector<256x512xf32>
    %max3A_210 = arith.maximumf %add3A_207, %max3A_209 : vector<256x512xf32>
    %get3A_211 = arith.constant 0 : index
    %get3A_212 = arith.constant 0 : index
    %get3A_213 = vector.load %arg2[%get3A_211, %get3A_212] : memref<256x128xf32, #tpu.memory_space<vmem>>, vector<256x128xf32>
    %get3A_214 = arith.constant 0 : index
    %get3A_215 = arith.constant 0 : index
    %get3A_216 = vector.load %arg6[%get3A_214, %get3A_215] : memref<128x128xf32, #tpu.memory_space<vmem>>, vector<128x128xf32>
    %dot_general3A_217 = arith.constant dense<0.000000e+00> : vector<256x128xf32>
    %dot_general3A_218 = tpu.matmul %get3A_213, %get3A_216, %dot_general3A_217 {dimension_numbers = #tpu.dot_dimension_numbers<[1], [0], [0], [1], [0, 0, 1, 1], [], []>, transpose_lhs_hint = false} : vector<256x128xf32>, vector<128x128xf32>, vector<256x128xf32> -> vector<256x128xf32>
    %get3A_219 = arith.constant 0 : index
    %get3A_220 = arith.constant 0 : index
    %get3A_221 = vector.load %arg5[%get3A_219, %get3A_220] : memref<512x128xf32, #tpu.memory_space<vmem>>, vector<512x128xf32>
    %dot_general3A_222 = arith.constant dense<0.000000e+00> : vector<256x128xf32>
    %dot_general3A_223 = tpu.matmul %max3A_205, %get3A_221, %dot_general3A_222 {dimension_numbers = #tpu.dot_dimension_numbers<[1], [0], [0], [1], [0, 0, 1, 1], [], []>, transpose_lhs_hint = false} : vector<256x512xf32>, vector<512x128xf32>, vector<256x128xf32> -> vector<256x128xf32>
    %get3A_224 = arith.constant 0 : index
    %get3A_225 = arith.constant 0 : index
    %get3A_226 = vector.load %arg5[%get3A_224, %get3A_225] : memref<512x128xf32, #tpu.memory_space<vmem>>, vector<512x128xf32>
    %dot_general3A_227 = arith.constant dense<0.000000e+00> : vector<256x128xf32>
    %dot_general3A_228 = tpu.matmul %max3A_210, %get3A_226, %dot_general3A_227 {dimension_numbers = #tpu.dot_dimension_numbers<[1], [0], [0], [1], [0, 0, 1, 1], [], []>, transpose_lhs_hint = false} : vector<256x512xf32>, vector<512x128xf32>, vector<256x128xf32> -> vector<256x128xf32>
    %concatenate3A = tpu.concatenate %dot_general3A_218, %dot_general3A_223 in 1 : vector<256x128xf32>, vector<256x128xf32> -> vector<256x256xf32>
    %max3A_229 = arith.constant 0.000000e+00 : f32
    %max3A_230 = vector.broadcast %max3A_229 : f32 to vector<256x256xf32>
    %max3A_231 = arith.maximumf %concatenate3A, %max3A_230 : vector<256x256xf32>
    %concatenate3A_232 = tpu.concatenate %dot_general3A_218, %dot_general3A_228 in 1 : vector<256x128xf32>, vector<256x128xf32> -> vector<256x256xf32>
    %max3A_233 = arith.constant 0.000000e+00 : f32
    %max3A_234 = vector.broadcast %max3A_233 : f32 to vector<256x256xf32>
    %max3A_235 = arith.maximumf %concatenate3A_232, %max3A_234 : vector<256x256xf32>
    %swap3A = arith.constant 0 : index
    %swap3A_236 = arith.constant 0 : index
    %swap3A_237 = vector.load %arg11[%swap3A, %swap3A_236] : memref<256x256xf32, #tpu.memory_space<vmem>>, vector<256x256xf32>
    tpu.vector_store %arg11[%swap3A, %swap3A_236], %max3A_235 {strides = array<i32>} : memref<256x256xf32, #tpu.memory_space<vmem>>, vector<256x256xf32>,
    %get3A_238 = arith.constant 0 : index
    %get3A_239 = arith.constant 0 : index
    %get3A_240 = vector.load %arg7[%get3A_238, %get3A_239] : memref<256x512xf32, #tpu.memory_space<vmem>>, vector<256x512xf32>
    %dot_general3A_241 = arith.constant dense<0.000000e+00> : vector<256x512xf32>
    %dot_general3A_242 = tpu.matmul %max3A_231, %get3A_240, %dot_general3A_241 {dimension_numbers = #tpu.dot_dimension_numbers<[1], [0], [0], [1], [0, 0, 1, 1], [], []>, transpose_lhs_hint = false} : vector<256x256xf32>, vector<256x512xf32>, vector<256x512xf32> -> vector<256x512xf32>
    %get3A_243 = arith.constant 0 : index
    %get3A_244 = arith.constant 0 : index
    %get3A_245 = vector.load %arg8[%get3A_243, %get3A_244] : memref<1x512xf32, #tpu.memory_space<vmem>>, vector<1x512xf32>
    %add3A_246 = vector.broadcast %get3A_245 : vector<1x512xf32> to vector<256x512xf32>
    %add3A_247 = arith.addf %dot_general3A_242, %add3A_246 : vector<256x512xf32>
    %max3A_248 = arith.constant 0.000000e+00 : f32
    %max3A_249 = vector.broadcast %max3A_248 : f32 to vector<256x512xf32>
    %max3A_250 = arith.maximumf %add3A_247, %max3A_249 : vector<256x512xf32>
    %swap3A_251 = arith.constant 0 : index
    %swap3A_252 = arith.constant 0 : index
    %swap3A_253 = vector.load %arg12[%swap3A_251, %swap3A_252] : memref<256x512xf32, #tpu.memory_space<vmem>>, vector<256x512xf32>
    tpu.vector_store %arg12[%swap3A_251, %swap3A_252], %max3A_250 {strides = array<i32>} : memref<256x512xf32, #tpu.memory_space<vmem>>, vector<256x512xf32>,
    return
  }
  func.func @transform_0(%arg0: i32) -> (i32, i32, i32) {
    %c0_i32 = arith.constant 0 : i32
    %c0_i32_0 = arith.constant 0 : i32
    %c0_i32_1 = arith.constant 0 : i32
    return %c0_i32, %arg0, %c0_i32_0 : i32, i32, i32
  }
  func.func @transform_1(%arg0: i32) -> (i32, i32) {
    %add3A = arith.constant 24 : i32
    %add3A_0 = arith.addi %add3A, %arg0 : i32
    %c0_i32 = arith.constant 0 : i32
    %c0_i32_1 = arith.constant 0 : i32
    return %add3A_0, %c0_i32 : i32, i32
  }
  func.func @transform_2(%arg0: i32) -> (i32, i32) {
    %c0_i32 = arith.constant 0 : i32
    %c0_i32_0 = arith.constant 0 : i32
    %c0_i32_1 = arith.constant 0 : i32
    return %c0_i32, %c0_i32_0 : i32, i32
  }
  func.func @transform_3(%arg0: i32) -> (i32, i32) {
    %c0_i32 = arith.constant 0 : i32
    %c0_i32_0 = arith.constant 0 : i32
    %c0_i32_1 = arith.constant 0 : i32
    return %c0_i32, %c0_i32_0 : i32, i32
  }
  func.func @transform_4(%arg0: i32) -> (i32, i32) {
    %c0_i32 = arith.constant 0 : i32
    %c0_i32_0 = arith.constant 0 : i32
    %c0_i32_1 = arith.constant 0 : i32
    return %c0_i32, %c0_i32_0 : i32, i32
  }
  func.func @transform_5(%arg0: i32) -> (i32, i32) {
    %c0_i32 = arith.constant 0 : i32
    %c0_i32_0 = arith.constant 0 : i32
    %c0_i32_1 = arith.constant 0 : i32
    return %c0_i32, %c0_i32_0 : i32, i32
  }
  func.func @transform_6(%arg0: i32) -> (i32, i32) {
    %c0_i32 = arith.constant 0 : i32
    %c0_i32_0 = arith.constant 0 : i32
    %c0_i32_1 = arith.constant 0 : i32
    return %c0_i32, %c0_i32_0 : i32, i32
  }
  func.func @transform_7(%arg0: i32) -> (i32, i32) {
    %c0_i32 = arith.constant 0 : i32
    %c0_i32_0 = arith.constant 0 : i32
    %c0_i32_1 = arith.constant 0 : i32
    return %c0_i32, %c0_i32_0 : i32, i32
  }
  func.func @transform_8(%arg0: i32) -> (i32, i32) {
    %c0_i32 = arith.constant 0 : i32
    %c0_i32_0 = arith.constant 0 : i32
    %c0_i32_1 = arith.constant 0 : i32
    return %c0_i32, %c0_i32_0 : i32, i32
  }
  func.func @transform_9(%arg0: i32) -> (i32, i32) {
    %c0_i32 = arith.constant 0 : i32
    %c0_i32_0 = arith.constant 0 : i32
    %c0_i32_1 = arith.constant 0 : i32
    return %c0_i32, %c0_i32_0 : i32, i32
  }
  func.func @transform_10(%arg0: i32) -> (i32, i32) {
    %add3A = arith.constant 24 : i32
    %add3A_0 = arith.addi %add3A, %arg0 : i32
    %c0_i32 = arith.constant 0 : i32
    %c0_i32_1 = arith.constant 0 : i32
    return %add3A_0, %c0_i32 : i32, i32
  }
  func.func @transform_11(%arg0: i32) -> (i32, i32) {
    %add3A = arith.constant 24 : i32
    %add3A_0 = arith.addi %add3A, %arg0 : i32
    %c0_i32 = arith.constant 0 : i32
    %c0_i32_1 = arith.constant 0 : i32
    return %add3A_0, %c0_i32 : i32, i32
  }
}

module attributes {stable_mosaic.version = 14 : i64} {
  func.func @_fused0_alias_body(%arg0: i32, %arg1: memref<25x256x128xf32, #tpu.memory_space<vmem>>, %arg2: memref<256x128xf32, #tpu.memory_space<vmem>>, %arg3: memref<128x512xf32, #tpu.memory_space<vmem>>, %arg4: memref<1x512xf32, #tpu.memory_space<vmem>>, %arg5: memref<512x128xf32, #tpu.memory_space<vmem>>, %arg6: memref<128x128xf32, #tpu.memory_space<vmem>>, %arg7: memref<256x512xf32, #tpu.memory_space<vmem>>, %arg8: memref<1x512xf32, #tpu.memory_space<vmem>>, %arg9: memref<8x256xf32, #tpu.memory_space<vmem>>, %arg10: memref<8x512xf32, #tpu.memory_space<vmem>>, %arg11: memref<256x256xf32, #tpu.memory_space<vmem>>, %arg12: memref<256x512xf32, #tpu.memory_space<vmem>>) attributes {dimension_semantics = [#tpu.dimension_semantics<arbitrary>], iteration_bounds = array<i64: 8>, scalar_prefetch = 0 : i64, scratch_operands = 0 : i64, tpu.core_type = #tpu.core_type<tc>, window_params = [{transform_indices = @transform_0, window_bounds = array<i64: 25, 256, 128>}, {transform_indices = @transform_1, window_bounds = array<i64: 256, 128>}, {pipeline_mode = #tpu.pipeline_mode<synchronous>, transform_indices = @transform_2, window_bounds = array<i64: 128, 512>}, {pipeline_mode = #tpu.pipeline_mode<synchronous>, transform_indices = @transform_3, window_bounds = array<i64: 1, 512>}, {pipeline_mode = #tpu.pipeline_mode<synchronous>, transform_indices = @transform_4, window_bounds = array<i64: 512, 128>}, {pipeline_mode = #tpu.pipeline_mode<synchronous>, transform_indices = @transform_5, window_bounds = array<i64: 128, 128>}, {pipeline_mode = #tpu.pipeline_mode<synchronous>, transform_indices = @transform_6, window_bounds = array<i64: 256, 512>}, {pipeline_mode = #tpu.pipeline_mode<synchronous>, transform_indices = @transform_7, window_bounds = array<i64: 1, 512>}, {transform_indices = @transform_8, window_bounds = array<i64: 8, 256>}, {transform_indices = @transform_9, window_bounds = array<i64: 8, 512>}, {transform_indices = @transform_10, window_bounds = array<i64: 256, 256>}, {transform_indices = @transform_11, window_bounds = array<i64: 256, 512>}]} {
    %get3A = arith.constant 0 : index
    %get3A_0 = arith.constant 0 : index
    %get3A_1 = vector.load %arg3[%get3A, %get3A_0] : memref<128x512xf32, #tpu.memory_space<vmem>>, vector<128x512xf32>
    %get3A_2 = arith.constant 0 : index
    %get3A_3 = arith.constant 0 : index
    %get3A_4 = arith.constant 0 : index
    %get3A_5 = vector.load %arg1[%get3A_2, %get3A_3, %get3A_4] : memref<25x256x128xf32, #tpu.memory_space<vmem>>, vector<1x256x128xf32>
    %get3A_6 = vector.shape_cast %get3A_5 : vector<1x256x128xf32> to vector<256x128xf32>
    %dot_general3A = arith.constant dense<0.000000e+00> : vector<256x512xf32>
    %dot_general3A_7 = tpu.matmul %get3A_6, %get3A_1, %dot_general3A {dimension_numbers = #tpu.dot_dimension_numbers<[1], [0], [0], [1], [0, 0, 1, 1], [], []>, transpose_lhs_hint = false} : vector<256x128xf32>, vector<128x512xf32>, vector<256x512xf32> -> vector<256x512xf32>
    %get3A_8 = arith.constant 1 : index
    %get3A_9 = arith.constant 0 : index
    %get3A_10 = arith.constant 0 : index
    %get3A_11 = vector.load %arg1[%get3A_8, %get3A_9, %get3A_10] : memref<25x256x128xf32, #tpu.memory_space<vmem>>, vector<1x256x128xf32>
    %get3A_12 = vector.shape_cast %get3A_11 : vector<1x256x128xf32> to vector<256x128xf32>
    %dot_general3A_13 = arith.constant dense<0.000000e+00> : vector<256x512xf32>
    %dot_general3A_14 = tpu.matmul %get3A_12, %get3A_1, %dot_general3A_13 {dimension_numbers = #tpu.dot_dimension_numbers<[1], [0], [0], [1], [0, 0, 1, 1], [], []>, transpose_lhs_hint = false} : vector<256x128xf32>, vector<128x512xf32>, vector<256x512xf32> -> vector<256x512xf32>
    %max3A = arith.maximumf %dot_general3A_7, %dot_general3A_14 : vector<256x512xf32>
    %get3A_15 = arith.constant 2 : index
    %get3A_16 = arith.constant 0 : index
    %get3A_17 = arith.constant 0 : index
    %get3A_18 = vector.load %arg1[%get3A_15, %get3A_16, %get3A_17] : memref<25x256x128xf32, #tpu.memory_space<vmem>>, vector<1x256x128xf32>
    %get3A_19 = vector.shape_cast %get3A_18 : vector<1x256x128xf32> to vector<256x128xf32>
    %dot_general3A_20 = arith.constant dense<0.000000e+00> : vector<256x512xf32>
    %dot_general3A_21 = tpu.matmul %get3A_19, %get3A_1, %dot_general3A_20 {dimension_numbers = #tpu.dot_dimension_numbers<[1], [0], [0], [1], [0, 0, 1, 1], [], []>, transpose_lhs_hint = false} : vector<256x128xf32>, vector<128x512xf32>, vector<256x512xf32> -> vector<256x512xf32>
    %max3A_22 = arith.maximumf %max3A, %dot_general3A_21 : vector<256x512xf32>
    %get3A_23 = arith.constant 3 : index
    %get3A_24 = arith.constant 0 : index
    %get3A_25 = arith.constant 0 : index
    %get3A_26 = vector.load %arg1[%get3A_23, %get3A_24, %get3A_25] : memref<25x256x128xf32, #tpu.memory_space<vmem>>, vector<1x256x128xf32>
    %get3A_27 = vector.shape_cast %get3A_26 : vector<1x256x128xf32> to vector<256x128xf32>
    %dot_general3A_28 = arith.constant dense<0.000000e+00> : vector<256x512xf32>
    %dot_general3A_29 = tpu.matmul %get3A_27, %get3A_1, %dot_general3A_28 {dimension_numbers = #tpu.dot_dimension_numbers<[1], [0], [0], [1], [0, 0, 1, 1], [], []>, transpose_lhs_hint = false} : vector<256x128xf32>, vector<128x512xf32>, vector<256x512xf32> -> vector<256x512xf32>
    %max3A_30 = arith.maximumf %max3A_22, %dot_general3A_29 : vector<256x512xf32>
    %get3A_31 = arith.constant 4 : index
    %get3A_32 = arith.constant 0 : index
    %get3A_33 = arith.constant 0 : index
    %get3A_34 = vector.load %arg1[%get3A_31, %get3A_32, %get3A_33] : memref<25x256x128xf32, #tpu.memory_space<vmem>>, vector<1x256x128xf32>
    %get3A_35 = vector.shape_cast %get3A_34 : vector<1x256x128xf32> to vector<256x128xf32>
    %dot_general3A_36 = arith.constant dense<0.000000e+00> : vector<256x512xf32>
    %dot_general3A_37 = tpu.matmul %get3A_35, %get3A_1, %dot_general3A_36 {dimension_numbers = #tpu.dot_dimension_numbers<[1], [0], [0], [1], [0, 0, 1, 1], [], []>, transpose_lhs_hint = false} : vector<256x128xf32>, vector<128x512xf32>, vector<256x512xf32> -> vector<256x512xf32>
    %max3A_38 = arith.maximumf %max3A_30, %dot_general3A_37 : vector<256x512xf32>
    %get3A_39 = arith.constant 5 : index
    %get3A_40 = arith.constant 0 : index
    %get3A_41 = arith.constant 0 : index
    %get3A_42 = vector.load %arg1[%get3A_39, %get3A_40, %get3A_41] : memref<25x256x128xf32, #tpu.memory_space<vmem>>, vector<1x256x128xf32>
    %get3A_43 = vector.shape_cast %get3A_42 : vector<1x256x128xf32> to vector<256x128xf32>
    %dot_general3A_44 = arith.constant dense<0.000000e+00> : vector<256x512xf32>
    %dot_general3A_45 = tpu.matmul %get3A_43, %get3A_1, %dot_general3A_44 {dimension_numbers = #tpu.dot_dimension_numbers<[1], [0], [0], [1], [0, 0, 1, 1], [], []>, transpose_lhs_hint = false} : vector<256x128xf32>, vector<128x512xf32>, vector<256x512xf32> -> vector<256x512xf32>
    %max3A_46 = arith.maximumf %max3A_38, %dot_general3A_45 : vector<256x512xf32>
    %get3A_47 = arith.constant 6 : index
    %get3A_48 = arith.constant 0 : index
    %get3A_49 = arith.constant 0 : index
    %get3A_50 = vector.load %arg1[%get3A_47, %get3A_48, %get3A_49] : memref<25x256x128xf32, #tpu.memory_space<vmem>>, vector<1x256x128xf32>
    %get3A_51 = vector.shape_cast %get3A_50 : vector<1x256x128xf32> to vector<256x128xf32>
    %dot_general3A_52 = arith.constant dense<0.000000e+00> : vector<256x512xf32>
    %dot_general3A_53 = tpu.matmul %get3A_51, %get3A_1, %dot_general3A_52 {dimension_numbers = #tpu.dot_dimension_numbers<[1], [0], [0], [1], [0, 0, 1, 1], [], []>, transpose_lhs_hint = false} : vector<256x128xf32>, vector<128x512xf32>, vector<256x512xf32> -> vector<256x512xf32>
    %max3A_54 = arith.maximumf %max3A_46, %dot_general3A_53 : vector<256x512xf32>
    %get3A_55 = arith.constant 7 : index
    %get3A_56 = arith.constant 0 : index
    %get3A_57 = arith.constant 0 : index
    %get3A_58 = vector.load %arg1[%get3A_55, %get3A_56, %get3A_57] : memref<25x256x128xf32, #tpu.memory_space<vmem>>, vector<1x256x128xf32>
    %get3A_59 = vector.shape_cast %get3A_58 : vector<1x256x128xf32> to vector<256x128xf32>
    %dot_general3A_60 = arith.constant dense<0.000000e+00> : vector<256x512xf32>
    %dot_general3A_61 = tpu.matmul %get3A_59, %get3A_1, %dot_general3A_60 {dimension_numbers = #tpu.dot_dimension_numbers<[1], [0], [0], [1], [0, 0, 1, 1], [], []>, transpose_lhs_hint = false} : vector<256x128xf32>, vector<128x512xf32>, vector<256x512xf32> -> vector<256x512xf32>
    %max3A_62 = arith.maximumf %max3A_54, %dot_general3A_61 : vector<256x512xf32>
    %get3A_63 = arith.constant 8 : index
    %get3A_64 = arith.constant 0 : index
    %get3A_65 = arith.constant 0 : index
    %get3A_66 = vector.load %arg1[%get3A_63, %get3A_64, %get3A_65] : memref<25x256x128xf32, #tpu.memory_space<vmem>>, vector<1x256x128xf32>
    %get3A_67 = vector.shape_cast %get3A_66 : vector<1x256x128xf32> to vector<256x128xf32>
    %dot_general3A_68 = arith.constant dense<0.000000e+00> : vector<256x512xf32>
    %dot_general3A_69 = tpu.matmul %get3A_67, %get3A_1, %dot_general3A_68 {dimension_numbers = #tpu.dot_dimension_numbers<[1], [0], [0], [1], [0, 0, 1, 1], [], []>, transpose_lhs_hint = false} : vector<256x128xf32>, vector<128x512xf32>, vector<256x512xf32> -> vector<256x512xf32>
    %max3A_70 = arith.maximumf %max3A_62, %dot_general3A_69 : vector<256x512xf32>
    %get3A_71 = arith.constant 9 : index
    %get3A_72 = arith.constant 0 : index
    %get3A_73 = arith.constant 0 : index
    %get3A_74 = vector.load %arg1[%get3A_71, %get3A_72, %get3A_73] : memref<25x256x128xf32, #tpu.memory_space<vmem>>, vector<1x256x128xf32>
    %get3A_75 = vector.shape_cast %get3A_74 : vector<1x256x128xf32> to vector<256x128xf32>
    %dot_general3A_76 = arith.constant dense<0.000000e+00> : vector<256x512xf32>
    %dot_general3A_77 = tpu.matmul %get3A_75, %get3A_1, %dot_general3A_76 {dimension_numbers = #tpu.dot_dimension_numbers<[1], [0], [0], [1], [0, 0, 1, 1], [], []>, transpose_lhs_hint = false} : vector<256x128xf32>, vector<128x512xf32>, vector<256x512xf32> -> vector<256x512xf32>
    %max3A_78 = arith.maximumf %max3A_70, %dot_general3A_77 : vector<256x512xf32>
    %get3A_79 = arith.constant 10 : index
    %get3A_80 = arith.constant 0 : index
    %get3A_81 = arith.constant 0 : index
    %get3A_82 = vector.load %arg1[%get3A_79, %get3A_80, %get3A_81] : memref<25x256x128xf32, #tpu.memory_space<vmem>>, vector<1x256x128xf32>
    %get3A_83 = vector.shape_cast %get3A_82 : vector<1x256x128xf32> to vector<256x128xf32>
    %dot_general3A_84 = arith.constant dense<0.000000e+00> : vector<256x512xf32>
    %dot_general3A_85 = tpu.matmul %get3A_83, %get3A_1, %dot_general3A_84 {dimension_numbers = #tpu.dot_dimension_numbers<[1], [0], [0], [1], [0, 0, 1, 1], [], []>, transpose_lhs_hint = false} : vector<256x128xf32>, vector<128x512xf32>, vector<256x512xf32> -> vector<256x512xf32>
    %max3A_86 = arith.maximumf %max3A_78, %dot_general3A_85 : vector<256x512xf32>
    %get3A_87 = arith.constant 11 : index
    %get3A_88 = arith.constant 0 : index
    %get3A_89 = arith.constant 0 : index
    %get3A_90 = vector.load %arg1[%get3A_87, %get3A_88, %get3A_89] : memref<25x256x128xf32, #tpu.memory_space<vmem>>, vector<1x256x128xf32>
    %get3A_91 = vector.shape_cast %get3A_90 : vector<1x256x128xf32> to vector<256x128xf32>
    %dot_general3A_92 = arith.constant dense<0.000000e+00> : vector<256x512xf32>
    %dot_general3A_93 = tpu.matmul %get3A_91, %get3A_1, %dot_general3A_92 {dimension_numbers = #tpu.dot_dimension_numbers<[1], [0], [0], [1], [0, 0, 1, 1], [], []>, transpose_lhs_hint = false} : vector<256x128xf32>, vector<128x512xf32>, vector<256x512xf32> -> vector<256x512xf32>
    %max3A_94 = arith.maximumf %max3A_86, %dot_general3A_93 : vector<256x512xf32>
    %get3A_95 = arith.constant 12 : index
    %get3A_96 = arith.constant 0 : index
    %get3A_97 = arith.constant 0 : index
    %get3A_98 = vector.load %arg1[%get3A_95, %get3A_96, %get3A_97] : memref<25x256x128xf32, #tpu.memory_space<vmem>>, vector<1x256x128xf32>
    %get3A_99 = vector.shape_cast %get3A_98 : vector<1x256x128xf32> to vector<256x128xf32>
    %dot_general3A_100 = arith.constant dense<0.000000e+00> : vector<256x512xf32>
    %dot_general3A_101 = tpu.matmul %get3A_99, %get3A_1, %dot_general3A_100 {dimension_numbers = #tpu.dot_dimension_numbers<[1], [0], [0], [1], [0, 0, 1, 1], [], []>, transpose_lhs_hint = false} : vector<256x128xf32>, vector<128x512xf32>, vector<256x512xf32> -> vector<256x512xf32>
    %max3A_102 = arith.maximumf %max3A_94, %dot_general3A_101 : vector<256x512xf32>
    %get3A_103 = arith.constant 13 : index
    %get3A_104 = arith.constant 0 : index
    %get3A_105 = arith.constant 0 : index
    %get3A_106 = vector.load %arg1[%get3A_103, %get3A_104, %get3A_105] : memref<25x256x128xf32, #tpu.memory_space<vmem>>, vector<1x256x128xf32>
    %get3A_107 = vector.shape_cast %get3A_106 : vector<1x256x128xf32> to vector<256x128xf32>
    %dot_general3A_108 = arith.constant dense<0.000000e+00> : vector<256x512xf32>
    %dot_general3A_109 = tpu.matmul %get3A_107, %get3A_1, %dot_general3A_108 {dimension_numbers = #tpu.dot_dimension_numbers<[1], [0], [0], [1], [0, 0, 1, 1], [], []>, transpose_lhs_hint = false} : vector<256x128xf32>, vector<128x512xf32>, vector<256x512xf32> -> vector<256x512xf32>
    %max3A_110 = arith.maximumf %max3A_102, %dot_general3A_109 : vector<256x512xf32>
    %get3A_111 = arith.constant 14 : index
    %get3A_112 = arith.constant 0 : index
    %get3A_113 = arith.constant 0 : index
    %get3A_114 = vector.load %arg1[%get3A_111, %get3A_112, %get3A_113] : memref<25x256x128xf32, #tpu.memory_space<vmem>>, vector<1x256x128xf32>
    %get3A_115 = vector.shape_cast %get3A_114 : vector<1x256x128xf32> to vector<256x128xf32>
    %dot_general3A_116 = arith.constant dense<0.000000e+00> : vector<256x512xf32>
    %dot_general3A_117 = tpu.matmul %get3A_115, %get3A_1, %dot_general3A_116 {dimension_numbers = #tpu.dot_dimension_numbers<[1], [0], [0], [1], [0, 0, 1, 1], [], []>, transpose_lhs_hint = false} : vector<256x128xf32>, vector<128x512xf32>, vector<256x512xf32> -> vector<256x512xf32>
    %max3A_118 = arith.maximumf %max3A_110, %dot_general3A_117 : vector<256x512xf32>
    %get3A_119 = arith.constant 15 : index
    %get3A_120 = arith.constant 0 : index
    %get3A_121 = arith.constant 0 : index
    %get3A_122 = vector.load %arg1[%get3A_119, %get3A_120, %get3A_121] : memref<25x256x128xf32, #tpu.memory_space<vmem>>, vector<1x256x128xf32>
    %get3A_123 = vector.shape_cast %get3A_122 : vector<1x256x128xf32> to vector<256x128xf32>
    %dot_general3A_124 = arith.constant dense<0.000000e+00> : vector<256x512xf32>
    %dot_general3A_125 = tpu.matmul %get3A_123, %get3A_1, %dot_general3A_124 {dimension_numbers = #tpu.dot_dimension_numbers<[1], [0], [0], [1], [0, 0, 1, 1], [], []>, transpose_lhs_hint = false} : vector<256x128xf32>, vector<128x512xf32>, vector<256x512xf32> -> vector<256x512xf32>
    %max3A_126 = arith.maximumf %max3A_118, %dot_general3A_125 : vector<256x512xf32>
    %get3A_127 = arith.constant 16 : index
    %get3A_128 = arith.constant 0 : index
    %get3A_129 = arith.constant 0 : index
    %get3A_130 = vector.load %arg1[%get3A_127, %get3A_128, %get3A_129] : memref<25x256x128xf32, #tpu.memory_space<vmem>>, vector<1x256x128xf32>
    %get3A_131 = vector.shape_cast %get3A_130 : vector<1x256x128xf32> to vector<256x128xf32>
    %dot_general3A_132 = arith.constant dense<0.000000e+00> : vector<256x512xf32>
    %dot_general3A_133 = tpu.matmul %get3A_131, %get3A_1, %dot_general3A_132 {dimension_numbers = #tpu.dot_dimension_numbers<[1], [0], [0], [1], [0, 0, 1, 1], [], []>, transpose_lhs_hint = false} : vector<256x128xf32>, vector<128x512xf32>, vector<256x512xf32> -> vector<256x512xf32>
    %max3A_134 = arith.maximumf %max3A_126, %dot_general3A_133 : vector<256x512xf32>
    %get3A_135 = arith.constant 17 : index
    %get3A_136 = arith.constant 0 : index
    %get3A_137 = arith.constant 0 : index
    %get3A_138 = vector.load %arg1[%get3A_135, %get3A_136, %get3A_137] : memref<25x256x128xf32, #tpu.memory_space<vmem>>, vector<1x256x128xf32>
    %get3A_139 = vector.shape_cast %get3A_138 : vector<1x256x128xf32> to vector<256x128xf32>
    %dot_general3A_140 = arith.constant dense<0.000000e+00> : vector<256x512xf32>
    %dot_general3A_141 = tpu.matmul %get3A_139, %get3A_1, %dot_general3A_140 {dimension_numbers = #tpu.dot_dimension_numbers<[1], [0], [0], [1], [0, 0, 1, 1], [], []>, transpose_lhs_hint = false} : vector<256x128xf32>, vector<128x512xf32>, vector<256x512xf32> -> vector<256x512xf32>
    %max3A_142 = arith.maximumf %max3A_134, %dot_general3A_141 : vector<256x512xf32>
    %get3A_143 = arith.constant 18 : index
    %get3A_144 = arith.constant 0 : index
    %get3A_145 = arith.constant 0 : index
    %get3A_146 = vector.load %arg1[%get3A_143, %get3A_144, %get3A_145] : memref<25x256x128xf32, #tpu.memory_space<vmem>>, vector<1x256x128xf32>
    %get3A_147 = vector.shape_cast %get3A_146 : vector<1x256x128xf32> to vector<256x128xf32>
    %dot_general3A_148 = arith.constant dense<0.000000e+00> : vector<256x512xf32>
    %dot_general3A_149 = tpu.matmul %get3A_147, %get3A_1, %dot_general3A_148 {dimension_numbers = #tpu.dot_dimension_numbers<[1], [0], [0], [1], [0, 0, 1, 1], [], []>, transpose_lhs_hint = false} : vector<256x128xf32>, vector<128x512xf32>, vector<256x512xf32> -> vector<256x512xf32>
    %max3A_150 = arith.maximumf %max3A_142, %dot_general3A_149 : vector<256x512xf32>
    %get3A_151 = arith.constant 19 : index
    %get3A_152 = arith.constant 0 : index
    %get3A_153 = arith.constant 0 : index
    %get3A_154 = vector.load %arg1[%get3A_151, %get3A_152, %get3A_153] : memref<25x256x128xf32, #tpu.memory_space<vmem>>, vector<1x256x128xf32>
    %get3A_155 = vector.shape_cast %get3A_154 : vector<1x256x128xf32> to vector<256x128xf32>
    %dot_general3A_156 = arith.constant dense<0.000000e+00> : vector<256x512xf32>
    %dot_general3A_157 = tpu.matmul %get3A_155, %get3A_1, %dot_general3A_156 {dimension_numbers = #tpu.dot_dimension_numbers<[1], [0], [0], [1], [0, 0, 1, 1], [], []>, transpose_lhs_hint = false} : vector<256x128xf32>, vector<128x512xf32>, vector<256x512xf32> -> vector<256x512xf32>
    %max3A_158 = arith.maximumf %max3A_150, %dot_general3A_157 : vector<256x512xf32>
    %get3A_159 = arith.constant 20 : index
    %get3A_160 = arith.constant 0 : index
    %get3A_161 = arith.constant 0 : index
    %get3A_162 = vector.load %arg1[%get3A_159, %get3A_160, %get3A_161] : memref<25x256x128xf32, #tpu.memory_space<vmem>>, vector<1x256x128xf32>
    %get3A_163 = vector.shape_cast %get3A_162 : vector<1x256x128xf32> to vector<256x128xf32>
    %dot_general3A_164 = arith.constant dense<0.000000e+00> : vector<256x512xf32>
    %dot_general3A_165 = tpu.matmul %get3A_163, %get3A_1, %dot_general3A_164 {dimension_numbers = #tpu.dot_dimension_numbers<[1], [0], [0], [1], [0, 0, 1, 1], [], []>, transpose_lhs_hint = false} : vector<256x128xf32>, vector<128x512xf32>, vector<256x512xf32> -> vector<256x512xf32>
    %max3A_166 = arith.maximumf %max3A_158, %dot_general3A_165 : vector<256x512xf32>
    %get3A_167 = arith.constant 21 : index
    %get3A_168 = arith.constant 0 : index
    %get3A_169 = arith.constant 0 : index
    %get3A_170 = vector.load %arg1[%get3A_167, %get3A_168, %get3A_169] : memref<25x256x128xf32, #tpu.memory_space<vmem>>, vector<1x256x128xf32>
    %get3A_171 = vector.shape_cast %get3A_170 : vector<1x256x128xf32> to vector<256x128xf32>
    %dot_general3A_172 = arith.constant dense<0.000000e+00> : vector<256x512xf32>
    %dot_general3A_173 = tpu.matmul %get3A_171, %get3A_1, %dot_general3A_172 {dimension_numbers = #tpu.dot_dimension_numbers<[1], [0], [0], [1], [0, 0, 1, 1], [], []>, transpose_lhs_hint = false} : vector<256x128xf32>, vector<128x512xf32>, vector<256x512xf32> -> vector<256x512xf32>
    %max3A_174 = arith.maximumf %max3A_166, %dot_general3A_173 : vector<256x512xf32>
    %get3A_175 = arith.constant 22 : index
    %get3A_176 = arith.constant 0 : index
    %get3A_177 = arith.constant 0 : index
    %get3A_178 = vector.load %arg1[%get3A_175, %get3A_176, %get3A_177] : memref<25x256x128xf32, #tpu.memory_space<vmem>>, vector<1x256x128xf32>
    %get3A_179 = vector.shape_cast %get3A_178 : vector<1x256x128xf32> to vector<256x128xf32>
    %dot_general3A_180 = arith.constant dense<0.000000e+00> : vector<256x512xf32>
    %dot_general3A_181 = tpu.matmul %get3A_179, %get3A_1, %dot_general3A_180 {dimension_numbers = #tpu.dot_dimension_numbers<[1], [0], [0], [1], [0, 0, 1, 1], [], []>, transpose_lhs_hint = false} : vector<256x128xf32>, vector<128x512xf32>, vector<256x512xf32> -> vector<256x512xf32>
    %max3A_182 = arith.maximumf %max3A_174, %dot_general3A_181 : vector<256x512xf32>
    %get3A_183 = arith.constant 23 : index
    %get3A_184 = arith.constant 0 : index
    %get3A_185 = arith.constant 0 : index
    %get3A_186 = vector.load %arg1[%get3A_183, %get3A_184, %get3A_185] : memref<25x256x128xf32, #tpu.memory_space<vmem>>, vector<1x256x128xf32>
    %get3A_187 = vector.shape_cast %get3A_186 : vector<1x256x128xf32> to vector<256x128xf32>
    %dot_general3A_188 = arith.constant dense<0.000000e+00> : vector<256x512xf32>
    %dot_general3A_189 = tpu.matmul %get3A_187, %get3A_1, %dot_general3A_188 {dimension_numbers = #tpu.dot_dimension_numbers<[1], [0], [0], [1], [0, 0, 1, 1], [], []>, transpose_lhs_hint = false} : vector<256x128xf32>, vector<128x512xf32>, vector<256x512xf32> -> vector<256x512xf32>
    %max3A_190 = arith.maximumf %max3A_182, %dot_general3A_189 : vector<256x512xf32>
    %get3A_191 = arith.constant 24 : index
    %get3A_192 = arith.constant 0 : index
    %get3A_193 = arith.constant 0 : index
    %get3A_194 = vector.load %arg1[%get3A_191, %get3A_192, %get3A_193] : memref<25x256x128xf32, #tpu.memory_space<vmem>>, vector<1x256x128xf32>
    %get3A_195 = vector.shape_cast %get3A_194 : vector<1x256x128xf32> to vector<256x128xf32>
    %dot_general3A_196 = arith.constant dense<0.000000e+00> : vector<256x512xf32>
    %dot_general3A_197 = tpu.matmul %get3A_195, %get3A_1, %dot_general3A_196 {dimension_numbers = #tpu.dot_dimension_numbers<[1], [0], [0], [1], [0, 0, 1, 1], [], []>, transpose_lhs_hint = false} : vector<256x128xf32>, vector<128x512xf32>, vector<256x512xf32> -> vector<256x512xf32>
    %max3A_198 = arith.maximumf %max3A_190, %dot_general3A_197 : vector<256x512xf32>
    %get3A_199 = arith.constant 0 : index
    %get3A_200 = arith.constant 0 : index
    %get3A_201 = vector.load %arg4[%get3A_199, %get3A_200] : memref<1x512xf32, #tpu.memory_space<vmem>>, vector<1x512xf32>
    %add3A = vector.broadcast %get3A_201 : vector<1x512xf32> to vector<256x512xf32>
    %add3A_202 = arith.addf %max3A_198, %add3A : vector<256x512xf32>
    %max3A_203 = arith.constant 0.000000e+00 : f32
    %max3A_204 = vector.broadcast %max3A_203 : f32 to vector<256x512xf32>
    %max3A_205 = arith.maximumf %add3A_202, %max3A_204 : vector<256x512xf32>
    %add3A_206 = vector.broadcast %get3A_201 : vector<1x512xf32> to vector<256x512xf32>
    %add3A_207 = arith.addf %max3A_78, %add3A_206 : vector<256x512xf32>
    %max3A_208 = arith.constant 0.000000e+00 : f32
    %max3A_209 = vector.broadcast %max3A_208 : f32 to vector<256x512xf32>
    %max3A_210 = arith.maximumf %add3A_207, %max3A_209 : vector<256x512xf32>
    %get3A_211 = arith.constant 0 : index
    %get3A_212 = arith.constant 0 : index
    %get3A_213 = vector.load %arg2[%get3A_211, %get3A_212] : memref<256x128xf32, #tpu.memory_space<vmem>>, vector<256x128xf32>
    %get3A_214 = arith.constant 0 : index
    %get3A_215 = arith.constant 0 : index
    %get3A_216 = vector.load %arg6[%get3A_214, %get3A_215] : memref<128x128xf32, #tpu.memory_space<vmem>>, vector<128x128xf32>
    %dot_general3A_217 = arith.constant dense<0.000000e+00> : vector<256x128xf32>
    %dot_general3A_218 = tpu.matmul %get3A_213, %get3A_216, %dot_general3A_217 {dimension_numbers = #tpu.dot_dimension_numbers<[1], [0], [0], [1], [0, 0, 1, 1], [], []>, transpose_lhs_hint = false} : vector<256x128xf32>, vector<128x128xf32>, vector<256x128xf32> -> vector<256x128xf32>
    %get3A_219 = arith.constant 0 : index
    %get3A_220 = arith.constant 0 : index
    %get3A_221 = vector.load %arg5[%get3A_219, %get3A_220] : memref<512x128xf32, #tpu.memory_space<vmem>>, vector<512x128xf32>
    %dot_general3A_222 = arith.constant dense<0.000000e+00> : vector<256x128xf32>
    %dot_general3A_223 = tpu.matmul %max3A_205, %get3A_221, %dot_general3A_222 {dimension_numbers = #tpu.dot_dimension_numbers<[1], [0], [0], [1], [0, 0, 1, 1], [], []>, transpose_lhs_hint = false} : vector<256x512xf32>, vector<512x128xf32>, vector<256x128xf32> -> vector<256x128xf32>
    %get3A_224 = arith.constant 0 : index
    %get3A_225 = arith.constant 0 : index
    %get3A_226 = vector.load %arg5[%get3A_224, %get3A_225] : memref<512x128xf32, #tpu.memory_space<vmem>>, vector<512x128xf32>
    %dot_general3A_227 = arith.constant dense<0.000000e+00> : vector<256x128xf32>
    %dot_general3A_228 = tpu.matmul %max3A_210, %get3A_226, %dot_general3A_227 {dimension_numbers = #tpu.dot_dimension_numbers<[1], [0], [0], [1], [0, 0, 1, 1], [], []>, transpose_lhs_hint = false} : vector<256x512xf32>, vector<512x128xf32>, vector<256x128xf32> -> vector<256x128xf32>
    %concatenate3A = tpu.concatenate %dot_general3A_218, %dot_general3A_223 in 1 : vector<256x128xf32>, vector<256x128xf32> -> vector<256x256xf32>
    %max3A_229 = arith.constant 0.000000e+00 : f32
    %max3A_230 = vector.broadcast %max3A_229 : f32 to vector<256x256xf32>
    %max3A_231 = arith.maximumf %concatenate3A, %max3A_230 : vector<256x256xf32>
    %concatenate3A_232 = tpu.concatenate %dot_general3A_218, %dot_general3A_228 in 1 : vector<256x128xf32>, vector<256x128xf32> -> vector<256x256xf32>
    %max3A_233 = arith.constant 0.000000e+00 : f32
    %max3A_234 = vector.broadcast %max3A_233 : f32 to vector<256x256xf32>
    %max3A_235 = arith.maximumf %concatenate3A_232, %max3A_234 : vector<256x256xf32>
    %swap3A = arith.constant 0 : index
    %swap3A_236 = arith.constant 0 : index
    %swap3A_237 = vector.load %arg11[%swap3A, %swap3A_236] : memref<256x256xf32, #tpu.memory_space<vmem>>, vector<256x256xf32>
    tpu.vector_store %arg11[%swap3A, %swap3A_236], %max3A_235 {strides = array<i32>} : memref<256x256xf32, #tpu.memory_space<vmem>>, vector<256x256xf32>,
    %get3A_238 = arith.constant 0 : index
    %get3A_239 = arith.constant 0 : index
    %get3A_240 = vector.load %arg7[%get3A_238, %get3A_239] : memref<256x512xf32, #tpu.memory_space<vmem>>, vector<256x512xf32>
    %dot_general3A_241 = arith.constant dense<0.000000e+00> : vector<256x512xf32>
    %dot_general3A_242 = tpu.matmul %max3A_231, %get3A_240, %dot_general3A_241 {dimension_numbers = #tpu.dot_dimension_numbers<[1], [0], [0], [1], [0, 0, 1, 1], [], []>, transpose_lhs_hint = false} : vector<256x256xf32>, vector<256x512xf32>, vector<256x512xf32> -> vector<256x512xf32>
    %get3A_243 = arith.constant 0 : index
    %get3A_244 = arith.constant 0 : index
    %get3A_245 = vector.load %arg8[%get3A_243, %get3A_244] : memref<1x512xf32, #tpu.memory_space<vmem>>, vector<1x512xf32>
    %add3A_246 = vector.broadcast %get3A_245 : vector<1x512xf32> to vector<256x512xf32>
    %add3A_247 = arith.addf %dot_general3A_242, %add3A_246 : vector<256x512xf32>
    %max3A_248 = arith.constant 0.000000e+00 : f32
    %max3A_249 = vector.broadcast %max3A_248 : f32 to vector<256x512xf32>
    %max3A_250 = arith.maximumf %add3A_247, %max3A_249 : vector<256x512xf32>
    %swap3A_251 = arith.constant 0 : index
    %swap3A_252 = arith.constant 0 : index
    %swap3A_253 = vector.load %arg12[%swap3A_251, %swap3A_252] : memref<256x512xf32, #tpu.memory_space<vmem>>, vector<256x512xf32>
    tpu.vector_store %arg12[%swap3A_251, %swap3A_252], %max3A_250 {strides = array<i32>} : memref<256x512xf32, #tpu.memory_space<vmem>>, vector<256x512xf32>,
    return
  }
  func.func @transform_0(%arg0: i32) -> (i32, i32, i32) {
    %c0_i32 = arith.constant 0 : i32
    %c0_i32_0 = arith.constant 0 : i32
    %c0_i32_1 = arith.constant 0 : i32
    return %c0_i32, %arg0, %c0_i32_0 : i32, i32, i32
  }
  func.func @transform_1(%arg0: i32) -> (i32, i32) {
    %add3A = arith.constant 32 : i32
    %add3A_0 = arith.addi %add3A, %arg0 : i32
    %c0_i32 = arith.constant 0 : i32
    %c0_i32_1 = arith.constant 0 : i32
    return %add3A_0, %c0_i32 : i32, i32
  }
  func.func @transform_2(%arg0: i32) -> (i32, i32) {
    %c0_i32 = arith.constant 0 : i32
    %c0_i32_0 = arith.constant 0 : i32
    %c0_i32_1 = arith.constant 0 : i32
    return %c0_i32, %c0_i32_0 : i32, i32
  }
  func.func @transform_3(%arg0: i32) -> (i32, i32) {
    %c0_i32 = arith.constant 0 : i32
    %c0_i32_0 = arith.constant 0 : i32
    %c0_i32_1 = arith.constant 0 : i32
    return %c0_i32, %c0_i32_0 : i32, i32
  }
  func.func @transform_4(%arg0: i32) -> (i32, i32) {
    %c0_i32 = arith.constant 0 : i32
    %c0_i32_0 = arith.constant 0 : i32
    %c0_i32_1 = arith.constant 0 : i32
    return %c0_i32, %c0_i32_0 : i32, i32
  }
  func.func @transform_5(%arg0: i32) -> (i32, i32) {
    %c0_i32 = arith.constant 0 : i32
    %c0_i32_0 = arith.constant 0 : i32
    %c0_i32_1 = arith.constant 0 : i32
    return %c0_i32, %c0_i32_0 : i32, i32
  }
  func.func @transform_6(%arg0: i32) -> (i32, i32) {
    %c0_i32 = arith.constant 0 : i32
    %c0_i32_0 = arith.constant 0 : i32
    %c0_i32_1 = arith.constant 0 : i32
    return %c0_i32, %c0_i32_0 : i32, i32
  }
  func.func @transform_7(%arg0: i32) -> (i32, i32) {
    %c0_i32 = arith.constant 0 : i32
    %c0_i32_0 = arith.constant 0 : i32
    %c0_i32_1 = arith.constant 0 : i32
    return %c0_i32, %c0_i32_0 : i32, i32
  }
  func.func @transform_8(%arg0: i32) -> (i32, i32) {
    %c0_i32 = arith.constant 0 : i32
    %c0_i32_0 = arith.constant 0 : i32
    %c0_i32_1 = arith.constant 0 : i32
    return %c0_i32, %c0_i32_0 : i32, i32
  }
  func.func @transform_9(%arg0: i32) -> (i32, i32) {
    %c0_i32 = arith.constant 0 : i32
    %c0_i32_0 = arith.constant 0 : i32
    %c0_i32_1 = arith.constant 0 : i32
    return %c0_i32, %c0_i32_0 : i32, i32
  }
  func.func @transform_10(%arg0: i32) -> (i32, i32) {
    %add3A = arith.constant 32 : i32
    %add3A_0 = arith.addi %add3A, %arg0 : i32
    %c0_i32 = arith.constant 0 : i32
    %c0_i32_1 = arith.constant 0 : i32
    return %add3A_0, %c0_i32 : i32, i32
  }
  func.func @transform_11(%arg0: i32) -> (i32, i32) {
    %add3A = arith.constant 32 : i32
    %add3A_0 = arith.addi %add3A, %arg0 : i32
    %c0_i32 = arith.constant 0 : i32
    %c0_i32_1 = arith.constant 0 : i32
    return %add3A_0, %c0_i32 : i32, i32
  }
}

module attributes {stable_mosaic.version = 14 : i64} {
  func.func @_final_body(%arg0: i32, %arg1: memref<10x256x512xf32, #tpu.memory_space<vmem>>, %arg2: memref<256x256xf32, #tpu.memory_space<vmem>>, %arg3: memref<256x128xf32, #tpu.memory_space<vmem>>, %arg4: memref<512x128xf32, #tpu.memory_space<vmem>>, %arg5: memref<256x256xf32, #tpu.memory_space<vmem>>) attributes {dimension_semantics = [#tpu.dimension_semantics<arbitrary>], iteration_bounds = array<i64: 4>, scalar_prefetch = 0 : i64, scratch_operands = 0 : i64, tpu.core_type = #tpu.core_type<tc>, window_params = [{transform_indices = @transform_0, window_bounds = array<i64: 10, 256, 512>}, {transform_indices = @transform_1, window_bounds = array<i64: 256, 256>}, {pipeline_mode = #tpu.pipeline_mode<synchronous>, transform_indices = @transform_2, window_bounds = array<i64: 256, 128>}, {pipeline_mode = #tpu.pipeline_mode<synchronous>, transform_indices = @transform_3, window_bounds = array<i64: 512, 128>}, {transform_indices = @transform_4, window_bounds = array<i64: 256, 256>}]} {
    %get3A = arith.constant 0 : index
    %get3A_0 = arith.constant 0 : index
    %get3A_1 = arith.constant 0 : index
    %get3A_2 = vector.load %arg1[%get3A, %get3A_0, %get3A_1] : memref<10x256x512xf32, #tpu.memory_space<vmem>>, vector<1x256x512xf32>
    %get3A_3 = vector.shape_cast %get3A_2 : vector<1x256x512xf32> to vector<256x512xf32>
    %get3A_4 = arith.constant 1 : index
    %get3A_5 = arith.constant 0 : index
    %get3A_6 = arith.constant 0 : index
    %get3A_7 = vector.load %arg1[%get3A_4, %get3A_5, %get3A_6] : memref<10x256x512xf32, #tpu.memory_space<vmem>>, vector<1x256x512xf32>
    %get3A_8 = vector.shape_cast %get3A_7 : vector<1x256x512xf32> to vector<256x512xf32>
    %max3A = arith.maximumf %get3A_3, %get3A_8 : vector<256x512xf32>
    %get3A_9 = arith.constant 2 : index
    %get3A_10 = arith.constant 0 : index
    %get3A_11 = arith.constant 0 : index
    %get3A_12 = vector.load %arg1[%get3A_9, %get3A_10, %get3A_11] : memref<10x256x512xf32, #tpu.memory_space<vmem>>, vector<1x256x512xf32>
    %get3A_13 = vector.shape_cast %get3A_12 : vector<1x256x512xf32> to vector<256x512xf32>
    %max3A_14 = arith.maximumf %max3A, %get3A_13 : vector<256x512xf32>
    %get3A_15 = arith.constant 3 : index
    %get3A_16 = arith.constant 0 : index
    %get3A_17 = arith.constant 0 : index
    %get3A_18 = vector.load %arg1[%get3A_15, %get3A_16, %get3A_17] : memref<10x256x512xf32, #tpu.memory_space<vmem>>, vector<1x256x512xf32>
    %get3A_19 = vector.shape_cast %get3A_18 : vector<1x256x512xf32> to vector<256x512xf32>
    %max3A_20 = arith.maximumf %max3A_14, %get3A_19 : vector<256x512xf32>
    %get3A_21 = arith.constant 4 : index
    %get3A_22 = arith.constant 0 : index
    %get3A_23 = arith.constant 0 : index
    %get3A_24 = vector.load %arg1[%get3A_21, %get3A_22, %get3A_23] : memref<10x256x512xf32, #tpu.memory_space<vmem>>, vector<1x256x512xf32>
    %get3A_25 = vector.shape_cast %get3A_24 : vector<1x256x512xf32> to vector<256x512xf32>
    %max3A_26 = arith.maximumf %max3A_20, %get3A_25 : vector<256x512xf32>
    %get3A_27 = arith.constant 5 : index
    %get3A_28 = arith.constant 0 : index
    %get3A_29 = arith.constant 0 : index
    %get3A_30 = vector.load %arg1[%get3A_27, %get3A_28, %get3A_29] : memref<10x256x512xf32, #tpu.memory_space<vmem>>, vector<1x256x512xf32>
    %get3A_31 = vector.shape_cast %get3A_30 : vector<1x256x512xf32> to vector<256x512xf32>
    %max3A_32 = arith.maximumf %max3A_26, %get3A_31 : vector<256x512xf32>
    %get3A_33 = arith.constant 6 : index
    %get3A_34 = arith.constant 0 : index
    %get3A_35 = arith.constant 0 : index
    %get3A_36 = vector.load %arg1[%get3A_33, %get3A_34, %get3A_35] : memref<10x256x512xf32, #tpu.memory_space<vmem>>, vector<1x256x512xf32>
    %get3A_37 = vector.shape_cast %get3A_36 : vector<1x256x512xf32> to vector<256x512xf32>
    %max3A_38 = arith.maximumf %max3A_32, %get3A_37 : vector<256x512xf32>
    %get3A_39 = arith.constant 7 : index
    %get3A_40 = arith.constant 0 : index
    %get3A_41 = arith.constant 0 : index
    %get3A_42 = vector.load %arg1[%get3A_39, %get3A_40, %get3A_41] : memref<10x256x512xf32, #tpu.memory_space<vmem>>, vector<1x256x512xf32>
    %get3A_43 = vector.shape_cast %get3A_42 : vector<1x256x512xf32> to vector<256x512xf32>
    %max3A_44 = arith.maximumf %max3A_38, %get3A_43 : vector<256x512xf32>
    %get3A_45 = arith.constant 8 : index
    %get3A_46 = arith.constant 0 : index
    %get3A_47 = arith.constant 0 : index
    %get3A_48 = vector.load %arg1[%get3A_45, %get3A_46, %get3A_47] : memref<10x256x512xf32, #tpu.memory_space<vmem>>, vector<1x256x512xf32>
    %get3A_49 = vector.shape_cast %get3A_48 : vector<1x256x512xf32> to vector<256x512xf32>
    %max3A_50 = arith.maximumf %max3A_44, %get3A_49 : vector<256x512xf32>
    %get3A_51 = arith.constant 9 : index
    %get3A_52 = arith.constant 0 : index
    %get3A_53 = arith.constant 0 : index
    %get3A_54 = vector.load %arg1[%get3A_51, %get3A_52, %get3A_53] : memref<10x256x512xf32, #tpu.memory_space<vmem>>, vector<1x256x512xf32>
    %get3A_55 = vector.shape_cast %get3A_54 : vector<1x256x512xf32> to vector<256x512xf32>
    %max3A_56 = arith.maximumf %max3A_50, %get3A_55 : vector<256x512xf32>
    %get3A_57 = arith.constant 0 : index
    %get3A_58 = arith.constant 0 : index
    %get3A_59 = vector.load %arg2[%get3A_57, %get3A_58] : memref<256x256xf32, #tpu.memory_space<vmem>>, vector<256x256xf32>
    %get3A_60 = arith.constant 0 : index
    %get3A_61 = arith.constant 0 : index
    %get3A_62 = vector.load %arg3[%get3A_60, %get3A_61] : memref<256x128xf32, #tpu.memory_space<vmem>>, vector<256x128xf32>
    %dot_general3A = arith.constant dense<0.000000e+00> : vector<256x128xf32>
    %dot_general3A_63 = tpu.matmul %get3A_59, %get3A_62, %dot_general3A {dimension_numbers = #tpu.dot_dimension_numbers<[1], [0], [0], [1], [0, 0, 1, 1], [], []>, transpose_lhs_hint = false} : vector<256x256xf32>, vector<256x128xf32>, vector<256x128xf32> -> vector<256x128xf32>
    %get3A_64 = arith.constant 0 : index
    %get3A_65 = arith.constant 0 : index
    %get3A_66 = vector.load %arg4[%get3A_64, %get3A_65] : memref<512x128xf32, #tpu.memory_space<vmem>>, vector<512x128xf32>
    %dot_general3A_67 = arith.constant dense<0.000000e+00> : vector<256x128xf32>
    %dot_general3A_68 = tpu.matmul %max3A_56, %get3A_66, %dot_general3A_67 {dimension_numbers = #tpu.dot_dimension_numbers<[1], [0], [0], [1], [0, 0, 1, 1], [], []>, transpose_lhs_hint = false} : vector<256x512xf32>, vector<512x128xf32>, vector<256x128xf32> -> vector<256x128xf32>
    %concatenate3A = tpu.concatenate %dot_general3A_63, %dot_general3A_68 in 1 : vector<256x128xf32>, vector<256x128xf32> -> vector<256x256xf32>
    %mul3A = arith.mulf %concatenate3A, %concatenate3A : vector<256x256xf32>
    %reduce_sum3A = arith.constant dense<0.000000e+00> : vector<256xf32>
    %reduce_sum3A_69 = vector.multi_reduction <add>, %mul3A, %reduce_sum3A [1] : vector<256x256xf32> to vector<256xf32>
    %broadcast_in_dim3A = vector.shape_cast %reduce_sum3A_69 : vector<256xf32> to vector<256x1xf32>
    %max3A_70 = arith.constant 9.99999996E-13 : f32
    %max3A_71 = vector.broadcast %max3A_70 : f32 to vector<256x1xf32>
    %max3A_72 = arith.maximumf %broadcast_in_dim3A, %max3A_71 : vector<256x1xf32>
    %rsqrt3A = math.rsqrt %max3A_72 : vector<256x1xf32>
    %mul3A_73 = vector.broadcast %rsqrt3A : vector<256x1xf32> to vector<256x256xf32>
    %mul3A_74 = arith.mulf %concatenate3A, %mul3A_73 : vector<256x256xf32>
    %swap3A = arith.constant 0 : index
    %swap3A_75 = arith.constant 0 : index
    %swap3A_76 = vector.load %arg5[%swap3A, %swap3A_75] : memref<256x256xf32, #tpu.memory_space<vmem>>, vector<256x256xf32>
    tpu.vector_store %arg5[%swap3A, %swap3A_75], %mul3A_74 {strides = array<i32>} : memref<256x256xf32, #tpu.memory_space<vmem>>, vector<256x256xf32>,
    return
  }
  func.func @transform_0(%arg0: i32) -> (i32, i32, i32) {
    %c0_i32 = arith.constant 0 : i32
    %c0_i32_0 = arith.constant 0 : i32
    %c0_i32_1 = arith.constant 0 : i32
    return %c0_i32, %arg0, %c0_i32_0 : i32, i32, i32
  }
  func.func @transform_1(%arg0: i32) -> (i32, i32) {
    %c0_i32 = arith.constant 0 : i32
    %c0_i32_0 = arith.constant 0 : i32
    return %arg0, %c0_i32 : i32, i32
  }
  func.func @transform_2(%arg0: i32) -> (i32, i32) {
    %c0_i32 = arith.constant 0 : i32
    %c0_i32_0 = arith.constant 0 : i32
    %c0_i32_1 = arith.constant 0 : i32
    return %c0_i32, %c0_i32_0 : i32, i32
  }
  func.func @transform_3(%arg0: i32) -> (i32, i32) {
    %c0_i32 = arith.constant 0 : i32
    %c0_i32_0 = arith.constant 0 : i32
    %c0_i32_1 = arith.constant 0 : i32
    return %c0_i32, %c0_i32_0 : i32, i32
  }
  func.func @transform_4(%arg0: i32) -> (i32, i32) {
    %c0_i32 = arith.constant 0 : i32
    %c0_i32_0 = arith.constant 0 : i32
    return %arg0, %c0_i32 : i32, i32
  }
}

</mosaic_0001>

<sc_bundles>
// kernel: kernel.16.cloned.1.call-start
scs
__scs_entry_jumppad:
0x0: {  	(pc) =	sbr.rel $0x88, $3  }
0x1: {  	(tag) =	ssettag $0x0;
	lr =	simm.s32 $0x1  }
0x2: {  	[smem:$0x3F95] =	sst lr;
	_ =	strace $0xD0000000  }
0x3: {  	_ = 	snop  }
0x4: {  	_ = 	snop  }
0x5: {  	_ = 	snop  }
0x6: {  	_ = 	snop  }
0x7: {  	_ = 	snop  }
__scs_overlays_trampoline_lowered:
0x8: {  	[smem:$0x3FA4] =	sst s0  }
0x9: {  	[smem:$0x3FA5] =	sst s1  }
0xa: {  	[smem:$0x3FA6] =	sst s2  }
0xb: {  	[smem:$0x3FA7] =	sst s3  }
0xc: {  	[smem:$0x3FA8] =	sst s4  }
0xd: {  	[smem:$0x3FA9] =	sst s5  }
0xe: {  	[smem:$0x3FAA] =	sst s6  }
0xf: {  	[smem:$0x3FAB] =	sst s7  }
0x10: {  	[smem:$0x3FAC] =	sst s8  }
0x11: {  	[smem:$0x3FAD] =	sst s9;
	s0 =	simm.s32 @!p0 $0x0  }
0x12: {  	s1 =	sld [smem:$0x3F93];
	s0 =	simm.s32 @p0 $0x1  }
0x13: {  	[smem:$0x3FAE] =	sst s0;
	s0 =	simm.s32 @!p1 $0x0  }
0x14: {  	s2 =	sld [smem:$0x3F92];
	s0 =	simm.s32 @p1 $0x1  }
0x15: {  	[smem:$0x3FAF] =	sst s0;
	s0 =	simm.s32 @!p2 $0x0  }
0x16: {  	s3 =	sld [smem:$0x3FDB];
	s0 =	simm.s32 @p2 $0x1  }
0x17: {  	s4 =	simm.s32 $0x1BF5;
	[smem:$0x3FB1] =	sst s0  }
0x18: {  	s0 =	sld [smem:$0x3F94];
	_ =	swait.ge [sflag:s4], $0x0  }
0x19: {  	s7 =	sld [smem:$0x3F95]  }
0x1a: {  	s8 =	sadd.s32 $0xFFFFE003, lr  }
0x1b: {  	s9 =	sadd.s32 $0xFFFFFEF7, lr;
	s5 =	simm.s32 $0xFFFFFFFF;
	p2 =	slt.u32 s8, $0xFFFFF086  }
0x1c: {  	p1 =	slt.u32 s9, $0xF7A;
	s5 =	simm.s32 @!p2 $0x0  }
0x1d: {  	s5 =	simm.s32 @p1 $0x1;
	p0 =	seq.s32 s7, s2  }
0x1e: {  	s7 =	smul.u32 @!p0 $0xF7A, s2;
	p2 =	seq.s32 @!p0 s5, $0x0  }
0x1f: {  	s9 =	smul.u32 $0xF7A, s1;
	s8 =	simm.s32 @!p0 $0x1BF5;
	p2 =	por !p2, p0  }
0x20: {  	[sflag:s8] =	ssyncset.s32 @!p0 $0xFFFFF086;
	s6 =	sadd.s32 @!p0 s3, s7;
	s7 =	simm.s32 @!p0 $0x108  }
0x21: {  	s3 =	sadd.s32 s3, s9;
	s6 =	sadd.s32 @!p0 $0x88, s6;
	s7 =	simm.s32 @p2 $0x1082  }
0x22: {  	[simem:s7], [sflag:s8] =	dma.local @!p0 [hbm:s6], $0xF7A  }
0x23: {  	s9 =	sor.u32 $0xD0000000, s2;
	s6 =	simm.s32 $0x108;
	_ =	swait.ge @!p0 [sflag:s8], $0x0  }
0x24: {  	s3 =	sadd.s32 $0x88, s3;
	s6 =	simm.s32 @!p1 $0x1082;
	[sflag:s4] =	ssyncset.s32 $0xFFFFF086  }
0x25: {  	[simem:s6], [sflag:s4] =	dma.local [hbm:s3], $0xF7A  }
0x26: {  	[smem:$0x3F95] =	sst s1;
	(tag) =	ssettag s2;
	_ =	strace s9  }
0x27: {  	s1 =	sld [smem:$0x3FA5]  }
0x28: {  	s2 =	sld [smem:$0x3FA6]  }
0x29: {  	s4 =	sld [smem:$0x3FA8]  }
0x2a: {  	p0 =	seq.s32 s5, $0x0;
	s5 =	sld [smem:$0x3FA9]  }
0x2b: {  	s6 =	sld [smem:$0x3FAA]  }
0x2c: {  	s7 =	sld [smem:$0x3FAB]  }
0x2d: {  	s3 =	simm.s32 $0x108;
	s8 =	sld [smem:$0x3FAC]  }
0x2e: {  	s3 =	simm.s32 @!p0 $0x1082;
	s9 =	sld [smem:$0x3FAD]  }
0x2f: {  	lr =	sadd.s32 s0, s3;
	s0 =	sld [smem:$0x3FA4]  }
0x30: {  	s3 =	sld [smem:$0x3FA7]  }
0x31: {  	[smem:$0x3FB0] =	sst s10  }
0x32: {  	s10 =	sld [smem:$0x3FAE];
	_ =	sdelay $0x3  }
0x33: {  	p0 =	seq.s32 s10, $0x1;
	s10 =	sld [smem:$0x3FB0];
	_ =	sdelay $0x3  }
0x34: {  	[smem:$0x3FB0] =	sst s10  }
0x35: {  	s10 =	sld [smem:$0x3FAF];
	_ =	sdelay $0x3  }
0x36: {  	p1 =	seq.s32 s10, $0x1;
	s10 =	sld [smem:$0x3FB0];
	_ =	sdelay $0x3  }
0x37: {  	[smem:$0x3FB0] =	sst s10  }
0x38: {  	s10 =	sld [smem:$0x3FB1]  }
0x39: {  	_ = 	snop;
	(pc) =	sbr.ind lr, $3  }
0x3a: {  	_ = 	snop  }
0x3b: {  	_ = 	snop  }
0x3c: {  	p2 =	seq.s32 s10, $0x1;
	s10 =	sld [smem:$0x3FB0]  }
0x3d: {  	_ =	shalt  }
0x3e: {  	_ =	shalt  }
0x3f: {  	_ =	shalt  }
0x40: {  	_ =	shalt  }
0x41: {  	_ =	shalt  }
0x42: {  	_ =	shalt  }
0x43: {  	_ =	shalt  }
0x44: {  	_ =	shalt  }
0x45: {  	_ =	shalt  }
0x46: {  	_ =	shalt  }
0x47: {  	_ =	shalt  }
0x48: {  	_ =	shalt  }
0x49: {  	_ =	shalt  }
0x4a: {  	_ =	shalt  }
0x4b: {  	_ =	shalt  }
0x4c: {  	_ =	shalt  }
0x4d: {  	_ =	shalt  }
0x4e: {  	_ =	shalt  }
0x4f: {  	_ =	shalt  }
0x50: {  	_ =	shalt  }
0x51: {  	_ =	shalt  }
0x52: {  	_ =	shalt  }
0x53: {  	_ =	shalt  }
0x54: {  	_ =	shalt  }
0x55: {  	_ =	shalt  }
0x56: {  	_ =	shalt  }
0x57: {  	_ =	shalt  }
0x58: {  	_ =	shalt  }
0x59: {  	_ =	shalt  }
0x5a: {  	_ =	shalt  }
0x5b: {  	_ =	shalt  }
0x5c: {  	_ =	shalt  }
0x5d: {  	_ =	shalt  }
0x5e: {  	_ =	shalt  }
0x5f: {  	_ =	shalt  }
0x60: {  	_ =	shalt  }
0x61: {  	_ =	shalt  }
0x62: {  	_ =	shalt  }
0x63: {  	_ =	shalt  }
0x64: {  	_ =	shalt  }
0x65: {  	_ =	shalt  }
0x66: {  	_ =	shalt  }
0x67: {  	_ =	shalt  }
0x68: {  	_ =	shalt  }
0x69: {  	_ =	shalt  }
0x6a: {  	_ =	shalt  }
0x6b: {  	_ =	shalt  }
0x6c: {  	_ =	shalt  }
0x6d: {  	_ =	shalt  }
0x6e: {  	_ =	shalt  }
0x6f: {  	_ =	shalt  }
0x70: {  	_ =	shalt  }
0x71: {  	_ =	shalt  }
0x72: {  	_ =	shalt  }
0x73: {  	_ =	shalt  }
0x74: {  	_ =	shalt  }
0x75: {  	_ =	shalt  }
0x76: {  	_ =	shalt  }
0x77: {  	_ =	shalt  }
0x78: {  	_ =	shalt  }
0x79: {  	_ =	shalt  }
0x7a: {  	_ =	shalt  }
0x7b: {  	_ =	shalt  }
0x7c: {  	_ =	shalt  }
0x7d: {  	_ =	shalt  }
0x7e: {  	_ =	shalt  }
0x7f: {  	_ =	shalt  }
0x80: {  	_ =	shalt  }
0x81: {  	_ =	shalt  }
0x82: {  	_ =	shalt  }
0x83: {  	_ =	shalt  }
0x84: {  	_ =	shalt  }
0x85: {  	_ =	shalt  }
0x86: {  	_ =	shalt  }
0x87: {  	_ =	shalt  }
.Lfunc_end0:
.L_simem_size_0:
called_computation_lowered:
.L_overlay_start_0:
0x88: {  	s2 =	sld [smem:$0x3FD9]  }
0x89: {  	s3 =	sld [smem:$0x3FFE];
	_ =	sdelay $0x1  }
0x8a: {  	s1 =	srdreg.scid  }
0x8b: {  	s0 =	sand.u32 $0x1, s1  }
0x8c: {  	s17 =	sshll.u32 s0, $0xA;
	s2 =	sadd.s32 s3, s2  }
0x8d: {  	s2 =	sadd.s32 s2, s17  }
0x8e: {  	[smem:$0x3FBC] =	sst s2  }
0x8f: {  	_ = 	snop  }
0x90: {  	s18 =	sld [smem:$0x3FC7];
	(tm) =	ssettm $0x1  }
0x91: {  	s19 =	sld [smem:$0x3FFB];
	_ =	sdelay $0x3  }
0x92: {  	_ =	strace s19  }
0x93: {  	s2 =	sld [smem:$0x3FFC];
	_ =	sdelay $0x3  }
0x94: {  	_ =	strace s2  }
0x95: {  	s2 =	sld [smem:$0x3FFD];
	_ =	sdelay $0x3  }
0x96: {  	_ =	strace s2  }
0x97: {  	_ =	strace $0x8FFFFFFF  }
0x98: {  	s20 =	sld [smem:$0x3FDB];
	_ =	sdelay $0x1  }
0x99: {  	s4 =	simm.s32 $_scs_section_size  }
0x9a: {  	s5 =	simm.s32 $_size__tile_overlayer_lowered;
	s6 =	simm.s32 $_tile_overlayer_lowered  }
0x9b: {  	s7 =	simm.s32 $0x1BFF;
	s21 =	sshll.u32 s6, $0x1;
	s4 =	sadd.s32 s4, s20  }
0x9c: {  	s22 =	simm.s32 $0x0;
	s5 =	sshll.u32 s5, $0x1;
	s6 =	sadd.s32 s21, s4  }
0x9d: {  	[timem:s22], [sflag:s7] =	dma.local [hbm:s6], s5  }
0x9e: {  	_ =	swait.ge [sflag:s7], s5  }
0x9f: {  	s5 =	ssub.s32 $0x0, s5;
	[sflag:s7] =	ssyncset.done $0x0  }
0xa0: {  	[sflag:s7] =	ssyncadd.s32 s5;
	_ =	sdelay $0x1  }
0xa1: {  	s23 =	simm.s32 $0x1B8B  }
0xa2: {  	_ =	swait.ge [sflag:s23], $0x1  }
0xa3: {  	[sflag:s23] =	ssyncset.done $0x0  }
0xa4: {  	[sflag:s23] =	ssyncadd.s32 $0xFFFFFFFF  }
0xa5: {  	s5 =	sld [smem:$0x0]  }
0xa6: {  	s6 =	sand.u32 $0xFFFFFFFE, s1  }
0xa7: {  	p0 =	sne.s32 s1, s6  }
0xa8: {  	s6 =	sshll.u32 @p0 s6, $0xE  }
0xa9: {  	s6 =	sadd.s32 @p0 $0x11B8D, s6;
	s7 =	sshll.u32 @p0 s5, $0x11  }
0xaa: {  	s6 =	sor.u32 @p0 s7, s6  }
0xab: {  	[sflag:s6] =	ssyncadd.remote.s32 @p0 $0x1;
	_ =	sdelay $0x1  }
0xac: {  	s6 =	simm.s32 @p0 $0x1B8D  }
0xad: {  	_ =	swait.eq @p0 [sflag:s6], $0x1  }
0xae: {  	[sflag:s6] =	ssyncadd.s32 @p0 $0xFFFFFFFF  }
0xaf: {  	s7 =	sshll.u32 @!p0 s1, $0xE  }
0xb0: {  	s7 =	sor.u32 @!p0 $0x4000, s7;
	s6 =	simm.s32 @!p0 $0x1B8D  }
0xb1: {  	s5 =	sshll.u32 @!p0 s5, $0x11;
	s7 =	sadd.s32 @!p0 $0x11B8D, s7;
	_ =	swait.eq @!p0 [sflag:s6], $0x1  }
0xb2: {  	s5 =	sor.u32 @!p0 s5, s7;
	[sflag:s6] =	ssyncadd.s32 @!p0 $0xFFFFFFFF  }
0xb3: {  	s25 =	simm.s32 $0x1B8E;
	s24 =	sld [smem:$0x3FFE];
	[sflag:s5] =	ssyncadd.remote.s32 @!p0 $0x1  }
0xb4: {  	s26 =	simm.s32 $execute0_lowered;
	[smem:$0x3FD2] =	sst s25  }
0xb5: {  	s6 =	sshll.u32 s26, $0x1;
	_ =	strace $0x80000049;
	[dreg:$0x1] =	wrdreg $0xFFFFFFFF  }
0xb6: {  	s28 =	simm.s32 $_size_execute0_lowered;
	s4 =	sadd.s32 s4, s6;
	[dreg:$0x0] =	wrdreg $0x0  }
0xb7: {  	s6 =	sshll.u32 s28, $0x1;
	[dreg:$0x2] =	wrdreg s4  }
0xb8: {  	[dreg:$0x3] =	wrdreg s6  }
0xb9: {  	[dreg:$0x4] =	wrdreg $0xC0  }
0xba: {  	_ =	task [dreg:s22], $0x5FFFF  }
0xbb: {  	[dreg:$0x1] =	wrdreg $0xFFFFFFFF  }
0xbc: {  	[dreg:$0x0] =	wrdreg $0x60  }
0xbd: {  	[dreg:$0x2] =	wrdreg s18  }
0xbe: {  	[dreg:$0x3] =	wrdreg s24  }
0xbf: {  	[dreg:$0x4] =	wrdreg $0x9  }
0xc0: {  	_ =	task.clear_ibuf [dreg:s22], $0x5FFFF;
	_ =	strace $0x90000049  }
0xc1: {  	s29 =	simm.s32 $0x9;
	_ =	strace $0x8000004B  }
0xc2: {  	_ =	swait.ge [sflag:s29], $0x1  }
0xc3: {  	[sflag:s29] =	ssyncadd.s32 $0xFFFFFFFF  }
0xc4: {  	_ =	strace $0x9000004B  }
0xc5: {  	_ =	sfence  }
0xc6: {  	s30 =	sld [smem:$0x0];
	_ =	sdelay $0x2  }
0xc7: {  	s31 =	sshll.u32 s1, $0xD;
	s1 =	sshrl.u32 s1, $0x2  }
0xc8: {  	s4 =	sand.u32 $0x4000, s31;
	s1 =	sadd.s32 s1, s30  }
0xc9: {  	s0 =	sor.u32 s4, s0;
	s1 =	sshll.u32 s1, $0x11  }
0xca: {  	s0 =	sor.u32 s1, s0  }
0xcb: {  	s0 =	sadd.s32 $0x8F2B, s0  }
0xcc: {  	[sflag:s0] =	ssyncadd.remote.s32 $0x1  }
0xcd: {  	_ =	sfence.sel $0xFFFF  }
0xce: {  	[dreg:$0x0] =	wrdreg $0xFFFFFFFF;
	(pc) =	sbr.abs _section_cstart, $3  }
0xcf: {  	[dreg:$0x1] =	wrdreg $0xFFFFFFFF  }
0xd0: {  	_ =	task.clear_ibuf [dreg:s22], $0x2FFFF;
	_ =	strace $0x9FFFFFFF  }
0xd1: {  	(tm) =	ssettm $0x7FFFFFFF  }
tec
execute0_lowered:
.L_overlay_start_1:
0x0: {  	(tag) =	ssettag $0x1  }
0x1: {  	s2 =	rddreg [dreg:$0x0]  }
0x2: {  	s0 =	srdreg.scid;
	s9 =	stileid.u32  }
0x3: {  	s1 =	rddreg [dreg:$0x1];
	s3 =	simm.s32 $0x0;
	s15 =	simm.s32 $0x9  }
0x4: {  	s16 =	simm.s32 $0x28;
	s17 =	simm.s32 $0x1400;
	s19 =	simm.s32 $0x2800  }
0x5: {  	s21 =	simm.s32 $0x3C00;
	s23 =	simm.s32 $0x5000;
	s24 =	simm.s32 $0x1  }
0x6: {  	s25 =	simm.s32 $0x2;
	s26 =	simm.s32 $0x5;
	s28 =	simm.s32 $0x6  }
0x7: {  	s31 =	simm.s32 $0x3;
	s0 =	sand.u32 $0x1, s0;
	s4 =	sshll.u32 s9, $0x1  }
0x8: {  	s18 =	simm.s32 $0x8;
	s11 =	smul.u32 $0xC800, s9;
	s4 =	sor.u32 s0, s4  }
0x9: {  	s29 =	simm.s32 $0x0;
	[smem:$0x7FF] =	sst s3;
	s5 =	smul.u32 $0x280, s4  }
0xa: {  	_ =	strace $0x8000004A;
	s6 =	ssub.s32 $0x2, s0;
	s0 =	smul.u32 $0x6400, s0  }
0xb: {  	s7 =	sshrl.u32 s6, $0x1;
	s8 =	smul.u32 $0x6400, s4;
	s5 =	sadd.s32 s5, s1  }
0xc: {  	s6 =	ssub.s32 s6, s7;
	s1 =	sadd.s32 $0x31000, s1;
	s30 =	sadd.s32 $0x2C000, s5  }
0xd: {  	s5 =	smax.u32 s6, $0x1;
	s6 =	sadd.s32 s1, s8;
	s1 =	sadd.s32 s11, s1  }
0xe: {  	[dreg:$0x3] =	wrdreg s30;
	s7 =	sadd.s32 $0x280, s6;
	s8 =	sadd.s32 $0x500, s6  }
0xf: {  	s9 =	sadd.s32 $0x780, s6;
	s10 =	sadd.s32 $0x5A00, s6;
	s11 =	sadd.s32 $0x5C80, s6  }
0x10: {  	s12 =	sadd.s32 $0x5F00, s6;
	s0 =	sadd.s32 s0, s1;
	s13 =	sadd.s32 $0x6180, s6  }
0x11: {  	s1 =	simm.s32 $0x4;
	s14 =	sadd.s32 $0xA00, s0;
	s0 =	simm.s32 $0x7  }
.LBB2_1:
0x12: {  	s4 =	rddreg [dreg:$0x3]  }
0x13: {  	[tilespmem:s3], [sflag:$0x9] =	stream.linear.gather [hbm4b:s4+s3], $0x1400, $0x38;
	[tilespmem:$0x6400] =	vst v63  }
0x14: {  	_ =	swait.ge [sflag:s15], $0x1400  }
0x15: {  	[sflag:s15] =	ssyncset.done $0x0  }
0x16: {  	[sflag:s15] =	ssyncadd.s32 $0xFFFFEC00  }
0x17: {  	[tilespmem:s17], [sflag:$0x1] =	stream.indirect.gather [hbm4b:s2+s16], $0x80, s3, s16, $0xb8;
	[tilespmem:$0x6400] =	vst v63  }
0x18: {  	s20 =	simm.s32 $0x80  }
0x19: {  	[tilespmem:s19], [sflag:$0x2] =	stream.indirect.gather [hbm4b:s2+s16], $0x80, s20, s16, $0xb8;
	[tilespmem:$0x6400] =	vst v63  }
0x1a: {  	s22 =	simm.s32 $0x100  }
0x1b: {  	[tilespmem:s21], [sflag:$0x3] =	stream.indirect.gather [hbm4b:s2+s16], $0x80, s22, s16, $0xb8;
	[tilespmem:$0x6400] =	vst v63  }
0x1c: {  	s20 =	simm.s32 $0x180  }
0x1d: {  	[tilespmem:s23], [sflag:$0x4] =	stream.indirect.gather [hbm4b:s2+s16], $0x80, s20, s16, $0xb8;
	[tilespmem:$0x6400] =	vst v63  }
0x1e: {  	_ =	swait.ge [sflag:s24], $0x1400  }
0x1f: {  	[sflag:s24] =	ssyncset.done $0x0  }
0x20: {  	[sflag:s24] =	ssyncadd.s32 $0xFFFFEC00  }
0x21: {  	[hbm4b:s6+s3] =	stream.linear.scatter [tilespmem:s17], [sflag:$0x5], $0x1400, $0x38;
	[tilespmem:$0x6400] =	vst v63  }
0x22: {  	_ =	swait.ge [sflag:s25], $0x1400  }
0x23: {  	[sflag:s25] =	ssyncset.done $0x0  }
0x24: {  	[sflag:s25] =	ssyncadd.s32 $0xFFFFEC00  }
0x25: {  	[hbm4b:s7+s3] =	stream.linear.scatter [tilespmem:s19], [sflag:$0x6], $0x1400, $0x38;
	[tilespmem:$0x6400] =	vst v63  }
0x26: {  	_ =	swait.ge [sflag:s26], $0x1400  }
0x27: {  	[sflag:s26] =	ssyncset.done $0x0  }
0x28: {  	[sflag:s26] =	ssyncadd.s32 $0xFFFFEC00  }
0x29: {  	_ =	swait.ge [sflag:s28], $0x1400  }
0x2a: {  	[sflag:s28] =	ssyncset.done $0x0  }
0x2b: {  	s22 =	simm.s32 $0x200;
	[sflag:s28] =	ssyncadd.s32 $0xFFFFEC00  }
0x2c: {  	[tilespmem:s17], [sflag:$0x1] =	stream.indirect.gather [hbm4b:s2+s16], $0x80, s22, s16, $0xb8;
	[tilespmem:$0x6400] =	vst v63  }
0x2d: {  	s20 =	simm.s32 $0x280  }
0x2e: {  	[tilespmem:s19], [sflag:$0x2] =	stream.indirect.gather [hbm4b:s2+s16], $0x80, s20, s16, $0xb8;
	[tilespmem:$0x6400] =	vst v63  }
0x2f: {  	_ =	swait.ge [sflag:s31], $0x1400  }
0x30: {  	[sflag:s31] =	ssyncset.done $0x0  }
0x31: {  	[sflag:s31] =	ssyncadd.s32 $0xFFFFEC00  }
0x32: {  	[hbm4b:s8+s3] =	stream.linear.scatter [tilespmem:s21], [sflag:$0x7], $0x1400, $0x38;
	[tilespmem:$0x6400] =	vst v63  }
0x33: {  	_ =	swait.ge [sflag:s1], $0x1400  }
0x34: {  	[sflag:s1] =	ssyncset.done $0x0  }
0x35: {  	[sflag:s1] =	ssyncadd.s32 $0xFFFFEC00  }
0x36: {  	[hbm4b:s9+s3] =	stream.linear.scatter [tilespmem:s23], [sflag:$0x8], $0x1400, $0x38;
	[tilespmem:$0x6400] =	vst v63  }
0x37: {  	_ =	swait.ge [sflag:s0], $0x1400  }
0x38: {  	[sflag:s0] =	ssyncset.done $0x0  }
0x39: {  	[sflag:s0] =	ssyncadd.s32 $0xFFFFEC00  }
0x3a: {  	_ =	swait.ge [sflag:s18], $0x1400  }
0x3b: {  	[sflag:s18] =	ssyncset.done $0x0  }
0x3c: {  	s20 =	simm.s32 $0x300;
	[sflag:s18] =	ssyncadd.s32 $0xFFFFEC00  }
0x3d: {  	[tilespmem:s21], [sflag:$0x3] =	stream.indirect.gather [hbm4b:s2+s16], $0x80, s20, s16, $0xb8;
	[tilespmem:$0x6400] =	vst v63  }
0x3e: {  	s22 =	simm.s32 $0x380  }
0x3f: {  	[tilespmem:s23], [sflag:$0x4] =	stream.indirect.gather [hbm4b:s2+s16], $0x80, s22, s16, $0xb8;
	[tilespmem:$0x6400] =	vst v63  }
0x40: {  	_ =	swait.ge [sflag:s24], $0x1400  }
0x41: {  	[sflag:s24] =	ssyncset.done $0x0  }
0x42: {  	[sflag:s24] =	ssyncadd.s32 $0xFFFFEC00  }
0x43: {  	[hbm4b:s14+s3] =	stream.linear.scatter [tilespmem:s17], [sflag:$0x5], $0x1400, $0x38;
	[tilespmem:$0x6400] =	vst v63  }
0x44: {  	_ =	swait.ge [sflag:s25], $0x1400  }
0x45: {  	[sflag:s25] =	ssyncset.done $0x0  }
0x46: {  	s4 =	sadd.s32 $0x280, s14;
	[sflag:s25] =	ssyncadd.s32 $0xFFFFEC00  }
0x47: {  	[hbm4b:s4+s3] =	stream.linear.scatter [tilespmem:s19], [sflag:$0x6], $0x1400, $0x38;
	[tilespmem:$0x6400] =	vst v63  }
0x48: {  	_ =	swait.ge [sflag:s26], $0x1400  }
0x49: {  	[sflag:s26] =	ssyncset.done $0x0  }
0x4a: {  	[sflag:s26] =	ssyncadd.s32 $0xFFFFEC00  }
0x4b: {  	_ =	swait.ge [sflag:s28], $0x1400  }
0x4c: {  	[sflag:s28] =	ssyncset.done $0x0  }
0x4d: {  	s22 =	simm.s32 $0x400;
	[sflag:s28] =	ssyncadd.s32 $0xFFFFEC00  }
0x4e: {  	[tilespmem:s17], [sflag:$0x1] =	stream.indirect.gather [hbm4b:s2+s16], $0x80, s22, s16, $0xb8;
	[tilespmem:$0x6400] =	vst v63  }
0x4f: {  	s4 =	simm.s32 $0x480  }
0x50: {  	[tilespmem:s19], [sflag:$0x2] =	stream.indirect.gather [hbm4b:s2+s16], $0x80, s4, s16, $0xb8;
	[tilespmem:$0x6400] =	vst v63  }
0x51: {  	_ =	swait.ge [sflag:s31], $0x1400  }
0x52: {  	[sflag:s31] =	ssyncset.done $0x0  }
0x53: {  	s22 =	sadd.s32 $0x500, s14;
	[sflag:s31] =	ssyncadd.s32 $0xFFFFEC00  }
0x54: {  	[hbm4b:s22+s3] =	stream.linear.scatter [tilespmem:s21], [sflag:$0x7], $0x1400, $0x38;
	[tilespmem:$0x6400] =	vst v63  }
0x55: {  	_ =	swait.ge [sflag:s1], $0x1400  }
0x56: {  	s30 =	simm.s32 $0x800;
	[sflag:s1] =	ssyncset.done $0x0  }
0x57: {  	s20 =	sadd.s32 $0xA00, s14;
	s22 =	sadd.s32 $0x780, s14;
	[sflag:s1] =	ssyncadd.s32 $0xFFFFEC00  }
.LBB2_2:
0x58: {  	[hbm4b:s22+s3] =	stream.linear.scatter [tilespmem:s23], [sflag:$0x8], $0x1400, $0x38;
	[tilespmem:$0x6400] =	vst v63  }
0x59: {  	s22 =	smov.u32 s30  }
0x5a: {  	p0 =	sne.s32 s30, $0x3800;
	s30 =	sadd.s32 $0x800, s30;
	_ =	swait.ge [sflag:s0], $0x1400  }
0x5b: {  	[sflag:s0] =	ssyncset.done $0x0  }
0x5c: {  	[sflag:s0] =	ssyncadd.s32 $0xFFFFEC00  }
0x5d: {  	_ =	swait.ge [sflag:s18], $0x1400  }
0x5e: {  	s22 =	sshra.s32 s22, $0x2;
	[sflag:s18] =	ssyncset.done $0x0  }
0x5f: {  	s4 =	sadd.s32 $0x300, s22;
	[sflag:s18] =	ssyncadd.s32 $0xFFFFEC00  }
0x60: {  	[tilespmem:s21], [sflag:$0x3] =	stream.indirect.gather [hbm4b:s2+s16], $0x80, s4, s16, $0xb8;
	[tilespmem:$0x6400] =	vst v63  }
0x61: {  	s4 =	sadd.s32 $0x380, s22  }
0x62: {  	[tilespmem:s23], [sflag:$0x4] =	stream.indirect.gather [hbm4b:s2+s16], $0x80, s4, s16, $0xb8;
	[tilespmem:$0x6400] =	vst v63  }
0x63: {  	_ =	swait.ge [sflag:s24], $0x1400  }
0x64: {  	[sflag:s24] =	ssyncset.done $0x0  }
0x65: {  	[sflag:s24] =	ssyncadd.s32 $0xFFFFEC00  }
0x66: {  	[hbm4b:s20+s3] =	stream.linear.scatter [tilespmem:s17], [sflag:$0x5], $0x1400, $0x38;
	[tilespmem:$0x6400] =	vst v63  }
0x67: {  	_ =	swait.ge [sflag:s25], $0x1400  }
0x68: {  	[sflag:s25] =	ssyncset.done $0x0  }
0x69: {  	s4 =	sadd.s32 $0x280, s20;
	[sflag:s25] =	ssyncadd.s32 $0xFFFFEC00  }
0x6a: {  	[hbm4b:s4+s3] =	stream.linear.scatter [tilespmem:s19], [sflag:$0x6], $0x1400, $0x38;
	[tilespmem:$0x6400] =	vst v63  }
0x6b: {  	_ =	swait.ge [sflag:s26], $0x1400  }
0x6c: {  	[sflag:s26] =	ssyncset.done $0x0  }
0x6d: {  	[sflag:s26] =	ssyncadd.s32 $0xFFFFEC00  }
0x6e: {  	_ =	swait.ge [sflag:s28], $0x1400  }
0x6f: {  	[sflag:s28] =	ssyncset.done $0x0  }
0x70: {  	s4 =	sadd.s32 $0x400, s22;
	[sflag:s28] =	ssyncadd.s32 $0xFFFFEC00  }
0x71: {  	[tilespmem:s17], [sflag:$0x1] =	stream.indirect.gather [hbm4b:s2+s16], $0x80, s4, s16, $0xb8;
	[tilespmem:$0x6400] =	vst v63  }
0x72: {  	s4 =	sadd.s32 $0x480, s22  }
0x73: {  	[tilespmem:s19], [sflag:$0x2] =	stream.indirect.gather [hbm4b:s2+s16], $0x80, s4, s16, $0xb8;
	[tilespmem:$0x6400] =	vst v63  }
0x74: {  	_ =	swait.ge [sflag:s31], $0x1400  }
0x75: {  	[sflag:s31] =	ssyncset.done $0x0  }
.Ltmp0:
0x76: {  	s4 =	sadd.s32 $0x500, s20;
	[sflag:s31] =	ssyncadd.s32 $0xFFFFEC00;
	(pc) =	sbr.rel @p0 .LBB2_2-.Ltmp0, $4  }
0x77: {  	[hbm4b:s4+s3] =	stream.linear.scatter [tilespmem:s21], [sflag:$0x7], $0x1400, $0x38;
	[tilespmem:$0x6400] =	vst v63  }
0x78: {  	_ =	swait.ge [sflag:s1], $0x1400  }
0x79: {  	[sflag:s1] =	ssyncset.done $0x0  }
0x7a: {  	s22 =	sadd.s32 $0x780, s20;
	s20 =	sadd.s32 $0xA00, s20;
	[sflag:s1] =	ssyncadd.s32 $0xFFFFEC00  }
0x7b: {  	[hbm4b:s22+s3] =	stream.linear.scatter [tilespmem:s23], [sflag:$0x8], $0x1400, $0x38;
	[tilespmem:$0x6400] =	vst v63  }
0x7c: {  	_ =	swait.ge [sflag:s0], $0x1400  }
0x7d: {  	[sflag:s0] =	ssyncset.done $0x0  }
0x7e: {  	[sflag:s0] =	ssyncadd.s32 $0xFFFFEC00  }
0x7f: {  	_ =	swait.ge [sflag:s18], $0x1400  }
0x80: {  	[sflag:s18] =	ssyncset.done $0x0  }
0x81: {  	s4 =	simm.s32 $0x1300;
	[sflag:s18] =	ssyncadd.s32 $0xFFFFEC00  }
0x82: {  	[tilespmem:s21], [sflag:$0x3] =	stream.indirect.gather [hbm4b:s2+s16], $0x80, s4, s16, $0xb8;
	[tilespmem:$0x6400] =	vst v63  }
0x83: {  	s30 =	simm.s32 $0x1380  }
0x84: {  	[tilespmem:s23], [sflag:$0x4] =	stream.indirect.gather [hbm4b:s2+s16], $0x80, s30, s16, $0xb8;
	[tilespmem:$0x6400] =	vst v63  }
0x85: {  	_ =	swait.ge [sflag:s24], $0x1400  }
0x86: {  	[sflag:s24] =	ssyncset.done $0x0  }
0x87: {  	[sflag:s24] =	ssyncadd.s32 $0xFFFFEC00  }
0x88: {  	[hbm4b:s10+s3] =	stream.linear.scatter [tilespmem:s17], [sflag:$0x5], $0x1400, $0x38;
	[tilespmem:$0x6400] =	vst v63  }
0x89: {  	_ =	swait.ge [sflag:s25], $0x1400  }
0x8a: {  	[sflag:s25] =	ssyncset.done $0x0  }
0x8b: {  	[sflag:s25] =	ssyncadd.s32 $0xFFFFEC00  }
0x8c: {  	[hbm4b:s11+s3] =	stream.linear.scatter [tilespmem:s19], [sflag:$0x6], $0x1400, $0x38;
	[tilespmem:$0x6400] =	vst v63  }
0x8d: {  	_ =	swait.ge [sflag:s31], $0x1400  }
0x8e: {  	[sflag:s31] =	ssyncset.done $0x0  }
0x8f: {  	[sflag:s31] =	ssyncadd.s32 $0xFFFFEC00  }
0x90: {  	[hbm4b:s12+s3] =	stream.linear.scatter [tilespmem:s21], [sflag:$0x7], $0x1400, $0x38;
	[tilespmem:$0x6400] =	vst v63  }
0x91: {  	_ =	swait.ge [sflag:s1], $0x1400  }
0x92: {  	[sflag:s1] =	ssyncset.done $0x0  }
0x93: {  	[sflag:s1] =	ssyncadd.s32 $0xFFFFEC00  }
0x94: {  	[hbm4b:s13+s3] =	stream.linear.scatter [tilespmem:s23], [sflag:$0x8], $0x1400, $0x38;
	[tilespmem:$0x6400] =	vst v63  }
0x95: {  	_ =	swait.ge [sflag:s26], $0x1400  }
0x96: {  	[sflag:s26] =	ssyncset.done $0x0  }
0x97: {  	[sflag:s26] =	ssyncadd.s32 $0xFFFFEC00  }
0x98: {  	_ =	swait.ge [sflag:s28], $0x1400  }
0x99: {  	[sflag:s28] =	ssyncset.done $0x0  }
0x9a: {  	s29 =	sadd.s32 $0x1, s29;
	[sflag:s28] =	ssyncadd.s32 $0xFFFFEC00  }
0x9b: {  	p0 =	sne.s32 s29, s5;
	_ =	swait.ge [sflag:s0], $0x1400  }
.Ltmp1:
0x9c: {  	[sflag:s0] =	ssyncset.done $0x0;
	(pc) =	sbr.rel @p0 .LBB2_1-.Ltmp1, $4  }
0x9d: {  	[sflag:s0] =	ssyncadd.s32 $0xFFFFEC00  }
0x9e: {  	_ =	swait.ge [sflag:s18], $0x1400  }
0x9f: {  	[sflag:s18] =	ssyncset.done $0x0  }
0xa0: {  	[sflag:s18] =	ssyncadd.s32 $0xFFFFEC00  }
0xa1: {  	_ =	sfence.sel $0x180000  }
0xa2: {  	[bflag:$0x0] =	sbarrier.arrive $0xFFFF  }
0xa3: {  	_ =	strace $0x9000004A  }
0xa4: {  	s0 =	stileid.u32;
	[bflag:$0x2] =	sbarrier.arrive $0xFFFF  }
0xa5: {  	p0 =	sne.s32 s0, $0x0;
	s0 =	rddreg [dreg:$0x2]  }
0xa6: {  	s0 =	sadd.s32 @!p0 $0x100000, s0  }
0xa7: {  	[sflag:s0] =	ssyncadd.tile.s32 @!p0 $0x1;
	_ =	shalt  }
.Lfunc_end2:
_tile_overlayer_lowered:
.L_overlay_start_2:
0xa8: {  	(tag) =	ssettag $0x2  }
0xa9: {  	s0 =	rddreg [dreg:$0x0];
	s2 =	stileid.u32  }
0xaa: {  	s1 =	rddreg [dreg:$0x1];
	p0 =	sne.s32 s2, $0x0  }
0xab: {  	s3 =	rddreg [dreg:$0x2];
	[bflag:$0x3] =	sbarrier.arrive $0xFFFF;
	s2 =	simm.s32 @!p0 $0x1C09  }
0xac: {  	[timem:s3], [sflag:s2] =	dma.local @!p0 [hbm:s0], s1  }
0xad: {  	s0 =	simm.s32 @!p0 $0x9  }
0xae: {  	_ =	swait.ge @!p0 [sflag:s0], s1  }
0xaf: {  	s1 =	ssub.s32 @!p0 $0x0, s1;
	[sflag:s0] =	ssyncset.done @!p0 $0x0  }
0xb0: {  	[sflag:s0] =	ssyncadd.s32 @!p0 s1  }
0xb1: {  	[bflag:$0x3] =	sbarrier.arrive $0xFFFF  }
0xb2: {  	_ =	shalt  }

// kernel: kernel.19.cloned.1.call-start
scs
__scs_entry_jumppad:
0x0: {  	(pc) =	sbr.rel $0x88, $3  }
0x1: {  	(tag) =	ssettag $0x0;
	lr =	simm.s32 $0x1  }
0x2: {  	[smem:$0x3F95] =	sst lr;
	_ =	strace $0xD0000000  }
0x3: {  	_ = 	snop  }
0x4: {  	_ = 	snop  }
0x5: {  	_ = 	snop  }
0x6: {  	_ = 	snop  }
0x7: {  	_ = 	snop  }
__scs_overlays_trampoline_lowered:
0x8: {  	[smem:$0x3FA4] =	sst s0  }
0x9: {  	[smem:$0x3FA5] =	sst s1  }
0xa: {  	[smem:$0x3FA6] =	sst s2  }
0xb: {  	[smem:$0x3FA7] =	sst s3  }
0xc: {  	[smem:$0x3FA8] =	sst s4  }
0xd: {  	[smem:$0x3FA9] =	sst s5  }
0xe: {  	[smem:$0x3FAA] =	sst s6  }
0xf: {  	[smem:$0x3FAB] =	sst s7  }
0x10: {  	[smem:$0x3FAC] =	sst s8  }
0x11: {  	[smem:$0x3FAD] =	sst s9;
	s0 =	simm.s32 @!p0 $0x0  }
0x12: {  	s1 =	sld [smem:$0x3F93];
	s0 =	simm.s32 @p0 $0x1  }
0x13: {  	[smem:$0x3FAE] =	sst s0;
	s0 =	simm.s32 @!p1 $0x0  }
0x14: {  	s2 =	sld [smem:$0x3F92];
	s0 =	simm.s32 @p1 $0x1  }
0x15: {  	[smem:$0x3FAF] =	sst s0;
	s0 =	simm.s32 @!p2 $0x0  }
0x16: {  	s3 =	sld [smem:$0x3FDB];
	s0 =	simm.s32 @p2 $0x1  }
0x17: {  	s4 =	simm.s32 $0x1BF5;
	[smem:$0x3FB1] =	sst s0  }
0x18: {  	s0 =	sld [smem:$0x3F94];
	_ =	swait.ge [sflag:s4], $0x0  }
0x19: {  	s7 =	sld [smem:$0x3F95]  }
0x1a: {  	s8 =	sadd.s32 $0xFFFFE003, lr  }
0x1b: {  	s9 =	sadd.s32 $0xFFFFFEF7, lr;
	s5 =	simm.s32 $0xFFFFFFFF;
	p2 =	slt.u32 s8, $0xFFFFF086  }
0x1c: {  	p1 =	slt.u32 s9, $0xF7A;
	s5 =	simm.s32 @!p2 $0x0  }
0x1d: {  	s5 =	simm.s32 @p1 $0x1;
	p0 =	seq.s32 s7, s2  }
0x1e: {  	s7 =	smul.u32 @!p0 $0xF7A, s2;
	p2 =	seq.s32 @!p0 s5, $0x0  }
0x1f: {  	s9 =	smul.u32 $0xF7A, s1;
	s8 =	simm.s32 @!p0 $0x1BF5;
	p2 =	por !p2, p0  }
0x20: {  	[sflag:s8] =	ssyncset.s32 @!p0 $0xFFFFF086;
	s6 =	sadd.s32 @!p0 s3, s7;
	s7 =	simm.s32 @!p0 $0x108  }
0x21: {  	s3 =	sadd.s32 s3, s9;
	s6 =	sadd.s32 @!p0 $0x88, s6;
	s7 =	simm.s32 @p2 $0x1082  }
0x22: {  	[simem:s7], [sflag:s8] =	dma.local @!p0 [hbm:s6], $0xF7A  }
0x23: {  	s9 =	sor.u32 $0xD0000000, s2;
	s6 =	simm.s32 $0x108;
	_ =	swait.ge @!p0 [sflag:s8], $0x0  }
0x24: {  	s3 =	sadd.s32 $0x88, s3;
	s6 =	simm.s32 @!p1 $0x1082;
	[sflag:s4] =	ssyncset.s32 $0xFFFFF086  }
0x25: {  	[simem:s6], [sflag:s4] =	dma.local [hbm:s3], $0xF7A  }
0x26: {  	[smem:$0x3F95] =	sst s1;
	(tag) =	ssettag s2;
	_ =	strace s9  }
0x27: {  	s1 =	sld [smem:$0x3FA5]  }
0x28: {  	s2 =	sld [smem:$0x3FA6]  }
0x29: {  	s4 =	sld [smem:$0x3FA8]  }
0x2a: {  	p0 =	seq.s32 s5, $0x0;
	s5 =	sld [smem:$0x3FA9]  }
0x2b: {  	s6 =	sld [smem:$0x3FAA]  }
0x2c: {  	s7 =	sld [smem:$0x3FAB]  }
0x2d: {  	s3 =	simm.s32 $0x108;
	s8 =	sld [smem:$0x3FAC]  }
0x2e: {  	s3 =	simm.s32 @!p0 $0x1082;
	s9 =	sld [smem:$0x3FAD]  }
0x2f: {  	lr =	sadd.s32 s0, s3;
	s0 =	sld [smem:$0x3FA4]  }
0x30: {  	s3 =	sld [smem:$0x3FA7]  }
0x31: {  	[smem:$0x3FB0] =	sst s10  }
0x32: {  	s10 =	sld [smem:$0x3FAE];
	_ =	sdelay $0x3  }
0x33: {  	p0 =	seq.s32 s10, $0x1;
	s10 =	sld [smem:$0x3FB0];
	_ =	sdelay $0x3  }
0x34: {  	[smem:$0x3FB0] =	sst s10  }
0x35: {  	s10 =	sld [smem:$0x3FAF];
	_ =	sdelay $0x3  }
0x36: {  	p1 =	seq.s32 s10, $0x1;
	s10 =	sld [smem:$0x3FB0];
	_ =	sdelay $0x3  }
0x37: {  	[smem:$0x3FB0] =	sst s10  }
0x38: {  	s10 =	sld [smem:$0x3FB1]  }
0x39: {  	_ = 	snop;
	(pc) =	sbr.ind lr, $3  }
0x3a: {  	_ = 	snop  }
0x3b: {  	_ = 	snop  }
0x3c: {  	p2 =	seq.s32 s10, $0x1;
	s10 =	sld [smem:$0x3FB0]  }
0x3d: {  	_ =	shalt  }
0x3e: {  	_ =	shalt  }
0x3f: {  	_ =	shalt  }
0x40: {  	_ =	shalt  }
0x41: {  	_ =	shalt  }
0x42: {  	_ =	shalt  }
0x43: {  	_ =	shalt  }
0x44: {  	_ =	shalt  }
0x45: {  	_ =	shalt  }
0x46: {  	_ =	shalt  }
0x47: {  	_ =	shalt  }
0x48: {  	_ =	shalt  }
0x49: {  	_ =	shalt  }
0x4a: {  	_ =	shalt  }
0x4b: {  	_ =	shalt  }
0x4c: {  	_ =	shalt  }
0x4d: {  	_ =	shalt  }
0x4e: {  	_ =	shalt  }
0x4f: {  	_ =	shalt  }
0x50: {  	_ =	shalt  }
0x51: {  	_ =	shalt  }
0x52: {  	_ =	shalt  }
0x53: {  	_ =	shalt  }
0x54: {  	_ =	shalt  }
0x55: {  	_ =	shalt  }
0x56: {  	_ =	shalt  }
0x57: {  	_ =	shalt  }
0x58: {  	_ =	shalt  }
0x59: {  	_ =	shalt  }
0x5a: {  	_ =	shalt  }
0x5b: {  	_ =	shalt  }
0x5c: {  	_ =	shalt  }
0x5d: {  	_ =	shalt  }
0x5e: {  	_ =	shalt  }
0x5f: {  	_ =	shalt  }
0x60: {  	_ =	shalt  }
0x61: {  	_ =	shalt  }
0x62: {  	_ =	shalt  }
0x63: {  	_ =	shalt  }
0x64: {  	_ =	shalt  }
0x65: {  	_ =	shalt  }
0x66: {  	_ =	shalt  }
0x67: {  	_ =	shalt  }
0x68: {  	_ =	shalt  }
0x69: {  	_ =	shalt  }
0x6a: {  	_ =	shalt  }
0x6b: {  	_ =	shalt  }
0x6c: {  	_ =	shalt  }
0x6d: {  	_ =	shalt  }
0x6e: {  	_ =	shalt  }
0x6f: {  	_ =	shalt  }
0x70: {  	_ =	shalt  }
0x71: {  	_ =	shalt  }
0x72: {  	_ =	shalt  }
0x73: {  	_ =	shalt  }
0x74: {  	_ =	shalt  }
0x75: {  	_ =	shalt  }
0x76: {  	_ =	shalt  }
0x77: {  	_ =	shalt  }
0x78: {  	_ =	shalt  }
0x79: {  	_ =	shalt  }
0x7a: {  	_ =	shalt  }
0x7b: {  	_ =	shalt  }
0x7c: {  	_ =	shalt  }
0x7d: {  	_ =	shalt  }
0x7e: {  	_ =	shalt  }
0x7f: {  	_ =	shalt  }
0x80: {  	_ =	shalt  }
0x81: {  	_ =	shalt  }
0x82: {  	_ =	shalt  }
0x83: {  	_ =	shalt  }
0x84: {  	_ =	shalt  }
0x85: {  	_ =	shalt  }
0x86: {  	_ =	shalt  }
0x87: {  	_ =	shalt  }
.Lfunc_end0:
.L_simem_size_0:
called_computation.1_lowered:
.L_overlay_start_0:
0x88: {  	s2 =	sld [smem:$0x3FD9]  }
0x89: {  	s3 =	sld [smem:$0x3FFE];
	_ =	sdelay $0x1  }
0x8a: {  	s1 =	srdreg.scid  }
0x8b: {  	s0 =	sand.u32 $0x1, s1  }
0x8c: {  	s17 =	sshll.u32 s0, $0xA;
	s2 =	sadd.s32 s3, s2  }
0x8d: {  	s2 =	sadd.s32 s2, s17  }
0x8e: {  	[smem:$0x3FBC] =	sst s2  }
0x8f: {  	_ = 	snop  }
0x90: {  	s18 =	sld [smem:$0x3FC7];
	(tm) =	ssettm $0x1  }
0x91: {  	s19 =	sld [smem:$0x3FFB];
	_ =	sdelay $0x3  }
0x92: {  	_ =	strace s19  }
0x93: {  	s2 =	sld [smem:$0x3FFC];
	_ =	sdelay $0x3  }
0x94: {  	_ =	strace s2  }
0x95: {  	s2 =	sld [smem:$0x3FFD];
	_ =	sdelay $0x3  }
0x96: {  	_ =	strace s2  }
0x97: {  	_ =	strace $0x8FFFFFFF  }
0x98: {  	s20 =	sld [smem:$0x3FDB];
	_ =	sdelay $0x1  }
0x99: {  	s4 =	simm.s32 $_scs_section_size  }
0x9a: {  	s5 =	simm.s32 $_size__tile_overlayer_lowered;
	s6 =	simm.s32 $_tile_overlayer_lowered  }
0x9b: {  	s7 =	simm.s32 $0x1BFF;
	s21 =	sshll.u32 s6, $0x1;
	s4 =	sadd.s32 s4, s20  }
0x9c: {  	s22 =	simm.s32 $0x0;
	s5 =	sshll.u32 s5, $0x1;
	s6 =	sadd.s32 s21, s4  }
0x9d: {  	[timem:s22], [sflag:s7] =	dma.local [hbm:s6], s5  }
0x9e: {  	_ =	swait.ge [sflag:s7], s5  }
0x9f: {  	s5 =	ssub.s32 $0x0, s5;
	[sflag:s7] =	ssyncset.done $0x0  }
0xa0: {  	[sflag:s7] =	ssyncadd.s32 s5;
	_ =	sdelay $0x1  }
0xa1: {  	s23 =	simm.s32 $0x1B8B  }
0xa2: {  	_ =	swait.ge [sflag:s23], $0x1  }
0xa3: {  	[sflag:s23] =	ssyncset.done $0x0  }
0xa4: {  	[sflag:s23] =	ssyncadd.s32 $0xFFFFFFFF  }
0xa5: {  	s5 =	sld [smem:$0x0]  }
0xa6: {  	s6 =	sand.u32 $0xFFFFFFFE, s1  }
0xa7: {  	p0 =	sne.s32 s1, s6  }
0xa8: {  	s6 =	sshll.u32 @p0 s6, $0xE  }
0xa9: {  	s6 =	sadd.s32 @p0 $0x11B8D, s6;
	s7 =	sshll.u32 @p0 s5, $0x11  }
0xaa: {  	s6 =	sor.u32 @p0 s7, s6  }
0xab: {  	[sflag:s6] =	ssyncadd.remote.s32 @p0 $0x1;
	_ =	sdelay $0x1  }
0xac: {  	s6 =	simm.s32 @p0 $0x1B8D  }
0xad: {  	_ =	swait.eq @p0 [sflag:s6], $0x1  }
0xae: {  	[sflag:s6] =	ssyncadd.s32 @p0 $0xFFFFFFFF  }
0xaf: {  	s7 =	sshll.u32 @!p0 s1, $0xE  }
0xb0: {  	s7 =	sor.u32 @!p0 $0x4000, s7;
	s6 =	simm.s32 @!p0 $0x1B8D  }
0xb1: {  	s5 =	sshll.u32 @!p0 s5, $0x11;
	s7 =	sadd.s32 @!p0 $0x11B8D, s7;
	_ =	swait.eq @!p0 [sflag:s6], $0x1  }
0xb2: {  	s5 =	sor.u32 @!p0 s5, s7;
	[sflag:s6] =	ssyncadd.s32 @!p0 $0xFFFFFFFF  }
0xb3: {  	s25 =	simm.s32 $0x1B8E;
	s24 =	sld [smem:$0x3FFE];
	[sflag:s5] =	ssyncadd.remote.s32 @!p0 $0x1  }
0xb4: {  	s26 =	simm.s32 $execute0_lowered;
	[smem:$0x3FD2] =	sst s25  }
0xb5: {  	s6 =	sshll.u32 s26, $0x1;
	_ =	strace $0x8000004C;
	[dreg:$0x1] =	wrdreg $0xFFFFFFFF  }
0xb6: {  	s28 =	simm.s32 $_size_execute0_lowered;
	s4 =	sadd.s32 s4, s6;
	[dreg:$0x0] =	wrdreg $0x0  }
0xb7: {  	s6 =	sshll.u32 s28, $0x1;
	[dreg:$0x2] =	wrdreg s4  }
0xb8: {  	[dreg:$0x3] =	wrdreg s6  }
0xb9: {  	[dreg:$0x4] =	wrdreg $0xC0  }
0xba: {  	_ =	task [dreg:s22], $0x5FFFF  }
0xbb: {  	[dreg:$0x1] =	wrdreg $0xFFFFFFFF  }
0xbc: {  	[dreg:$0x0] =	wrdreg $0x60  }
0xbd: {  	[dreg:$0x2] =	wrdreg s18  }
0xbe: {  	[dreg:$0x3] =	wrdreg s24  }
0xbf: {  	[dreg:$0x4] =	wrdreg $0xA  }
0xc0: {  	_ =	task.clear_ibuf [dreg:s22], $0x5FFFF;
	_ =	strace $0x9000004C  }
0xc1: {  	s29 =	simm.s32 $0xA;
	_ =	strace $0x8000004E  }
0xc2: {  	_ =	swait.ge [sflag:s29], $0x1  }
0xc3: {  	[sflag:s29] =	ssyncadd.s32 $0xFFFFFFFF  }
0xc4: {  	_ =	strace $0x9000004E  }
0xc5: {  	_ =	sfence  }
0xc6: {  	s30 =	sld [smem:$0x0];
	_ =	sdelay $0x2  }
0xc7: {  	s31 =	sshll.u32 s1, $0xD;
	s1 =	sshrl.u32 s1, $0x2  }
0xc8: {  	s4 =	sand.u32 $0x4000, s31;
	s1 =	sadd.s32 s1, s30  }
0xc9: {  	s0 =	sor.u32 s4, s0;
	s1 =	sshll.u32 s1, $0x11  }
0xca: {  	s0 =	sor.u32 s1, s0  }
0xcb: {  	s0 =	sadd.s32 $0x8F2B, s0  }
0xcc: {  	[sflag:s0] =	ssyncadd.remote.s32 $0x1  }
0xcd: {  	_ =	sfence.sel $0xFFFF  }
0xce: {  	[dreg:$0x0] =	wrdreg $0xFFFFFFFF;
	(pc) =	sbr.abs _section_cstart, $3  }
0xcf: {  	[dreg:$0x1] =	wrdreg $0xFFFFFFFF  }
0xd0: {  	_ =	task.clear_ibuf [dreg:s22], $0x2FFFF;
	_ =	strace $0x9FFFFFFF  }
0xd1: {  	(tm) =	ssettm $0x7FFFFFFF  }
tec
execute0_lowered:
.L_overlay_start_1:
0x0: {  	(tag) =	ssettag $0x1  }
0x1: {  	s2 =	rddreg [dreg:$0x0]  }
0x2: {  	s0 =	srdreg.scid;
	s9 =	stileid.u32  }
0x3: {  	s1 =	rddreg [dreg:$0x1];
	s3 =	simm.s32 $0x0;
	s15 =	simm.s32 $0x9  }
0x4: {  	s16 =	simm.s32 $0x28;
	s17 =	simm.s32 $0x1400;
	s19 =	simm.s32 $0x2800  }
0x5: {  	s21 =	simm.s32 $0x3C00;
	s23 =	simm.s32 $0x5000;
	s24 =	simm.s32 $0x1  }
0x6: {  	s25 =	simm.s32 $0x2;
	s26 =	simm.s32 $0x5;
	s28 =	simm.s32 $0x6  }
0x7: {  	s31 =	simm.s32 $0x3;
	s0 =	sand.u32 $0x1, s0;
	s4 =	sshll.u32 s9, $0x1  }
0x8: {  	s18 =	simm.s32 $0x8;
	s11 =	smul.u32 $0xC800, s9;
	s4 =	sor.u32 s0, s4  }
0x9: {  	s29 =	simm.s32 $0x0;
	[smem:$0x7FF] =	sst s3;
	s5 =	smul.u32 $0x280, s4  }
0xa: {  	_ =	strace $0x8000004D;
	s6 =	ssub.s32 $0x2, s0;
	s0 =	smul.u32 $0x6400, s0  }
0xb: {  	s7 =	sshrl.u32 s6, $0x1;
	s8 =	smul.u32 $0x6400, s4;
	s5 =	sadd.s32 s5, s1  }
0xc: {  	s6 =	ssub.s32 s6, s7;
	s1 =	sadd.s32 $0xFE000, s1;
	s30 =	sadd.s32 $0xF9000, s5  }
0xd: {  	s5 =	smax.u32 s6, $0x1;
	s6 =	sadd.s32 s1, s8;
	s1 =	sadd.s32 s11, s1  }
0xe: {  	[dreg:$0x3] =	wrdreg s30;
	s7 =	sadd.s32 $0x280, s6;
	s8 =	sadd.s32 $0x500, s6  }
0xf: {  	s9 =	sadd.s32 $0x780, s6;
	s10 =	sadd.s32 $0x5A00, s6;
	s11 =	sadd.s32 $0x5C80, s6  }
0x10: {  	s12 =	sadd.s32 $0x5F00, s6;
	s0 =	sadd.s32 s0, s1;
	s13 =	sadd.s32 $0x6180, s6  }
0x11: {  	s1 =	simm.s32 $0x4;
	s14 =	sadd.s32 $0xA00, s0;
	s0 =	simm.s32 $0x7  }
.LBB2_1:
0x12: {  	s4 =	rddreg [dreg:$0x3]  }
0x13: {  	[tilespmem:s3], [sflag:$0x9] =	stream.linear.gather [hbm4b:s4+s3], $0x1400, $0x38;
	[tilespmem:$0x6400] =	vst v63  }
0x14: {  	_ =	swait.ge [sflag:s15], $0x1400  }
0x15: {  	[sflag:s15] =	ssyncset.done $0x0  }
0x16: {  	[sflag:s15] =	ssyncadd.s32 $0xFFFFEC00  }
0x17: {  	[tilespmem:s17], [sflag:$0x1] =	stream.indirect.gather [hbm4b:s2+s16], $0x80, s3, s16, $0xb8;
	[tilespmem:$0x6400] =	vst v63  }
0x18: {  	s20 =	simm.s32 $0x80  }
0x19: {  	[tilespmem:s19], [sflag:$0x2] =	stream.indirect.gather [hbm4b:s2+s16], $0x80, s20, s16, $0xb8;
	[tilespmem:$0x6400] =	vst v63  }
0x1a: {  	s22 =	simm.s32 $0x100  }
0x1b: {  	[tilespmem:s21], [sflag:$0x3] =	stream.indirect.gather [hbm4b:s2+s16], $0x80, s22, s16, $0xb8;
	[tilespmem:$0x6400] =	vst v63  }
0x1c: {  	s20 =	simm.s32 $0x180  }
0x1d: {  	[tilespmem:s23], [sflag:$0x4] =	stream.indirect.gather [hbm4b:s2+s16], $0x80, s20, s16, $0xb8;
	[tilespmem:$0x6400] =	vst v63  }
0x1e: {  	_ =	swait.ge [sflag:s24], $0x1400  }
0x1f: {  	[sflag:s24] =	ssyncset.done $0x0  }
0x20: {  	[sflag:s24] =	ssyncadd.s32 $0xFFFFEC00  }
0x21: {  	[hbm4b:s6+s3] =	stream.linear.scatter [tilespmem:s17], [sflag:$0x5], $0x1400, $0x38;
	[tilespmem:$0x6400] =	vst v63  }
0x22: {  	_ =	swait.ge [sflag:s25], $0x1400  }
0x23: {  	[sflag:s25] =	ssyncset.done $0x0  }
0x24: {  	[sflag:s25] =	ssyncadd.s32 $0xFFFFEC00  }
0x25: {  	[hbm4b:s7+s3] =	stream.linear.scatter [tilespmem:s19], [sflag:$0x6], $0x1400, $0x38;
	[tilespmem:$0x6400] =	vst v63  }
0x26: {  	_ =	swait.ge [sflag:s26], $0x1400  }
0x27: {  	[sflag:s26] =	ssyncset.done $0x0  }
0x28: {  	[sflag:s26] =	ssyncadd.s32 $0xFFFFEC00  }
0x29: {  	_ =	swait.ge [sflag:s28], $0x1400  }
0x2a: {  	[sflag:s28] =	ssyncset.done $0x0  }
0x2b: {  	s22 =	simm.s32 $0x200;
	[sflag:s28] =	ssyncadd.s32 $0xFFFFEC00  }
0x2c: {  	[tilespmem:s17], [sflag:$0x1] =	stream.indirect.gather [hbm4b:s2+s16], $0x80, s22, s16, $0xb8;
	[tilespmem:$0x6400] =	vst v63  }
0x2d: {  	s20 =	simm.s32 $0x280  }
0x2e: {  	[tilespmem:s19], [sflag:$0x2] =	stream.indirect.gather [hbm4b:s2+s16], $0x80, s20, s16, $0xb8;
	[tilespmem:$0x6400] =	vst v63  }
0x2f: {  	_ =	swait.ge [sflag:s31], $0x1400  }
0x30: {  	[sflag:s31] =	ssyncset.done $0x0  }
0x31: {  	[sflag:s31] =	ssyncadd.s32 $0xFFFFEC00  }
0x32: {  	[hbm4b:s8+s3] =	stream.linear.scatter [tilespmem:s21], [sflag:$0x7], $0x1400, $0x38;
	[tilespmem:$0x6400] =	vst v63  }
0x33: {  	_ =	swait.ge [sflag:s1], $0x1400  }
0x34: {  	[sflag:s1] =	ssyncset.done $0x0  }
0x35: {  	[sflag:s1] =	ssyncadd.s32 $0xFFFFEC00  }
0x36: {  	[hbm4b:s9+s3] =	stream.linear.scatter [tilespmem:s23], [sflag:$0x8], $0x1400, $0x38;
	[tilespmem:$0x6400] =	vst v63  }
0x37: {  	_ =	swait.ge [sflag:s0], $0x1400  }
0x38: {  	[sflag:s0] =	ssyncset.done $0x0  }
0x39: {  	[sflag:s0] =	ssyncadd.s32 $0xFFFFEC00  }
0x3a: {  	_ =	swait.ge [sflag:s18], $0x1400  }
0x3b: {  	[sflag:s18] =	ssyncset.done $0x0  }
0x3c: {  	s20 =	simm.s32 $0x300;
	[sflag:s18] =	ssyncadd.s32 $0xFFFFEC00  }
0x3d: {  	[tilespmem:s21], [sflag:$0x3] =	stream.indirect.gather [hbm4b:s2+s16], $0x80, s20, s16, $0xb8;
	[tilespmem:$0x6400] =	vst v63  }
0x3e: {  	s22 =	simm.s32 $0x380  }
0x3f: {  	[tilespmem:s23], [sflag:$0x4] =	stream.indirect.gather [hbm4b:s2+s16], $0x80, s22, s16, $0xb8;
	[tilespmem:$0x6400] =	vst v63  }
0x40: {  	_ =	swait.ge [sflag:s24], $0x1400  }
0x41: {  	[sflag:s24] =	ssyncset.done $0x0  }
0x42: {  	[sflag:s24] =	ssyncadd.s32 $0xFFFFEC00  }
0x43: {  	[hbm4b:s14+s3] =	stream.linear.scatter [tilespmem:s17], [sflag:$0x5], $0x1400, $0x38;
	[tilespmem:$0x6400] =	vst v63  }
0x44: {  	_ =	swait.ge [sflag:s25], $0x1400  }
0x45: {  	[sflag:s25] =	ssyncset.done $0x0  }
0x46: {  	s4 =	sadd.s32 $0x280, s14;
	[sflag:s25] =	ssyncadd.s32 $0xFFFFEC00  }
0x47: {  	[hbm4b:s4+s3] =	stream.linear.scatter [tilespmem:s19], [sflag:$0x6], $0x1400, $0x38;
	[tilespmem:$0x6400] =	vst v63  }
0x48: {  	_ =	swait.ge [sflag:s26], $0x1400  }
0x49: {  	[sflag:s26] =	ssyncset.done $0x0  }
0x4a: {  	[sflag:s26] =	ssyncadd.s32 $0xFFFFEC00  }
0x4b: {  	_ =	swait.ge [sflag:s28], $0x1400  }
0x4c: {  	[sflag:s28] =	ssyncset.done $0x0  }
0x4d: {  	s22 =	simm.s32 $0x400;
	[sflag:s28] =	ssyncadd.s32 $0xFFFFEC00  }
0x4e: {  	[tilespmem:s17], [sflag:$0x1] =	stream.indirect.gather [hbm4b:s2+s16], $0x80, s22, s16, $0xb8;
	[tilespmem:$0x6400] =	vst v63  }
0x4f: {  	s4 =	simm.s32 $0x480  }
0x50: {  	[tilespmem:s19], [sflag:$0x2] =	stream.indirect.gather [hbm4b:s2+s16], $0x80, s4, s16, $0xb8;
	[tilespmem:$0x6400] =	vst v63  }
0x51: {  	_ =	swait.ge [sflag:s31], $0x1400  }
0x52: {  	[sflag:s31] =	ssyncset.done $0x0  }
0x53: {  	s22 =	sadd.s32 $0x500, s14;
	[sflag:s31] =	ssyncadd.s32 $0xFFFFEC00  }
0x54: {  	[hbm4b:s22+s3] =	stream.linear.scatter [tilespmem:s21], [sflag:$0x7], $0x1400, $0x38;
	[tilespmem:$0x6400] =	vst v63  }
0x55: {  	_ =	swait.ge [sflag:s1], $0x1400  }
0x56: {  	s30 =	simm.s32 $0x800;
	[sflag:s1] =	ssyncset.done $0x0  }
0x57: {  	s20 =	sadd.s32 $0xA00, s14;
	s22 =	sadd.s32 $0x780, s14;
	[sflag:s1] =	ssyncadd.s32 $0xFFFFEC00  }
.LBB2_2:
0x58: {  	[hbm4b:s22+s3] =	stream.linear.scatter [tilespmem:s23], [sflag:$0x8], $0x1400, $0x38;
	[tilespmem:$0x6400] =	vst v63  }
0x59: {  	s22 =	smov.u32 s30  }
0x5a: {  	p0 =	sne.s32 s30, $0x3800;
	s30 =	sadd.s32 $0x800, s30;
	_ =	swait.ge [sflag:s0], $0x1400  }
0x5b: {  	[sflag:s0] =	ssyncset.done $0x0  }
0x5c: {  	[sflag:s0] =	ssyncadd.s32 $0xFFFFEC00  }
0x5d: {  	_ =	swait.ge [sflag:s18], $0x1400  }
0x5e: {  	s22 =	sshra.s32 s22, $0x2;
	[sflag:s18] =	ssyncset.done $0x0  }
0x5f: {  	s4 =	sadd.s32 $0x300, s22;
	[sflag:s18] =	ssyncadd.s32 $0xFFFFEC00  }
0x60: {  	[tilespmem:s21], [sflag:$0x3] =	stream.indirect.gather [hbm4b:s2+s16], $0x80, s4, s16, $0xb8;
	[tilespmem:$0x6400] =	vst v63  }
0x61: {  	s4 =	sadd.s32 $0x380, s22  }
0x62: {  	[tilespmem:s23], [sflag:$0x4] =	stream.indirect.gather [hbm4b:s2+s16], $0x80, s4, s16, $0xb8;
	[tilespmem:$0x6400] =	vst v63  }
0x63: {  	_ =	swait.ge [sflag:s24], $0x1400  }
0x64: {  	[sflag:s24] =	ssyncset.done $0x0  }
0x65: {  	[sflag:s24] =	ssyncadd.s32 $0xFFFFEC00  }
0x66: {  	[hbm4b:s20+s3] =	stream.linear.scatter [tilespmem:s17], [sflag:$0x5], $0x1400, $0x38;
	[tilespmem:$0x6400] =	vst v63  }
0x67: {  	_ =	swait.ge [sflag:s25], $0x1400  }
0x68: {  	[sflag:s25] =	ssyncset.done $0x0  }
0x69: {  	s4 =	sadd.s32 $0x280, s20;
	[sflag:s25] =	ssyncadd.s32 $0xFFFFEC00  }
0x6a: {  	[hbm4b:s4+s3] =	stream.linear.scatter [tilespmem:s19], [sflag:$0x6], $0x1400, $0x38;
	[tilespmem:$0x6400] =	vst v63  }
0x6b: {  	_ =	swait.ge [sflag:s26], $0x1400  }
0x6c: {  	[sflag:s26] =	ssyncset.done $0x0  }
0x6d: {  	[sflag:s26] =	ssyncadd.s32 $0xFFFFEC00  }
0x6e: {  	_ =	swait.ge [sflag:s28], $0x1400  }
0x6f: {  	[sflag:s28] =	ssyncset.done $0x0  }
0x70: {  	s4 =	sadd.s32 $0x400, s22;
	[sflag:s28] =	ssyncadd.s32 $0xFFFFEC00  }
0x71: {  	[tilespmem:s17], [sflag:$0x1] =	stream.indirect.gather [hbm4b:s2+s16], $0x80, s4, s16, $0xb8;
	[tilespmem:$0x6400] =	vst v63  }
0x72: {  	s4 =	sadd.s32 $0x480, s22  }
0x73: {  	[tilespmem:s19], [sflag:$0x2] =	stream.indirect.gather [hbm4b:s2+s16], $0x80, s4, s16, $0xb8;
	[tilespmem:$0x6400] =	vst v63  }
0x74: {  	_ =	swait.ge [sflag:s31], $0x1400  }
0x75: {  	[sflag:s31] =	ssyncset.done $0x0  }
.Ltmp0:
0x76: {  	s4 =	sadd.s32 $0x500, s20;
	[sflag:s31] =	ssyncadd.s32 $0xFFFFEC00;
	(pc) =	sbr.rel @p0 .LBB2_2-.Ltmp0, $4  }
0x77: {  	[hbm4b:s4+s3] =	stream.linear.scatter [tilespmem:s21], [sflag:$0x7], $0x1400, $0x38;
	[tilespmem:$0x6400] =	vst v63  }
0x78: {  	_ =	swait.ge [sflag:s1], $0x1400  }
0x79: {  	[sflag:s1] =	ssyncset.done $0x0  }
0x7a: {  	s22 =	sadd.s32 $0x780, s20;
	s20 =	sadd.s32 $0xA00, s20;
	[sflag:s1] =	ssyncadd.s32 $0xFFFFEC00  }
0x7b: {  	[hbm4b:s22+s3] =	stream.linear.scatter [tilespmem:s23], [sflag:$0x8], $0x1400, $0x38;
	[tilespmem:$0x6400] =	vst v63  }
0x7c: {  	_ =	swait.ge [sflag:s0], $0x1400  }
0x7d: {  	[sflag:s0] =	ssyncset.done $0x0  }
0x7e: {  	[sflag:s0] =	ssyncadd.s32 $0xFFFFEC00  }
0x7f: {  	_ =	swait.ge [sflag:s18], $0x1400  }
0x80: {  	[sflag:s18] =	ssyncset.done $0x0  }
0x81: {  	s4 =	simm.s32 $0x1300;
	[sflag:s18] =	ssyncadd.s32 $0xFFFFEC00  }
0x82: {  	[tilespmem:s21], [sflag:$0x3] =	stream.indirect.gather [hbm4b:s2+s16], $0x80, s4, s16, $0xb8;
	[tilespmem:$0x6400] =	vst v63  }
0x83: {  	s30 =	simm.s32 $0x1380  }
0x84: {  	[tilespmem:s23], [sflag:$0x4] =	stream.indirect.gather [hbm4b:s2+s16], $0x80, s30, s16, $0xb8;
	[tilespmem:$0x6400] =	vst v63  }
0x85: {  	_ =	swait.ge [sflag:s24], $0x1400  }
0x86: {  	[sflag:s24] =	ssyncset.done $0x0  }
0x87: {  	[sflag:s24] =	ssyncadd.s32 $0xFFFFEC00  }
0x88: {  	[hbm4b:s10+s3] =	stream.linear.scatter [tilespmem:s17], [sflag:$0x5], $0x1400, $0x38;
	[tilespmem:$0x6400] =	vst v63  }
0x89: {  	_ =	swait.ge [sflag:s25], $0x1400  }
0x8a: {  	[sflag:s25] =	ssyncset.done $0x0  }
0x8b: {  	[sflag:s25] =	ssyncadd.s32 $0xFFFFEC00  }
0x8c: {  	[hbm4b:s11+s3] =	stream.linear.scatter [tilespmem:s19], [sflag:$0x6], $0x1400, $0x38;
	[tilespmem:$0x6400] =	vst v63  }
0x8d: {  	_ =	swait.ge [sflag:s31], $0x1400  }
0x8e: {  	[sflag:s31] =	ssyncset.done $0x0  }
0x8f: {  	[sflag:s31] =	ssyncadd.s32 $0xFFFFEC00  }
0x90: {  	[hbm4b:s12+s3] =	stream.linear.scatter [tilespmem:s21], [sflag:$0x7], $0x1400, $0x38;
	[tilespmem:$0x6400] =	vst v63  }
0x91: {  	_ =	swait.ge [sflag:s1], $0x1400  }
0x92: {  	[sflag:s1] =	ssyncset.done $0x0  }
0x93: {  	[sflag:s1] =	ssyncadd.s32 $0xFFFFEC00  }
0x94: {  	[hbm4b:s13+s3] =	stream.linear.scatter [tilespmem:s23], [sflag:$0x8], $0x1400, $0x38;
	[tilespmem:$0x6400] =	vst v63  }
0x95: {  	_ =	swait.ge [sflag:s26], $0x1400  }
0x96: {  	[sflag:s26] =	ssyncset.done $0x0  }
0x97: {  	[sflag:s26] =	ssyncadd.s32 $0xFFFFEC00  }
0x98: {  	_ =	swait.ge [sflag:s28], $0x1400  }
0x99: {  	[sflag:s28] =	ssyncset.done $0x0  }
0x9a: {  	s29 =	sadd.s32 $0x1, s29;
	[sflag:s28] =	ssyncadd.s32 $0xFFFFEC00  }
0x9b: {  	p0 =	sne.s32 s29, s5;
	_ =	swait.ge [sflag:s0], $0x1400  }
.Ltmp1:
0x9c: {  	[sflag:s0] =	ssyncset.done $0x0;
	(pc) =	sbr.rel @p0 .LBB2_1-.Ltmp1, $4  }
0x9d: {  	[sflag:s0] =	ssyncadd.s32 $0xFFFFEC00  }
0x9e: {  	_ =	swait.ge [sflag:s18], $0x1400  }
0x9f: {  	[sflag:s18] =	ssyncset.done $0x0  }
0xa0: {  	[sflag:s18] =	ssyncadd.s32 $0xFFFFEC00  }
0xa1: {  	_ =	sfence.sel $0x180000  }
0xa2: {  	[bflag:$0x0] =	sbarrier.arrive $0xFFFF  }
0xa3: {  	_ =	strace $0x9000004D  }
0xa4: {  	s0 =	stileid.u32;
	[bflag:$0x2] =	sbarrier.arrive $0xFFFF  }
0xa5: {  	p0 =	sne.s32 s0, $0x0;
	s0 =	rddreg [dreg:$0x2]  }
0xa6: {  	s0 =	sadd.s32 @!p0 $0x100000, s0  }
0xa7: {  	[sflag:s0] =	ssyncadd.tile.s32 @!p0 $0x1;
	_ =	shalt  }
.Lfunc_end2:
_tile_overlayer_lowered:
.L_overlay_start_2:
0xa8: {  	(tag) =	ssettag $0x2  }
0xa9: {  	s0 =	rddreg [dreg:$0x0];
	s2 =	stileid.u32  }
0xaa: {  	s1 =	rddreg [dreg:$0x1];
	p0 =	sne.s32 s2, $0x0  }
0xab: {  	s3 =	rddreg [dreg:$0x2];
	[bflag:$0x3] =	sbarrier.arrive $0xFFFF;
	s2 =	simm.s32 @!p0 $0x1C09  }
0xac: {  	[timem:s3], [sflag:s2] =	dma.local @!p0 [hbm:s0], s1  }
0xad: {  	s0 =	simm.s32 @!p0 $0x9  }
0xae: {  	_ =	swait.ge @!p0 [sflag:s0], s1  }
0xaf: {  	s1 =	ssub.s32 @!p0 $0x0, s1;
	[sflag:s0] =	ssyncset.done @!p0 $0x0  }
0xb0: {  	[sflag:s0] =	ssyncadd.s32 @!p0 s1  }
0xb1: {  	[bflag:$0x3] =	sbarrier.arrive $0xFFFF  }
0xb2: {  	_ =	shalt  }

// kernel: kernel.22.cloned.1.call-start
scs
__scs_entry_jumppad:
0x0: {  	(pc) =	sbr.rel $0x88, $3  }
0x1: {  	(tag) =	ssettag $0x0;
	lr =	simm.s32 $0x1  }
0x2: {  	[smem:$0x3F95] =	sst lr;
	_ =	strace $0xD0000000  }
0x3: {  	_ = 	snop  }
0x4: {  	_ = 	snop  }
0x5: {  	_ = 	snop  }
0x6: {  	_ = 	snop  }
0x7: {  	_ = 	snop  }
__scs_overlays_trampoline_lowered:
0x8: {  	[smem:$0x3FA4] =	sst s0  }
0x9: {  	[smem:$0x3FA5] =	sst s1  }
0xa: {  	[smem:$0x3FA6] =	sst s2  }
0xb: {  	[smem:$0x3FA7] =	sst s3  }
0xc: {  	[smem:$0x3FA8] =	sst s4  }
0xd: {  	[smem:$0x3FA9] =	sst s5  }
0xe: {  	[smem:$0x3FAA] =	sst s6  }
0xf: {  	[smem:$0x3FAB] =	sst s7  }
0x10: {  	[smem:$0x3FAC] =	sst s8  }
0x11: {  	[smem:$0x3FAD] =	sst s9;
	s0 =	simm.s32 @!p0 $0x0  }
0x12: {  	s1 =	sld [smem:$0x3F93];
	s0 =	simm.s32 @p0 $0x1  }
0x13: {  	[smem:$0x3FAE] =	sst s0;
	s0 =	simm.s32 @!p1 $0x0  }
0x14: {  	s2 =	sld [smem:$0x3F92];
	s0 =	simm.s32 @p1 $0x1  }
0x15: {  	[smem:$0x3FAF] =	sst s0;
	s0 =	simm.s32 @!p2 $0x0  }
0x16: {  	s3 =	sld [smem:$0x3FDB];
	s0 =	simm.s32 @p2 $0x1  }
0x17: {  	s4 =	simm.s32 $0x1BF5;
	[smem:$0x3FB1] =	sst s0  }
0x18: {  	s0 =	sld [smem:$0x3F94];
	_ =	swait.ge [sflag:s4], $0x0  }
0x19: {  	s7 =	sld [smem:$0x3F95]  }
0x1a: {  	s8 =	sadd.s32 $0xFFFFE003, lr  }
0x1b: {  	s9 =	sadd.s32 $0xFFFFFEF7, lr;
	s5 =	simm.s32 $0xFFFFFFFF;
	p2 =	slt.u32 s8, $0xFFFFF086  }
0x1c: {  	p1 =	slt.u32 s9, $0xF7A;
	s5 =	simm.s32 @!p2 $0x0  }
0x1d: {  	s5 =	simm.s32 @p1 $0x1;
	p0 =	seq.s32 s7, s2  }
0x1e: {  	s7 =	smul.u32 @!p0 $0xF7A, s2;
	p2 =	seq.s32 @!p0 s5, $0x0  }
0x1f: {  	s9 =	smul.u32 $0xF7A, s1;
	s8 =	simm.s32 @!p0 $0x1BF5;
	p2 =	por !p2, p0  }
0x20: {  	[sflag:s8] =	ssyncset.s32 @!p0 $0xFFFFF086;
	s6 =	sadd.s32 @!p0 s3, s7;
	s7 =	simm.s32 @!p0 $0x108  }
0x21: {  	s3 =	sadd.s32 s3, s9;
	s6 =	sadd.s32 @!p0 $0x88, s6;
	s7 =	simm.s32 @p2 $0x1082  }
0x22: {  	[simem:s7], [sflag:s8] =	dma.local @!p0 [hbm:s6], $0xF7A  }
0x23: {  	s9 =	sor.u32 $0xD0000000, s2;
	s6 =	simm.s32 $0x108;
	_ =	swait.ge @!p0 [sflag:s8], $0x0  }
0x24: {  	s3 =	sadd.s32 $0x88, s3;
	s6 =	simm.s32 @!p1 $0x1082;
	[sflag:s4] =	ssyncset.s32 $0xFFFFF086  }
0x25: {  	[simem:s6], [sflag:s4] =	dma.local [hbm:s3], $0xF7A  }
0x26: {  	[smem:$0x3F95] =	sst s1;
	(tag) =	ssettag s2;
	_ =	strace s9  }
0x27: {  	s1 =	sld [smem:$0x3FA5]  }
0x28: {  	s2 =	sld [smem:$0x3FA6]  }
0x29: {  	s4 =	sld [smem:$0x3FA8]  }
0x2a: {  	p0 =	seq.s32 s5, $0x0;
	s5 =	sld [smem:$0x3FA9]  }
0x2b: {  	s6 =	sld [smem:$0x3FAA]  }
0x2c: {  	s7 =	sld [smem:$0x3FAB]  }
0x2d: {  	s3 =	simm.s32 $0x108;
	s8 =	sld [smem:$0x3FAC]  }
0x2e: {  	s3 =	simm.s32 @!p0 $0x1082;
	s9 =	sld [smem:$0x3FAD]  }
0x2f: {  	lr =	sadd.s32 s0, s3;
	s0 =	sld [smem:$0x3FA4]  }
0x30: {  	s3 =	sld [smem:$0x3FA7]  }
0x31: {  	[smem:$0x3FB0] =	sst s10  }
0x32: {  	s10 =	sld [smem:$0x3FAE];
	_ =	sdelay $0x3  }
0x33: {  	p0 =	seq.s32 s10, $0x1;
	s10 =	sld [smem:$0x3FB0];
	_ =	sdelay $0x3  }
0x34: {  	[smem:$0x3FB0] =	sst s10  }
0x35: {  	s10 =	sld [smem:$0x3FAF];
	_ =	sdelay $0x3  }
0x36: {  	p1 =	seq.s32 s10, $0x1;
	s10 =	sld [smem:$0x3FB0];
	_ =	sdelay $0x3  }
0x37: {  	[smem:$0x3FB0] =	sst s10  }
0x38: {  	s10 =	sld [smem:$0x3FB1]  }
0x39: {  	_ = 	snop;
	(pc) =	sbr.ind lr, $3  }
0x3a: {  	_ = 	snop  }
0x3b: {  	_ = 	snop  }
0x3c: {  	p2 =	seq.s32 s10, $0x1;
	s10 =	sld [smem:$0x3FB0]  }
0x3d: {  	_ =	shalt  }
0x3e: {  	_ =	shalt  }
0x3f: {  	_ =	shalt  }
0x40: {  	_ =	shalt  }
0x41: {  	_ =	shalt  }
0x42: {  	_ =	shalt  }
0x43: {  	_ =	shalt  }
0x44: {  	_ =	shalt  }
0x45: {  	_ =	shalt  }
0x46: {  	_ =	shalt  }
0x47: {  	_ =	shalt  }
0x48: {  	_ =	shalt  }
0x49: {  	_ =	shalt  }
0x4a: {  	_ =	shalt  }
0x4b: {  	_ =	shalt  }
0x4c: {  	_ =	shalt  }
0x4d: {  	_ =	shalt  }
0x4e: {  	_ =	shalt  }
0x4f: {  	_ =	shalt  }
0x50: {  	_ =	shalt  }
0x51: {  	_ =	shalt  }
0x52: {  	_ =	shalt  }
0x53: {  	_ =	shalt  }
0x54: {  	_ =	shalt  }
0x55: {  	_ =	shalt  }
0x56: {  	_ =	shalt  }
0x57: {  	_ =	shalt  }
0x58: {  	_ =	shalt  }
0x59: {  	_ =	shalt  }
0x5a: {  	_ =	shalt  }
0x5b: {  	_ =	shalt  }
0x5c: {  	_ =	shalt  }
0x5d: {  	_ =	shalt  }
0x5e: {  	_ =	shalt  }
0x5f: {  	_ =	shalt  }
0x60: {  	_ =	shalt  }
0x61: {  	_ =	shalt  }
0x62: {  	_ =	shalt  }
0x63: {  	_ =	shalt  }
0x64: {  	_ =	shalt  }
0x65: {  	_ =	shalt  }
0x66: {  	_ =	shalt  }
0x67: {  	_ =	shalt  }
0x68: {  	_ =	shalt  }
0x69: {  	_ =	shalt  }
0x6a: {  	_ =	shalt  }
0x6b: {  	_ =	shalt  }
0x6c: {  	_ =	shalt  }
0x6d: {  	_ =	shalt  }
0x6e: {  	_ =	shalt  }
0x6f: {  	_ =	shalt  }
0x70: {  	_ =	shalt  }
0x71: {  	_ =	shalt  }
0x72: {  	_ =	shalt  }
0x73: {  	_ =	shalt  }
0x74: {  	_ =	shalt  }
0x75: {  	_ =	shalt  }
0x76: {  	_ =	shalt  }
0x77: {  	_ =	shalt  }
0x78: {  	_ =	shalt  }
0x79: {  	_ =	shalt  }
0x7a: {  	_ =	shalt  }
0x7b: {  	_ =	shalt  }
0x7c: {  	_ =	shalt  }
0x7d: {  	_ =	shalt  }
0x7e: {  	_ =	shalt  }
0x7f: {  	_ =	shalt  }
0x80: {  	_ =	shalt  }
0x81: {  	_ =	shalt  }
0x82: {  	_ =	shalt  }
0x83: {  	_ =	shalt  }
0x84: {  	_ =	shalt  }
0x85: {  	_ =	shalt  }
0x86: {  	_ =	shalt  }
0x87: {  	_ =	shalt  }
.Lfunc_end0:
.L_simem_size_0:
called_computation.2_lowered:
.L_overlay_start_0:
0x88: {  	s2 =	sld [smem:$0x3FD9]  }
0x89: {  	s3 =	sld [smem:$0x3FFE];
	_ =	sdelay $0x1  }
0x8a: {  	s1 =	srdreg.scid  }
0x8b: {  	s0 =	sand.u32 $0x1, s1  }
0x8c: {  	s17 =	sshll.u32 s0, $0xA;
	s2 =	sadd.s32 s3, s2  }
0x8d: {  	s2 =	sadd.s32 s2, s17  }
0x8e: {  	[smem:$0x3FBC] =	sst s2  }
0x8f: {  	_ = 	snop  }
0x90: {  	s18 =	sld [smem:$0x3FC7];
	(tm) =	ssettm $0x1  }
0x91: {  	s19 =	sld [smem:$0x3FFB];
	_ =	sdelay $0x3  }
0x92: {  	_ =	strace s19  }
0x93: {  	s2 =	sld [smem:$0x3FFC];
	_ =	sdelay $0x3  }
0x94: {  	_ =	strace s2  }
0x95: {  	s2 =	sld [smem:$0x3FFD];
	_ =	sdelay $0x3  }
0x96: {  	_ =	strace s2  }
0x97: {  	_ =	strace $0x8FFFFFFF  }
0x98: {  	s20 =	sld [smem:$0x3FDB];
	_ =	sdelay $0x1  }
0x99: {  	s4 =	simm.s32 $_scs_section_size  }
0x9a: {  	s5 =	simm.s32 $_size__tile_overlayer_lowered;
	s6 =	simm.s32 $_tile_overlayer_lowered  }
0x9b: {  	s7 =	simm.s32 $0x1BFF;
	s21 =	sshll.u32 s6, $0x1;
	s4 =	sadd.s32 s4, s20  }
0x9c: {  	s22 =	simm.s32 $0x0;
	s5 =	sshll.u32 s5, $0x1;
	s6 =	sadd.s32 s21, s4  }
0x9d: {  	[timem:s22], [sflag:s7] =	dma.local [hbm:s6], s5  }
0x9e: {  	_ =	swait.ge [sflag:s7], s5  }
0x9f: {  	s5 =	ssub.s32 $0x0, s5;
	[sflag:s7] =	ssyncset.done $0x0  }
0xa0: {  	[sflag:s7] =	ssyncadd.s32 s5;
	_ =	sdelay $0x1  }
0xa1: {  	s23 =	simm.s32 $0x1B8B  }
0xa2: {  	_ =	swait.ge [sflag:s23], $0x1  }
0xa3: {  	[sflag:s23] =	ssyncset.done $0x0  }
0xa4: {  	[sflag:s23] =	ssyncadd.s32 $0xFFFFFFFF  }
0xa5: {  	s5 =	sld [smem:$0x0]  }
0xa6: {  	s6 =	sand.u32 $0xFFFFFFFE, s1  }
0xa7: {  	p0 =	sne.s32 s1, s6  }
0xa8: {  	s6 =	sshll.u32 @p0 s6, $0xE  }
0xa9: {  	s6 =	sadd.s32 @p0 $0x11B8D, s6;
	s7 =	sshll.u32 @p0 s5, $0x11  }
0xaa: {  	s6 =	sor.u32 @p0 s7, s6  }
0xab: {  	[sflag:s6] =	ssyncadd.remote.s32 @p0 $0x1;
	_ =	sdelay $0x1  }
0xac: {  	s6 =	simm.s32 @p0 $0x1B8D  }
0xad: {  	_ =	swait.eq @p0 [sflag:s6], $0x1  }
0xae: {  	[sflag:s6] =	ssyncadd.s32 @p0 $0xFFFFFFFF  }
0xaf: {  	s7 =	sshll.u32 @!p0 s1, $0xE  }
0xb0: {  	s7 =	sor.u32 @!p0 $0x4000, s7;
	s6 =	simm.s32 @!p0 $0x1B8D  }
0xb1: {  	s5 =	sshll.u32 @!p0 s5, $0x11;
	s7 =	sadd.s32 @!p0 $0x11B8D, s7;
	_ =	swait.eq @!p0 [sflag:s6], $0x1  }
0xb2: {  	s5 =	sor.u32 @!p0 s5, s7;
	[sflag:s6] =	ssyncadd.s32 @!p0 $0xFFFFFFFF  }
0xb3: {  	s25 =	simm.s32 $0x1B8E;
	s24 =	sld [smem:$0x3FFE];
	[sflag:s5] =	ssyncadd.remote.s32 @!p0 $0x1  }
0xb4: {  	s26 =	simm.s32 $execute0_lowered;
	[smem:$0x3FD2] =	sst s25  }
0xb5: {  	s6 =	sshll.u32 s26, $0x1;
	_ =	strace $0x8000004F;
	[dreg:$0x1] =	wrdreg $0xFFFFFFFF  }
0xb6: {  	s28 =	simm.s32 $_size_execute0_lowered;
	s4 =	sadd.s32 s4, s6;
	[dreg:$0x0] =	wrdreg $0x0  }
0xb7: {  	s6 =	sshll.u32 s28, $0x1;
	[dreg:$0x2] =	wrdreg s4  }
0xb8: {  	[dreg:$0x3] =	wrdreg s6  }
0xb9: {  	[dreg:$0x4] =	wrdreg $0xC0  }
0xba: {  	_ =	task [dreg:s22], $0x5FFFF  }
0xbb: {  	[dreg:$0x1] =	wrdreg $0xFFFFFFFF  }
0xbc: {  	[dreg:$0x0] =	wrdreg $0x60  }
0xbd: {  	[dreg:$0x2] =	wrdreg s18  }
0xbe: {  	[dreg:$0x3] =	wrdreg s24  }
0xbf: {  	[dreg:$0x4] =	wrdreg $0xB  }
0xc0: {  	_ =	task.clear_ibuf [dreg:s22], $0x5FFFF;
	_ =	strace $0x9000004F  }
0xc1: {  	s29 =	simm.s32 $0xB;
	_ =	strace $0x80000051  }
0xc2: {  	_ =	swait.ge [sflag:s29], $0x1  }
0xc3: {  	[sflag:s29] =	ssyncadd.s32 $0xFFFFFFFF  }
0xc4: {  	_ =	strace $0x90000051  }
0xc5: {  	_ =	sfence  }
0xc6: {  	s30 =	sld [smem:$0x0];
	_ =	sdelay $0x2  }
0xc7: {  	s31 =	sshll.u32 s1, $0xD;
	s1 =	sshrl.u32 s1, $0x2  }
0xc8: {  	s4 =	sand.u32 $0x4000, s31;
	s1 =	sadd.s32 s1, s30  }
0xc9: {  	s0 =	sor.u32 s4, s0;
	s1 =	sshll.u32 s1, $0x11  }
0xca: {  	s0 =	sor.u32 s1, s0  }
0xcb: {  	s0 =	sadd.s32 $0x8F2B, s0  }
0xcc: {  	[sflag:s0] =	ssyncadd.remote.s32 $0x1  }
0xcd: {  	_ =	sfence.sel $0xFFFF  }
0xce: {  	[dreg:$0x0] =	wrdreg $0xFFFFFFFF;
	(pc) =	sbr.abs _section_cstart, $3  }
0xcf: {  	[dreg:$0x1] =	wrdreg $0xFFFFFFFF  }
0xd0: {  	_ =	task.clear_ibuf [dreg:s22], $0x2FFFF;
	_ =	strace $0x9FFFFFFF  }
0xd1: {  	(tm) =	ssettm $0x7FFFFFFF  }
tec
execute0_lowered:
.L_overlay_start_1:
0x0: {  	(tag) =	ssettag $0x1  }
0x1: {  	s2 =	rddreg [dreg:$0x0]  }
0x2: {  	s0 =	srdreg.scid;
	s9 =	stileid.u32  }
0x3: {  	s1 =	rddreg [dreg:$0x1];
	s3 =	simm.s32 $0x0;
	s15 =	simm.s32 $0x9  }
0x4: {  	s16 =	simm.s32 $0x28;
	s17 =	simm.s32 $0x1400;
	s19 =	simm.s32 $0x2800  }
0x5: {  	s21 =	simm.s32 $0x3C00;
	s23 =	simm.s32 $0x5000;
	s24 =	simm.s32 $0x1  }
0x6: {  	s25 =	simm.s32 $0x2;
	s26 =	simm.s32 $0x5;
	s28 =	simm.s32 $0x6  }
0x7: {  	s31 =	simm.s32 $0x3;
	s0 =	sand.u32 $0x1, s0;
	s4 =	sshll.u32 s9, $0x1  }
0x8: {  	s18 =	simm.s32 $0x8;
	s11 =	smul.u32 $0xC800, s9;
	s4 =	sor.u32 s0, s4  }
0x9: {  	s29 =	simm.s32 $0x0;
	[smem:$0x7FF] =	sst s3;
	s5 =	smul.u32 $0x280, s4  }
0xa: {  	_ =	strace $0x80000050;
	s6 =	ssub.s32 $0x2, s0;
	s0 =	smul.u32 $0x6400, s0  }
0xb: {  	s7 =	sshrl.u32 s6, $0x1;
	s8 =	smul.u32 $0x6400, s4;
	s5 =	sadd.s32 s5, s1  }
0xc: {  	s6 =	ssub.s32 s6, s7;
	s1 =	sadd.s32 $0x1CB000, s1;
	s30 =	sadd.s32 $0x1C6000, s5  }
0xd: {  	s5 =	smax.u32 s6, $0x1;
	s6 =	sadd.s32 s1, s8;
	s1 =	sadd.s32 s11, s1  }
0xe: {  	[dreg:$0x3] =	wrdreg s30;
	s7 =	sadd.s32 $0x280, s6;
	s8 =	sadd.s32 $0x500, s6  }
0xf: {  	s9 =	sadd.s32 $0x780, s6;
	s10 =	sadd.s32 $0x5A00, s6;
	s11 =	sadd.s32 $0x5C80, s6  }
0x10: {  	s12 =	sadd.s32 $0x5F00, s6;
	s0 =	sadd.s32 s0, s1;
	s13 =	sadd.s32 $0x6180, s6  }
0x11: {  	s1 =	simm.s32 $0x4;
	s14 =	sadd.s32 $0xA00, s0;
	s0 =	simm.s32 $0x7  }
.LBB2_1:
0x12: {  	s4 =	rddreg [dreg:$0x3]  }
0x13: {  	[tilespmem:s3], [sflag:$0x9] =	stream.linear.gather [hbm4b:s4+s3], $0x1400, $0x38;
	[tilespmem:$0x6400] =	vst v63  }
0x14: {  	_ =	swait.ge [sflag:s15], $0x1400  }
0x15: {  	[sflag:s15] =	ssyncset.done $0x0  }
0x16: {  	[sflag:s15] =	ssyncadd.s32 $0xFFFFEC00  }
0x17: {  	[tilespmem:s17], [sflag:$0x1] =	stream.indirect.gather [hbm4b:s2+s16], $0x80, s3, s16, $0xb8;
	[tilespmem:$0x6400] =	vst v63  }
0x18: {  	s20 =	simm.s32 $0x80  }
0x19: {  	[tilespmem:s19], [sflag:$0x2] =	stream.indirect.gather [hbm4b:s2+s16], $0x80, s20, s16, $0xb8;
	[tilespmem:$0x6400] =	vst v63  }
0x1a: {  	s22 =	simm.s32 $0x100  }
0x1b: {  	[tilespmem:s21], [sflag:$0x3] =	stream.indirect.gather [hbm4b:s2+s16], $0x80, s22, s16, $0xb8;
	[tilespmem:$0x6400] =	vst v63  }
0x1c: {  	s20 =	simm.s32 $0x180  }
0x1d: {  	[tilespmem:s23], [sflag:$0x4] =	stream.indirect.gather [hbm4b:s2+s16], $0x80, s20, s16, $0xb8;
	[tilespmem:$0x6400] =	vst v63  }
0x1e: {  	_ =	swait.ge [sflag:s24], $0x1400  }
0x1f: {  	[sflag:s24] =	ssyncset.done $0x0  }
0x20: {  	[sflag:s24] =	ssyncadd.s32 $0xFFFFEC00  }
0x21: {  	[hbm4b:s6+s3] =	stream.linear.scatter [tilespmem:s17], [sflag:$0x5], $0x1400, $0x38;
	[tilespmem:$0x6400] =	vst v63  }
0x22: {  	_ =	swait.ge [sflag:s25], $0x1400  }
0x23: {  	[sflag:s25] =	ssyncset.done $0x0  }
0x24: {  	[sflag:s25] =	ssyncadd.s32 $0xFFFFEC00  }
0x25: {  	[hbm4b:s7+s3] =	stream.linear.scatter [tilespmem:s19], [sflag:$0x6], $0x1400, $0x38;
	[tilespmem:$0x6400] =	vst v63  }
0x26: {  	_ =	swait.ge [sflag:s26], $0x1400  }
0x27: {  	[sflag:s26] =	ssyncset.done $0x0  }
0x28: {  	[sflag:s26] =	ssyncadd.s32 $0xFFFFEC00  }
0x29: {  	_ =	swait.ge [sflag:s28], $0x1400  }
0x2a: {  	[sflag:s28] =	ssyncset.done $0x0  }
0x2b: {  	s22 =	simm.s32 $0x200;
	[sflag:s28] =	ssyncadd.s32 $0xFFFFEC00  }
0x2c: {  	[tilespmem:s17], [sflag:$0x1] =	stream.indirect.gather [hbm4b:s2+s16], $0x80, s22, s16, $0xb8;
	[tilespmem:$0x6400] =	vst v63  }
0x2d: {  	s20 =	simm.s32 $0x280  }
0x2e: {  	[tilespmem:s19], [sflag:$0x2] =	stream.indirect.gather [hbm4b:s2+s16], $0x80, s20, s16, $0xb8;
	[tilespmem:$0x6400] =	vst v63  }
0x2f: {  	_ =	swait.ge [sflag:s31], $0x1400  }
0x30: {  	[sflag:s31] =	ssyncset.done $0x0  }
0x31: {  	[sflag:s31] =	ssyncadd.s32 $0xFFFFEC00  }
0x32: {  	[hbm4b:s8+s3] =	stream.linear.scatter [tilespmem:s21], [sflag:$0x7], $0x1400, $0x38;
	[tilespmem:$0x6400] =	vst v63  }
0x33: {  	_ =	swait.ge [sflag:s1], $0x1400  }
0x34: {  	[sflag:s1] =	ssyncset.done $0x0  }
0x35: {  	[sflag:s1] =	ssyncadd.s32 $0xFFFFEC00  }
0x36: {  	[hbm4b:s9+s3] =	stream.linear.scatter [tilespmem:s23], [sflag:$0x8], $0x1400, $0x38;
	[tilespmem:$0x6400] =	vst v63  }
0x37: {  	_ =	swait.ge [sflag:s0], $0x1400  }
0x38: {  	[sflag:s0] =	ssyncset.done $0x0  }
0x39: {  	[sflag:s0] =	ssyncadd.s32 $0xFFFFEC00  }
0x3a: {  	_ =	swait.ge [sflag:s18], $0x1400  }
0x3b: {  	[sflag:s18] =	ssyncset.done $0x0  }
0x3c: {  	s20 =	simm.s32 $0x300;
	[sflag:s18] =	ssyncadd.s32 $0xFFFFEC00  }
0x3d: {  	[tilespmem:s21], [sflag:$0x3] =	stream.indirect.gather [hbm4b:s2+s16], $0x80, s20, s16, $0xb8;
	[tilespmem:$0x6400] =	vst v63  }
0x3e: {  	s22 =	simm.s32 $0x380  }
0x3f: {  	[tilespmem:s23], [sflag:$0x4] =	stream.indirect.gather [hbm4b:s2+s16], $0x80, s22, s16, $0xb8;
	[tilespmem:$0x6400] =	vst v63  }
0x40: {  	_ =	swait.ge [sflag:s24], $0x1400  }
0x41: {  	[sflag:s24] =	ssyncset.done $0x0  }
0x42: {  	[sflag:s24] =	ssyncadd.s32 $0xFFFFEC00  }
0x43: {  	[hbm4b:s14+s3] =	stream.linear.scatter [tilespmem:s17], [sflag:$0x5], $0x1400, $0x38;
	[tilespmem:$0x6400] =	vst v63  }
0x44: {  	_ =	swait.ge [sflag:s25], $0x1400  }
0x45: {  	[sflag:s25] =	ssyncset.done $0x0  }
0x46: {  	s4 =	sadd.s32 $0x280, s14;
	[sflag:s25] =	ssyncadd.s32 $0xFFFFEC00  }
0x47: {  	[hbm4b:s4+s3] =	stream.linear.scatter [tilespmem:s19], [sflag:$0x6], $0x1400, $0x38;
	[tilespmem:$0x6400] =	vst v63  }
0x48: {  	_ =	swait.ge [sflag:s26], $0x1400  }
0x49: {  	[sflag:s26] =	ssyncset.done $0x0  }
0x4a: {  	[sflag:s26] =	ssyncadd.s32 $0xFFFFEC00  }
0x4b: {  	_ =	swait.ge [sflag:s28], $0x1400  }
0x4c: {  	[sflag:s28] =	ssyncset.done $0x0  }
0x4d: {  	s22 =	simm.s32 $0x400;
	[sflag:s28] =	ssyncadd.s32 $0xFFFFEC00  }
0x4e: {  	[tilespmem:s17], [sflag:$0x1] =	stream.indirect.gather [hbm4b:s2+s16], $0x80, s22, s16, $0xb8;
	[tilespmem:$0x6400] =	vst v63  }
0x4f: {  	s4 =	simm.s32 $0x480  }
0x50: {  	[tilespmem:s19], [sflag:$0x2] =	stream.indirect.gather [hbm4b:s2+s16], $0x80, s4, s16, $0xb8;
	[tilespmem:$0x6400] =	vst v63  }
0x51: {  	_ =	swait.ge [sflag:s31], $0x1400  }
0x52: {  	[sflag:s31] =	ssyncset.done $0x0  }
0x53: {  	s22 =	sadd.s32 $0x500, s14;
	[sflag:s31] =	ssyncadd.s32 $0xFFFFEC00  }
0x54: {  	[hbm4b:s22+s3] =	stream.linear.scatter [tilespmem:s21], [sflag:$0x7], $0x1400, $0x38;
	[tilespmem:$0x6400] =	vst v63  }
0x55: {  	_ =	swait.ge [sflag:s1], $0x1400  }
0x56: {  	s30 =	simm.s32 $0x800;
	[sflag:s1] =	ssyncset.done $0x0  }
0x57: {  	s20 =	sadd.s32 $0xA00, s14;
	s22 =	sadd.s32 $0x780, s14;
	[sflag:s1] =	ssyncadd.s32 $0xFFFFEC00  }
.LBB2_2:
0x58: {  	[hbm4b:s22+s3] =	stream.linear.scatter [tilespmem:s23], [sflag:$0x8], $0x1400, $0x38;
	[tilespmem:$0x6400] =	vst v63  }
0x59: {  	s22 =	smov.u32 s30  }
0x5a: {  	p0 =	sne.s32 s30, $0x3800;
	s30 =	sadd.s32 $0x800, s30;
	_ =	swait.ge [sflag:s0], $0x1400  }
0x5b: {  	[sflag:s0] =	ssyncset.done $0x0  }
0x5c: {  	[sflag:s0] =	ssyncadd.s32 $0xFFFFEC00  }
0x5d: {  	_ =	swait.ge [sflag:s18], $0x1400  }
0x5e: {  	s22 =	sshra.s32 s22, $0x2;
	[sflag:s18] =	ssyncset.done $0x0  }
0x5f: {  	s4 =	sadd.s32 $0x300, s22;
	[sflag:s18] =	ssyncadd.s32 $0xFFFFEC00  }
0x60: {  	[tilespmem:s21], [sflag:$0x3] =	stream.indirect.gather [hbm4b:s2+s16], $0x80, s4, s16, $0xb8;
	[tilespmem:$0x6400] =	vst v63  }
0x61: {  	s4 =	sadd.s32 $0x380, s22  }
0x62: {  	[tilespmem:s23], [sflag:$0x4] =	stream.indirect.gather [hbm4b:s2+s16], $0x80, s4, s16, $0xb8;
	[tilespmem:$0x6400] =	vst v63  }
0x63: {  	_ =	swait.ge [sflag:s24], $0x1400  }
0x64: {  	[sflag:s24] =	ssyncset.done $0x0  }
0x65: {  	[sflag:s24] =	ssyncadd.s32 $0xFFFFEC00  }
0x66: {  	[hbm4b:s20+s3] =	stream.linear.scatter [tilespmem:s17], [sflag:$0x5], $0x1400, $0x38;
	[tilespmem:$0x6400] =	vst v63  }
0x67: {  	_ =	swait.ge [sflag:s25], $0x1400  }
0x68: {  	[sflag:s25] =	ssyncset.done $0x0  }
0x69: {  	s4 =	sadd.s32 $0x280, s20;
	[sflag:s25] =	ssyncadd.s32 $0xFFFFEC00  }
0x6a: {  	[hbm4b:s4+s3] =	stream.linear.scatter [tilespmem:s19], [sflag:$0x6], $0x1400, $0x38;
	[tilespmem:$0x6400] =	vst v63  }
0x6b: {  	_ =	swait.ge [sflag:s26], $0x1400  }
0x6c: {  	[sflag:s26] =	ssyncset.done $0x0  }
0x6d: {  	[sflag:s26] =	ssyncadd.s32 $0xFFFFEC00  }
0x6e: {  	_ =	swait.ge [sflag:s28], $0x1400  }
0x6f: {  	[sflag:s28] =	ssyncset.done $0x0  }
0x70: {  	s4 =	sadd.s32 $0x400, s22;
	[sflag:s28] =	ssyncadd.s32 $0xFFFFEC00  }
0x71: {  	[tilespmem:s17], [sflag:$0x1] =	stream.indirect.gather [hbm4b:s2+s16], $0x80, s4, s16, $0xb8;
	[tilespmem:$0x6400] =	vst v63  }
0x72: {  	s4 =	sadd.s32 $0x480, s22  }
0x73: {  	[tilespmem:s19], [sflag:$0x2] =	stream.indirect.gather [hbm4b:s2+s16], $0x80, s4, s16, $0xb8;
	[tilespmem:$0x6400] =	vst v63  }
0x74: {  	_ =	swait.ge [sflag:s31], $0x1400  }
0x75: {  	[sflag:s31] =	ssyncset.done $0x0  }
.Ltmp0:
0x76: {  	s4 =	sadd.s32 $0x500, s20;
	[sflag:s31] =	ssyncadd.s32 $0xFFFFEC00;
	(pc) =	sbr.rel @p0 .LBB2_2-.Ltmp0, $4  }
0x77: {  	[hbm4b:s4+s3] =	stream.linear.scatter [tilespmem:s21], [sflag:$0x7], $0x1400, $0x38;
	[tilespmem:$0x6400] =	vst v63  }
0x78: {  	_ =	swait.ge [sflag:s1], $0x1400  }
0x79: {  	[sflag:s1] =	ssyncset.done $0x0  }
0x7a: {  	s22 =	sadd.s32 $0x780, s20;
	s20 =	sadd.s32 $0xA00, s20;
	[sflag:s1] =	ssyncadd.s32 $0xFFFFEC00  }
0x7b: {  	[hbm4b:s22+s3] =	stream.linear.scatter [tilespmem:s23], [sflag:$0x8], $0x1400, $0x38;
	[tilespmem:$0x6400] =	vst v63  }
0x7c: {  	_ =	swait.ge [sflag:s0], $0x1400  }
0x7d: {  	[sflag:s0] =	ssyncset.done $0x0  }
0x7e: {  	[sflag:s0] =	ssyncadd.s32 $0xFFFFEC00  }
0x7f: {  	_ =	swait.ge [sflag:s18], $0x1400  }
0x80: {  	[sflag:s18] =	ssyncset.done $0x0  }
0x81: {  	s4 =	simm.s32 $0x1300;
	[sflag:s18] =	ssyncadd.s32 $0xFFFFEC00  }
0x82: {  	[tilespmem:s21], [sflag:$0x3] =	stream.indirect.gather [hbm4b:s2+s16], $0x80, s4, s16, $0xb8;
	[tilespmem:$0x6400] =	vst v63  }
0x83: {  	s30 =	simm.s32 $0x1380  }
0x84: {  	[tilespmem:s23], [sflag:$0x4] =	stream.indirect.gather [hbm4b:s2+s16], $0x80, s30, s16, $0xb8;
	[tilespmem:$0x6400] =	vst v63  }
0x85: {  	_ =	swait.ge [sflag:s24], $0x1400  }
0x86: {  	[sflag:s24] =	ssyncset.done $0x0  }
0x87: {  	[sflag:s24] =	ssyncadd.s32 $0xFFFFEC00  }
0x88: {  	[hbm4b:s10+s3] =	stream.linear.scatter [tilespmem:s17], [sflag:$0x5], $0x1400, $0x38;
	[tilespmem:$0x6400] =	vst v63  }
0x89: {  	_ =	swait.ge [sflag:s25], $0x1400  }
0x8a: {  	[sflag:s25] =	ssyncset.done $0x0  }
0x8b: {  	[sflag:s25] =	ssyncadd.s32 $0xFFFFEC00  }
0x8c: {  	[hbm4b:s11+s3] =	stream.linear.scatter [tilespmem:s19], [sflag:$0x6], $0x1400, $0x38;
	[tilespmem:$0x6400] =	vst v63  }
0x8d: {  	_ =	swait.ge [sflag:s31], $0x1400  }
0x8e: {  	[sflag:s31] =	ssyncset.done $0x0  }
0x8f: {  	[sflag:s31] =	ssyncadd.s32 $0xFFFFEC00  }
0x90: {  	[hbm4b:s12+s3] =	stream.linear.scatter [tilespmem:s21], [sflag:$0x7], $0x1400, $0x38;
	[tilespmem:$0x6400] =	vst v63  }
0x91: {  	_ =	swait.ge [sflag:s1], $0x1400  }
0x92: {  	[sflag:s1] =	ssyncset.done $0x0  }
0x93: {  	[sflag:s1] =	ssyncadd.s32 $0xFFFFEC00  }
0x94: {  	[hbm4b:s13+s3] =	stream.linear.scatter [tilespmem:s23], [sflag:$0x8], $0x1400, $0x38;
	[tilespmem:$0x6400] =	vst v63  }
0x95: {  	_ =	swait.ge [sflag:s26], $0x1400  }
0x96: {  	[sflag:s26] =	ssyncset.done $0x0  }
0x97: {  	[sflag:s26] =	ssyncadd.s32 $0xFFFFEC00  }
0x98: {  	_ =	swait.ge [sflag:s28], $0x1400  }
0x99: {  	[sflag:s28] =	ssyncset.done $0x0  }
0x9a: {  	s29 =	sadd.s32 $0x1, s29;
	[sflag:s28] =	ssyncadd.s32 $0xFFFFEC00  }
0x9b: {  	p0 =	sne.s32 s29, s5;
	_ =	swait.ge [sflag:s0], $0x1400  }
.Ltmp1:
0x9c: {  	[sflag:s0] =	ssyncset.done $0x0;
	(pc) =	sbr.rel @p0 .LBB2_1-.Ltmp1, $4  }
0x9d: {  	[sflag:s0] =	ssyncadd.s32 $0xFFFFEC00  }
0x9e: {  	_ =	swait.ge [sflag:s18], $0x1400  }
0x9f: {  	[sflag:s18] =	ssyncset.done $0x0  }
0xa0: {  	[sflag:s18] =	ssyncadd.s32 $0xFFFFEC00  }
0xa1: {  	_ =	sfence.sel $0x180000  }
0xa2: {  	[bflag:$0x0] =	sbarrier.arrive $0xFFFF  }
0xa3: {  	_ =	strace $0x90000050  }
0xa4: {  	s0 =	stileid.u32;
	[bflag:$0x2] =	sbarrier.arrive $0xFFFF  }
0xa5: {  	p0 =	sne.s32 s0, $0x0;
	s0 =	rddreg [dreg:$0x2]  }
0xa6: {  	s0 =	sadd.s32 @!p0 $0x100000, s0  }
0xa7: {  	[sflag:s0] =	ssyncadd.tile.s32 @!p0 $0x1;
	_ =	shalt  }
.Lfunc_end2:
_tile_overlayer_lowered:
.L_overlay_start_2:
0xa8: {  	(tag) =	ssettag $0x2  }
0xa9: {  	s0 =	rddreg [dreg:$0x0];
	s2 =	stileid.u32  }
0xaa: {  	s1 =	rddreg [dreg:$0x1];
	p0 =	sne.s32 s2, $0x0  }
0xab: {  	s3 =	rddreg [dreg:$0x2];
	[bflag:$0x3] =	sbarrier.arrive $0xFFFF;
	s2 =	simm.s32 @!p0 $0x1C09  }
0xac: {  	[timem:s3], [sflag:s2] =	dma.local @!p0 [hbm:s0], s1  }
0xad: {  	s0 =	simm.s32 @!p0 $0x9  }
0xae: {  	_ =	swait.ge @!p0 [sflag:s0], s1  }
0xaf: {  	s1 =	ssub.s32 @!p0 $0x0, s1;
	[sflag:s0] =	ssyncset.done @!p0 $0x0  }
0xb0: {  	[sflag:s0] =	ssyncadd.s32 @!p0 s1  }
0xb1: {  	[bflag:$0x3] =	sbarrier.arrive $0xFFFF  }
0xb2: {  	_ =	shalt  }

// kernel: kernel.25.cloned.1.call-start
scs
__scs_entry_jumppad:
0x0: {  	(pc) =	sbr.rel $0x88, $3  }
0x1: {  	(tag) =	ssettag $0x0;
	lr =	simm.s32 $0x1  }
0x2: {  	[smem:$0x3F95] =	sst lr;
	_ =	strace $0xD0000000  }
0x3: {  	_ = 	snop  }
0x4: {  	_ = 	snop  }
0x5: {  	_ = 	snop  }
0x6: {  	_ = 	snop  }
0x7: {  	_ = 	snop  }
__scs_overlays_trampoline_lowered:
0x8: {  	[smem:$0x3FA4] =	sst s0  }
0x9: {  	[smem:$0x3FA5] =	sst s1  }
0xa: {  	[smem:$0x3FA6] =	sst s2  }
0xb: {  	[smem:$0x3FA7] =	sst s3  }
0xc: {  	[smem:$0x3FA8] =	sst s4  }
0xd: {  	[smem:$0x3FA9] =	sst s5  }
0xe: {  	[smem:$0x3FAA] =	sst s6  }
0xf: {  	[smem:$0x3FAB] =	sst s7  }
0x10: {  	[smem:$0x3FAC] =	sst s8  }
0x11: {  	[smem:$0x3FAD] =	sst s9;
	s0 =	simm.s32 @!p0 $0x0  }
0x12: {  	s1 =	sld [smem:$0x3F93];
	s0 =	simm.s32 @p0 $0x1  }
0x13: {  	[smem:$0x3FAE] =	sst s0;
	s0 =	simm.s32 @!p1 $0x0  }
0x14: {  	s2 =	sld [smem:$0x3F92];
	s0 =	simm.s32 @p1 $0x1  }
0x15: {  	[smem:$0x3FAF] =	sst s0;
	s0 =	simm.s32 @!p2 $0x0  }
0x16: {  	s3 =	sld [smem:$0x3FDB];
	s0 =	simm.s32 @p2 $0x1  }
0x17: {  	s4 =	simm.s32 $0x1BF5;
	[smem:$0x3FB1] =	sst s0  }
0x18: {  	s0 =	sld [smem:$0x3F94];
	_ =	swait.ge [sflag:s4], $0x0  }
0x19: {  	s7 =	sld [smem:$0x3F95]  }
0x1a: {  	s8 =	sadd.s32 $0xFFFFE003, lr  }
0x1b: {  	s9 =	sadd.s32 $0xFFFFFEF7, lr;
	s5 =	simm.s32 $0xFFFFFFFF;
	p2 =	slt.u32 s8, $0xFFFFF086  }
0x1c: {  	p1 =	slt.u32 s9, $0xF7A;
	s5 =	simm.s32 @!p2 $0x0  }
0x1d: {  	s5 =	simm.s32 @p1 $0x1;
	p0 =	seq.s32 s7, s2  }
0x1e: {  	s7 =	smul.u32 @!p0 $0xF7A, s2;
	p2 =	seq.s32 @!p0 s5, $0x0  }
0x1f: {  	s9 =	smul.u32 $0xF7A, s1;
	s8 =	simm.s32 @!p0 $0x1BF5;
	p2 =	por !p2, p0  }
0x20: {  	[sflag:s8] =	ssyncset.s32 @!p0 $0xFFFFF086;
	s6 =	sadd.s32 @!p0 s3, s7;
	s7 =	simm.s32 @!p0 $0x108  }
0x21: {  	s3 =	sadd.s32 s3, s9;
	s6 =	sadd.s32 @!p0 $0x88, s6;
	s7 =	simm.s32 @p2 $0x1082  }
0x22: {  	[simem:s7], [sflag:s8] =	dma.local @!p0 [hbm:s6], $0xF7A  }
0x23: {  	s9 =	sor.u32 $0xD0000000, s2;
	s6 =	simm.s32 $0x108;
	_ =	swait.ge @!p0 [sflag:s8], $0x0  }
0x24: {  	s3 =	sadd.s32 $0x88, s3;
	s6 =	simm.s32 @!p1 $0x1082;
	[sflag:s4] =	ssyncset.s32 $0xFFFFF086  }
0x25: {  	[simem:s6], [sflag:s4] =	dma.local [hbm:s3], $0xF7A  }
0x26: {  	[smem:$0x3F95] =	sst s1;
	(tag) =	ssettag s2;
	_ =	strace s9  }
0x27: {  	s1 =	sld [smem:$0x3FA5]  }
0x28: {  	s2 =	sld [smem:$0x3FA6]  }
0x29: {  	s4 =	sld [smem:$0x3FA8]  }
0x2a: {  	p0 =	seq.s32 s5, $0x0;
	s5 =	sld [smem:$0x3FA9]  }
0x2b: {  	s6 =	sld [smem:$0x3FAA]  }
0x2c: {  	s7 =	sld [smem:$0x3FAB]  }
0x2d: {  	s3 =	simm.s32 $0x108;
	s8 =	sld [smem:$0x3FAC]  }
0x2e: {  	s3 =	simm.s32 @!p0 $0x1082;
	s9 =	sld [smem:$0x3FAD]  }
0x2f: {  	lr =	sadd.s32 s0, s3;
	s0 =	sld [smem:$0x3FA4]  }
0x30: {  	s3 =	sld [smem:$0x3FA7]  }
0x31: {  	[smem:$0x3FB0] =	sst s10  }
0x32: {  	s10 =	sld [smem:$0x3FAE];
	_ =	sdelay $0x3  }
0x33: {  	p0 =	seq.s32 s10, $0x1;
	s10 =	sld [smem:$0x3FB0];
	_ =	sdelay $0x3  }
0x34: {  	[smem:$0x3FB0] =	sst s10  }
0x35: {  	s10 =	sld [smem:$0x3FAF];
	_ =	sdelay $0x3  }
0x36: {  	p1 =	seq.s32 s10, $0x1;
	s10 =	sld [smem:$0x3FB0];
	_ =	sdelay $0x3  }
0x37: {  	[smem:$0x3FB0] =	sst s10  }
0x38: {  	s10 =	sld [smem:$0x3FB1]  }
0x39: {  	_ = 	snop;
	(pc) =	sbr.ind lr, $3  }
0x3a: {  	_ = 	snop  }
0x3b: {  	_ = 	snop  }
0x3c: {  	p2 =	seq.s32 s10, $0x1;
	s10 =	sld [smem:$0x3FB0]  }
0x3d: {  	_ =	shalt  }
0x3e: {  	_ =	shalt  }
0x3f: {  	_ =	shalt  }
0x40: {  	_ =	shalt  }
0x41: {  	_ =	shalt  }
0x42: {  	_ =	shalt  }
0x43: {  	_ =	shalt  }
0x44: {  	_ =	shalt  }
0x45: {  	_ =	shalt  }
0x46: {  	_ =	shalt  }
0x47: {  	_ =	shalt  }
0x48: {  	_ =	shalt  }
0x49: {  	_ =	shalt  }
0x4a: {  	_ =	shalt  }
0x4b: {  	_ =	shalt  }
0x4c: {  	_ =	shalt  }
0x4d: {  	_ =	shalt  }
0x4e: {  	_ =	shalt  }
0x4f: {  	_ =	shalt  }
0x50: {  	_ =	shalt  }
0x51: {  	_ =	shalt  }
0x52: {  	_ =	shalt  }
0x53: {  	_ =	shalt  }
0x54: {  	_ =	shalt  }
0x55: {  	_ =	shalt  }
0x56: {  	_ =	shalt  }
0x57: {  	_ =	shalt  }
0x58: {  	_ =	shalt  }
0x59: {  	_ =	shalt  }
0x5a: {  	_ =	shalt  }
0x5b: {  	_ =	shalt  }
0x5c: {  	_ =	shalt  }
0x5d: {  	_ =	shalt  }
0x5e: {  	_ =	shalt  }
0x5f: {  	_ =	shalt  }
0x60: {  	_ =	shalt  }
0x61: {  	_ =	shalt  }
0x62: {  	_ =	shalt  }
0x63: {  	_ =	shalt  }
0x64: {  	_ =	shalt  }
0x65: {  	_ =	shalt  }
0x66: {  	_ =	shalt  }
0x67: {  	_ =	shalt  }
0x68: {  	_ =	shalt  }
0x69: {  	_ =	shalt  }
0x6a: {  	_ =	shalt  }
0x6b: {  	_ =	shalt  }
0x6c: {  	_ =	shalt  }
0x6d: {  	_ =	shalt  }
0x6e: {  	_ =	shalt  }
0x6f: {  	_ =	shalt  }
0x70: {  	_ =	shalt  }
0x71: {  	_ =	shalt  }
0x72: {  	_ =	shalt  }
0x73: {  	_ =	shalt  }
0x74: {  	_ =	shalt  }
0x75: {  	_ =	shalt  }
0x76: {  	_ =	shalt  }
0x77: {  	_ =	shalt  }
0x78: {  	_ =	shalt  }
0x79: {  	_ =	shalt  }
0x7a: {  	_ =	shalt  }
0x7b: {  	_ =	shalt  }
0x7c: {  	_ =	shalt  }
0x7d: {  	_ =	shalt  }
0x7e: {  	_ =	shalt  }
0x7f: {  	_ =	shalt  }
0x80: {  	_ =	shalt  }
0x81: {  	_ =	shalt  }
0x82: {  	_ =	shalt  }
0x83: {  	_ =	shalt  }
0x84: {  	_ =	shalt  }
0x85: {  	_ =	shalt  }
0x86: {  	_ =	shalt  }
0x87: {  	_ =	shalt  }
.Lfunc_end0:
.L_simem_size_0:
called_computation.3_lowered:
.L_overlay_start_0:
0x88: {  	s2 =	sld [smem:$0x3FD9]  }
0x89: {  	s3 =	sld [smem:$0x3FFE];
	_ =	sdelay $0x1  }
0x8a: {  	s1 =	srdreg.scid  }
0x8b: {  	s0 =	sand.u32 $0x1, s1  }
0x8c: {  	s17 =	sshll.u32 s0, $0xA;
	s2 =	sadd.s32 s3, s2  }
0x8d: {  	s2 =	sadd.s32 s2, s17  }
0x8e: {  	[smem:$0x3FBC] =	sst s2  }
0x8f: {  	_ = 	snop  }
0x90: {  	s18 =	sld [smem:$0x3FC7];
	(tm) =	ssettm $0x1  }
0x91: {  	s19 =	sld [smem:$0x3FFB];
	_ =	sdelay $0x3  }
0x92: {  	_ =	strace s19  }
0x93: {  	s2 =	sld [smem:$0x3FFC];
	_ =	sdelay $0x3  }
0x94: {  	_ =	strace s2  }
0x95: {  	s2 =	sld [smem:$0x3FFD];
	_ =	sdelay $0x3  }
0x96: {  	_ =	strace s2  }
0x97: {  	_ =	strace $0x8FFFFFFF  }
0x98: {  	s20 =	sld [smem:$0x3FDB];
	_ =	sdelay $0x1  }
0x99: {  	s4 =	simm.s32 $_scs_section_size  }
0x9a: {  	s5 =	simm.s32 $_size__tile_overlayer_lowered;
	s6 =	simm.s32 $_tile_overlayer_lowered  }
0x9b: {  	s7 =	simm.s32 $0x1BFF;
	s21 =	sshll.u32 s6, $0x1;
	s4 =	sadd.s32 s4, s20  }
0x9c: {  	s22 =	simm.s32 $0x0;
	s5 =	sshll.u32 s5, $0x1;
	s6 =	sadd.s32 s21, s4  }
0x9d: {  	[timem:s22], [sflag:s7] =	dma.local [hbm:s6], s5  }
0x9e: {  	_ =	swait.ge [sflag:s7], s5  }
0x9f: {  	s5 =	ssub.s32 $0x0, s5;
	[sflag:s7] =	ssyncset.done $0x0  }
0xa0: {  	[sflag:s7] =	ssyncadd.s32 s5;
	_ =	sdelay $0x1  }
0xa1: {  	s23 =	simm.s32 $0x1B8B  }
0xa2: {  	_ =	swait.ge [sflag:s23], $0x1  }
0xa3: {  	[sflag:s23] =	ssyncset.done $0x0  }
0xa4: {  	[sflag:s23] =	ssyncadd.s32 $0xFFFFFFFF  }
0xa5: {  	s5 =	sld [smem:$0x0]  }
0xa6: {  	s6 =	sand.u32 $0xFFFFFFFE, s1  }
0xa7: {  	p0 =	sne.s32 s1, s6  }
0xa8: {  	s6 =	sshll.u32 @p0 s6, $0xE  }
0xa9: {  	s6 =	sadd.s32 @p0 $0x11B8D, s6;
	s7 =	sshll.u32 @p0 s5, $0x11  }
0xaa: {  	s6 =	sor.u32 @p0 s7, s6  }
0xab: {  	[sflag:s6] =	ssyncadd.remote.s32 @p0 $0x1;
	_ =	sdelay $0x1  }
0xac: {  	s6 =	simm.s32 @p0 $0x1B8D  }
0xad: {  	_ =	swait.eq @p0 [sflag:s6], $0x1  }
0xae: {  	[sflag:s6] =	ssyncadd.s32 @p0 $0xFFFFFFFF  }
0xaf: {  	s7 =	sshll.u32 @!p0 s1, $0xE  }
0xb0: {  	s7 =	sor.u32 @!p0 $0x4000, s7;
	s6 =	simm.s32 @!p0 $0x1B8D  }
0xb1: {  	s5 =	sshll.u32 @!p0 s5, $0x11;
	s7 =	sadd.s32 @!p0 $0x11B8D, s7;
	_ =	swait.eq @!p0 [sflag:s6], $0x1  }
0xb2: {  	s5 =	sor.u32 @!p0 s5, s7;
	[sflag:s6] =	ssyncadd.s32 @!p0 $0xFFFFFFFF  }
0xb3: {  	s25 =	simm.s32 $0x1B8E;
	s24 =	sld [smem:$0x3FFE];
	[sflag:s5] =	ssyncadd.remote.s32 @!p0 $0x1  }
0xb4: {  	s26 =	simm.s32 $execute0_lowered;
	[smem:$0x3FD2] =	sst s25  }
0xb5: {  	s6 =	sshll.u32 s26, $0x1;
	_ =	strace $0x80000052;
	[dreg:$0x1] =	wrdreg $0xFFFFFFFF  }
0xb6: {  	s28 =	simm.s32 $_size_execute0_lowered;
	s4 =	sadd.s32 s4, s6;
	[dreg:$0x0] =	wrdreg $0x0  }
0xb7: {  	s6 =	sshll.u32 s28, $0x1;
	[dreg:$0x2] =	wrdreg s4  }
0xb8: {  	[dreg:$0x3] =	wrdreg s6  }
0xb9: {  	[dreg:$0x4] =	wrdreg $0xC0  }
0xba: {  	_ =	task [dreg:s22], $0x5FFFF  }
0xbb: {  	[dreg:$0x1] =	wrdreg $0xFFFFFFFF  }
0xbc: {  	[dreg:$0x0] =	wrdreg $0x60  }
0xbd: {  	[dreg:$0x2] =	wrdreg s18  }
0xbe: {  	[dreg:$0x3] =	wrdreg s24  }
0xbf: {  	[dreg:$0x4] =	wrdreg $0xC  }
0xc0: {  	_ =	task.clear_ibuf [dreg:s22], $0x5FFFF;
	_ =	strace $0x90000052  }
0xc1: {  	s29 =	simm.s32 $0xC;
	_ =	strace $0x80000054  }
0xc2: {  	_ =	swait.ge [sflag:s29], $0x1  }
0xc3: {  	[sflag:s29] =	ssyncadd.s32 $0xFFFFFFFF  }
0xc4: {  	_ =	strace $0x90000054  }
0xc5: {  	_ =	sfence  }
0xc6: {  	s30 =	sld [smem:$0x0];
	_ =	sdelay $0x2  }
0xc7: {  	s31 =	sshll.u32 s1, $0xD;
	s1 =	sshrl.u32 s1, $0x2  }
0xc8: {  	s4 =	sand.u32 $0x4000, s31;
	s1 =	sadd.s32 s1, s30  }
0xc9: {  	s0 =	sor.u32 s4, s0;
	s1 =	sshll.u32 s1, $0x11  }
0xca: {  	s0 =	sor.u32 s1, s0  }
0xcb: {  	s0 =	sadd.s32 $0x8F2B, s0  }
0xcc: {  	[sflag:s0] =	ssyncadd.remote.s32 $0x1  }
0xcd: {  	_ =	sfence.sel $0xFFFF  }
0xce: {  	[dreg:$0x0] =	wrdreg $0xFFFFFFFF;
	(pc) =	sbr.abs _section_cstart, $3  }
0xcf: {  	[dreg:$0x1] =	wrdreg $0xFFFFFFFF  }
0xd0: {  	_ =	task.clear_ibuf [dreg:s22], $0x2FFFF;
	_ =	strace $0x9FFFFFFF  }
0xd1: {  	(tm) =	ssettm $0x7FFFFFFF  }
tec
execute0_lowered:
.L_overlay_start_1:
0x0: {  	(tag) =	ssettag $0x1  }
0x1: {  	s2 =	rddreg [dreg:$0x0]  }
0x2: {  	s0 =	srdreg.scid;
	s9 =	stileid.u32  }
0x3: {  	s1 =	rddreg [dreg:$0x1];
	s3 =	simm.s32 $0x0;
	s15 =	simm.s32 $0x9  }
0x4: {  	s16 =	simm.s32 $0x28;
	s17 =	simm.s32 $0x1400;
	s19 =	simm.s32 $0x2800  }
0x5: {  	s21 =	simm.s32 $0x3C00;
	s23 =	simm.s32 $0x5000;
	s24 =	simm.s32 $0x1  }
0x6: {  	s25 =	simm.s32 $0x2;
	s26 =	simm.s32 $0x5;
	s28 =	simm.s32 $0x6  }
0x7: {  	s31 =	simm.s32 $0x3;
	s0 =	sand.u32 $0x1, s0;
	s4 =	sshll.u32 s9, $0x1  }
0x8: {  	s18 =	simm.s32 $0x8;
	s11 =	smul.u32 $0xC800, s9;
	s4 =	sor.u32 s0, s4  }
0x9: {  	s29 =	simm.s32 $0x0;
	[smem:$0x7FF] =	sst s3;
	s5 =	smul.u32 $0x280, s4  }
0xa: {  	_ =	strace $0x80000053;
	s6 =	ssub.s32 $0x2, s0;
	s0 =	smul.u32 $0x6400, s0  }
0xb: {  	s7 =	sshrl.u32 s6, $0x1;
	s8 =	smul.u32 $0x6400, s4;
	s5 =	sadd.s32 s5, s1  }
0xc: {  	s6 =	ssub.s32 s6, s7;
	s1 =	sadd.s32 $0x298000, s1;
	s30 =	sadd.s32 $0x293000, s5  }
0xd: {  	s5 =	smax.u32 s6, $0x1;
	s6 =	sadd.s32 s1, s8;
	s1 =	sadd.s32 s11, s1  }
0xe: {  	[dreg:$0x3] =	wrdreg s30;
	s7 =	sadd.s32 $0x280, s6;
	s8 =	sadd.s32 $0x500, s6  }
0xf: {  	s9 =	sadd.s32 $0x780, s6;
	s10 =	sadd.s32 $0x5A00, s6;
	s11 =	sadd.s32 $0x5C80, s6  }
0x10: {  	s12 =	sadd.s32 $0x5F00, s6;
	s0 =	sadd.s32 s0, s1;
	s13 =	sadd.s32 $0x6180, s6  }
0x11: {  	s1 =	simm.s32 $0x4;
	s14 =	sadd.s32 $0xA00, s0;
	s0 =	simm.s32 $0x7  }
.LBB2_1:
0x12: {  	s4 =	rddreg [dreg:$0x3]  }
0x13: {  	[tilespmem:s3], [sflag:$0x9] =	stream.linear.gather [hbm4b:s4+s3], $0x1400, $0x38;
	[tilespmem:$0x6400] =	vst v63  }
0x14: {  	_ =	swait.ge [sflag:s15], $0x1400  }
0x15: {  	[sflag:s15] =	ssyncset.done $0x0  }
0x16: {  	[sflag:s15] =	ssyncadd.s32 $0xFFFFEC00  }
0x17: {  	[tilespmem:s17], [sflag:$0x1] =	stream.indirect.gather [hbm4b:s2+s16], $0x80, s3, s16, $0xb8;
	[tilespmem:$0x6400] =	vst v63  }
0x18: {  	s20 =	simm.s32 $0x80  }
0x19: {  	[tilespmem:s19], [sflag:$0x2] =	stream.indirect.gather [hbm4b:s2+s16], $0x80, s20, s16, $0xb8;
	[tilespmem:$0x6400] =	vst v63  }
0x1a: {  	s22 =	simm.s32 $0x100  }
0x1b: {  	[tilespmem:s21], [sflag:$0x3] =	stream.indirect.gather [hbm4b:s2+s16], $0x80, s22, s16, $0xb8;
	[tilespmem:$0x6400] =	vst v63  }
0x1c: {  	s20 =	simm.s32 $0x180  }
0x1d: {  	[tilespmem:s23], [sflag:$0x4] =	stream.indirect.gather [hbm4b:s2+s16], $0x80, s20, s16, $0xb8;
	[tilespmem:$0x6400] =	vst v63  }
0x1e: {  	_ =	swait.ge [sflag:s24], $0x1400  }
0x1f: {  	[sflag:s24] =	ssyncset.done $0x0  }
0x20: {  	[sflag:s24] =	ssyncadd.s32 $0xFFFFEC00  }
0x21: {  	[hbm4b:s6+s3] =	stream.linear.scatter [tilespmem:s17], [sflag:$0x5], $0x1400, $0x38;
	[tilespmem:$0x6400] =	vst v63  }
0x22: {  	_ =	swait.ge [sflag:s25], $0x1400  }
0x23: {  	[sflag:s25] =	ssyncset.done $0x0  }
0x24: {  	[sflag:s25] =	ssyncadd.s32 $0xFFFFEC00  }
0x25: {  	[hbm4b:s7+s3] =	stream.linear.scatter [tilespmem:s19], [sflag:$0x6], $0x1400, $0x38;
	[tilespmem:$0x6400] =	vst v63  }
0x26: {  	_ =	swait.ge [sflag:s26], $0x1400  }
0x27: {  	[sflag:s26] =	ssyncset.done $0x0  }
0x28: {  	[sflag:s26] =	ssyncadd.s32 $0xFFFFEC00  }
0x29: {  	_ =	swait.ge [sflag:s28], $0x1400  }
0x2a: {  	[sflag:s28] =	ssyncset.done $0x0  }
0x2b: {  	s22 =	simm.s32 $0x200;
	[sflag:s28] =	ssyncadd.s32 $0xFFFFEC00  }
0x2c: {  	[tilespmem:s17], [sflag:$0x1] =	stream.indirect.gather [hbm4b:s2+s16], $0x80, s22, s16, $0xb8;
	[tilespmem:$0x6400] =	vst v63  }
0x2d: {  	s20 =	simm.s32 $0x280  }
0x2e: {  	[tilespmem:s19], [sflag:$0x2] =	stream.indirect.gather [hbm4b:s2+s16], $0x80, s20, s16, $0xb8;
	[tilespmem:$0x6400] =	vst v63  }
0x2f: {  	_ =	swait.ge [sflag:s31], $0x1400  }
0x30: {  	[sflag:s31] =	ssyncset.done $0x0  }
0x31: {  	[sflag:s31] =	ssyncadd.s32 $0xFFFFEC00  }
0x32: {  	[hbm4b:s8+s3] =	stream.linear.scatter [tilespmem:s21], [sflag:$0x7], $0x1400, $0x38;
	[tilespmem:$0x6400] =	vst v63  }
0x33: {  	_ =	swait.ge [sflag:s1], $0x1400  }
0x34: {  	[sflag:s1] =	ssyncset.done $0x0  }
0x35: {  	[sflag:s1] =	ssyncadd.s32 $0xFFFFEC00  }
0x36: {  	[hbm4b:s9+s3] =	stream.linear.scatter [tilespmem:s23], [sflag:$0x8], $0x1400, $0x38;
	[tilespmem:$0x6400] =	vst v63  }
0x37: {  	_ =	swait.ge [sflag:s0], $0x1400  }
0x38: {  	[sflag:s0] =	ssyncset.done $0x0  }
0x39: {  	[sflag:s0] =	ssyncadd.s32 $0xFFFFEC00  }
0x3a: {  	_ =	swait.ge [sflag:s18], $0x1400  }
0x3b: {  	[sflag:s18] =	ssyncset.done $0x0  }
0x3c: {  	s20 =	simm.s32 $0x300;
	[sflag:s18] =	ssyncadd.s32 $0xFFFFEC00  }
0x3d: {  	[tilespmem:s21], [sflag:$0x3] =	stream.indirect.gather [hbm4b:s2+s16], $0x80, s20, s16, $0xb8;
	[tilespmem:$0x6400] =	vst v63  }
0x3e: {  	s22 =	simm.s32 $0x380  }
0x3f: {  	[tilespmem:s23], [sflag:$0x4] =	stream.indirect.gather [hbm4b:s2+s16], $0x80, s22, s16, $0xb8;
	[tilespmem:$0x6400] =	vst v63  }
0x40: {  	_ =	swait.ge [sflag:s24], $0x1400  }
0x41: {  	[sflag:s24] =	ssyncset.done $0x0  }
0x42: {  	[sflag:s24] =	ssyncadd.s32 $0xFFFFEC00  }
0x43: {  	[hbm4b:s14+s3] =	stream.linear.scatter [tilespmem:s17], [sflag:$0x5], $0x1400, $0x38;
	[tilespmem:$0x6400] =	vst v63  }
0x44: {  	_ =	swait.ge [sflag:s25], $0x1400  }
0x45: {  	[sflag:s25] =	ssyncset.done $0x0  }
0x46: {  	s4 =	sadd.s32 $0x280, s14;
	[sflag:s25] =	ssyncadd.s32 $0xFFFFEC00  }
0x47: {  	[hbm4b:s4+s3] =	stream.linear.scatter [tilespmem:s19], [sflag:$0x6], $0x1400, $0x38;
	[tilespmem:$0x6400] =	vst v63  }
0x48: {  	_ =	swait.ge [sflag:s26], $0x1400  }
0x49: {  	[sflag:s26] =	ssyncset.done $0x0  }
0x4a: {  	[sflag:s26] =	ssyncadd.s32 $0xFFFFEC00  }
0x4b: {  	_ =	swait.ge [sflag:s28], $0x1400  }
0x4c: {  	[sflag:s28] =	ssyncset.done $0x0  }
0x4d: {  	s22 =	simm.s32 $0x400;
	[sflag:s28] =	ssyncadd.s32 $0xFFFFEC00  }
0x4e: {  	[tilespmem:s17], [sflag:$0x1] =	stream.indirect.gather [hbm4b:s2+s16], $0x80, s22, s16, $0xb8;
	[tilespmem:$0x6400] =	vst v63  }
0x4f: {  	s4 =	simm.s32 $0x480  }
0x50: {  	[tilespmem:s19], [sflag:$0x2] =	stream.indirect.gather [hbm4b:s2+s16], $0x80, s4, s16, $0xb8;
	[tilespmem:$0x6400] =	vst v63  }
0x51: {  	_ =	swait.ge [sflag:s31], $0x1400  }
0x52: {  	[sflag:s31] =	ssyncset.done $0x0  }
0x53: {  	s22 =	sadd.s32 $0x500, s14;
	[sflag:s31] =	ssyncadd.s32 $0xFFFFEC00  }
0x54: {  	[hbm4b:s22+s3] =	stream.linear.scatter [tilespmem:s21], [sflag:$0x7], $0x1400, $0x38;
	[tilespmem:$0x6400] =	vst v63  }
0x55: {  	_ =	swait.ge [sflag:s1], $0x1400  }
0x56: {  	s30 =	simm.s32 $0x800;
	[sflag:s1] =	ssyncset.done $0x0  }
0x57: {  	s20 =	sadd.s32 $0xA00, s14;
	s22 =	sadd.s32 $0x780, s14;
	[sflag:s1] =	ssyncadd.s32 $0xFFFFEC00  }
.LBB2_2:
0x58: {  	[hbm4b:s22+s3] =	stream.linear.scatter [tilespmem:s23], [sflag:$0x8], $0x1400, $0x38;
	[tilespmem:$0x6400] =	vst v63  }
0x59: {  	s22 =	smov.u32 s30  }
0x5a: {  	p0 =	sne.s32 s30, $0x3800;
	s30 =	sadd.s32 $0x800, s30;
	_ =	swait.ge [sflag:s0], $0x1400  }
0x5b: {  	[sflag:s0] =	ssyncset.done $0x0  }
0x5c: {  	[sflag:s0] =	ssyncadd.s32 $0xFFFFEC00  }
0x5d: {  	_ =	swait.ge [sflag:s18], $0x1400  }
0x5e: {  	s22 =	sshra.s32 s22, $0x2;
	[sflag:s18] =	ssyncset.done $0x0  }
0x5f: {  	s4 =	sadd.s32 $0x300, s22;
	[sflag:s18] =	ssyncadd.s32 $0xFFFFEC00  }
0x60: {  	[tilespmem:s21], [sflag:$0x3] =	stream.indirect.gather [hbm4b:s2+s16], $0x80, s4, s16, $0xb8;
	[tilespmem:$0x6400] =	vst v63  }
0x61: {  	s4 =	sadd.s32 $0x380, s22  }
0x62: {  	[tilespmem:s23], [sflag:$0x4] =	stream.indirect.gather [hbm4b:s2+s16], $0x80, s4, s16, $0xb8;
	[tilespmem:$0x6400] =	vst v63  }
0x63: {  	_ =	swait.ge [sflag:s24], $0x1400  }
0x64: {  	[sflag:s24] =	ssyncset.done $0x0  }
0x65: {  	[sflag:s24] =	ssyncadd.s32 $0xFFFFEC00  }
0x66: {  	[hbm4b:s20+s3] =	stream.linear.scatter [tilespmem:s17], [sflag:$0x5], $0x1400, $0x38;
	[tilespmem:$0x6400] =	vst v63  }
0x67: {  	_ =	swait.ge [sflag:s25], $0x1400  }
0x68: {  	[sflag:s25] =	ssyncset.done $0x0  }
0x69: {  	s4 =	sadd.s32 $0x280, s20;
	[sflag:s25] =	ssyncadd.s32 $0xFFFFEC00  }
0x6a: {  	[hbm4b:s4+s3] =	stream.linear.scatter [tilespmem:s19], [sflag:$0x6], $0x1400, $0x38;
	[tilespmem:$0x6400] =	vst v63  }
0x6b: {  	_ =	swait.ge [sflag:s26], $0x1400  }
0x6c: {  	[sflag:s26] =	ssyncset.done $0x0  }
0x6d: {  	[sflag:s26] =	ssyncadd.s32 $0xFFFFEC00  }
0x6e: {  	_ =	swait.ge [sflag:s28], $0x1400  }
0x6f: {  	[sflag:s28] =	ssyncset.done $0x0  }
0x70: {  	s4 =	sadd.s32 $0x400, s22;
	[sflag:s28] =	ssyncadd.s32 $0xFFFFEC00  }
0x71: {  	[tilespmem:s17], [sflag:$0x1] =	stream.indirect.gather [hbm4b:s2+s16], $0x80, s4, s16, $0xb8;
	[tilespmem:$0x6400] =	vst v63  }
0x72: {  	s4 =	sadd.s32 $0x480, s22  }
0x73: {  	[tilespmem:s19], [sflag:$0x2] =	stream.indirect.gather [hbm4b:s2+s16], $0x80, s4, s16, $0xb8;
	[tilespmem:$0x6400] =	vst v63  }
0x74: {  	_ =	swait.ge [sflag:s31], $0x1400  }
0x75: {  	[sflag:s31] =	ssyncset.done $0x0  }
.Ltmp0:
0x76: {  	s4 =	sadd.s32 $0x500, s20;
	[sflag:s31] =	ssyncadd.s32 $0xFFFFEC00;
	(pc) =	sbr.rel @p0 .LBB2_2-.Ltmp0, $4  }
0x77: {  	[hbm4b:s4+s3] =	stream.linear.scatter [tilespmem:s21], [sflag:$0x7], $0x1400, $0x38;
	[tilespmem:$0x6400] =	vst v63  }
0x78: {  	_ =	swait.ge [sflag:s1], $0x1400  }
0x79: {  	[sflag:s1] =	ssyncset.done $0x0  }
0x7a: {  	s22 =	sadd.s32 $0x780, s20;
	s20 =	sadd.s32 $0xA00, s20;
	[sflag:s1] =	ssyncadd.s32 $0xFFFFEC00  }
0x7b: {  	[hbm4b:s22+s3] =	stream.linear.scatter [tilespmem:s23], [sflag:$0x8], $0x1400, $0x38;
	[tilespmem:$0x6400] =	vst v63  }
0x7c: {  	_ =	swait.ge [sflag:s0], $0x1400  }
0x7d: {  	[sflag:s0] =	ssyncset.done $0x0  }
0x7e: {  	[sflag:s0] =	ssyncadd.s32 $0xFFFFEC00  }
0x7f: {  	_ =	swait.ge [sflag:s18], $0x1400  }
0x80: {  	[sflag:s18] =	ssyncset.done $0x0  }
0x81: {  	s4 =	simm.s32 $0x1300;
	[sflag:s18] =	ssyncadd.s32 $0xFFFFEC00  }
0x82: {  	[tilespmem:s21], [sflag:$0x3] =	stream.indirect.gather [hbm4b:s2+s16], $0x80, s4, s16, $0xb8;
	[tilespmem:$0x6400] =	vst v63  }
0x83: {  	s30 =	simm.s32 $0x1380  }
0x84: {  	[tilespmem:s23], [sflag:$0x4] =	stream.indirect.gather [hbm4b:s2+s16], $0x80, s30, s16, $0xb8;
	[tilespmem:$0x6400] =	vst v63  }
0x85: {  	_ =	swait.ge [sflag:s24], $0x1400  }
0x86: {  	[sflag:s24] =	ssyncset.done $0x0  }
0x87: {  	[sflag:s24] =	ssyncadd.s32 $0xFFFFEC00  }
0x88: {  	[hbm4b:s10+s3] =	stream.linear.scatter [tilespmem:s17], [sflag:$0x5], $0x1400, $0x38;
	[tilespmem:$0x6400] =	vst v63  }
0x89: {  	_ =	swait.ge [sflag:s25], $0x1400  }
0x8a: {  	[sflag:s25] =	ssyncset.done $0x0  }
0x8b: {  	[sflag:s25] =	ssyncadd.s32 $0xFFFFEC00  }
0x8c: {  	[hbm4b:s11+s3] =	stream.linear.scatter [tilespmem:s19], [sflag:$0x6], $0x1400, $0x38;
	[tilespmem:$0x6400] =	vst v63  }
0x8d: {  	_ =	swait.ge [sflag:s31], $0x1400  }
0x8e: {  	[sflag:s31] =	ssyncset.done $0x0  }
0x8f: {  	[sflag:s31] =	ssyncadd.s32 $0xFFFFEC00  }
0x90: {  	[hbm4b:s12+s3] =	stream.linear.scatter [tilespmem:s21], [sflag:$0x7], $0x1400, $0x38;
	[tilespmem:$0x6400] =	vst v63  }
0x91: {  	_ =	swait.ge [sflag:s1], $0x1400  }
0x92: {  	[sflag:s1] =	ssyncset.done $0x0  }
0x93: {  	[sflag:s1] =	ssyncadd.s32 $0xFFFFEC00  }
0x94: {  	[hbm4b:s13+s3] =	stream.linear.scatter [tilespmem:s23], [sflag:$0x8], $0x1400, $0x38;
	[tilespmem:$0x6400] =	vst v63  }
0x95: {  	_ =	swait.ge [sflag:s26], $0x1400  }
0x96: {  	[sflag:s26] =	ssyncset.done $0x0  }
0x97: {  	[sflag:s26] =	ssyncadd.s32 $0xFFFFEC00  }
0x98: {  	_ =	swait.ge [sflag:s28], $0x1400  }
0x99: {  	[sflag:s28] =	ssyncset.done $0x0  }
0x9a: {  	s29 =	sadd.s32 $0x1, s29;
	[sflag:s28] =	ssyncadd.s32 $0xFFFFEC00  }
0x9b: {  	p0 =	sne.s32 s29, s5;
	_ =	swait.ge [sflag:s0], $0x1400  }
.Ltmp1:
0x9c: {  	[sflag:s0] =	ssyncset.done $0x0;
	(pc) =	sbr.rel @p0 .LBB2_1-.Ltmp1, $4  }
0x9d: {  	[sflag:s0] =	ssyncadd.s32 $0xFFFFEC00  }
0x9e: {  	_ =	swait.ge [sflag:s18], $0x1400  }
0x9f: {  	[sflag:s18] =	ssyncset.done $0x0  }
0xa0: {  	[sflag:s18] =	ssyncadd.s32 $0xFFFFEC00  }
0xa1: {  	_ =	sfence.sel $0x180000  }
0xa2: {  	[bflag:$0x0] =	sbarrier.arrive $0xFFFF  }
0xa3: {  	_ =	strace $0x90000053  }
0xa4: {  	s0 =	stileid.u32;
	[bflag:$0x2] =	sbarrier.arrive $0xFFFF  }
0xa5: {  	p0 =	sne.s32 s0, $0x0;
	s0 =	rddreg [dreg:$0x2]  }
0xa6: {  	s0 =	sadd.s32 @!p0 $0x100000, s0  }
0xa7: {  	[sflag:s0] =	ssyncadd.tile.s32 @!p0 $0x1;
	_ =	shalt  }
.Lfunc_end2:
_tile_overlayer_lowered:
.L_overlay_start_2:
0xa8: {  	(tag) =	ssettag $0x2  }
0xa9: {  	s0 =	rddreg [dreg:$0x0];
	s2 =	stileid.u32  }
0xaa: {  	s1 =	rddreg [dreg:$0x1];
	p0 =	sne.s32 s2, $0x0  }
0xab: {  	s3 =	rddreg [dreg:$0x2];
	[bflag:$0x3] =	sbarrier.arrive $0xFFFF;
	s2 =	simm.s32 @!p0 $0x1C09  }
0xac: {  	[timem:s3], [sflag:s2] =	dma.local @!p0 [hbm:s0], s1  }
0xad: {  	s0 =	simm.s32 @!p0 $0x9  }
0xae: {  	_ =	swait.ge @!p0 [sflag:s0], s1  }
0xaf: {  	s1 =	ssub.s32 @!p0 $0x0, s1;
	[sflag:s0] =	ssyncset.done @!p0 $0x0  }
0xb0: {  	[sflag:s0] =	ssyncadd.s32 @!p0 s1  }
0xb1: {  	[bflag:$0x3] =	sbarrier.arrive $0xFFFF  }
0xb2: {  	_ =	shalt  }

// kernel: kernel.28.cloned.1.call-start
scs
__scs_entry_jumppad:
0x0: {  	(pc) =	sbr.rel $0x88, $3  }
0x1: {  	(tag) =	ssettag $0x0;
	lr =	simm.s32 $0x1  }
0x2: {  	[smem:$0x3F95] =	sst lr;
	_ =	strace $0xD0000000  }
0x3: {  	_ = 	snop  }
0x4: {  	_ = 	snop  }
0x5: {  	_ = 	snop  }
0x6: {  	_ = 	snop  }
0x7: {  	_ = 	snop  }
__scs_overlays_trampoline_lowered:
0x8: {  	[smem:$0x3FA4] =	sst s0  }
0x9: {  	[smem:$0x3FA5] =	sst s1  }
0xa: {  	[smem:$0x3FA6] =	sst s2  }
0xb: {  	[smem:$0x3FA7] =	sst s3  }
0xc: {  	[smem:$0x3FA8] =	sst s4  }
0xd: {  	[smem:$0x3FA9] =	sst s5  }
0xe: {  	[smem:$0x3FAA] =	sst s6  }
0xf: {  	[smem:$0x3FAB] =	sst s7  }
0x10: {  	[smem:$0x3FAC] =	sst s8  }
0x11: {  	[smem:$0x3FAD] =	sst s9;
	s0 =	simm.s32 @!p0 $0x0  }
0x12: {  	s1 =	sld [smem:$0x3F93];
	s0 =	simm.s32 @p0 $0x1  }
0x13: {  	[smem:$0x3FAE] =	sst s0;
	s0 =	simm.s32 @!p1 $0x0  }
0x14: {  	s2 =	sld [smem:$0x3F92];
	s0 =	simm.s32 @p1 $0x1  }
0x15: {  	[smem:$0x3FAF] =	sst s0;
	s0 =	simm.s32 @!p2 $0x0  }
0x16: {  	s3 =	sld [smem:$0x3FDB];
	s0 =	simm.s32 @p2 $0x1  }
0x17: {  	s4 =	simm.s32 $0x1BF5;
	[smem:$0x3FB1] =	sst s0  }
0x18: {  	s0 =	sld [smem:$0x3F94];
	_ =	swait.ge [sflag:s4], $0x0  }
0x19: {  	s7 =	sld [smem:$0x3F95]  }
0x1a: {  	s8 =	sadd.s32 $0xFFFFE003, lr  }
0x1b: {  	s9 =	sadd.s32 $0xFFFFFEF7, lr;
	s5 =	simm.s32 $0xFFFFFFFF;
	p2 =	slt.u32 s8, $0xFFFFF086  }
0x1c: {  	p1 =	slt.u32 s9, $0xF7A;
	s5 =	simm.s32 @!p2 $0x0  }
0x1d: {  	s5 =	simm.s32 @p1 $0x1;
	p0 =	seq.s32 s7, s2  }
0x1e: {  	s7 =	smul.u32 @!p0 $0xF7A, s2;
	p2 =	seq.s32 @!p0 s5, $0x0  }
0x1f: {  	s9 =	smul.u32 $0xF7A, s1;
	s8 =	simm.s32 @!p0 $0x1BF5;
	p2 =	por !p2, p0  }
0x20: {  	[sflag:s8] =	ssyncset.s32 @!p0 $0xFFFFF086;
	s6 =	sadd.s32 @!p0 s3, s7;
	s7 =	simm.s32 @!p0 $0x108  }
0x21: {  	s3 =	sadd.s32 s3, s9;
	s6 =	sadd.s32 @!p0 $0x88, s6;
	s7 =	simm.s32 @p2 $0x1082  }
0x22: {  	[simem:s7], [sflag:s8] =	dma.local @!p0 [hbm:s6], $0xF7A  }
0x23: {  	s9 =	sor.u32 $0xD0000000, s2;
	s6 =	simm.s32 $0x108;
	_ =	swait.ge @!p0 [sflag:s8], $0x0  }
0x24: {  	s3 =	sadd.s32 $0x88, s3;
	s6 =	simm.s32 @!p1 $0x1082;
	[sflag:s4] =	ssyncset.s32 $0xFFFFF086  }
0x25: {  	[simem:s6], [sflag:s4] =	dma.local [hbm:s3], $0xF7A  }
0x26: {  	[smem:$0x3F95] =	sst s1;
	(tag) =	ssettag s2;
	_ =	strace s9  }
0x27: {  	s1 =	sld [smem:$0x3FA5]  }
0x28: {  	s2 =	sld [smem:$0x3FA6]  }
0x29: {  	s4 =	sld [smem:$0x3FA8]  }
0x2a: {  	p0 =	seq.s32 s5, $0x0;
	s5 =	sld [smem:$0x3FA9]  }
0x2b: {  	s6 =	sld [smem:$0x3FAA]  }
0x2c: {  	s7 =	sld [smem:$0x3FAB]  }
0x2d: {  	s3 =	simm.s32 $0x108;
	s8 =	sld [smem:$0x3FAC]  }
0x2e: {  	s3 =	simm.s32 @!p0 $0x1082;
	s9 =	sld [smem:$0x3FAD]  }
0x2f: {  	lr =	sadd.s32 s0, s3;
	s0 =	sld [smem:$0x3FA4]  }
0x30: {  	s3 =	sld [smem:$0x3FA7]  }
0x31: {  	[smem:$0x3FB0] =	sst s10  }
0x32: {  	s10 =	sld [smem:$0x3FAE];
	_ =	sdelay $0x3  }
0x33: {  	p0 =	seq.s32 s10, $0x1;
	s10 =	sld [smem:$0x3FB0];
	_ =	sdelay $0x3  }
0x34: {  	[smem:$0x3FB0] =	sst s10  }
0x35: {  	s10 =	sld [smem:$0x3FAF];
	_ =	sdelay $0x3  }
0x36: {  	p1 =	seq.s32 s10, $0x1;
	s10 =	sld [smem:$0x3FB0];
	_ =	sdelay $0x3  }
0x37: {  	[smem:$0x3FB0] =	sst s10  }
0x38: {  	s10 =	sld [smem:$0x3FB1]  }
0x39: {  	_ = 	snop;
	(pc) =	sbr.ind lr, $3  }
0x3a: {  	_ = 	snop  }
0x3b: {  	_ = 	snop  }
0x3c: {  	p2 =	seq.s32 s10, $0x1;
	s10 =	sld [smem:$0x3FB0]  }
0x3d: {  	_ =	shalt  }
0x3e: {  	_ =	shalt  }
0x3f: {  	_ =	shalt  }
0x40: {  	_ =	shalt  }
0x41: {  	_ =	shalt  }
0x42: {  	_ =	shalt  }
0x43: {  	_ =	shalt  }
0x44: {  	_ =	shalt  }
0x45: {  	_ =	shalt  }
0x46: {  	_ =	shalt  }
0x47: {  	_ =	shalt  }
0x48: {  	_ =	shalt  }
0x49: {  	_ =	shalt  }
0x4a: {  	_ =	shalt  }
0x4b: {  	_ =	shalt  }
0x4c: {  	_ =	shalt  }
0x4d: {  	_ =	shalt  }
0x4e: {  	_ =	shalt  }
0x4f: {  	_ =	shalt  }
0x50: {  	_ =	shalt  }
0x51: {  	_ =	shalt  }
0x52: {  	_ =	shalt  }
0x53: {  	_ =	shalt  }
0x54: {  	_ =	shalt  }
0x55: {  	_ =	shalt  }
0x56: {  	_ =	shalt  }
0x57: {  	_ =	shalt  }
0x58: {  	_ =	shalt  }
0x59: {  	_ =	shalt  }
0x5a: {  	_ =	shalt  }
0x5b: {  	_ =	shalt  }
0x5c: {  	_ =	shalt  }
0x5d: {  	_ =	shalt  }
0x5e: {  	_ =	shalt  }
0x5f: {  	_ =	shalt  }
0x60: {  	_ =	shalt  }
0x61: {  	_ =	shalt  }
0x62: {  	_ =	shalt  }
0x63: {  	_ =	shalt  }
0x64: {  	_ =	shalt  }
0x65: {  	_ =	shalt  }
0x66: {  	_ =	shalt  }
0x67: {  	_ =	shalt  }
0x68: {  	_ =	shalt  }
0x69: {  	_ =	shalt  }
0x6a: {  	_ =	shalt  }
0x6b: {  	_ =	shalt  }
0x6c: {  	_ =	shalt  }
0x6d: {  	_ =	shalt  }
0x6e: {  	_ =	shalt  }
0x6f: {  	_ =	shalt  }
0x70: {  	_ =	shalt  }
0x71: {  	_ =	shalt  }
0x72: {  	_ =	shalt  }
0x73: {  	_ =	shalt  }
0x74: {  	_ =	shalt  }
0x75: {  	_ =	shalt  }
0x76: {  	_ =	shalt  }
0x77: {  	_ =	shalt  }
0x78: {  	_ =	shalt  }
0x79: {  	_ =	shalt  }
0x7a: {  	_ =	shalt  }
0x7b: {  	_ =	shalt  }
0x7c: {  	_ =	shalt  }
0x7d: {  	_ =	shalt  }
0x7e: {  	_ =	shalt  }
0x7f: {  	_ =	shalt  }
0x80: {  	_ =	shalt  }
0x81: {  	_ =	shalt  }
0x82: {  	_ =	shalt  }
0x83: {  	_ =	shalt  }
0x84: {  	_ =	shalt  }
0x85: {  	_ =	shalt  }
0x86: {  	_ =	shalt  }
0x87: {  	_ =	shalt  }
.Lfunc_end0:
.L_simem_size_0:
called_computation.4_lowered:
.L_overlay_start_0:
0x88: {  	s2 =	sld [smem:$0x3FD9]  }
0x89: {  	s3 =	sld [smem:$0x3FFE];
	_ =	sdelay $0x1  }
0x8a: {  	s1 =	srdreg.scid  }
0x8b: {  	s0 =	sand.u32 $0x1, s1  }
0x8c: {  	s17 =	sshll.u32 s0, $0xA;
	s2 =	sadd.s32 s3, s2  }
0x8d: {  	s2 =	sadd.s32 s2, s17  }
0x8e: {  	[smem:$0x3FBC] =	sst s2  }
0x8f: {  	_ = 	snop  }
0x90: {  	s18 =	sld [smem:$0x3FC7];
	(tm) =	ssettm $0x1  }
0x91: {  	s19 =	sld [smem:$0x3FFB];
	_ =	sdelay $0x3  }
0x92: {  	_ =	strace s19  }
0x93: {  	s2 =	sld [smem:$0x3FFC];
	_ =	sdelay $0x3  }
0x94: {  	_ =	strace s2  }
0x95: {  	s2 =	sld [smem:$0x3FFD];
	_ =	sdelay $0x3  }
0x96: {  	_ =	strace s2  }
0x97: {  	_ =	strace $0x8FFFFFFF  }
0x98: {  	s20 =	sld [smem:$0x3FDB];
	_ =	sdelay $0x1  }
0x99: {  	s4 =	simm.s32 $_scs_section_size  }
0x9a: {  	s5 =	simm.s32 $_size__tile_overlayer_lowered;
	s6 =	simm.s32 $_tile_overlayer_lowered  }
0x9b: {  	s7 =	simm.s32 $0x1BFF;
	s21 =	sshll.u32 s6, $0x1;
	s4 =	sadd.s32 s4, s20  }
0x9c: {  	s22 =	simm.s32 $0x0;
	s5 =	sshll.u32 s5, $0x1;
	s6 =	sadd.s32 s21, s4  }
0x9d: {  	[timem:s22], [sflag:s7] =	dma.local [hbm:s6], s5  }
0x9e: {  	_ =	swait.ge [sflag:s7], s5  }
0x9f: {  	s5 =	ssub.s32 $0x0, s5;
	[sflag:s7] =	ssyncset.done $0x0  }
0xa0: {  	[sflag:s7] =	ssyncadd.s32 s5;
	_ =	sdelay $0x1  }
0xa1: {  	s23 =	simm.s32 $0x1B8B  }
0xa2: {  	_ =	swait.ge [sflag:s23], $0x1  }
0xa3: {  	[sflag:s23] =	ssyncset.done $0x0  }
0xa4: {  	[sflag:s23] =	ssyncadd.s32 $0xFFFFFFFF  }
0xa5: {  	s5 =	sld [smem:$0x0]  }
0xa6: {  	s6 =	sand.u32 $0xFFFFFFFE, s1  }
0xa7: {  	p0 =	sne.s32 s1, s6  }
0xa8: {  	s6 =	sshll.u32 @p0 s6, $0xE  }
0xa9: {  	s6 =	sadd.s32 @p0 $0x11B8D, s6;
	s7 =	sshll.u32 @p0 s5, $0x11  }
0xaa: {  	s6 =	sor.u32 @p0 s7, s6  }
0xab: {  	[sflag:s6] =	ssyncadd.remote.s32 @p0 $0x1;
	_ =	sdelay $0x1  }
0xac: {  	s6 =	simm.s32 @p0 $0x1B8D  }
0xad: {  	_ =	swait.eq @p0 [sflag:s6], $0x1  }
0xae: {  	[sflag:s6] =	ssyncadd.s32 @p0 $0xFFFFFFFF  }
0xaf: {  	s7 =	sshll.u32 @!p0 s1, $0xE  }
0xb0: {  	s7 =	sor.u32 @!p0 $0x4000, s7;
	s6 =	simm.s32 @!p0 $0x1B8D  }
0xb1: {  	s5 =	sshll.u32 @!p0 s5, $0x11;
	s7 =	sadd.s32 @!p0 $0x11B8D, s7;
	_ =	swait.eq @!p0 [sflag:s6], $0x1  }
0xb2: {  	s5 =	sor.u32 @!p0 s5, s7;
	[sflag:s6] =	ssyncadd.s32 @!p0 $0xFFFFFFFF  }
0xb3: {  	s25 =	simm.s32 $0x1B8E;
	s24 =	sld [smem:$0x3FFE];
	[sflag:s5] =	ssyncadd.remote.s32 @!p0 $0x1  }
0xb4: {  	s26 =	simm.s32 $execute0_lowered;
	[smem:$0x3FD2] =	sst s25  }
0xb5: {  	s6 =	sshll.u32 s26, $0x1;
	_ =	strace $0x80000055;
	[dreg:$0x1] =	wrdreg $0xFFFFFFFF  }
0xb6: {  	s28 =	simm.s32 $_size_execute0_lowered;
	s4 =	sadd.s32 s4, s6;
	[dreg:$0x0] =	wrdreg $0x0  }
0xb7: {  	s6 =	sshll.u32 s28, $0x1;
	[dreg:$0x2] =	wrdreg s4  }
0xb8: {  	[dreg:$0x3] =	wrdreg s6  }
0xb9: {  	[dreg:$0x4] =	wrdreg $0xC0  }
0xba: {  	_ =	task [dreg:s22], $0x5FFFF  }
0xbb: {  	[dreg:$0x1] =	wrdreg $0xFFFFFFFF  }
0xbc: {  	[dreg:$0x0] =	wrdreg $0x60  }
0xbd: {  	[dreg:$0x2] =	wrdreg s18  }
0xbe: {  	[dreg:$0x3] =	wrdreg s24  }
0xbf: {  	[dreg:$0x4] =	wrdreg $0xD  }
0xc0: {  	_ =	task.clear_ibuf [dreg:s22], $0x5FFFF;
	_ =	strace $0x90000055  }
0xc1: {  	s29 =	simm.s32 $0xD;
	_ =	strace $0x80000057  }
0xc2: {  	_ =	swait.ge [sflag:s29], $0x1  }
0xc3: {  	[sflag:s29] =	ssyncadd.s32 $0xFFFFFFFF  }
0xc4: {  	_ =	strace $0x90000057  }
0xc5: {  	_ =	sfence  }
0xc6: {  	s30 =	sld [smem:$0x0];
	_ =	sdelay $0x2  }
0xc7: {  	s31 =	sshll.u32 s1, $0xD;
	s1 =	sshrl.u32 s1, $0x2  }
0xc8: {  	s4 =	sand.u32 $0x4000, s31;
	s1 =	sadd.s32 s1, s30  }
0xc9: {  	s0 =	sor.u32 s4, s0;
	s1 =	sshll.u32 s1, $0x11  }
0xca: {  	s0 =	sor.u32 s1, s0  }
0xcb: {  	s0 =	sadd.s32 $0x8F2B, s0  }
0xcc: {  	[sflag:s0] =	ssyncadd.remote.s32 $0x1  }
0xcd: {  	_ =	sfence.sel $0xFFFF  }
0xce: {  	[dreg:$0x0] =	wrdreg $0xFFFFFFFF;
	(pc) =	sbr.abs _section_cstart, $3  }
0xcf: {  	[dreg:$0x1] =	wrdreg $0xFFFFFFFF  }
0xd0: {  	_ =	task.clear_ibuf [dreg:s22], $0x2FFFF;
	_ =	strace $0x9FFFFFFF  }
0xd1: {  	(tm) =	ssettm $0x7FFFFFFF  }
tec
execute0_lowered:
.L_overlay_start_1:
0x0: {  	(tag) =	ssettag $0x1  }
0x1: {  	s2 =	rddreg [dreg:$0x0]  }
0x2: {  	s0 =	srdreg.scid;
	s9 =	stileid.u32  }
0x3: {  	s1 =	rddreg [dreg:$0x1];
	s3 =	simm.s32 $0x0;
	s15 =	simm.s32 $0x9  }
0x4: {  	s16 =	simm.s32 $0x28;
	s17 =	simm.s32 $0x1400;
	s19 =	simm.s32 $0x2800  }
0x5: {  	s21 =	simm.s32 $0x3C00;
	s23 =	simm.s32 $0x5000;
	s24 =	simm.s32 $0x1  }
0x6: {  	s25 =	simm.s32 $0x2;
	s26 =	simm.s32 $0x5;
	s28 =	simm.s32 $0x6  }
0x7: {  	s31 =	simm.s32 $0x3;
	s0 =	sand.u32 $0x1, s0;
	s4 =	sshll.u32 s9, $0x1  }
0x8: {  	s18 =	simm.s32 $0x8;
	s11 =	smul.u32 $0xC800, s9;
	s4 =	sor.u32 s0, s4  }
0x9: {  	s29 =	simm.s32 $0x0;
	[smem:$0x7FF] =	sst s3;
	s5 =	smul.u32 $0x280, s4  }
0xa: {  	_ =	strace $0x80000056;
	s6 =	ssub.s32 $0x2, s0;
	s0 =	smul.u32 $0x6400, s0  }
0xb: {  	s7 =	sshrl.u32 s6, $0x1;
	s8 =	smul.u32 $0x6400, s4;
	s5 =	sadd.s32 s5, s1  }
0xc: {  	s6 =	ssub.s32 s6, s7;
	s1 =	sadd.s32 $0x365000, s1;
	s30 =	sadd.s32 $0x360000, s5  }
0xd: {  	s5 =	smax.u32 s6, $0x1;
	s6 =	sadd.s32 s1, s8;
	s1 =	sadd.s32 s11, s1  }
0xe: {  	[dreg:$0x3] =	wrdreg s30;
	s7 =	sadd.s32 $0x280, s6;
	s8 =	sadd.s32 $0x500, s6  }
0xf: {  	s9 =	sadd.s32 $0x780, s6;
	s10 =	sadd.s32 $0x5A00, s6;
	s11 =	sadd.s32 $0x5C80, s6  }
0x10: {  	s12 =	sadd.s32 $0x5F00, s6;
	s0 =	sadd.s32 s0, s1;
	s13 =	sadd.s32 $0x6180, s6  }
0x11: {  	s1 =	simm.s32 $0x4;
	s14 =	sadd.s32 $0xA00, s0;
	s0 =	simm.s32 $0x7  }
.LBB2_1:
0x12: {  	s4 =	rddreg [dreg:$0x3]  }
0x13: {  	[tilespmem:s3], [sflag:$0x9] =	stream.linear.gather [hbm4b:s4+s3], $0x1400, $0x38;
	[tilespmem:$0x6400] =	vst v63  }
0x14: {  	_ =	swait.ge [sflag:s15], $0x1400  }
0x15: {  	[sflag:s15] =	ssyncset.done $0x0  }
0x16: {  	[sflag:s15] =	ssyncadd.s32 $0xFFFFEC00  }
0x17: {  	[tilespmem:s17], [sflag:$0x1] =	stream.indirect.gather [hbm4b:s2+s16], $0x80, s3, s16, $0xb8;
	[tilespmem:$0x6400] =	vst v63  }
0x18: {  	s20 =	simm.s32 $0x80  }
0x19: {  	[tilespmem:s19], [sflag:$0x2] =	stream.indirect.gather [hbm4b:s2+s16], $0x80, s20, s16, $0xb8;
	[tilespmem:$0x6400] =	vst v63  }
0x1a: {  	s22 =	simm.s32 $0x100  }
0x1b: {  	[tilespmem:s21], [sflag:$0x3] =	stream.indirect.gather [hbm4b:s2+s16], $0x80, s22, s16, $0xb8;
	[tilespmem:$0x6400] =	vst v63  }
0x1c: {  	s20 =	simm.s32 $0x180  }
0x1d: {  	[tilespmem:s23], [sflag:$0x4] =	stream.indirect.gather [hbm4b:s2+s16], $0x80, s20, s16, $0xb8;
	[tilespmem:$0x6400] =	vst v63  }
0x1e: {  	_ =	swait.ge [sflag:s24], $0x1400  }
0x1f: {  	[sflag:s24] =	ssyncset.done $0x0  }
0x20: {  	[sflag:s24] =	ssyncadd.s32 $0xFFFFEC00  }
0x21: {  	[hbm4b:s6+s3] =	stream.linear.scatter [tilespmem:s17], [sflag:$0x5], $0x1400, $0x38;
	[tilespmem:$0x6400] =	vst v63  }
0x22: {  	_ =	swait.ge [sflag:s25], $0x1400  }
0x23: {  	[sflag:s25] =	ssyncset.done $0x0  }
0x24: {  	[sflag:s25] =	ssyncadd.s32 $0xFFFFEC00  }
0x25: {  	[hbm4b:s7+s3] =	stream.linear.scatter [tilespmem:s19], [sflag:$0x6], $0x1400, $0x38;
	[tilespmem:$0x6400] =	vst v63  }
0x26: {  	_ =	swait.ge [sflag:s26], $0x1400  }
0x27: {  	[sflag:s26] =	ssyncset.done $0x0  }
0x28: {  	[sflag:s26] =	ssyncadd.s32 $0xFFFFEC00  }
0x29: {  	_ =	swait.ge [sflag:s28], $0x1400  }
0x2a: {  	[sflag:s28] =	ssyncset.done $0x0  }
0x2b: {  	s22 =	simm.s32 $0x200;
	[sflag:s28] =	ssyncadd.s32 $0xFFFFEC00  }
0x2c: {  	[tilespmem:s17], [sflag:$0x1] =	stream.indirect.gather [hbm4b:s2+s16], $0x80, s22, s16, $0xb8;
	[tilespmem:$0x6400] =	vst v63  }
0x2d: {  	s20 =	simm.s32 $0x280  }
0x2e: {  	[tilespmem:s19], [sflag:$0x2] =	stream.indirect.gather [hbm4b:s2+s16], $0x80, s20, s16, $0xb8;
	[tilespmem:$0x6400] =	vst v63  }
0x2f: {  	_ =	swait.ge [sflag:s31], $0x1400  }
0x30: {  	[sflag:s31] =	ssyncset.done $0x0  }
0x31: {  	[sflag:s31] =	ssyncadd.s32 $0xFFFFEC00  }
0x32: {  	[hbm4b:s8+s3] =	stream.linear.scatter [tilespmem:s21], [sflag:$0x7], $0x1400, $0x38;
	[tilespmem:$0x6400] =	vst v63  }
0x33: {  	_ =	swait.ge [sflag:s1], $0x1400  }
0x34: {  	[sflag:s1] =	ssyncset.done $0x0  }
0x35: {  	[sflag:s1] =	ssyncadd.s32 $0xFFFFEC00  }
0x36: {  	[hbm4b:s9+s3] =	stream.linear.scatter [tilespmem:s23], [sflag:$0x8], $0x1400, $0x38;
	[tilespmem:$0x6400] =	vst v63  }
0x37: {  	_ =	swait.ge [sflag:s0], $0x1400  }
0x38: {  	[sflag:s0] =	ssyncset.done $0x0  }
0x39: {  	[sflag:s0] =	ssyncadd.s32 $0xFFFFEC00  }
0x3a: {  	_ =	swait.ge [sflag:s18], $0x1400  }
0x3b: {  	[sflag:s18] =	ssyncset.done $0x0  }
0x3c: {  	s20 =	simm.s32 $0x300;
	[sflag:s18] =	ssyncadd.s32 $0xFFFFEC00  }
0x3d: {  	[tilespmem:s21], [sflag:$0x3] =	stream.indirect.gather [hbm4b:s2+s16], $0x80, s20, s16, $0xb8;
	[tilespmem:$0x6400] =	vst v63  }
0x3e: {  	s22 =	simm.s32 $0x380  }
0x3f: {  	[tilespmem:s23], [sflag:$0x4] =	stream.indirect.gather [hbm4b:s2+s16], $0x80, s22, s16, $0xb8;
	[tilespmem:$0x6400] =	vst v63  }
0x40: {  	_ =	swait.ge [sflag:s24], $0x1400  }
0x41: {  	[sflag:s24] =	ssyncset.done $0x0  }
0x42: {  	[sflag:s24] =	ssyncadd.s32 $0xFFFFEC00  }
0x43: {  	[hbm4b:s14+s3] =	stream.linear.scatter [tilespmem:s17], [sflag:$0x5], $0x1400, $0x38;
	[tilespmem:$0x6400] =	vst v63  }
0x44: {  	_ =	swait.ge [sflag:s25], $0x1400  }
0x45: {  	[sflag:s25] =	ssyncset.done $0x0  }
0x46: {  	s4 =	sadd.s32 $0x280, s14;
	[sflag:s25] =	ssyncadd.s32 $0xFFFFEC00  }
0x47: {  	[hbm4b:s4+s3] =	stream.linear.scatter [tilespmem:s19], [sflag:$0x6], $0x1400, $0x38;
	[tilespmem:$0x6400] =	vst v63  }
0x48: {  	_ =	swait.ge [sflag:s26], $0x1400  }
0x49: {  	[sflag:s26] =	ssyncset.done $0x0  }
0x4a: {  	[sflag:s26] =	ssyncadd.s32 $0xFFFFEC00  }
0x4b: {  	_ =	swait.ge [sflag:s28], $0x1400  }
0x4c: {  	[sflag:s28] =	ssyncset.done $0x0  }
0x4d: {  	s22 =	simm.s32 $0x400;
	[sflag:s28] =	ssyncadd.s32 $0xFFFFEC00  }
0x4e: {  	[tilespmem:s17], [sflag:$0x1] =	stream.indirect.gather [hbm4b:s2+s16], $0x80, s22, s16, $0xb8;
	[tilespmem:$0x6400] =	vst v63  }
0x4f: {  	s4 =	simm.s32 $0x480  }
0x50: {  	[tilespmem:s19], [sflag:$0x2] =	stream.indirect.gather [hbm4b:s2+s16], $0x80, s4, s16, $0xb8;
	[tilespmem:$0x6400] =	vst v63  }
0x51: {  	_ =	swait.ge [sflag:s31], $0x1400  }
0x52: {  	[sflag:s31] =	ssyncset.done $0x0  }
0x53: {  	s22 =	sadd.s32 $0x500, s14;
	[sflag:s31] =	ssyncadd.s32 $0xFFFFEC00  }
0x54: {  	[hbm4b:s22+s3] =	stream.linear.scatter [tilespmem:s21], [sflag:$0x7], $0x1400, $0x38;
	[tilespmem:$0x6400] =	vst v63  }
0x55: {  	_ =	swait.ge [sflag:s1], $0x1400  }
0x56: {  	s30 =	simm.s32 $0x800;
	[sflag:s1] =	ssyncset.done $0x0  }
0x57: {  	s20 =	sadd.s32 $0xA00, s14;
	s22 =	sadd.s32 $0x780, s14;
	[sflag:s1] =	ssyncadd.s32 $0xFFFFEC00  }
.LBB2_2:
0x58: {  	[hbm4b:s22+s3] =	stream.linear.scatter [tilespmem:s23], [sflag:$0x8], $0x1400, $0x38;
	[tilespmem:$0x6400] =	vst v63  }
0x59: {  	s22 =	smov.u32 s30  }
0x5a: {  	p0 =	sne.s32 s30, $0x3800;
	s30 =	sadd.s32 $0x800, s30;
	_ =	swait.ge [sflag:s0], $0x1400  }
0x5b: {  	[sflag:s0] =	ssyncset.done $0x0  }
0x5c: {  	[sflag:s0] =	ssyncadd.s32 $0xFFFFEC00  }
0x5d: {  	_ =	swait.ge [sflag:s18], $0x1400  }
0x5e: {  	s22 =	sshra.s32 s22, $0x2;
	[sflag:s18] =	ssyncset.done $0x0  }
0x5f: {  	s4 =	sadd.s32 $0x300, s22;
	[sflag:s18] =	ssyncadd.s32 $0xFFFFEC00  }
0x60: {  	[tilespmem:s21], [sflag:$0x3] =	stream.indirect.gather [hbm4b:s2+s16], $0x80, s4, s16, $0xb8;
	[tilespmem:$0x6400] =	vst v63  }
0x61: {  	s4 =	sadd.s32 $0x380, s22  }
0x62: {  	[tilespmem:s23], [sflag:$0x4] =	stream.indirect.gather [hbm4b:s2+s16], $0x80, s4, s16, $0xb8;
	[tilespmem:$0x6400] =	vst v63  }
0x63: {  	_ =	swait.ge [sflag:s24], $0x1400  }
0x64: {  	[sflag:s24] =	ssyncset.done $0x0  }
0x65: {  	[sflag:s24] =	ssyncadd.s32 $0xFFFFEC00  }
0x66: {  	[hbm4b:s20+s3] =	stream.linear.scatter [tilespmem:s17], [sflag:$0x5], $0x1400, $0x38;
	[tilespmem:$0x6400] =	vst v63  }
0x67: {  	_ =	swait.ge [sflag:s25], $0x1400  }
0x68: {  	[sflag:s25] =	ssyncset.done $0x0  }
0x69: {  	s4 =	sadd.s32 $0x280, s20;
	[sflag:s25] =	ssyncadd.s32 $0xFFFFEC00  }
0x6a: {  	[hbm4b:s4+s3] =	stream.linear.scatter [tilespmem:s19], [sflag:$0x6], $0x1400, $0x38;
	[tilespmem:$0x6400] =	vst v63  }
0x6b: {  	_ =	swait.ge [sflag:s26], $0x1400  }
0x6c: {  	[sflag:s26] =	ssyncset.done $0x0  }
0x6d: {  	[sflag:s26] =	ssyncadd.s32 $0xFFFFEC00  }
0x6e: {  	_ =	swait.ge [sflag:s28], $0x1400  }
0x6f: {  	[sflag:s28] =	ssyncset.done $0x0  }
0x70: {  	s4 =	sadd.s32 $0x400, s22;
	[sflag:s28] =	ssyncadd.s32 $0xFFFFEC00  }
0x71: {  	[tilespmem:s17], [sflag:$0x1] =	stream.indirect.gather [hbm4b:s2+s16], $0x80, s4, s16, $0xb8;
	[tilespmem:$0x6400] =	vst v63  }
0x72: {  	s4 =	sadd.s32 $0x480, s22  }
0x73: {  	[tilespmem:s19], [sflag:$0x2] =	stream.indirect.gather [hbm4b:s2+s16], $0x80, s4, s16, $0xb8;
	[tilespmem:$0x6400] =	vst v63  }
0x74: {  	_ =	swait.ge [sflag:s31], $0x1400  }
0x75: {  	[sflag:s31] =	ssyncset.done $0x0  }
.Ltmp0:
0x76: {  	s4 =	sadd.s32 $0x500, s20;
	[sflag:s31] =	ssyncadd.s32 $0xFFFFEC00;
	(pc) =	sbr.rel @p0 .LBB2_2-.Ltmp0, $4  }
0x77: {  	[hbm4b:s4+s3] =	stream.linear.scatter [tilespmem:s21], [sflag:$0x7], $0x1400, $0x38;
	[tilespmem:$0x6400] =	vst v63  }
0x78: {  	_ =	swait.ge [sflag:s1], $0x1400  }
0x79: {  	[sflag:s1] =	ssyncset.done $0x0  }
0x7a: {  	s22 =	sadd.s32 $0x780, s20;
	s20 =	sadd.s32 $0xA00, s20;
	[sflag:s1] =	ssyncadd.s32 $0xFFFFEC00  }
0x7b: {  	[hbm4b:s22+s3] =	stream.linear.scatter [tilespmem:s23], [sflag:$0x8], $0x1400, $0x38;
	[tilespmem:$0x6400] =	vst v63  }
0x7c: {  	_ =	swait.ge [sflag:s0], $0x1400  }
0x7d: {  	[sflag:s0] =	ssyncset.done $0x0  }
0x7e: {  	[sflag:s0] =	ssyncadd.s32 $0xFFFFEC00  }
0x7f: {  	_ =	swait.ge [sflag:s18], $0x1400  }
0x80: {  	[sflag:s18] =	ssyncset.done $0x0  }
0x81: {  	s4 =	simm.s32 $0x1300;
	[sflag:s18] =	ssyncadd.s32 $0xFFFFEC00  }
0x82: {  	[tilespmem:s21], [sflag:$0x3] =	stream.indirect.gather [hbm4b:s2+s16], $0x80, s4, s16, $0xb8;
	[tilespmem:$0x6400] =	vst v63  }
0x83: {  	s30 =	simm.s32 $0x1380  }
0x84: {  	[tilespmem:s23], [sflag:$0x4] =	stream.indirect.gather [hbm4b:s2+s16], $0x80, s30, s16, $0xb8;
	[tilespmem:$0x6400] =	vst v63  }
0x85: {  	_ =	swait.ge [sflag:s24], $0x1400  }
0x86: {  	[sflag:s24] =	ssyncset.done $0x0  }
0x87: {  	[sflag:s24] =	ssyncadd.s32 $0xFFFFEC00  }
0x88: {  	[hbm4b:s10+s3] =	stream.linear.scatter [tilespmem:s17], [sflag:$0x5], $0x1400, $0x38;
	[tilespmem:$0x6400] =	vst v63  }
0x89: {  	_ =	swait.ge [sflag:s25], $0x1400  }
0x8a: {  	[sflag:s25] =	ssyncset.done $0x0  }
0x8b: {  	[sflag:s25] =	ssyncadd.s32 $0xFFFFEC00  }
0x8c: {  	[hbm4b:s11+s3] =	stream.linear.scatter [tilespmem:s19], [sflag:$0x6], $0x1400, $0x38;
	[tilespmem:$0x6400] =	vst v63  }
0x8d: {  	_ =	swait.ge [sflag:s31], $0x1400  }
0x8e: {  	[sflag:s31] =	ssyncset.done $0x0  }
0x8f: {  	[sflag:s31] =	ssyncadd.s32 $0xFFFFEC00  }
0x90: {  	[hbm4b:s12+s3] =	stream.linear.scatter [tilespmem:s21], [sflag:$0x7], $0x1400, $0x38;
	[tilespmem:$0x6400] =	vst v63  }
0x91: {  	_ =	swait.ge [sflag:s1], $0x1400  }
0x92: {  	[sflag:s1] =	ssyncset.done $0x0  }
0x93: {  	[sflag:s1] =	ssyncadd.s32 $0xFFFFEC00  }
0x94: {  	[hbm4b:s13+s3] =	stream.linear.scatter [tilespmem:s23], [sflag:$0x8], $0x1400, $0x38;
	[tilespmem:$0x6400] =	vst v63  }
0x95: {  	_ =	swait.ge [sflag:s26], $0x1400  }
0x96: {  	[sflag:s26] =	ssyncset.done $0x0  }
0x97: {  	[sflag:s26] =	ssyncadd.s32 $0xFFFFEC00  }
0x98: {  	_ =	swait.ge [sflag:s28], $0x1400  }
0x99: {  	[sflag:s28] =	ssyncset.done $0x0  }
0x9a: {  	s29 =	sadd.s32 $0x1, s29;
	[sflag:s28] =	ssyncadd.s32 $0xFFFFEC00  }
0x9b: {  	p0 =	sne.s32 s29, s5;
	_ =	swait.ge [sflag:s0], $0x1400  }
.Ltmp1:
0x9c: {  	[sflag:s0] =	ssyncset.done $0x0;
	(pc) =	sbr.rel @p0 .LBB2_1-.Ltmp1, $4  }
0x9d: {  	[sflag:s0] =	ssyncadd.s32 $0xFFFFEC00  }
0x9e: {  	_ =	swait.ge [sflag:s18], $0x1400  }
0x9f: {  	[sflag:s18] =	ssyncset.done $0x0  }
0xa0: {  	[sflag:s18] =	ssyncadd.s32 $0xFFFFEC00  }
0xa1: {  	_ =	sfence.sel $0x180000  }
0xa2: {  	[bflag:$0x0] =	sbarrier.arrive $0xFFFF  }
0xa3: {  	_ =	strace $0x90000056  }
0xa4: {  	s0 =	stileid.u32;
	[bflag:$0x2] =	sbarrier.arrive $0xFFFF  }
0xa5: {  	p0 =	sne.s32 s0, $0x0;
	s0 =	rddreg [dreg:$0x2]  }
0xa6: {  	s0 =	sadd.s32 @!p0 $0x100000, s0  }
0xa7: {  	[sflag:s0] =	ssyncadd.tile.s32 @!p0 $0x1;
	_ =	shalt  }
.Lfunc_end2:
_tile_overlayer_lowered:
.L_overlay_start_2:
0xa8: {  	(tag) =	ssettag $0x2  }
0xa9: {  	s0 =	rddreg [dreg:$0x0];
	s2 =	stileid.u32  }
0xaa: {  	s1 =	rddreg [dreg:$0x1];
	p0 =	sne.s32 s2, $0x0  }
0xab: {  	s3 =	rddreg [dreg:$0x2];
	[bflag:$0x3] =	sbarrier.arrive $0xFFFF;
	s2 =	simm.s32 @!p0 $0x1C09  }
0xac: {  	[timem:s3], [sflag:s2] =	dma.local @!p0 [hbm:s0], s1  }
0xad: {  	s0 =	simm.s32 @!p0 $0x9  }
0xae: {  	_ =	swait.ge @!p0 [sflag:s0], s1  }
0xaf: {  	s1 =	ssub.s32 @!p0 $0x0, s1;
	[sflag:s0] =	ssyncset.done @!p0 $0x0  }
0xb0: {  	[sflag:s0] =	ssyncadd.s32 @!p0 s1  }
0xb1: {  	[bflag:$0x3] =	sbarrier.arrive $0xFFFF  }
0xb2: {  	_ =	shalt  }

// kernel: kernel.31.cloned.1.call-start
scs
__scs_entry_jumppad:
0x0: {  	(pc) =	sbr.rel $0x88, $3  }
0x1: {  	(tag) =	ssettag $0x0;
	lr =	simm.s32 $0x1  }
0x2: {  	[smem:$0x3F95] =	sst lr;
	_ =	strace $0xD0000000  }
0x3: {  	_ = 	snop  }
0x4: {  	_ = 	snop  }
0x5: {  	_ = 	snop  }
0x6: {  	_ = 	snop  }
0x7: {  	_ = 	snop  }
__scs_overlays_trampoline_lowered:
0x8: {  	[smem:$0x3FA4] =	sst s0  }
0x9: {  	[smem:$0x3FA5] =	sst s1  }
0xa: {  	[smem:$0x3FA6] =	sst s2  }
0xb: {  	[smem:$0x3FA7] =	sst s3  }
0xc: {  	[smem:$0x3FA8] =	sst s4  }
0xd: {  	[smem:$0x3FA9] =	sst s5  }
0xe: {  	[smem:$0x3FAA] =	sst s6  }
0xf: {  	[smem:$0x3FAB] =	sst s7  }
0x10: {  	[smem:$0x3FAC] =	sst s8  }
0x11: {  	[smem:$0x3FAD] =	sst s9;
	s0 =	simm.s32 @!p0 $0x0  }
0x12: {  	s1 =	sld [smem:$0x3F93];
	s0 =	simm.s32 @p0 $0x1  }
0x13: {  	[smem:$0x3FAE] =	sst s0;
	s0 =	simm.s32 @!p1 $0x0  }
0x14: {  	s2 =	sld [smem:$0x3F92];
	s0 =	simm.s32 @p1 $0x1  }
0x15: {  	[smem:$0x3FAF] =	sst s0;
	s0 =	simm.s32 @!p2 $0x0  }
0x16: {  	s3 =	sld [smem:$0x3FDB];
	s0 =	simm.s32 @p2 $0x1  }
0x17: {  	s4 =	simm.s32 $0x1BF5;
	[smem:$0x3FB1] =	sst s0  }
0x18: {  	s0 =	sld [smem:$0x3F94];
	_ =	swait.ge [sflag:s4], $0x0  }
0x19: {  	s7 =	sld [smem:$0x3F95]  }
0x1a: {  	s8 =	sadd.s32 $0xFFFFE003, lr  }
0x1b: {  	s9 =	sadd.s32 $0xFFFFFEF7, lr;
	s5 =	simm.s32 $0xFFFFFFFF;
	p2 =	slt.u32 s8, $0xFFFFF086  }
0x1c: {  	p1 =	slt.u32 s9, $0xF7A;
	s5 =	simm.s32 @!p2 $0x0  }
0x1d: {  	s5 =	simm.s32 @p1 $0x1;
	p0 =	seq.s32 s7, s2  }
0x1e: {  	s7 =	smul.u32 @!p0 $0xF7A, s2;
	p2 =	seq.s32 @!p0 s5, $0x0  }
0x1f: {  	s9 =	smul.u32 $0xF7A, s1;
	s8 =	simm.s32 @!p0 $0x1BF5;
	p2 =	por !p2, p0  }
0x20: {  	[sflag:s8] =	ssyncset.s32 @!p0 $0xFFFFF086;
	s6 =	sadd.s32 @!p0 s3, s7;
	s7 =	simm.s32 @!p0 $0x108  }
0x21: {  	s3 =	sadd.s32 s3, s9;
	s6 =	sadd.s32 @!p0 $0x88, s6;
	s7 =	simm.s32 @p2 $0x1082  }
0x22: {  	[simem:s7], [sflag:s8] =	dma.local @!p0 [hbm:s6], $0xF7A  }
0x23: {  	s9 =	sor.u32 $0xD0000000, s2;
	s6 =	simm.s32 $0x108;
	_ =	swait.ge @!p0 [sflag:s8], $0x0  }
0x24: {  	s3 =	sadd.s32 $0x88, s3;
	s6 =	simm.s32 @!p1 $0x1082;
	[sflag:s4] =	ssyncset.s32 $0xFFFFF086  }
0x25: {  	[simem:s6], [sflag:s4] =	dma.local [hbm:s3], $0xF7A  }
0x26: {  	[smem:$0x3F95] =	sst s1;
	(tag) =	ssettag s2;
	_ =	strace s9  }
0x27: {  	s1 =	sld [smem:$0x3FA5]  }
0x28: {  	s2 =	sld [smem:$0x3FA6]  }
0x29: {  	s4 =	sld [smem:$0x3FA8]  }
0x2a: {  	p0 =	seq.s32 s5, $0x0;
	s5 =	sld [smem:$0x3FA9]  }
0x2b: {  	s6 =	sld [smem:$0x3FAA]  }
0x2c: {  	s7 =	sld [smem:$0x3FAB]  }
0x2d: {  	s3 =	simm.s32 $0x108;
	s8 =	sld [smem:$0x3FAC]  }
0x2e: {  	s3 =	simm.s32 @!p0 $0x1082;
	s9 =	sld [smem:$0x3FAD]  }
0x2f: {  	lr =	sadd.s32 s0, s3;
	s0 =	sld [smem:$0x3FA4]  }
0x30: {  	s3 =	sld [smem:$0x3FA7]  }
0x31: {  	[smem:$0x3FB0] =	sst s10  }
0x32: {  	s10 =	sld [smem:$0x3FAE];
	_ =	sdelay $0x3  }
0x33: {  	p0 =	seq.s32 s10, $0x1;
	s10 =	sld [smem:$0x3FB0];
	_ =	sdelay $0x3  }
0x34: {  	[smem:$0x3FB0] =	sst s10  }
0x35: {  	s10 =	sld [smem:$0x3FAF];
	_ =	sdelay $0x3  }
0x36: {  	p1 =	seq.s32 s10, $0x1;
	s10 =	sld [smem:$0x3FB0];
	_ =	sdelay $0x3  }
0x37: {  	[smem:$0x3FB0] =	sst s10  }
0x38: {  	s10 =	sld [smem:$0x3FB1]  }
0x39: {  	_ = 	snop;
	(pc) =	sbr.ind lr, $3  }
0x3a: {  	_ = 	snop  }
0x3b: {  	_ = 	snop  }
0x3c: {  	p2 =	seq.s32 s10, $0x1;
	s10 =	sld [smem:$0x3FB0]  }
0x3d: {  	_ =	shalt  }
0x3e: {  	_ =	shalt  }
0x3f: {  	_ =	shalt  }
0x40: {  	_ =	shalt  }
0x41: {  	_ =	shalt  }
0x42: {  	_ =	shalt  }
0x43: {  	_ =	shalt  }
0x44: {  	_ =	shalt  }
0x45: {  	_ =	shalt  }
0x46: {  	_ =	shalt  }
0x47: {  	_ =	shalt  }
0x48: {  	_ =	shalt  }
0x49: {  	_ =	shalt  }
0x4a: {  	_ =	shalt  }
0x4b: {  	_ =	shalt  }
0x4c: {  	_ =	shalt  }
0x4d: {  	_ =	shalt  }
0x4e: {  	_ =	shalt  }
0x4f: {  	_ =	shalt  }
0x50: {  	_ =	shalt  }
0x51: {  	_ =	shalt  }
0x52: {  	_ =	shalt  }
0x53: {  	_ =	shalt  }
0x54: {  	_ =	shalt  }
0x55: {  	_ =	shalt  }
0x56: {  	_ =	shalt  }
0x57: {  	_ =	shalt  }
0x58: {  	_ =	shalt  }
0x59: {  	_ =	shalt  }
0x5a: {  	_ =	shalt  }
0x5b: {  	_ =	shalt  }
0x5c: {  	_ =	shalt  }
0x5d: {  	_ =	shalt  }
0x5e: {  	_ =	shalt  }
0x5f: {  	_ =	shalt  }
0x60: {  	_ =	shalt  }
0x61: {  	_ =	shalt  }
0x62: {  	_ =	shalt  }
0x63: {  	_ =	shalt  }
0x64: {  	_ =	shalt  }
0x65: {  	_ =	shalt  }
0x66: {  	_ =	shalt  }
0x67: {  	_ =	shalt  }
0x68: {  	_ =	shalt  }
0x69: {  	_ =	shalt  }
0x6a: {  	_ =	shalt  }
0x6b: {  	_ =	shalt  }
0x6c: {  	_ =	shalt  }
0x6d: {  	_ =	shalt  }
0x6e: {  	_ =	shalt  }
0x6f: {  	_ =	shalt  }
0x70: {  	_ =	shalt  }
0x71: {  	_ =	shalt  }
0x72: {  	_ =	shalt  }
0x73: {  	_ =	shalt  }
0x74: {  	_ =	shalt  }
0x75: {  	_ =	shalt  }
0x76: {  	_ =	shalt  }
0x77: {  	_ =	shalt  }
0x78: {  	_ =	shalt  }
0x79: {  	_ =	shalt  }
0x7a: {  	_ =	shalt  }
0x7b: {  	_ =	shalt  }
0x7c: {  	_ =	shalt  }
0x7d: {  	_ =	shalt  }
0x7e: {  	_ =	shalt  }
0x7f: {  	_ =	shalt  }
0x80: {  	_ =	shalt  }
0x81: {  	_ =	shalt  }
0x82: {  	_ =	shalt  }
0x83: {  	_ =	shalt  }
0x84: {  	_ =	shalt  }
0x85: {  	_ =	shalt  }
0x86: {  	_ =	shalt  }
0x87: {  	_ =	shalt  }
.Lfunc_end0:
.L_simem_size_0:
called_computation.5_lowered:
.L_overlay_start_0:
0x88: {  	s2 =	sld [smem:$0x3FD9]  }
0x89: {  	s3 =	sld [smem:$0x3FFE];
	_ =	sdelay $0x1  }
0x8a: {  	s1 =	srdreg.scid  }
0x8b: {  	s0 =	sand.u32 $0x1, s1  }
0x8c: {  	s14 =	sshll.u32 s0, $0xA;
	s2 =	sadd.s32 s3, s2  }
0x8d: {  	s2 =	sadd.s32 s2, s14  }
0x8e: {  	[smem:$0x3FBC] =	sst s2  }
0x8f: {  	_ = 	snop  }
0x90: {  	s2 =	sld [smem:$0x3FD0];
	_ =	sdelay $0x2  }
0x91: {  	s15 =	simm.s32 $0xF;
	s4 =	simm.s32 $0x10  }
0x92: {  	[smem:s4], [sflag:s15] =	dma.local [hbm:s2], $0x1  }
0x93: {  	_ =	swait.eq [sflag:s15], $0x1  }
0x94: {  	[sflag:s15] =	ssyncset.done $0x0  }
0x95: {  	s16 =	sld [smem:$0x10];
	[sflag:s15] =	ssyncadd.s32 $0xFFFFFFFF  }
0x96: {  	s17 =	sld [smem:$0x11];
	(tm) =	ssettm $0x1  }
0x97: {  	s18 =	sld [smem:$0x3FFB];
	_ =	sdelay $0x3  }
0x98: {  	_ =	strace s18  }
0x99: {  	s4 =	sld [smem:$0x3FFC];
	_ =	sdelay $0x3  }
0x9a: {  	_ =	strace s4  }
0x9b: {  	s4 =	sld [smem:$0x3FFD];
	_ =	sdelay $0x3  }
0x9c: {  	_ =	strace s4  }
0x9d: {  	_ =	strace $0x8FFFFFFF  }
0x9e: {  	s19 =	sld [smem:$0x3FDB];
	_ =	sdelay $0x1  }
0x9f: {  	s5 =	simm.s32 $_scs_section_size  }
0xa0: {  	s6 =	simm.s32 $_size__tile_overlayer_lowered;
	s7 =	simm.s32 $_tile_overlayer_lowered  }
0xa1: {  	s22 =	simm.s32 $0x1BFF;
	s21 =	sshll.u32 s7, $0x1;
	s4 =	sadd.s32 s5, s19  }
0xa2: {  	s8 =	simm.s32 $0x0;
	s20 =	sshll.u32 s6, $0x1;
	s6 =	sadd.s32 s21, s4  }
0xa3: {  	[timem:s8], [sflag:s22] =	dma.local [hbm:s6], s20  }
0xa4: {  	_ =	swait.ge [sflag:s22], s20  }
0xa5: {  	s5 =	ssub.s32 $0x0, s20;
	[sflag:s22] =	ssyncset.done $0x0  }
0xa6: {  	[sflag:s22] =	ssyncadd.s32 s5;
	_ =	sdelay $0x1  }
0xa7: {  	s23 =	simm.s32 $0x1B8B  }
0xa8: {  	_ =	swait.ge [sflag:s23], $0x1  }
0xa9: {  	[sflag:s23] =	ssyncset.done $0x0  }
0xaa: {  	s25 =	simm.s32 $0x1B8E;
	s24 =	sld [smem:$0x3FFE];
	[sflag:s23] =	ssyncadd.s32 $0xFFFFFFFF  }
0xab: {  	s26 =	simm.s32 $execute0_lowered;
	[smem:$0x3FD2] =	sst s25  }
0xac: {  	s6 =	sshll.u32 s26, $0x1;
	_ =	strace $0x80000046;
	[dreg:$0x1] =	wrdreg $0xFFFFFFFF  }
0xad: {  	s28 =	simm.s32 $_size_execute0_lowered;
	s4 =	sadd.s32 s4, s6;
	[dreg:$0x0] =	wrdreg $0x0  }
0xae: {  	s6 =	sshll.u32 s28, $0x1;
	[dreg:$0x2] =	wrdreg s4  }
0xaf: {  	[dreg:$0x3] =	wrdreg s6  }
0xb0: {  	[dreg:$0x4] =	wrdreg $0xC0  }
0xb1: {  	_ =	task [dreg:s8], $0x5FFFF  }
0xb2: {  	[dreg:$0x1] =	wrdreg $0xFFFFFFFF  }
0xb3: {  	[dreg:$0x0] =	wrdreg $0x60  }
0xb4: {  	[dreg:$0x2] =	wrdreg s24  }
0xb5: {  	[dreg:$0x3] =	wrdreg s17  }
0xb6: {  	[dreg:$0x4] =	wrdreg s16  }
0xb7: {  	[dreg:$0x5] =	wrdreg $0xE  }
0xb8: {  	_ =	task.clear_ibuf [dreg:s8], $0x6FFFF;
	_ =	strace $0x90000046  }
0xb9: {  	s29 =	simm.s32 $0xE;
	_ =	strace $0x80000048  }
0xba: {  	_ =	swait.ge [sflag:s29], $0x1  }
0xbb: {  	[sflag:s29] =	ssyncadd.s32 $0xFFFFFFFF  }
0xbc: {  	_ =	strace $0x90000048  }
0xbd: {  	_ =	sfence  }
0xbe: {  	s30 =	sld [smem:$0x0];
	_ =	sdelay $0x2  }
0xbf: {  	s31 =	sshll.u32 s1, $0xD;
	s1 =	sshrl.u32 s1, $0x2  }
0xc0: {  	s3 =	sand.u32 $0x4000, s31;
	s1 =	sadd.s32 s1, s30  }
0xc1: {  	s0 =	sor.u32 s3, s0;
	s1 =	sshll.u32 s1, $0x11  }
0xc2: {  	s0 =	sor.u32 s1, s0  }
0xc3: {  	s0 =	sadd.s32 $0x8F2B, s0  }
0xc4: {  	[sflag:s0] =	ssyncadd.remote.s32 $0x1  }
0xc5: {  	_ =	sfence.sel $0xFFFF  }
0xc6: {  	[dreg:$0x0] =	wrdreg $0xFFFFFFFF;
	(pc) =	sbr.abs _section_cstart, $3  }
0xc7: {  	[dreg:$0x1] =	wrdreg $0xFFFFFFFF  }
0xc8: {  	_ =	task.clear_ibuf [dreg:s8], $0x2FFFF;
	_ =	strace $0x9FFFFFFF  }
0xc9: {  	(tm) =	ssettm $0x7FFFFFFF  }
tec
execute0_lowered:
.L_overlay_start_1:
0x0: {  	(tag) =	ssettag $0x1  }
0x1: {  	s5 =	rddreg [dreg:$0x0]  }
0x2: {  	s1 =	srdreg.scid;
	s3 =	rddreg [dreg:$0x1]  }
0x3: {  	s0 =	stileid.u32;
	s9 =	rddreg [dreg:$0x2];
	s6 =	sand.u32 $0x1, s1  }
0x4: {  	s2 =	simm.s32 $0x0;
	s4 =	sshll.u32 s0, $0x6;
	s7 =	sshll.u32 s6, $0x5  }
0x5: {  	s8 =	simm.s32 $0x1;
	[smem:$0x7FF] =	sst s2;
	s10 =	sor.u32 s7, s4  }
0x6: {  	s1 =	rddreg [dreg:$0x3];
	_ =	strace $0x80000047;
	s4 =	sshrl.u32 s10, $0x3  }
0x7: {  	s11 =	ssub.s32 $0x2, s6;
	s4 =	sadd.s32 s3, s4;
	s3 =	simm.s32 $0x2  }
0x8: {  	[tilespmem:s2], [sflag:$0x2] =	stream.linear.gather [hbm4b:s4+s2], $0x20, $0x38;
	[tilespmem:$0x1080] =	vst v63  }
0x9: {  	s5 =	sadd.s32 $0x4E00, s5;
	s12 =	sshrl.u32 s11, $0x1;
	_ =	swait.ge [sflag:s3], $0x20  }
0xa: {  	s6 =	simm.s32 $0x20;
	s11 =	ssub.s32 s11, s12;
	[sflag:s3] =	ssyncset.done $0x0  }
0xb: {  	s7 =	simm.s32 $0x80;
	s31 =	smax.u32 s11, $0x1;
	[sflag:s3] =	ssyncadd.s32 $0xFFFFFFE0  }
0xc: {  	[tilespmem:s7], [sflag:$0x1] =	stream.indirect.gather [hbm4b:s5+s6], $0x80, s2, s6, $0xb8;
	[tilespmem:$0x1080] =	vst v63  }
0xd: {  	p0 =	sne.s32 s31, $0x1;
	_ =	swait.ge [sflag:s8], $0x1000  }
.Ltmp0:
0xe: {  	s10 =	sshll.u32 s10, $0x4;
	[sflag:s8] =	ssyncset.done $0x0;
	(pc) =	sbr.rel @!p0 .LBB2_2-.Ltmp0, $4  }
0xf: {  	s9 =	sadd.s32 s9, s10;
	[sflag:s8] =	ssyncadd.s32 $0xFFFFF000  }
0x10: {  	[hbm4b:s9+s2] =	stream.linear.scatter [tilespmem:s7], [sflag:$0x2], $0x1000, $0x38;
	[tilespmem:$0x1080] =	vst v63  }
0x11: {  	_ =	swait.ge [sflag:s3], $0x1000  }
0x12: {  	s10 =	sadd.s32 $0xFFFFFFFF, s31;
	[sflag:s3] =	ssyncset.done $0x0  }
.LBB2_1:
0x13: {  	p0 =	sne.s32 s10, $0x1;
	s10 =	sadd.s32 $0xFFFFFFFF, s10;
	[sflag:s3] =	ssyncadd.s32 $0xFFFFF000  }
0x14: {  	[tilespmem:s2], [sflag:$0x2] =	stream.linear.gather [hbm4b:s4+s2], $0x20, $0x38;
	[tilespmem:$0x1080] =	vst v63  }
0x15: {  	_ =	swait.ge [sflag:s3], $0x20  }
0x16: {  	[sflag:s3] =	ssyncset.done $0x0  }
0x17: {  	[sflag:s3] =	ssyncadd.s32 $0xFFFFFFE0  }
0x18: {  	[tilespmem:s7], [sflag:$0x1] =	stream.indirect.gather [hbm4b:s5+s6], $0x80, s2, s6, $0xb8;
	[tilespmem:$0x1080] =	vst v63  }
0x19: {  	_ =	swait.ge [sflag:s8], $0x1000  }
.Ltmp1:
0x1a: {  	[sflag:s8] =	ssyncset.done $0x0;
	(pc) =	sbr.rel @p0 .LBB2_1-.Ltmp1, $4  }
0x1b: {  	[sflag:s8] =	ssyncadd.s32 $0xFFFFF000  }
0x1c: {  	[hbm4b:s9+s2] =	stream.linear.scatter [tilespmem:s7], [sflag:$0x2], $0x1000, $0x38;
	[tilespmem:$0x1080] =	vst v63  }
0x1d: {  	_ =	swait.ge [sflag:s3], $0x1000  }
0x1e: {  	[sflag:s3] =	ssyncset.done $0x0  }
.LBB2_2:
0x1f: {  	[sflag:s3] =	ssyncadd.s32 $0xFFFFF000  }
0x20: {  	_ =	sfence.sel $0x180000  }
0x21: {  	[bflag:$0x0] =	sbarrier.arrive $0xFFFF  }
0x22: {  	p0 =	sne.s32 s0, $0x0;
	_ =	strace $0x90000047  }
0x23: {  	s0 =	sadd.s32 @!p0 $0x100000, s1;
	[bflag:$0x2] =	sbarrier.arrive $0xFFFF  }
0x24: {  	[sflag:s0] =	ssyncadd.tile.s32 @!p0 $0x1;
	_ =	shalt  }
.Lfunc_end2:
_tile_overlayer_lowered:
.L_overlay_start_2:
0x25: {  	(tag) =	ssettag $0x2  }
0x26: {  	s0 =	rddreg [dreg:$0x0];
	s2 =	stileid.u32  }
0x27: {  	s1 =	rddreg [dreg:$0x1];
	p0 =	sne.s32 s2, $0x0  }
0x28: {  	s3 =	rddreg [dreg:$0x2];
	[bflag:$0x3] =	sbarrier.arrive $0xFFFF;
	s2 =	simm.s32 @!p0 $0x1C02  }
0x29: {  	[timem:s3], [sflag:s2] =	dma.local @!p0 [hbm:s0], s1  }
0x2a: {  	s0 =	simm.s32 @!p0 $0x2  }
0x2b: {  	_ =	swait.ge @!p0 [sflag:s0], s1  }
0x2c: {  	s1 =	ssub.s32 @!p0 $0x0, s1;
	[sflag:s0] =	ssyncset.done @!p0 $0x0  }
0x2d: {  	[sflag:s0] =	ssyncadd.s32 @!p0 s1  }
0x2e: {  	[bflag:$0x3] =	sbarrier.arrive $0xFFFF  }
0x2f: {  	_ =	shalt  }

// kernel: kernel.34.cloned.1.call-start
scs
__scs_entry_jumppad:
0x0: {  	(pc) =	sbr.rel $0x88, $3  }
0x1: {  	(tag) =	ssettag $0x0;
	lr =	simm.s32 $0x1  }
0x2: {  	[smem:$0x3F95] =	sst lr;
	_ =	strace $0xD0000000  }
0x3: {  	_ = 	snop  }
0x4: {  	_ = 	snop  }
0x5: {  	_ = 	snop  }
0x6: {  	_ = 	snop  }
0x7: {  	_ = 	snop  }
__scs_overlays_trampoline_lowered:
0x8: {  	[smem:$0x3FA4] =	sst s0  }
0x9: {  	[smem:$0x3FA5] =	sst s1  }
0xa: {  	[smem:$0x3FA6] =	sst s2  }
0xb: {  	[smem:$0x3FA7] =	sst s3  }
0xc: {  	[smem:$0x3FA8] =	sst s4  }
0xd: {  	[smem:$0x3FA9] =	sst s5  }
0xe: {  	[smem:$0x3FAA] =	sst s6  }
0xf: {  	[smem:$0x3FAB] =	sst s7  }
0x10: {  	[smem:$0x3FAC] =	sst s8  }
0x11: {  	[smem:$0x3FAD] =	sst s9;
	s0 =	simm.s32 @!p0 $0x0  }
0x12: {  	s1 =	sld [smem:$0x3F93];
	s0 =	simm.s32 @p0 $0x1  }
0x13: {  	[smem:$0x3FAE] =	sst s0;
	s0 =	simm.s32 @!p1 $0x0  }
0x14: {  	s2 =	sld [smem:$0x3F92];
	s0 =	simm.s32 @p1 $0x1  }
0x15: {  	[smem:$0x3FAF] =	sst s0;
	s0 =	simm.s32 @!p2 $0x0  }
0x16: {  	s3 =	sld [smem:$0x3FDB];
	s0 =	simm.s32 @p2 $0x1  }
0x17: {  	s4 =	simm.s32 $0x1BF5;
	[smem:$0x3FB1] =	sst s0  }
0x18: {  	s0 =	sld [smem:$0x3F94];
	_ =	swait.ge [sflag:s4], $0x0  }
0x19: {  	s7 =	sld [smem:$0x3F95]  }
0x1a: {  	s8 =	sadd.s32 $0xFFFFE003, lr  }
0x1b: {  	s9 =	sadd.s32 $0xFFFFFEF7, lr;
	s5 =	simm.s32 $0xFFFFFFFF;
	p2 =	slt.u32 s8, $0xFFFFF086  }
0x1c: {  	p1 =	slt.u32 s9, $0xF7A;
	s5 =	simm.s32 @!p2 $0x0  }
0x1d: {  	s5 =	simm.s32 @p1 $0x1;
	p0 =	seq.s32 s7, s2  }
0x1e: {  	s7 =	smul.u32 @!p0 $0xF7A, s2;
	p2 =	seq.s32 @!p0 s5, $0x0  }
0x1f: {  	s9 =	smul.u32 $0xF7A, s1;
	s8 =	simm.s32 @!p0 $0x1BF5;
	p2 =	por !p2, p0  }
0x20: {  	[sflag:s8] =	ssyncset.s32 @!p0 $0xFFFFF086;
	s6 =	sadd.s32 @!p0 s3, s7;
	s7 =	simm.s32 @!p0 $0x108  }
0x21: {  	s3 =	sadd.s32 s3, s9;
	s6 =	sadd.s32 @!p0 $0x88, s6;
	s7 =	simm.s32 @p2 $0x1082  }
0x22: {  	[simem:s7], [sflag:s8] =	dma.local @!p0 [hbm:s6], $0xF7A  }
0x23: {  	s9 =	sor.u32 $0xD0000000, s2;
	s6 =	simm.s32 $0x108;
	_ =	swait.ge @!p0 [sflag:s8], $0x0  }
0x24: {  	s3 =	sadd.s32 $0x88, s3;
	s6 =	simm.s32 @!p1 $0x1082;
	[sflag:s4] =	ssyncset.s32 $0xFFFFF086  }
0x25: {  	[simem:s6], [sflag:s4] =	dma.local [hbm:s3], $0xF7A  }
0x26: {  	[smem:$0x3F95] =	sst s1;
	(tag) =	ssettag s2;
	_ =	strace s9  }
0x27: {  	s1 =	sld [smem:$0x3FA5]  }
0x28: {  	s2 =	sld [smem:$0x3FA6]  }
0x29: {  	s4 =	sld [smem:$0x3FA8]  }
0x2a: {  	p0 =	seq.s32 s5, $0x0;
	s5 =	sld [smem:$0x3FA9]  }
0x2b: {  	s6 =	sld [smem:$0x3FAA]  }
0x2c: {  	s7 =	sld [smem:$0x3FAB]  }
0x2d: {  	s3 =	simm.s32 $0x108;
	s8 =	sld [smem:$0x3FAC]  }
0x2e: {  	s3 =	simm.s32 @!p0 $0x1082;
	s9 =	sld [smem:$0x3FAD]  }
0x2f: {  	lr =	sadd.s32 s0, s3;
	s0 =	sld [smem:$0x3FA4]  }
0x30: {  	s3 =	sld [smem:$0x3FA7]  }
0x31: {  	[smem:$0x3FB0] =	sst s10  }
0x32: {  	s10 =	sld [smem:$0x3FAE];
	_ =	sdelay $0x3  }
0x33: {  	p0 =	seq.s32 s10, $0x1;
	s10 =	sld [smem:$0x3FB0];
	_ =	sdelay $0x3  }
0x34: {  	[smem:$0x3FB0] =	sst s10  }
0x35: {  	s10 =	sld [smem:$0x3FAF];
	_ =	sdelay $0x3  }
0x36: {  	p1 =	seq.s32 s10, $0x1;
	s10 =	sld [smem:$0x3FB0];
	_ =	sdelay $0x3  }
0x37: {  	[smem:$0x3FB0] =	sst s10  }
0x38: {  	s10 =	sld [smem:$0x3FB1]  }
0x39: {  	_ = 	snop;
	(pc) =	sbr.ind lr, $3  }
0x3a: {  	_ = 	snop  }
0x3b: {  	_ = 	snop  }
0x3c: {  	p2 =	seq.s32 s10, $0x1;
	s10 =	sld [smem:$0x3FB0]  }
0x3d: {  	_ =	shalt  }
0x3e: {  	_ =	shalt  }
0x3f: {  	_ =	shalt  }
0x40: {  	_ =	shalt  }
0x41: {  	_ =	shalt  }
0x42: {  	_ =	shalt  }
0x43: {  	_ =	shalt  }
0x44: {  	_ =	shalt  }
0x45: {  	_ =	shalt  }
0x46: {  	_ =	shalt  }
0x47: {  	_ =	shalt  }
0x48: {  	_ =	shalt  }
0x49: {  	_ =	shalt  }
0x4a: {  	_ =	shalt  }
0x4b: {  	_ =	shalt  }
0x4c: {  	_ =	shalt  }
0x4d: {  	_ =	shalt  }
0x4e: {  	_ =	shalt  }
0x4f: {  	_ =	shalt  }
0x50: {  	_ =	shalt  }
0x51: {  	_ =	shalt  }
0x52: {  	_ =	shalt  }
0x53: {  	_ =	shalt  }
0x54: {  	_ =	shalt  }
0x55: {  	_ =	shalt  }
0x56: {  	_ =	shalt  }
0x57: {  	_ =	shalt  }
0x58: {  	_ =	shalt  }
0x59: {  	_ =	shalt  }
0x5a: {  	_ =	shalt  }
0x5b: {  	_ =	shalt  }
0x5c: {  	_ =	shalt  }
0x5d: {  	_ =	shalt  }
0x5e: {  	_ =	shalt  }
0x5f: {  	_ =	shalt  }
0x60: {  	_ =	shalt  }
0x61: {  	_ =	shalt  }
0x62: {  	_ =	shalt  }
0x63: {  	_ =	shalt  }
0x64: {  	_ =	shalt  }
0x65: {  	_ =	shalt  }
0x66: {  	_ =	shalt  }
0x67: {  	_ =	shalt  }
0x68: {  	_ =	shalt  }
0x69: {  	_ =	shalt  }
0x6a: {  	_ =	shalt  }
0x6b: {  	_ =	shalt  }
0x6c: {  	_ =	shalt  }
0x6d: {  	_ =	shalt  }
0x6e: {  	_ =	shalt  }
0x6f: {  	_ =	shalt  }
0x70: {  	_ =	shalt  }
0x71: {  	_ =	shalt  }
0x72: {  	_ =	shalt  }
0x73: {  	_ =	shalt  }
0x74: {  	_ =	shalt  }
0x75: {  	_ =	shalt  }
0x76: {  	_ =	shalt  }
0x77: {  	_ =	shalt  }
0x78: {  	_ =	shalt  }
0x79: {  	_ =	shalt  }
0x7a: {  	_ =	shalt  }
0x7b: {  	_ =	shalt  }
0x7c: {  	_ =	shalt  }
0x7d: {  	_ =	shalt  }
0x7e: {  	_ =	shalt  }
0x7f: {  	_ =	shalt  }
0x80: {  	_ =	shalt  }
0x81: {  	_ =	shalt  }
0x82: {  	_ =	shalt  }
0x83: {  	_ =	shalt  }
0x84: {  	_ =	shalt  }
0x85: {  	_ =	shalt  }
0x86: {  	_ =	shalt  }
0x87: {  	_ =	shalt  }
.Lfunc_end0:
.L_simem_size_0:
called_computation.6_lowered:
.L_overlay_start_0:
0x88: {  	s2 =	sld [smem:$0x3FD9]  }
0x89: {  	s3 =	sld [smem:$0x3FFE];
	_ =	sdelay $0x1  }
0x8a: {  	s1 =	srdreg.scid  }
0x8b: {  	s0 =	sand.u32 $0x1, s1  }
0x8c: {  	s14 =	sshll.u32 s0, $0xA;
	s2 =	sadd.s32 s3, s2  }
0x8d: {  	s2 =	sadd.s32 s2, s14  }
0x8e: {  	[smem:$0x3FBC] =	sst s2  }
0x8f: {  	_ = 	snop  }
0x90: {  	s2 =	sld [smem:$0x3FD0];
	_ =	sdelay $0x2  }
0x91: {  	s15 =	simm.s32 $0xF;
	s4 =	simm.s32 $0x10  }
0x92: {  	[smem:s4], [sflag:s15] =	dma.local [hbm:s2], $0x1  }
0x93: {  	_ =	swait.eq [sflag:s15], $0x1  }
0x94: {  	[sflag:s15] =	ssyncset.done $0x0  }
0x95: {  	[sflag:s15] =	ssyncadd.s32 $0xFFFFFFFF  }
0x96: {  	s16 =	sld [smem:$0x10];
	(tm) =	ssettm $0x1  }
0x97: {  	s17 =	sld [smem:$0x3FFB];
	_ =	sdelay $0x3  }
0x98: {  	_ =	strace s17  }
0x99: {  	s3 =	sld [smem:$0x3FFC];
	_ =	sdelay $0x3  }
0x9a: {  	_ =	strace s3  }
0x9b: {  	s3 =	sld [smem:$0x3FFD];
	_ =	sdelay $0x3  }
0x9c: {  	_ =	strace s3  }
0x9d: {  	_ =	strace $0x8FFFFFFF  }
0x9e: {  	s18 =	sld [smem:$0x3FDB];
	_ =	sdelay $0x1  }
0x9f: {  	s19 =	simm.s32 $_scs_section_size  }
0xa0: {  	s5 =	simm.s32 $_size__tile_overlayer_lowered;
	s6 =	simm.s32 $_tile_overlayer_lowered  }
0xa1: {  	s22 =	simm.s32 $0x1BFF;
	s21 =	sshll.u32 s6, $0x1;
	s3 =	sadd.s32 s19, s18  }
0xa2: {  	s7 =	simm.s32 $0x0;
	s20 =	sshll.u32 s5, $0x1;
	s5 =	sadd.s32 s21, s3  }
0xa3: {  	[timem:s7], [sflag:s22] =	dma.local [hbm:s5], s20  }
0xa4: {  	_ =	swait.ge [sflag:s22], s20  }
0xa5: {  	s4 =	ssub.s32 $0x0, s20;
	[sflag:s22] =	ssyncset.done $0x0  }
0xa6: {  	[sflag:s22] =	ssyncadd.s32 s4;
	_ =	sdelay $0x1  }
0xa7: {  	s23 =	simm.s32 $0x1B8B  }
0xa8: {  	_ =	swait.ge [sflag:s23], $0x1  }
0xa9: {  	[sflag:s23] =	ssyncset.done $0x0  }
0xaa: {  	s25 =	simm.s32 $0x1B8E;
	s24 =	sld [smem:$0x3FFE];
	[sflag:s23] =	ssyncadd.s32 $0xFFFFFFFF  }
0xab: {  	s26 =	simm.s32 $execute0_lowered;
	[smem:$0x3FD2] =	sst s25  }
0xac: {  	s5 =	sshll.u32 s26, $0x1;
	_ =	strace $0x80000058;
	[dreg:$0x1] =	wrdreg $0xFFFFFFFF  }
0xad: {  	s28 =	simm.s32 $_size_execute0_lowered;
	s3 =	sadd.s32 s3, s5;
	[dreg:$0x0] =	wrdreg $0x0  }
0xae: {  	s5 =	sshll.u32 s28, $0x1;
	[dreg:$0x2] =	wrdreg s3  }
0xaf: {  	[dreg:$0x3] =	wrdreg s5  }
0xb0: {  	[dreg:$0x4] =	wrdreg $0xC0  }
0xb1: {  	_ =	task [dreg:s7], $0x5FFFF  }
0xb2: {  	[dreg:$0x1] =	wrdreg $0xFFFFFFFF  }
0xb3: {  	[dreg:$0x0] =	wrdreg $0x60  }
0xb4: {  	[dreg:$0x2] =	wrdreg s24  }
0xb5: {  	[dreg:$0x3] =	wrdreg s16  }
0xb6: {  	[dreg:$0x4] =	wrdreg $0x9  }
0xb7: {  	_ =	task.clear_ibuf [dreg:s7], $0x5FFFF;
	_ =	strace $0x90000058  }
0xb8: {  	s29 =	simm.s32 $0x9;
	_ =	strace $0x8000005A  }
0xb9: {  	_ =	swait.ge [sflag:s29], $0x1  }
0xba: {  	[sflag:s29] =	ssyncadd.s32 $0xFFFFFFFF  }
0xbb: {  	_ =	strace $0x9000005A  }
0xbc: {  	_ =	sfence  }
0xbd: {  	s30 =	sld [smem:$0x0];
	_ =	sdelay $0x2  }
0xbe: {  	s31 =	sshll.u32 s1, $0xD;
	s1 =	sshrl.u32 s1, $0x2  }
0xbf: {  	s3 =	sand.u32 $0x4000, s31;
	s1 =	sadd.s32 s1, s30  }
0xc0: {  	s0 =	sor.u32 s3, s0;
	s1 =	sshll.u32 s1, $0x11  }
0xc1: {  	s0 =	sor.u32 s1, s0  }
0xc2: {  	s0 =	sadd.s32 $0x8F2B, s0  }
0xc3: {  	[sflag:s0] =	ssyncadd.remote.s32 $0x1  }
0xc4: {  	_ =	sfence.sel $0xFFFF  }
0xc5: {  	[dreg:$0x0] =	wrdreg $0xFFFFFFFF;
	(pc) =	sbr.abs _section_cstart, $3  }
0xc6: {  	[dreg:$0x1] =	wrdreg $0xFFFFFFFF  }
0xc7: {  	_ =	task.clear_ibuf [dreg:s7], $0x2FFFF;
	_ =	strace $0x9FFFFFFF  }
0xc8: {  	(tm) =	ssettm $0x7FFFFFFF  }
0xc9: {  	_ =	shalt  }
tec
execute0_lowered:
.L_overlay_start_1:
0x0: {  	(tag) =	ssettag $0x1  }
0x1: {  	s0 =	rddreg [dreg:$0x0]  }
0x2: {  	s1 =	rddreg [dreg:$0x1];
	s2 =	simm.s32 $0x0  }
0x3: {  	s3 =	srdreg.scid;
	s4 =	stileid.u32;
	s11 =	simm.s32 $0x400  }
0x4: {  	s21 =	simm.s32 $0x5400;
	s16 =	simm.s32 $0xEC00;
	s17 =	simm.s32 $0xF400  }
0x5: {  	s18 =	simm.s32 $0xFC00;
	s19 =	simm.s32 $0x10400;
	s20 =	simm.s32 $0x10C00  }
0x6: {  	s22 =	simm.s32 $0x11400;
	s23 =	simm.s32 $0x11C00;
	s24 =	simm.s32 $0x12400  }
0x7: {  	s25 =	simm.s32 $0x12C00;
	s28 =	simm.s32 $0x13C00;
	s29 =	simm.s32 $0x1  }
0x8: {  	s30 =	simm.s32 $0x2;
	s31 =	simm.s32 $0x5;
	s9 =	simm.s32 $0x4  }
0x9: {  	s13 =	simm.s32 $0x0;
	s3 =	sand.u32 $0x1, s3;
	s4 =	sshll.u32 s4, $0x1  }
0xa: {  	[smem:$0x7FF] =	sst s2;
	s5 =	sadd.s32 $0x54E00, s0;
	s7 =	sor.u32 s3, s4  }
0xb: {  	_ =	strace $0x80000059;
	s6 =	ssub.s32 $0x2, s3;
	s4 =	smul.u32 $0x140, s7  }
.Ltmp0:
0xc: {  	s8 =	sshrl.u32 s6, $0x1;
	s7 =	sshll.u32 s7, $0x7;
	(pc) =	sbr.rel .LBB2_1-.Ltmp0, $4  }
0xd: {  	s3 =	sadd.s32 $0x42D000, s0;
	s6 =	ssub.s32 s6, s8;
	s1 =	sadd.s32 s1, s7  }
0xe: {  	v2 =	vlaneseq.u32;
	s7 =	sadd.s32 $0x42D100, s0;
	s0 =	simm.s32 $0xA400;
	[dreg:$0x3] =	wrdreg s1  }
0xf: {  	vm0 =	vmmov $0xffff;
	v1 =	vshrl.u32 v2, $0x3;
	s8 =	sor.u32 $0x28, s4;
	s26 =	smax.u32 s6, $0x1;
	s1 =	simm.s32 $0x6  }
0x10: {  	v0 =	vand.u32 $0x7, v2;
	v2 =	vor.u32 $0x8, v2;
	v1 =	vmul.u32 $0x8, v1;
	s6 =	simm.s32 $0x3;
	[dreg:$0x4] =	wrdreg s26;
	s26 =	simm.s32 $0x13400  }
.LBB2_5:
0x11: {  	_ =	swait.ge [sflag:s31], $0x5000  }
0x12: {  	[sflag:s31] =	ssyncset.done $0x0  }
0x13: {  	[sflag:s31] =	ssyncadd.s32 $0xFFFFB000  }
0x14: {  	_ =	swait.ge [sflag:s1], $0x5000  }
0x15: {  	[sflag:s1] =	ssyncset.done $0x0  }
0x16: {  	s10 =	simm.s32 $0x7;
	[sflag:s1] =	ssyncadd.s32 $0xFFFFB000  }
0x17: {  	_ =	swait.ge [sflag:s10], $0x5000  }
0x18: {  	[sflag:s10] =	ssyncset.done $0x0  }
0x19: {  	s12 =	simm.s32 $0x8;
	[sflag:s10] =	ssyncadd.s32 $0xFFFFB000  }
0x1a: {  	_ =	swait.ge [sflag:s12], $0x5000  }
0x1b: {  	s13 =	rddreg [dreg:$0x5]  }
0x1c: {  	s15 =	rddreg [dreg:$0x4];
	s13 =	sadd.s32 $0x1, s13  }
0x1d: {  	p0 =	sne.s32 s13, s15  }
.Ltmp1:
0x1e: {  	_ = 	snop;
	(pc) =	sbr.rel @!p0 .LBB2_6-.Ltmp1, $3  }
0x1f: {  	_ =	sdelay $0x1  }
0x20: {  	[sflag:s12] =	ssyncset.done $0x0  }
0x21: {  	[sflag:s12] =	ssyncadd.s32 $0xFFFFB000  }
.LBB2_1:
0x22: {  	[dreg:$0x5] =	wrdreg s13  }
0x23: {  	s10 =	rddreg [dreg:$0x3];
	s13 =	simm.s32 $0x9  }
0x24: {  	[tilespmem:s2], [sflag:$0x9] =	stream.linear.gather [hbm4b:s10+s2], $0x400, $0x38;
	[tilespmem:$0x14400] =	vst v63  }
0x25: {  	_ =	swait.ge [sflag:s13], $0x400  }
0x26: {  	[sflag:s13] =	ssyncset.done $0x0  }
0x27: {  	[sflag:s13] =	ssyncadd.s32 $0xFFFFFC00  }
0x28: {  	v3 =	vld [tilespmem:$0x0];
	_ =	sdelay $0x4  }
0x29: {  	v4 =	vshll.u32 v3, $0x2  }
0x2a: {  	v3 =	vand.u32 $0x7, v3;
	v4 =	vand.u32 $0xFFFFFFE0, v4  }
0x2b: {  	v3 =	vor.u32 v3, v4  }
0x2c: {  	v4 =	vperm.xlane v3, v0;
	_ =	sdelay $0x1  }
0x2d: {  	v4 =	vadd.s32 v1, v4;
	_ =	sdelay $0x1  }
0x2e: {  	v3 =	vperm.xlane v3, v2;
	_ =	sdelay $0x1  }
0x2f: {  	v3 =	vadd.s32 v1, v3  }
0x30: {  	[tilespmem:s11], [sflag:$0x1] =	stream.indirect_vreg.gather [hbm4b:s3+s2], $0x80, v4, vm0, $0xb8;
	[tilespmem:$0x14400] =	vst v63  }
0x31: {  	s14 =	simm.s32 $0xC00  }
0x32: {  	[tilespmem:s14], [sflag:$0x1] =	stream.indirect_vreg.gather [hbm4b:s7+s2], $0x80, v4, vm0, $0xb8;
	[tilespmem:$0x14400] =	vst v63  }
0x33: {  	s15 =	simm.s32 $0x1400  }
0x34: {  	[tilespmem:s15], [sflag:$0x1] =	stream.indirect_vreg.gather [hbm4b:s3+s2], $0x80, v3, vm0, $0xb8;
	[tilespmem:$0x14400] =	vst v63  }
0x35: {  	s12 =	simm.s32 $0x1C00  }
0x36: {  	[tilespmem:s12], [sflag:$0x1] =	stream.indirect_vreg.gather [hbm4b:s7+s2], $0x80, v3, vm0, $0xb8;
	[tilespmem:$0x14400] =	vst v63  }
0x37: {  	v3 =	vld [tilespmem:$0x10];
	_ =	sdelay $0x4  }
0x38: {  	v59 =	vshll.u32 v3, $0x2  }
0x39: {  	v3 =	vand.u32 $0x7, v3;
	v4 =	vand.u32 $0xFFFFFFE0, v59  }
0x3a: {  	v3 =	vor.u32 v3, v4  }
0x3b: {  	v4 =	vperm.xlane v3, v0;
	_ =	sdelay $0x1  }
0x3c: {  	v4 =	vadd.s32 v1, v4;
	_ =	sdelay $0x1  }
0x3d: {  	v3 =	vperm.xlane v3, v2;
	_ =	sdelay $0x1  }
0x3e: {  	s13 =	simm.s32 $0x2400;
	v3 =	vadd.s32 v1, v3  }
0x3f: {  	[tilespmem:s13], [sflag:$0x1] =	stream.indirect_vreg.gather [hbm4b:s3+s2], $0x80, v4, vm0, $0xb8;
	[tilespmem:$0x14400] =	vst v63  }
0x40: {  	s14 =	simm.s32 $0x2C00  }
0x41: {  	[tilespmem:s14], [sflag:$0x1] =	stream.indirect_vreg.gather [hbm4b:s7+s2], $0x80, v4, vm0, $0xb8;
	[tilespmem:$0x14400] =	vst v63  }
0x42: {  	s15 =	simm.s32 $0x3400  }
0x43: {  	[tilespmem:s15], [sflag:$0x1] =	stream.indirect_vreg.gather [hbm4b:s3+s2], $0x80, v3, vm0, $0xb8;
	[tilespmem:$0x14400] =	vst v63  }
0x44: {  	s12 =	simm.s32 $0x3C00  }
0x45: {  	[tilespmem:s12], [sflag:$0x1] =	stream.indirect_vreg.gather [hbm4b:s7+s2], $0x80, v3, vm0, $0xb8;
	[tilespmem:$0x14400] =	vst v63  }
0x46: {  	v3 =	vld.msk [tilespmem:$0x20], $0xff;
	_ =	sdelay $0x4  }
0x47: {  	v60 =	vshll.u32 v3, $0x2  }
0x48: {  	v3 =	vand.u32 $0x7, v3;
	v4 =	vand.u32 $0xFFFFFFE0, v60  }
0x49: {  	v3 =	vor.u32 v3, v4  }
0x4a: {  	v3 =	vperm.xlane v3, v0;
	_ =	sdelay $0x1  }
0x4b: {  	v3 =	vadd.s32 v1, v3;
	_ =	sdelay $0x3  }
0x4c: {  	s13 =	simm.s32 $0x4400  }
0x4d: {  	[tilespmem:s13], [sflag:$0x1] =	stream.indirect_vreg.gather [hbm4b:s3+s2], $0x80, v3, vm0, $0xb8;
	[tilespmem:$0x14400] =	vst v63  }
0x4e: {  	s14 =	simm.s32 $0x4C00  }
0x4f: {  	[tilespmem:s14], [sflag:$0x1] =	stream.indirect_vreg.gather [hbm4b:s7+s2], $0x80, v3, vm0, $0xb8;
	[tilespmem:$0x14400] =	vst v63  }
0x50: {  	v3 =	vld [tilespmem:$0x80];
	_ =	sdelay $0x4  }
0x51: {  	v61 =	vshll.u32 v3, $0x2  }
0x52: {  	v3 =	vand.u32 $0x7, v3;
	v4 =	vand.u32 $0xFFFFFFE0, v61  }
0x53: {  	v3 =	vor.u32 v3, v4  }
0x54: {  	v4 =	vperm.xlane v3, v0;
	_ =	sdelay $0x1  }
0x55: {  	v4 =	vadd.s32 v1, v4;
	_ =	sdelay $0x1  }
0x56: {  	v3 =	vperm.xlane v3, v2;
	_ =	sdelay $0x1  }
0x57: {  	v3 =	vadd.s32 v1, v3  }
0x58: {  	[tilespmem:s21], [sflag:$0x2] =	stream.indirect_vreg.gather [hbm4b:s3+s2], $0x80, v4, vm0, $0xb8;
	[tilespmem:$0x14400] =	vst v63  }
0x59: {  	s15 =	simm.s32 $0x5C00  }
0x5a: {  	[tilespmem:s15], [sflag:$0x2] =	stream.indirect_vreg.gather [hbm4b:s7+s2], $0x80, v4, vm0, $0xb8;
	[tilespmem:$0x14400] =	vst v63  }
0x5b: {  	s12 =	simm.s32 $0x6400  }
0x5c: {  	[tilespmem:s12], [sflag:$0x2] =	stream.indirect_vreg.gather [hbm4b:s3+s2], $0x80, v3, vm0, $0xb8;
	[tilespmem:$0x14400] =	vst v63  }
0x5d: {  	s13 =	simm.s32 $0x6C00  }
0x5e: {  	[tilespmem:s13], [sflag:$0x2] =	stream.indirect_vreg.gather [hbm4b:s7+s2], $0x80, v3, vm0, $0xb8;
	[tilespmem:$0x14400] =	vst v63  }
0x5f: {  	v3 =	vld [tilespmem:$0x90];
	_ =	sdelay $0x4  }
0x60: {  	v62 =	vshll.u32 v3, $0x2  }
0x61: {  	v3 =	vand.u32 $0x7, v3;
	v4 =	vand.u32 $0xFFFFFFE0, v62  }
0x62: {  	v3 =	vor.u32 v3, v4  }
0x63: {  	v4 =	vperm.xlane v3, v0;
	_ =	sdelay $0x1  }
0x64: {  	v4 =	vadd.s32 v1, v4;
	_ =	sdelay $0x1  }
0x65: {  	v3 =	vperm.xlane v3, v2;
	_ =	sdelay $0x1  }
0x66: {  	s14 =	simm.s32 $0x7400;
	v3 =	vadd.s32 v1, v3  }
0x67: {  	[tilespmem:s14], [sflag:$0x2] =	stream.indirect_vreg.gather [hbm4b:s3+s2], $0x80, v4, vm0, $0xb8;
	[tilespmem:$0x14400] =	vst v63  }
0x68: {  	s15 =	simm.s32 $0x7C00  }
0x69: {  	[tilespmem:s15], [sflag:$0x2] =	stream.indirect_vreg.gather [hbm4b:s7+s2], $0x80, v4, vm0, $0xb8;
	[tilespmem:$0x14400] =	vst v63  }
0x6a: {  	s12 =	simm.s32 $0x8400  }
0x6b: {  	[tilespmem:s12], [sflag:$0x2] =	stream.indirect_vreg.gather [hbm4b:s3+s2], $0x80, v3, vm0, $0xb8;
	[tilespmem:$0x14400] =	vst v63  }
0x6c: {  	s13 =	simm.s32 $0x8C00  }
0x6d: {  	[tilespmem:s13], [sflag:$0x2] =	stream.indirect_vreg.gather [hbm4b:s7+s2], $0x80, v3, vm0, $0xb8;
	[tilespmem:$0x14400] =	vst v63  }
0x6e: {  	v3 =	vld.msk [tilespmem:$0xA0], $0xff;
	_ =	sdelay $0x4  }
0x6f: {  	v63 =	vshll.u32 v3, $0x2  }
0x70: {  	v3 =	vand.u32 $0x7, v3;
	v4 =	vand.u32 $0xFFFFFFE0, v63  }
0x71: {  	v3 =	vor.u32 v3, v4  }
0x72: {  	v3 =	vperm.xlane v3, v0;
	_ =	sdelay $0x1  }
0x73: {  	v3 =	vadd.s32 v1, v3;
	_ =	sdelay $0x2  }
.Ltmp2:
0x74: {  	_ = 	snop;
	(pc) =	sbr.rel .LBB2_2-.Ltmp2, $4  }
0x75: {  	p0 =	por $0x1, $0x1;
	s14 =	simm.s32 $0x9400  }
0x76: {  	[tilespmem:s14], [sflag:$0x2] =	stream.indirect_vreg.gather [hbm4b:s3+s2], $0x80, v3, vm0, $0xb8;
	[tilespmem:$0x14400] =	vst v63  }
0x77: {  	p2 =	por $0x0, $0x0;
	s15 =	simm.s32 $0x9C00;
	s13 =	simm.s32 $0x0  }
0x78: {  	[tilespmem:s15], [sflag:$0x2] =	stream.indirect_vreg.gather [hbm4b:s7+s2], $0x80, v3, vm0, $0xb8;
	[tilespmem:$0x14400] =	vst v63  }
.LBB2_4:
0x79: {  	s10 =	smul.u32 $0x28, s10;
	_ =	sdelay $0x1  }
0x7a: {  	_ =	swait.ge [sflag:s6], $0x5000;
	s10 =	sadd.s32 s4, s10  }
0x7b: {  	[sflag:s6] =	ssyncset.done $0x0;
	s10 =	sshll.u32 s10, $0x6  }
0x7c: {  	s12 =	smul.u32 $0x28, s12;
	[sflag:s6] =	ssyncadd.s32 $0xFFFFB000;
	s10 =	sadd.s32 s5, s10  }
0x7d: {  	[hbm4b:s10+s2] =	stream.linear.scatter [tilespmem:s0], [sflag:$0x7], $0x5000, $0x38;
	[tilespmem:$0x14400] =	vst v63  }
.Ltmp3:
0x7e: {  	_ = 	snop;
	(pc) =	sbr.rel @!p1 .LBB2_5-.Ltmp3, $4  }
0x7f: {  	s13 =	simm.s32 $0x1;
	s15 =	sadd.s32 s4, s12;
	_ =	swait.ge [sflag:s9], $0x5000  }
0x80: {  	p0 =	por $0x0, $0x0;
	s10 =	sshll.u32 s15, $0x6;
	[sflag:s9] =	ssyncset.done $0x0  }
0x81: {  	p2 =	por $0x1, $0x1;
	s10 =	sadd.s32 s5, s10;
	[sflag:s9] =	ssyncadd.s32 $0xFFFFB000  }
0x82: {  	[hbm4b:s10+s2] =	stream.linear.scatter [tilespmem:s17], [sflag:$0x8], $0x5000, $0x38;
	[tilespmem:$0x14400] =	vst v63  }
.LBB2_2:
0x83: {  	s10 =	simm.s32 @p2 $0x7  }
0x84: {  	_ =	swait.ge @p2 [sflag:s10], $0x5000  }
0x85: {  	[sflag:s10] =	ssyncset.done @p2 $0x0  }
0x86: {  	s12 =	sshll.u32 s13, $0x2;
	s14 =	simm.s32 @p2 $0x8;
	[sflag:s10] =	ssyncadd.s32 @p2 $0xFFFFB000  }
0x87: {  	s10 =	sor.u32 $0x2, s12;
	_ =	swait.ge @p2 [sflag:s14], $0x5000  }
0x88: {  	s15 =	sshll.u32 s10, $0x7;
	[sflag:s14] =	ssyncset.done @p2 $0x0  }
0x89: {  	[sflag:s14] =	ssyncadd.s32 @p2 $0xFFFFB000;
	s14 =	sand.u32 $0x3FFFFF80, s15  }
0x8a: {  	v3 =	vld [tilespmem:s14+$0x0];
	_ =	sdelay $0x4  }
0x8b: {  	v4 =	vshll.u32 v3, $0x2  }
0x8c: {  	v3 =	vand.u32 $0x7, v3;
	v4 =	vand.u32 $0xFFFFFFE0, v4  }
0x8d: {  	v3 =	vor.u32 v3, v4  }
0x8e: {  	v4 =	vperm.xlane v3, v0;
	_ =	sdelay $0x1  }
0x8f: {  	v4 =	vadd.s32 v1, v4;
	_ =	sdelay $0x1  }
0x90: {  	v3 =	vperm.xlane v3, v2;
	_ =	sdelay $0x1  }
0x91: {  	v3 =	vadd.s32 v1, v3  }
0x92: {  	[tilespmem:s0], [sflag:$0x3] =	stream.indirect_vreg.gather [hbm4b:s3+s2], $0x80, v4, vm0, $0xb8;
	[tilespmem:$0x14400] =	vst v63  }
0x93: {  	s15 =	simm.s32 $0xAC00  }
0x94: {  	[tilespmem:s15], [sflag:$0x3] =	stream.indirect_vreg.gather [hbm4b:s7+s2], $0x80, v4, vm0, $0xb8;
	[tilespmem:$0x14400] =	vst v63  }
0x95: {  	s15 =	simm.s32 $0xB400  }
0x96: {  	[tilespmem:s15], [sflag:$0x3] =	stream.indirect_vreg.gather [hbm4b:s3+s2], $0x80, v3, vm0, $0xb8;
	[tilespmem:$0x14400] =	vst v63  }
0x97: {  	s15 =	simm.s32 $0xBC00  }
0x98: {  	[tilespmem:s15], [sflag:$0x3] =	stream.indirect_vreg.gather [hbm4b:s7+s2], $0x80, v3, vm0, $0xb8;
	[tilespmem:$0x14400] =	vst v63  }
0x99: {  	v3 =	vld [tilespmem:s14+$0x10];
	_ =	sdelay $0x4  }
0x9a: {  	v59 =	vshll.u32 v3, $0x2  }
0x9b: {  	v3 =	vand.u32 $0x7, v3;
	v4 =	vand.u32 $0xFFFFFFE0, v59  }
0x9c: {  	v3 =	vor.u32 v3, v4  }
0x9d: {  	v4 =	vperm.xlane v3, v0;
	_ =	sdelay $0x1  }
0x9e: {  	v4 =	vadd.s32 v1, v4;
	_ =	sdelay $0x1  }
0x9f: {  	v3 =	vperm.xlane v3, v2;
	_ =	sdelay $0x1  }
0xa0: {  	s15 =	simm.s32 $0xC400;
	v3 =	vadd.s32 v1, v3  }
0xa1: {  	[tilespmem:s15], [sflag:$0x3] =	stream.indirect_vreg.gather [hbm4b:s3+s2], $0x80, v4, vm0, $0xb8;
	[tilespmem:$0x14400] =	vst v63  }
0xa2: {  	s15 =	simm.s32 $0xCC00  }
0xa3: {  	[tilespmem:s15], [sflag:$0x3] =	stream.indirect_vreg.gather [hbm4b:s7+s2], $0x80, v4, vm0, $0xb8;
	[tilespmem:$0x14400] =	vst v63  }
0xa4: {  	s15 =	simm.s32 $0xD400  }
0xa5: {  	[tilespmem:s15], [sflag:$0x3] =	stream.indirect_vreg.gather [hbm4b:s3+s2], $0x80, v3, vm0, $0xb8;
	[tilespmem:$0x14400] =	vst v63  }
0xa6: {  	s14 =	sor.u32 $0x20, s14;
	s15 =	simm.s32 $0xDC00  }
0xa7: {  	[tilespmem:s15], [sflag:$0x3] =	stream.indirect_vreg.gather [hbm4b:s7+s2], $0x80, v3, vm0, $0xb8;
	[tilespmem:$0x14400] =	vst v63  }
0xa8: {  	v3 =	vld.msk [tilespmem:s14+$0x0], $0xff;
	_ =	sdelay $0x4  }
0xa9: {  	v60 =	vshll.u32 v3, $0x2  }
0xaa: {  	v3 =	vand.u32 $0x7, v3;
	v4 =	vand.u32 $0xFFFFFFE0, v60  }
0xab: {  	v3 =	vor.u32 v3, v4  }
0xac: {  	v3 =	vperm.xlane v3, v0;
	_ =	sdelay $0x1  }
0xad: {  	v3 =	vadd.s32 v1, v3;
	_ =	sdelay $0x3  }
0xae: {  	s12 =	sor.u32 $0x3, s12;
	s15 =	simm.s32 $0xE400  }
0xaf: {  	[tilespmem:s15], [sflag:$0x3] =	stream.indirect_vreg.gather [hbm4b:s3+s2], $0x80, v3, vm0, $0xb8;
	[tilespmem:$0x14400] =	vst v63  }
0xb0: {  	s15 =	sshll.u32 s12, $0x7  }
0xb1: {  	s14 =	sand.u32 $0x3FFFFF80, s15  }
0xb2: {  	[tilespmem:s16], [sflag:$0x3] =	stream.indirect_vreg.gather [hbm4b:s7+s2], $0x80, v3, vm0, $0xb8;
	[tilespmem:$0x14400] =	vst v63  }
0xb3: {  	v3 =	vld [tilespmem:s14+$0x0];
	_ =	sdelay $0x4  }
0xb4: {  	v61 =	vshll.u32 v3, $0x2  }
0xb5: {  	v3 =	vand.u32 $0x7, v3;
	v4 =	vand.u32 $0xFFFFFFE0, v61  }
0xb6: {  	v3 =	vor.u32 v3, v4  }
0xb7: {  	v4 =	vperm.xlane v3, v0;
	_ =	sdelay $0x1  }
0xb8: {  	v4 =	vadd.s32 v1, v4;
	_ =	sdelay $0x1  }
0xb9: {  	v3 =	vperm.xlane v3, v2;
	_ =	sdelay $0x1  }
0xba: {  	v3 =	vadd.s32 v1, v3  }
0xbb: {  	[tilespmem:s17], [sflag:$0x4] =	stream.indirect_vreg.gather [hbm4b:s3+s2], $0x80, v4, vm0, $0xb8;
	[tilespmem:$0x14400] =	vst v63  }
0xbc: {  	_ = 	snop  }
0xbd: {  	[tilespmem:s18], [sflag:$0x4] =	stream.indirect_vreg.gather [hbm4b:s7+s2], $0x80, v4, vm0, $0xb8;
	[tilespmem:$0x14400] =	vst v63  }
0xbe: {  	_ = 	snop  }
0xbf: {  	[tilespmem:s19], [sflag:$0x4] =	stream.indirect_vreg.gather [hbm4b:s3+s2], $0x80, v3, vm0, $0xb8;
	[tilespmem:$0x14400] =	vst v63  }
0xc0: {  	_ = 	snop  }
0xc1: {  	[tilespmem:s20], [sflag:$0x4] =	stream.indirect_vreg.gather [hbm4b:s7+s2], $0x80, v3, vm0, $0xb8;
	[tilespmem:$0x14400] =	vst v63  }
0xc2: {  	v3 =	vld [tilespmem:s14+$0x10];
	_ =	sdelay $0x4  }
0xc3: {  	v62 =	vshll.u32 v3, $0x2  }
0xc4: {  	v3 =	vand.u32 $0x7, v3;
	v4 =	vand.u32 $0xFFFFFFE0, v62  }
0xc5: {  	v3 =	vor.u32 v3, v4  }
0xc6: {  	v4 =	vperm.xlane v3, v0;
	_ =	sdelay $0x1  }
0xc7: {  	v4 =	vadd.s32 v1, v4;
	_ =	sdelay $0x1  }
0xc8: {  	v3 =	vperm.xlane v3, v2;
	_ =	sdelay $0x1  }
0xc9: {  	v3 =	vadd.s32 v1, v3  }
0xca: {  	[tilespmem:s22], [sflag:$0x4] =	stream.indirect_vreg.gather [hbm4b:s3+s2], $0x80, v4, vm0, $0xb8;
	[tilespmem:$0x14400] =	vst v63  }
0xcb: {  	_ = 	snop  }
0xcc: {  	[tilespmem:s23], [sflag:$0x4] =	stream.indirect_vreg.gather [hbm4b:s7+s2], $0x80, v4, vm0, $0xb8;
	[tilespmem:$0x14400] =	vst v63  }
0xcd: {  	_ = 	snop  }
0xce: {  	[tilespmem:s24], [sflag:$0x4] =	stream.indirect_vreg.gather [hbm4b:s3+s2], $0x80, v3, vm0, $0xb8;
	[tilespmem:$0x14400] =	vst v63  }
0xcf: {  	s14 =	sor.u32 $0x20, s14  }
0xd0: {  	[tilespmem:s25], [sflag:$0x4] =	stream.indirect_vreg.gather [hbm4b:s7+s2], $0x80, v3, vm0, $0xb8;
	[tilespmem:$0x14400] =	vst v63  }
0xd1: {  	v3 =	vld.msk [tilespmem:s14+$0x0], $0xff;
	_ =	sdelay $0x4  }
0xd2: {  	v63 =	vshll.u32 v3, $0x2  }
0xd3: {  	v3 =	vand.u32 $0x7, v3;
	v4 =	vand.u32 $0xFFFFFFE0, v63  }
0xd4: {  	v3 =	vor.u32 v3, v4  }
0xd5: {  	v3 =	vperm.xlane v3, v0;
	_ =	sdelay $0x1  }
0xd6: {  	v3 =	vadd.s32 v1, v3;
	_ =	sdelay $0x4  }
0xd7: {  	[tilespmem:s26], [sflag:$0x4] =	stream.indirect_vreg.gather [hbm4b:s3+s2], $0x80, v3, vm0, $0xb8;
	[tilespmem:$0x14400] =	vst v63  }
0xd8: {  	s13 =	smul.u32 $0xA0, s13  }
0xd9: {  	[tilespmem:s28], [sflag:$0x4] =	stream.indirect_vreg.gather [hbm4b:s7+s2], $0x80, v3, vm0, $0xb8;
	[tilespmem:$0x14400] =	vst v63  }
0xda: {  	s15 =	sadd.s32 s4, s13;
	_ =	swait.ge [sflag:s29], $0x5000  }
0xdb: {  	s14 =	sshll.u32 s15, $0x6;
	[sflag:s29] =	ssyncset.done $0x0  }
0xdc: {  	s14 =	sadd.s32 s5, s14;
	[sflag:s29] =	ssyncadd.s32 $0xFFFFB000  }
0xdd: {  	[hbm4b:s14+s2] =	stream.linear.scatter [tilespmem:s11], [sflag:$0x5], $0x5000, $0x38;
	[tilespmem:$0x14400] =	vst v63  }
.Ltmp4:
0xde: {  	_ = 	snop;
	(pc) =	sbr.rel @!p0 .LBB2_4-.Ltmp4, $4  }
0xdf: {  	s13 =	sadd.s32 s13, s8;
	_ =	swait.ge [sflag:s30], $0x5000  }
0xe0: {  	s13 =	sshll.u32 s13, $0x6;
	[sflag:s30] =	ssyncset.done $0x0  }
0xe1: {  	p1 =	por p0, p0;
	s13 =	sadd.s32 s5, s13;
	[sflag:s30] =	ssyncadd.s32 $0xFFFFB000  }
0xe2: {  	[hbm4b:s13+s2] =	stream.linear.scatter [tilespmem:s21], [sflag:$0x6], $0x5000, $0x38;
	[tilespmem:$0x14400] =	vst v63  }
0xe3: {  	_ =	swait.ge [sflag:s31], $0x5000  }
0xe4: {  	[sflag:s31] =	ssyncset.done $0x0  }
0xe5: {  	[sflag:s31] =	ssyncadd.s32 $0xFFFFB000  }
0xe6: {  	_ =	swait.ge [sflag:s1], $0x5000  }
0xe7: {  	[sflag:s1] =	ssyncset.done $0x0  }
0xe8: {  	[sflag:s1] =	ssyncadd.s32 $0xFFFFB000  }
0xe9: {  	v3 =	vld [tilespmem:$0x200];
	_ =	sdelay $0x4  }
0xea: {  	v4 =	vshll.u32 v3, $0x2  }
0xeb: {  	v3 =	vand.u32 $0x7, v3;
	v4 =	vand.u32 $0xFFFFFFE0, v4  }
0xec: {  	v3 =	vor.u32 v3, v4  }
0xed: {  	v4 =	vperm.xlane v3, v0;
	_ =	sdelay $0x1  }
0xee: {  	v4 =	vadd.s32 v1, v4;
	_ =	sdelay $0x1  }
0xef: {  	v3 =	vperm.xlane v3, v2;
	_ =	sdelay $0x1  }
0xf0: {  	v3 =	vadd.s32 v1, v3  }
0xf1: {  	[tilespmem:s11], [sflag:$0x1] =	stream.indirect_vreg.gather [hbm4b:s3+s2], $0x80, v4, vm0, $0xb8;
	[tilespmem:$0x14400] =	vst v63  }
0xf2: {  	s13 =	simm.s32 $0xC00  }
0xf3: {  	[tilespmem:s13], [sflag:$0x1] =	stream.indirect_vreg.gather [hbm4b:s7+s2], $0x80, v4, vm0, $0xb8;
	[tilespmem:$0x14400] =	vst v63  }
0xf4: {  	s15 =	simm.s32 $0x1400  }
0xf5: {  	[tilespmem:s15], [sflag:$0x1] =	stream.indirect_vreg.gather [hbm4b:s3+s2], $0x80, v3, vm0, $0xb8;
	[tilespmem:$0x14400] =	vst v63  }
0xf6: {  	s14 =	simm.s32 $0x1C00  }
0xf7: {  	[tilespmem:s14], [sflag:$0x1] =	stream.indirect_vreg.gather [hbm4b:s7+s2], $0x80, v3, vm0, $0xb8;
	[tilespmem:$0x14400] =	vst v63  }
0xf8: {  	v3 =	vld [tilespmem:$0x210];
	_ =	sdelay $0x4  }
0xf9: {  	v59 =	vshll.u32 v3, $0x2  }
0xfa: {  	v3 =	vand.u32 $0x7, v3;
	v4 =	vand.u32 $0xFFFFFFE0, v59  }
0xfb: {  	v3 =	vor.u32 v3, v4  }
0xfc: {  	v4 =	vperm.xlane v3, v0;
	_ =	sdelay $0x1  }
0xfd: {  	v4 =	vadd.s32 v1, v4;
	_ =	sdelay $0x1  }
0xfe: {  	v3 =	vperm.xlane v3, v2;
	_ =	sdelay $0x1  }
0xff: {  	s15 =	simm.s32 $0x2400;
	v3 =	vadd.s32 v1, v3  }
0x100: {  	[tilespmem:s15], [sflag:$0x1] =	stream.indirect_vreg.gather [hbm4b:s3+s2], $0x80, v4, vm0, $0xb8;
	[tilespmem:$0x14400] =	vst v63  }
0x101: {  	s14 =	simm.s32 $0x2C00  }
0x102: {  	[tilespmem:s14], [sflag:$0x1] =	stream.indirect_vreg.gather [hbm4b:s7+s2], $0x80, v4, vm0, $0xb8;
	[tilespmem:$0x14400] =	vst v63  }
0x103: {  	s15 =	simm.s32 $0x3400  }
0x104: {  	[tilespmem:s15], [sflag:$0x1] =	stream.indirect_vreg.gather [hbm4b:s3+s2], $0x80, v3, vm0, $0xb8;
	[tilespmem:$0x14400] =	vst v63  }
0x105: {  	s14 =	simm.s32 $0x3C00  }
0x106: {  	[tilespmem:s14], [sflag:$0x1] =	stream.indirect_vreg.gather [hbm4b:s7+s2], $0x80, v3, vm0, $0xb8;
	[tilespmem:$0x14400] =	vst v63  }
0x107: {  	v3 =	vld.msk [tilespmem:$0x220], $0xff;
	_ =	sdelay $0x4  }
0x108: {  	v60 =	vshll.u32 v3, $0x2  }
0x109: {  	v3 =	vand.u32 $0x7, v3;
	v4 =	vand.u32 $0xFFFFFFE0, v60  }
0x10a: {  	v3 =	vor.u32 v3, v4  }
0x10b: {  	v3 =	vperm.xlane v3, v0;
	_ =	sdelay $0x1  }
0x10c: {  	v3 =	vadd.s32 v1, v3;
	_ =	sdelay $0x3  }
0x10d: {  	s15 =	simm.s32 $0x4400  }
0x10e: {  	[tilespmem:s15], [sflag:$0x1] =	stream.indirect_vreg.gather [hbm4b:s3+s2], $0x80, v3, vm0, $0xb8;
	[tilespmem:$0x14400] =	vst v63  }
0x10f: {  	s14 =	simm.s32 $0x4C00  }
0x110: {  	[tilespmem:s14], [sflag:$0x1] =	stream.indirect_vreg.gather [hbm4b:s7+s2], $0x80, v3, vm0, $0xb8;
	[tilespmem:$0x14400] =	vst v63  }
0x111: {  	v3 =	vld [tilespmem:$0x280];
	_ =	sdelay $0x4  }
0x112: {  	v61 =	vshll.u32 v3, $0x2  }
0x113: {  	v3 =	vand.u32 $0x7, v3;
	v4 =	vand.u32 $0xFFFFFFE0, v61  }
0x114: {  	v3 =	vor.u32 v3, v4  }
0x115: {  	v4 =	vperm.xlane v3, v0;
	_ =	sdelay $0x1  }
0x116: {  	v4 =	vadd.s32 v1, v4;
	_ =	sdelay $0x1  }
0x117: {  	v3 =	vperm.xlane v3, v2;
	_ =	sdelay $0x1  }
0x118: {  	v3 =	vadd.s32 v1, v3  }
0x119: {  	[tilespmem:s21], [sflag:$0x2] =	stream.indirect_vreg.gather [hbm4b:s3+s2], $0x80, v4, vm0, $0xb8;
	[tilespmem:$0x14400] =	vst v63  }
0x11a: {  	s15 =	simm.s32 $0x5C00  }
0x11b: {  	[tilespmem:s15], [sflag:$0x2] =	stream.indirect_vreg.gather [hbm4b:s7+s2], $0x80, v4, vm0, $0xb8;
	[tilespmem:$0x14400] =	vst v63  }
0x11c: {  	s14 =	simm.s32 $0x6400  }
0x11d: {  	[tilespmem:s14], [sflag:$0x2] =	stream.indirect_vreg.gather [hbm4b:s3+s2], $0x80, v3, vm0, $0xb8;
	[tilespmem:$0x14400] =	vst v63  }
0x11e: {  	s15 =	simm.s32 $0x6C00  }
0x11f: {  	[tilespmem:s15], [sflag:$0x2] =	stream.indirect_vreg.gather [hbm4b:s7+s2], $0x80, v3, vm0, $0xb8;
	[tilespmem:$0x14400] =	vst v63  }
0x120: {  	v3 =	vld [tilespmem:$0x290];
	_ =	sdelay $0x4  }
0x121: {  	v62 =	vshll.u32 v3, $0x2  }
0x122: {  	v3 =	vand.u32 $0x7, v3;
	v4 =	vand.u32 $0xFFFFFFE0, v62  }
0x123: {  	v3 =	vor.u32 v3, v4  }
0x124: {  	v4 =	vperm.xlane v3, v0;
	_ =	sdelay $0x1  }
0x125: {  	v4 =	vadd.s32 v1, v4;
	_ =	sdelay $0x1  }
0x126: {  	v3 =	vperm.xlane v3, v2;
	_ =	sdelay $0x1  }
0x127: {  	s14 =	simm.s32 $0x7400;
	v3 =	vadd.s32 v1, v3  }
0x128: {  	[tilespmem:s14], [sflag:$0x2] =	stream.indirect_vreg.gather [hbm4b:s3+s2], $0x80, v4, vm0, $0xb8;
	[tilespmem:$0x14400] =	vst v63  }
0x129: {  	s15 =	simm.s32 $0x7C00  }
0x12a: {  	[tilespmem:s15], [sflag:$0x2] =	stream.indirect_vreg.gather [hbm4b:s7+s2], $0x80, v4, vm0, $0xb8;
	[tilespmem:$0x14400] =	vst v63  }
0x12b: {  	s14 =	simm.s32 $0x8400  }
0x12c: {  	[tilespmem:s14], [sflag:$0x2] =	stream.indirect_vreg.gather [hbm4b:s3+s2], $0x80, v3, vm0, $0xb8;
	[tilespmem:$0x14400] =	vst v63  }
0x12d: {  	s15 =	simm.s32 $0x8C00  }
0x12e: {  	[tilespmem:s15], [sflag:$0x2] =	stream.indirect_vreg.gather [hbm4b:s7+s2], $0x80, v3, vm0, $0xb8;
	[tilespmem:$0x14400] =	vst v63  }
0x12f: {  	v3 =	vld.msk [tilespmem:$0x2A0], $0xff;
	_ =	sdelay $0x4  }
0x130: {  	v63 =	vshll.u32 v3, $0x2  }
0x131: {  	v3 =	vand.u32 $0x7, v3;
	v4 =	vand.u32 $0xFFFFFFE0, v63  }
0x132: {  	v3 =	vor.u32 v3, v4  }
0x133: {  	v3 =	vperm.xlane v3, v0;
	_ =	sdelay $0x1  }
0x134: {  	v3 =	vadd.s32 v1, v3;
	_ =	sdelay $0x2  }
.Ltmp5:
0x135: {  	_ = 	snop;
	(pc) =	sbr.rel .LBB2_4-.Ltmp5, $4  }
0x136: {  	s14 =	simm.s32 $0x9400  }
0x137: {  	[tilespmem:s14], [sflag:$0x2] =	stream.indirect_vreg.gather [hbm4b:s3+s2], $0x80, v3, vm0, $0xb8;
	[tilespmem:$0x14400] =	vst v63  }
0x138: {  	s15 =	simm.s32 $0x9C00  }
0x139: {  	[tilespmem:s15], [sflag:$0x2] =	stream.indirect_vreg.gather [hbm4b:s7+s2], $0x80, v3, vm0, $0xb8;
	[tilespmem:$0x14400] =	vst v63  }
.LBB2_6:
0x13a: {  	_ =	sfence.sel $0x180000  }
0x13b: {  	[bflag:$0x0] =	sbarrier.arrive $0xFFFF  }
0x13c: {  	_ =	strace $0x90000059  }
0x13d: {  	s0 =	stileid.u32;
	[bflag:$0x2] =	sbarrier.arrive $0xFFFF  }
0x13e: {  	p0 =	sne.s32 s0, $0x0;
	s0 =	rddreg [dreg:$0x2]  }
0x13f: {  	s0 =	sadd.s32 @!p0 $0x100000, s0  }
0x140: {  	[sflag:s0] =	ssyncadd.tile.s32 @!p0 $0x1;
	_ =	shalt  }
.Lfunc_end2:
_tile_overlayer_lowered:
.L_overlay_start_2:
0x141: {  	(tag) =	ssettag $0x2  }
0x142: {  	s0 =	rddreg [dreg:$0x0];
	s2 =	stileid.u32  }
0x143: {  	s1 =	rddreg [dreg:$0x1];
	p0 =	sne.s32 s2, $0x0  }
0x144: {  	s3 =	rddreg [dreg:$0x2];
	[bflag:$0x3] =	sbarrier.arrive $0xFFFF;
	s2 =	simm.s32 @!p0 $0x1C09  }
0x145: {  	[timem:s3], [sflag:s2] =	dma.local @!p0 [hbm:s0], s1  }
0x146: {  	s0 =	simm.s32 @!p0 $0x9  }
0x147: {  	_ =	swait.ge @!p0 [sflag:s0], s1  }
0x148: {  	s1 =	ssub.s32 @!p0 $0x0, s1;
	[sflag:s0] =	ssyncset.done @!p0 $0x0  }
0x149: {  	[sflag:s0] =	ssyncadd.s32 @!p0 s1  }
0x14a: {  	[bflag:$0x3] =	sbarrier.arrive $0xFFFF  }
0x14b: {  	_ =	shalt  }

// kernel: kernel.37.cloned.1.call-start
scs
__scs_entry_jumppad:
0x0: {  	(pc) =	sbr.rel $0x88, $3  }
0x1: {  	(tag) =	ssettag $0x0;
	lr =	simm.s32 $0x1  }
0x2: {  	[smem:$0x3F95] =	sst lr;
	_ =	strace $0xD0000000  }
0x3: {  	_ = 	snop  }
0x4: {  	_ = 	snop  }
0x5: {  	_ = 	snop  }
0x6: {  	_ = 	snop  }
0x7: {  	_ = 	snop  }
__scs_overlays_trampoline_lowered:
0x8: {  	[smem:$0x3FA4] =	sst s0  }
0x9: {  	[smem:$0x3FA5] =	sst s1  }
0xa: {  	[smem:$0x3FA6] =	sst s2  }
0xb: {  	[smem:$0x3FA7] =	sst s3  }
0xc: {  	[smem:$0x3FA8] =	sst s4  }
0xd: {  	[smem:$0x3FA9] =	sst s5  }
0xe: {  	[smem:$0x3FAA] =	sst s6  }
0xf: {  	[smem:$0x3FAB] =	sst s7  }
0x10: {  	[smem:$0x3FAC] =	sst s8  }
0x11: {  	[smem:$0x3FAD] =	sst s9;
	s0 =	simm.s32 @!p0 $0x0  }
0x12: {  	s1 =	sld [smem:$0x3F93];
	s0 =	simm.s32 @p0 $0x1  }
0x13: {  	[smem:$0x3FAE] =	sst s0;
	s0 =	simm.s32 @!p1 $0x0  }
0x14: {  	s2 =	sld [smem:$0x3F92];
	s0 =	simm.s32 @p1 $0x1  }
0x15: {  	[smem:$0x3FAF] =	sst s0;
	s0 =	simm.s32 @!p2 $0x0  }
0x16: {  	s3 =	sld [smem:$0x3FDB];
	s0 =	simm.s32 @p2 $0x1  }
0x17: {  	s4 =	simm.s32 $0x1BF5;
	[smem:$0x3FB1] =	sst s0  }
0x18: {  	s0 =	sld [smem:$0x3F94];
	_ =	swait.ge [sflag:s4], $0x0  }
0x19: {  	s7 =	sld [smem:$0x3F95]  }
0x1a: {  	s8 =	sadd.s32 $0xFFFFE003, lr  }
0x1b: {  	s9 =	sadd.s32 $0xFFFFFEF7, lr;
	s5 =	simm.s32 $0xFFFFFFFF;
	p2 =	slt.u32 s8, $0xFFFFF086  }
0x1c: {  	p1 =	slt.u32 s9, $0xF7A;
	s5 =	simm.s32 @!p2 $0x0  }
0x1d: {  	s5 =	simm.s32 @p1 $0x1;
	p0 =	seq.s32 s7, s2  }
0x1e: {  	s7 =	smul.u32 @!p0 $0xF7A, s2;
	p2 =	seq.s32 @!p0 s5, $0x0  }
0x1f: {  	s9 =	smul.u32 $0xF7A, s1;
	s8 =	simm.s32 @!p0 $0x1BF5;
	p2 =	por !p2, p0  }
0x20: {  	[sflag:s8] =	ssyncset.s32 @!p0 $0xFFFFF086;
	s6 =	sadd.s32 @!p0 s3, s7;
	s7 =	simm.s32 @!p0 $0x108  }
0x21: {  	s3 =	sadd.s32 s3, s9;
	s6 =	sadd.s32 @!p0 $0x88, s6;
	s7 =	simm.s32 @p2 $0x1082  }
0x22: {  	[simem:s7], [sflag:s8] =	dma.local @!p0 [hbm:s6], $0xF7A  }
0x23: {  	s9 =	sor.u32 $0xD0000000, s2;
	s6 =	simm.s32 $0x108;
	_ =	swait.ge @!p0 [sflag:s8], $0x0  }
0x24: {  	s3 =	sadd.s32 $0x88, s3;
	s6 =	simm.s32 @!p1 $0x1082;
	[sflag:s4] =	ssyncset.s32 $0xFFFFF086  }
0x25: {  	[simem:s6], [sflag:s4] =	dma.local [hbm:s3], $0xF7A  }
0x26: {  	[smem:$0x3F95] =	sst s1;
	(tag) =	ssettag s2;
	_ =	strace s9  }
0x27: {  	s1 =	sld [smem:$0x3FA5]  }
0x28: {  	s2 =	sld [smem:$0x3FA6]  }
0x29: {  	s4 =	sld [smem:$0x3FA8]  }
0x2a: {  	p0 =	seq.s32 s5, $0x0;
	s5 =	sld [smem:$0x3FA9]  }
0x2b: {  	s6 =	sld [smem:$0x3FAA]  }
0x2c: {  	s7 =	sld [smem:$0x3FAB]  }
0x2d: {  	s3 =	simm.s32 $0x108;
	s8 =	sld [smem:$0x3FAC]  }
0x2e: {  	s3 =	simm.s32 @!p0 $0x1082;
	s9 =	sld [smem:$0x3FAD]  }
0x2f: {  	lr =	sadd.s32 s0, s3;
	s0 =	sld [smem:$0x3FA4]  }
0x30: {  	s3 =	sld [smem:$0x3FA7]  }
0x31: {  	[smem:$0x3FB0] =	sst s10  }
0x32: {  	s10 =	sld [smem:$0x3FAE];
	_ =	sdelay $0x3  }
0x33: {  	p0 =	seq.s32 s10, $0x1;
	s10 =	sld [smem:$0x3FB0];
	_ =	sdelay $0x3  }
0x34: {  	[smem:$0x3FB0] =	sst s10  }
0x35: {  	s10 =	sld [smem:$0x3FAF];
	_ =	sdelay $0x3  }
0x36: {  	p1 =	seq.s32 s10, $0x1;
	s10 =	sld [smem:$0x3FB0];
	_ =	sdelay $0x3  }
0x37: {  	[smem:$0x3FB0] =	sst s10  }
0x38: {  	s10 =	sld [smem:$0x3FB1]  }
0x39: {  	_ = 	snop;
	(pc) =	sbr.ind lr, $3  }
0x3a: {  	_ = 	snop  }
0x3b: {  	_ = 	snop  }
0x3c: {  	p2 =	seq.s32 s10, $0x1;
	s10 =	sld [smem:$0x3FB0]  }
0x3d: {  	_ =	shalt  }
0x3e: {  	_ =	shalt  }
0x3f: {  	_ =	shalt  }
0x40: {  	_ =	shalt  }
0x41: {  	_ =	shalt  }
0x42: {  	_ =	shalt  }
0x43: {  	_ =	shalt  }
0x44: {  	_ =	shalt  }
0x45: {  	_ =	shalt  }
0x46: {  	_ =	shalt  }
0x47: {  	_ =	shalt  }
0x48: {  	_ =	shalt  }
0x49: {  	_ =	shalt  }
0x4a: {  	_ =	shalt  }
0x4b: {  	_ =	shalt  }
0x4c: {  	_ =	shalt  }
0x4d: {  	_ =	shalt  }
0x4e: {  	_ =	shalt  }
0x4f: {  	_ =	shalt  }
0x50: {  	_ =	shalt  }
0x51: {  	_ =	shalt  }
0x52: {  	_ =	shalt  }
0x53: {  	_ =	shalt  }
0x54: {  	_ =	shalt  }
0x55: {  	_ =	shalt  }
0x56: {  	_ =	shalt  }
0x57: {  	_ =	shalt  }
0x58: {  	_ =	shalt  }
0x59: {  	_ =	shalt  }
0x5a: {  	_ =	shalt  }
0x5b: {  	_ =	shalt  }
0x5c: {  	_ =	shalt  }
0x5d: {  	_ =	shalt  }
0x5e: {  	_ =	shalt  }
0x5f: {  	_ =	shalt  }
0x60: {  	_ =	shalt  }
0x61: {  	_ =	shalt  }
0x62: {  	_ =	shalt  }
0x63: {  	_ =	shalt  }
0x64: {  	_ =	shalt  }
0x65: {  	_ =	shalt  }
0x66: {  	_ =	shalt  }
0x67: {  	_ =	shalt  }
0x68: {  	_ =	shalt  }
0x69: {  	_ =	shalt  }
0x6a: {  	_ =	shalt  }
0x6b: {  	_ =	shalt  }
0x6c: {  	_ =	shalt  }
0x6d: {  	_ =	shalt  }
0x6e: {  	_ =	shalt  }
0x6f: {  	_ =	shalt  }
0x70: {  	_ =	shalt  }
0x71: {  	_ =	shalt  }
0x72: {  	_ =	shalt  }
0x73: {  	_ =	shalt  }
0x74: {  	_ =	shalt  }
0x75: {  	_ =	shalt  }
0x76: {  	_ =	shalt  }
0x77: {  	_ =	shalt  }
0x78: {  	_ =	shalt  }
0x79: {  	_ =	shalt  }
0x7a: {  	_ =	shalt  }
0x7b: {  	_ =	shalt  }
0x7c: {  	_ =	shalt  }
0x7d: {  	_ =	shalt  }
0x7e: {  	_ =	shalt  }
0x7f: {  	_ =	shalt  }
0x80: {  	_ =	shalt  }
0x81: {  	_ =	shalt  }
0x82: {  	_ =	shalt  }
0x83: {  	_ =	shalt  }
0x84: {  	_ =	shalt  }
0x85: {  	_ =	shalt  }
0x86: {  	_ =	shalt  }
0x87: {  	_ =	shalt  }
.Lfunc_end0:
.L_simem_size_0:
called_computation.7_lowered:
.L_overlay_start_0:
0x88: {  	s2 =	sld [smem:$0x3FD9]  }
0x89: {  	s3 =	sld [smem:$0x3FFE];
	_ =	sdelay $0x1  }
0x8a: {  	s1 =	srdreg.scid  }
0x8b: {  	s0 =	sand.u32 $0x1, s1  }
0x8c: {  	s15 =	sshll.u32 s0, $0xA;
	s2 =	sadd.s32 s3, s2  }
0x8d: {  	s2 =	sadd.s32 s2, s15  }
0x8e: {  	[smem:$0x3FBC] =	sst s2  }
0x8f: {  	_ = 	snop  }
0x90: {  	s2 =	sld [smem:$0x3FD0];
	_ =	sdelay $0x2  }
0x91: {  	s16 =	simm.s32 $0xF;
	s4 =	simm.s32 $0x10  }
0x92: {  	[smem:s4], [sflag:s16] =	dma.local [hbm:s2], $0x1  }
0x93: {  	_ =	swait.eq [sflag:s16], $0x1  }
0x94: {  	[sflag:s16] =	ssyncset.done $0x0  }
0x95: {  	[sflag:s16] =	ssyncadd.s32 $0xFFFFFFFF  }
0x96: {  	s17 =	sld [smem:$0x11];
	(tm) =	ssettm $0x1  }
0x97: {  	s18 =	sld [smem:$0x3FFB];
	_ =	sdelay $0x3  }
0x98: {  	_ =	strace s18  }
0x99: {  	s2 =	sld [smem:$0x3FFC];
	_ =	sdelay $0x3  }
0x9a: {  	_ =	strace s2  }
0x9b: {  	s2 =	sld [smem:$0x3FFD];
	_ =	sdelay $0x3  }
0x9c: {  	_ =	strace s2  }
0x9d: {  	_ =	strace $0x8FFFFFFF  }
0x9e: {  	s19 =	sld [smem:$0x3FDB];
	_ =	sdelay $0x1  }
0x9f: {  	s20 =	simm.s32 $_scs_section_size  }
0xa0: {  	s5 =	simm.s32 $_size__tile_overlayer_lowered;
	s6 =	simm.s32 $_tile_overlayer_lowered  }
0xa1: {  	s7 =	simm.s32 $0x1BFF;
	s21 =	sshll.u32 s6, $0x1;
	s4 =	sadd.s32 s20, s19  }
0xa2: {  	s22 =	simm.s32 $0x0;
	s5 =	sshll.u32 s5, $0x1;
	s6 =	sadd.s32 s21, s4  }
0xa3: {  	[timem:s22], [sflag:s7] =	dma.local [hbm:s6], s5  }
0xa4: {  	_ =	swait.ge [sflag:s7], s5  }
0xa5: {  	s5 =	ssub.s32 $0x0, s5;
	[sflag:s7] =	ssyncset.done $0x0  }
0xa6: {  	[sflag:s7] =	ssyncadd.s32 s5;
	_ =	sdelay $0x1  }
0xa7: {  	s23 =	simm.s32 $0x1B8B  }
0xa8: {  	_ =	swait.ge [sflag:s23], $0x1  }
0xa9: {  	[sflag:s23] =	ssyncset.done $0x0  }
0xaa: {  	[sflag:s23] =	ssyncadd.s32 $0xFFFFFFFF  }
0xab: {  	s5 =	sld [smem:$0x0]  }
0xac: {  	s6 =	sand.u32 $0xFFFFFFFE, s1  }
0xad: {  	p0 =	sne.s32 s1, s6  }
0xae: {  	s6 =	sshll.u32 @p0 s6, $0xE  }
0xaf: {  	s6 =	sadd.s32 @p0 $0x11B8D, s6;
	s7 =	sshll.u32 @p0 s5, $0x11  }
0xb0: {  	s6 =	sor.u32 @p0 s7, s6  }
0xb1: {  	[sflag:s6] =	ssyncadd.remote.s32 @p0 $0x1;
	_ =	sdelay $0x1  }
0xb2: {  	s6 =	simm.s32 @p0 $0x1B8D  }
0xb3: {  	_ =	swait.eq @p0 [sflag:s6], $0x1  }
0xb4: {  	[sflag:s6] =	ssyncadd.s32 @p0 $0xFFFFFFFF  }
0xb5: {  	s7 =	sshll.u32 @!p0 s1, $0xE  }
0xb6: {  	s7 =	sor.u32 @!p0 $0x4000, s7;
	s6 =	simm.s32 @!p0 $0x1B8D  }
0xb7: {  	s5 =	sshll.u32 @!p0 s5, $0x11;
	s7 =	sadd.s32 @!p0 $0x11B8D, s7;
	_ =	swait.eq @!p0 [sflag:s6], $0x1  }
0xb8: {  	s5 =	sor.u32 @!p0 s5, s7;
	[sflag:s6] =	ssyncadd.s32 @!p0 $0xFFFFFFFF  }
0xb9: {  	s25 =	simm.s32 $0x1B8E;
	s24 =	sld [smem:$0x3FFE];
	[sflag:s5] =	ssyncadd.remote.s32 @!p0 $0x1  }
0xba: {  	s26 =	simm.s32 $execute0_lowered;
	[smem:$0x3FD2] =	sst s25  }
0xbb: {  	s6 =	sshll.u32 s26, $0x1;
	_ =	strace $0x8000005B;
	[dreg:$0x1] =	wrdreg $0xFFFFFFFF  }
0xbc: {  	s28 =	simm.s32 $_size_execute0_lowered;
	s4 =	sadd.s32 s4, s6;
	[dreg:$0x0] =	wrdreg $0x0  }
0xbd: {  	s6 =	sshll.u32 s28, $0x1;
	[dreg:$0x2] =	wrdreg s4  }
0xbe: {  	[dreg:$0x3] =	wrdreg s6  }
0xbf: {  	[dreg:$0x4] =	wrdreg $0xC0  }
0xc0: {  	_ =	task [dreg:s22], $0x5FFFF  }
0xc1: {  	[dreg:$0x1] =	wrdreg $0xFFFFFFFF  }
0xc2: {  	[dreg:$0x0] =	wrdreg $0x60  }
0xc3: {  	[dreg:$0x2] =	wrdreg s24  }
0xc4: {  	[dreg:$0x3] =	wrdreg s17  }
0xc5: {  	[dreg:$0x4] =	wrdreg $0xA  }
0xc6: {  	_ =	task.clear_ibuf [dreg:s22], $0x5FFFF;
	_ =	strace $0x9000005B  }
0xc7: {  	s29 =	simm.s32 $0xA;
	_ =	strace $0x8000005D  }
0xc8: {  	_ =	swait.ge [sflag:s29], $0x1  }
0xc9: {  	[sflag:s29] =	ssyncadd.s32 $0xFFFFFFFF  }
0xca: {  	_ =	strace $0x9000005D  }
0xcb: {  	_ =	sfence  }
0xcc: {  	s30 =	sld [smem:$0x0];
	_ =	sdelay $0x2  }
0xcd: {  	s31 =	sshll.u32 s1, $0xD;
	s1 =	sshrl.u32 s1, $0x2  }
0xce: {  	s4 =	sand.u32 $0x4000, s31;
	s1 =	sadd.s32 s1, s30  }
0xcf: {  	s0 =	sor.u32 s4, s0;
	s1 =	sshll.u32 s1, $0x11  }
0xd0: {  	s0 =	sor.u32 s1, s0  }
0xd1: {  	s0 =	sadd.s32 $0x8F2B, s0  }
0xd2: {  	[sflag:s0] =	ssyncadd.remote.s32 $0x1  }
0xd3: {  	_ =	sfence.sel $0xFFFF  }
0xd4: {  	[dreg:$0x0] =	wrdreg $0xFFFFFFFF;
	(pc) =	sbr.abs _section_cstart, $3  }
0xd5: {  	[dreg:$0x1] =	wrdreg $0xFFFFFFFF  }
0xd6: {  	_ =	task.clear_ibuf [dreg:s22], $0x2FFFF;
	_ =	strace $0x9FFFFFFF  }
0xd7: {  	(tm) =	ssettm $0x7FFFFFFF  }
tec
execute0_lowered:
.L_overlay_start_1:
0x0: {  	(tag) =	ssettag $0x1  }
0x1: {  	s4 =	rddreg [dreg:$0x0]  }
0x2: {  	s5 =	rddreg [dreg:$0x1]  }
0x3: {  	s0 =	rddreg [dreg:$0x2];
	s3 =	srdreg.scid  }
0x4: {  	s2 =	simm.s32 $0x0;
	s1 =	stileid.u32;
	s10 =	simm.s32 $0x1080  }
0x5: {  	s11 =	simm.s32 $0x1880;
	s12 =	simm.s32 $0x1;
	s3 =	sand.u32 $0x1, s3  }
0x6: {  	[smem:$0x7FF] =	sst s2;
	s6 =	sshll.u32 s1, $0x6;
	s7 =	sshll.u32 s3, $0x5  }
0x7: {  	_ =	strace $0x8000005C;
	s30 =	ssub.s32 $0x2, s3;
	s6 =	sor.u32 s7, s6  }
0x8: {  	s3 =	sadd.s32 $0x4E00, s4;
	s9 =	sshrl.u32 s30, $0x1;
	s8 =	sshll.u32 s6, $0x5  }
0x9: {  	v2 =	vlaneseq.u32;
	s7 =	ssub.s32 s30, s9;
	s31 =	sshrl.u32 s6, $0x3;
	s9 =	simm.s32 $0x880  }
0xa: {  	vm0 =	vmmov $0xffff;
	v1 =	vshrl.u32 v2, $0x3;
	s8 =	sadd.s32 s8, s4;
	s4 =	sadd.s32 s5, s31;
	s6 =	smax.u32 s7, $0x1  }
0xb: {  	v0 =	vand.u32 $0x7, v2;
	v2 =	vor.u32 $0x8, v2;
	v1 =	vmul.u32 $0x8, v1;
	s7 =	simm.s32 $0x2;
	s5 =	sadd.s32 $0xF4E00, s8;
	s8 =	simm.s32 $0x80  }
.LBB2_1:
0xc: {  	[tilespmem:s2], [sflag:$0x2] =	stream.linear.gather [hbm4b:s4+s2], $0x20, $0x38;
	[tilespmem:$0x2080] =	vst v63  }
0xd: {  	_ =	swait.ge [sflag:s7], $0x20  }
0xe: {  	[sflag:s7] =	ssyncset.done $0x0  }
0xf: {  	[sflag:s7] =	ssyncadd.s32 $0xFFFFFFE0  }
0x10: {  	v3 =	vld [tilespmem:$0x0];
	_ =	sdelay $0x4  }
0x11: {  	v4 =	vshll.u32 v3, $0x1  }
0x12: {  	v3 =	vand.u32 $0x7, v3;
	v4 =	vand.u32 $0xFFFFFFF0, v4  }
0x13: {  	v3 =	vor.u32 v3, v4  }
0x14: {  	v4 =	vperm.xlane v3, v0;
	_ =	sdelay $0x1  }
0x15: {  	v3 =	vperm.xlane v3, v2;
	v4 =	vadd.s32 v1, v4;
	_ =	sdelay $0x1  }
0x16: {  	v3 =	vadd.s32 v1, v3;
	_ =	sdelay $0x2  }
0x17: {  	[tilespmem:s8], [sflag:$0x1] =	stream.indirect_vreg.gather [hbm4b:s3+s2], $0x80, v4, vm0, $0xb8;
	[tilespmem:$0x2080] =	vst v63  }
0x18: {  	_ = 	snop  }
0x19: {  	[tilespmem:s9], [sflag:$0x1] =	stream.indirect_vreg.gather [hbm4b:s3+s2], $0x80, v3, vm0, $0xb8;
	[tilespmem:$0x2080] =	vst v63  }
0x1a: {  	v3 =	vld [tilespmem:$0x10];
	_ =	sdelay $0x4  }
0x1b: {  	v63 =	vshll.u32 v3, $0x1  }
0x1c: {  	v3 =	vand.u32 $0x7, v3;
	v4 =	vand.u32 $0xFFFFFFF0, v63  }
0x1d: {  	v3 =	vor.u32 v3, v4  }
0x1e: {  	v4 =	vperm.xlane v3, v0;
	_ =	sdelay $0x1  }
0x1f: {  	v3 =	vperm.xlane v3, v2;
	v4 =	vadd.s32 v1, v4;
	_ =	sdelay $0x1  }
0x20: {  	v3 =	vadd.s32 v1, v3;
	_ =	sdelay $0x2  }
0x21: {  	[tilespmem:s10], [sflag:$0x1] =	stream.indirect_vreg.gather [hbm4b:s3+s2], $0x80, v4, vm0, $0xb8;
	[tilespmem:$0x2080] =	vst v63  }
0x22: {  	_ = 	snop  }
0x23: {  	[tilespmem:s11], [sflag:$0x1] =	stream.indirect_vreg.gather [hbm4b:s3+s2], $0x80, v3, vm0, $0xb8;
	[tilespmem:$0x2080] =	vst v63  }
0x24: {  	_ =	swait.ge [sflag:s12], $0x2000  }
0x25: {  	p0 =	sne.s32 s6, $0x1;
	[sflag:s12] =	ssyncset.done $0x0  }
.Ltmp0:
0x26: {  	[sflag:s12] =	ssyncadd.s32 $0xFFFFE000;
	(pc) =	sbr.rel @p0 .LBB2_1-.Ltmp0, $4  }
0x27: {  	[hbm4b:s5+s2] =	stream.linear.scatter [tilespmem:s8], [sflag:$0x2], $0x2000, $0x38;
	[tilespmem:$0x2080] =	vst v63  }
0x28: {  	_ =	swait.ge [sflag:s7], $0x2000  }
0x29: {  	[sflag:s7] =	ssyncset.done $0x0  }
0x2a: {  	s6 =	sadd.s32 $0xFFFFFFFF, s6;
	[sflag:s7] =	ssyncadd.s32 $0xFFFFE000  }
0x2b: {  	_ =	sfence.sel $0x180000  }
0x2c: {  	[bflag:$0x0] =	sbarrier.arrive $0xFFFF  }
0x2d: {  	p0 =	sne.s32 s1, $0x0;
	_ =	strace $0x9000005C  }
0x2e: {  	s0 =	sadd.s32 @!p0 $0x100000, s0;
	[bflag:$0x2] =	sbarrier.arrive $0xFFFF  }
0x2f: {  	[sflag:s0] =	ssyncadd.tile.s32 @!p0 $0x1;
	_ =	shalt  }
.Lfunc_end2:
_tile_overlayer_lowered:
.L_overlay_start_2:
0x30: {  	(tag) =	ssettag $0x2  }
0x31: {  	s0 =	rddreg [dreg:$0x0];
	s2 =	stileid.u32  }
0x32: {  	s1 =	rddreg [dreg:$0x1];
	p0 =	sne.s32 s2, $0x0  }
0x33: {  	s3 =	rddreg [dreg:$0x2];
	[bflag:$0x3] =	sbarrier.arrive $0xFFFF;
	s2 =	simm.s32 @!p0 $0x1C02  }
0x34: {  	[timem:s3], [sflag:s2] =	dma.local @!p0 [hbm:s0], s1  }
0x35: {  	s0 =	simm.s32 @!p0 $0x2  }
0x36: {  	_ =	swait.ge @!p0 [sflag:s0], s1  }
0x37: {  	s1 =	ssub.s32 @!p0 $0x0, s1;
	[sflag:s0] =	ssyncset.done @!p0 $0x0  }
0x38: {  	[sflag:s0] =	ssyncadd.s32 @!p0 s1  }
0x39: {  	[bflag:$0x3] =	sbarrier.arrive $0xFFFF  }
0x3a: {  	_ =	shalt  }

</sc_bundles>
